<compile_context>
chip_gen: v7x
topology: tpu7x:2x2x1
jax: 0.10.2.dev20260603
libtpu: 0.0.44.dev20260713+nightly
codegen_flags: <defaults>
</compile_context>

<pallas_src>
import functools

import jax
import jax.numpy as jnp
from jax import lax
from jax.experimental import pallas as pl
from jax.experimental.pallas import tpu as pltpu
from jax.experimental.pallas import tpu_sc as plsc

B, T, V, D, H, L = 16, 2048, 1000000, 128, 128, 50
S, NS = 64, 32
LP = 64
BT = B * T

_NC, _NSUB = 2, 16
NW = _NC * _NSUB
CBS = (8, 8)
CH = 128
K = 2


def _sc_gather(table, idx, start_b, cb):
    btc = cb * T
    rows_w = btc // NW
    n_groups = rows_w // (CH * K)
    mesh = plsc.VectorSubcoreMesh(core_axis_name="c", subcore_axis_name="s")

    @functools.partial(
        pl.kernel, mesh=mesh,
        out_type=jax.ShapeDtypeStruct((btc, D), jnp.float32),
        scratch_types=[
            pltpu.VMEM((2 * K, CH), jnp.int32),
            pltpu.VMEM((2 * K, CH, D), jnp.float32),
            pltpu.SemaphoreType.DMA,
            pltpu.SemaphoreType.DMA,
            pltpu.SemaphoreType.DMA,
            pltpu.SemaphoreType.DMA,
        ],
    )
    def gk(table_hbm, idx_hbm, out_hbm, idx_v, rows_v, gs0, gs1, os0, os1):
        wid = lax.axis_index("s") * _NC + lax.axis_index("c")
        base0 = wid * rows_w
        gsems = (gs0, gs1)
        osems = (os0, os1)

        def fire_gather(g):
            bs = g % 2
            descs = []
            for j in range(K):
                base = base0 + (g * K + j) * CH
                slot = bs * K + j
                pltpu.sync_copy(idx_hbm.at[pl.ds(start_b * T + base, CH)],
                                idx_v.at[slot])
                descs.append(pltpu.async_copy(
                    table_hbm.at[idx_v.at[slot]], rows_v.at[slot], gsems[bs]))
            return descs

        gd = {0: fire_gather(0)}
        od = {}
        for g in range(n_groups):
            bs = g % 2
            if g >= 1:
                for d in od.pop(g - 1):
                    d.wait()
            if g + 1 < n_groups:
                gd[g + 1] = fire_gather(g + 1)
            for d in gd.pop(g):
                d.wait()
            outs = []
            for j in range(K):
                base = base0 + (g * K + j) * CH
                slot = bs * K + j
                outs.append(pltpu.async_copy(
                    rows_v.at[slot], out_hbm.at[pl.ds(base, CH)], osems[bs]))
            od[g] = outs
        for d in od.pop(n_groups - 1):
            d.wait()

    return gk(table, idx)


BPG = 4
T2 = BPG * T
NS2 = BPG * NS


def _dense_body(start_b, x_ref, W1_ref, b1_ref, UwT_ref, W2_ref, b2_ref,
                Us_ref, Wd_ref, bd_ref, *rest):
    if start_b == 0:
        out_ref, = rest
    else:
        prev_ref, out_ref = rest
        out_ref[pl.ds(0, start_b), :] = prev_ref[...]
    xb = x_ref[...].reshape(T2, D)
    h = jnp.dot(xb, W1_ref[...], preferred_element_type=jnp.float32)
    h = h + b1_ref[...]
    u = jnp.tanh(h)
    ws = jnp.dot(u, UwT_ref[...], preferred_element_type=jnp.float32)
    e3 = jnp.exp(ws.reshape(NS2, S, LP))
    a3 = e3 / jnp.sum(e3, axis=1, keepdims=True)
    a = a3.reshape(T2, LP)
    sent_parts = []
    for n in range(NS2):
        an = a[n * S:(n + 1) * S, :]
        hn = h[n * S:(n + 1) * S, :]
        sent_parts.append(lax.dot_general(
            an, hn, (((0,), (0,)), ((), ())),
            preferred_element_type=jnp.float32))
    sent_all = jnp.concatenate(sent_parts, axis=0)
    v = jnp.tanh(jnp.dot(sent_all, W2_ref[...],
                         preferred_element_type=jnp.float32) + b2_ref[...])
    p3 = v.reshape(NS2, LP, H) * Us_ref[...][None, :, :]
    ss2 = jnp.sum(p3, axis=2)
    e2 = jnp.exp(ss2)
    sent3 = sent_all.reshape(NS2, LP, H)
    bg = pl.program_id(0)
    for bb in range(BPG):
        e2b = e2[bb * NS:(bb + 1) * NS, :]
        salb = e2b / jnp.sum(e2b, axis=0, keepdims=True)
        s3b = sent3[bb * NS:(bb + 1) * NS]
        dr = jnp.sum(s3b * salb[:, :, None], axis=0)
        lg = jnp.sum(dr * Wd_ref[...], axis=1)
        row = start_b + bg * BPG + bb
        out_ref[pl.ds(row, 1), :] = lg[:L][None, :] + bd_ref[...]


def _tc_dense(start_b, cb, x, W1, b1, UwT, W2, b2, Us, Wd, bd, prev=None):
    nrows = start_b + cb
    in_specs = [
        pl.BlockSpec((BPG, T, D), lambda b: (b, 0, 0)),
        pl.BlockSpec((D, H), lambda b: (0, 0)),
        pl.BlockSpec((1, H), lambda b: (0, 0)),
        pl.BlockSpec((H, LP), lambda b: (0, 0)),
        pl.BlockSpec((H, H), lambda b: (0, 0)),
        pl.BlockSpec((1, H), lambda b: (0, 0)),
        pl.BlockSpec((LP, H), lambda b: (0, 0)),
        pl.BlockSpec((LP, H), lambda b: (0, 0)),
        pl.BlockSpec((1, L), lambda b: (0, 0)),
    ]
    args = [x, W1, b1, UwT, W2, b2, Us, Wd, bd]
    if prev is not None:
        in_specs.append(pl.BlockSpec((start_b, L), lambda b: (0, 0)))
        args.append(prev)
    return pl.pallas_call(
        functools.partial(_dense_body, start_b),
        grid=(cb // BPG,),
        in_specs=in_specs,
        out_specs=pl.BlockSpec((nrows, L), lambda b: (0, 0)),
        out_shape=jax.ShapeDtypeStruct((nrows, L), jnp.float32),
    )(*args)


def kernel(doc, emb_table, W1, b1, Uw, W2, b2, Us, Wd, bd):
    idx = doc.reshape(-1).astype(jnp.int32)
    pad = ((0, LP - L), (0, 0))
    b1r, b2r, bdr = b1.reshape(1, H), b2.reshape(1, H), bd.reshape(1, L)
    UwTp, Usp, Wdp = jnp.pad(Uw, pad).T, jnp.pad(Us, pad), jnp.pad(Wd, pad)
    out = None
    start = 0
    for cb in CBS:
        emb = _sc_gather(emb_table, idx, start, cb)
        x = emb.reshape(cb, T, D)
        out = _tc_dense(start, cb, x, W1, b1r, UwTp, W2, b2r, Usp, Wdp, bdr,
                        prev=out)
        start += cb
    return out

# --- scband reference (transcript-rebuilt; emitter-appended) ---
"""Pipeline reference for scband-hlwan-73349451481349 (READ-ONLY COPY).

The authoritative reference and input builder live on the scoring server;
editing this copy changes nothing except your own understanding.
"""

import jax, jax.numpy as jnp
import numpy as np

B, T, V, D, H, L = 16, 2048, 1000000, 128, 128, 50
S, NS = 64, 32  # sentence_len, num_sentences (T = S * NS)


def setup_inputs(seed: int = 0) -> dict:
    key = jax.random.key(seed)
    ks = jax.random.split(key, 10)
    doc = jax.random.randint(ks[0], (B, T), 0, V, dtype=jnp.int64)
    emb_table = jax.random.normal(ks[1], (V, D), dtype=jnp.float32) * 0.02
    W1 = jax.random.normal(ks[2], (D, H), dtype=jnp.float32) * (1.0 / np.sqrt(D))
    b1 = jnp.zeros((H,), dtype=jnp.float32)
    Uw = jax.random.normal(ks[3], (L, H), dtype=jnp.float32) * (1.0 / np.sqrt(H))
    W2 = jax.random.normal(ks[4], (H, H), dtype=jnp.float32) * (1.0 / np.sqrt(H))
    b2 = jnp.zeros((H,), dtype=jnp.float32)
    Us = jax.random.normal(ks[5], (L, H), dtype=jnp.float32) * (1.0 / np.sqrt(H))
    Wd = jax.random.normal(ks[6], (L, H), dtype=jnp.float32) * (1.0 / np.sqrt(H))
    bd = jnp.zeros((L,), dtype=jnp.float32)
    return {"doc": doc, "emb_table": emb_table, "W1": W1, "b1": b1,
            "Uw": Uw, "W2": W2, "b2": b2, "Us": Us, "Wd": Wd, "bd": bd}


def reference(doc, emb_table, W1, b1, Uw, W2, b2, Us, Wd, bd):
    # embedding_layer: gather from large table
    doc_emb = jnp.take(emb_table, doc, axis=0)            # [B, T, D]
    # HLWANEncoder: hierarchical label-wise attention
    x = doc_emb.reshape(B, NS, S, D)                      # [B, NS, S, D]
    h = x @ W1 + b1                                       # [B, NS, S, H] token encoding
    u = jnp.tanh(h)
    # word-level label-wise attention
    wscores = jnp.einsum('bnsh,lh->bnsl', u, Uw)          # [B, NS, S, L]
    walpha = jax.nn.softmax(wscores, axis=2)
    sent = jnp.einsum('bnsl,bnsh->bnlh', walpha, h)       # [B, NS, L, H]
    # sentence-level label-wise attention
    v = jnp.tanh(sent @ W2 + b2)                          # [B, NS, L, H]
    sscores = jnp.einsum('bnlh,lh->bnl', v, Us)           # [B, NS, L]
    salpha = jax.nn.softmax(sscores, axis=1)
    doc_rep = jnp.einsum('bnl,bnlh->blh', salpha, sent)   # [B, L, H]
    # decoder LinearMLC: per-label linear projection to logits
    logits = jnp.einsum('blh,lh->bl', doc_rep, Wd) + bd   # [B, L]
    return logits

if __name__ == "__main__":
    import jax
    _d = setup_inputs()
    print(jax.jit(kernel)(*tuple(_d.values())))

</pallas_src>

<mosaic_0001>
#map = affine_map<(d0, d1) -> (0, 0)>
#map1 = affine_map<(d0, d1) -> (0)>
module attributes {stable_mosaic.version = 14 : i64} {
  func.func @gk(%arg0: i32, %arg1: i32, %arg2: memref<1000000x128xf32, #tpu.memory_space<hbm>>, %arg3: memref<32768xi32, #tpu.memory_space<hbm>>, %arg4: memref<16384x128xf32, #tpu.memory_space<hbm>>, %arg5: memref<4x128xi32, #tpu.memory_space<vmem>>, %arg6: memref<4x128x128xf32, #tpu.memory_space<vmem>>, %arg7: memref<!tpu.dma_semaphore, #tpu.memory_space<semaphore_mem>>, %arg8: memref<!tpu.dma_semaphore, #tpu.memory_space<semaphore_mem>>, %arg9: memref<!tpu.dma_semaphore, #tpu.memory_space<semaphore_mem>>, %arg10: memref<!tpu.dma_semaphore, #tpu.memory_space<semaphore_mem>>) attributes {dimension_semantics = [#tpu.dimension_semantics<core_parallel>, #tpu.dimension_semantics<subcore_parallel>], iteration_bounds = array<i64: 2, 16>, scalar_prefetch = 0 : i64, scratch_operands = 6 : i64, tpu.core_type = #tpu.core_type<sc_vector_subcore>, window_params = [{transform_indices = #map}, {transform_indices = #map1}, {transform_indices = #map}]} {
    %mul3A = arith.constant 2 : i32
    %mul3A_0 = arith.muli %arg1, %mul3A : i32
    %add3A = arith.addi %mul3A_0, %arg0 : i32
    %mul3A_1 = arith.constant 512 : i32
    %mul3A_2 = arith.muli %add3A, %mul3A_1 : i32
    %add3A_3 = arith.constant 0 : i32
    %add3A_4 = arith.addi %mul3A_2, %add3A_3 : i32
    %add3A_5 = arith.constant 16384 : i32
    %add3A_6 = arith.addi %add3A_5, %add3A_4 : i32
    %run_scoped3A = arith.constant 0 : i32
    "tpu.region"() ({
      %run_scoped3A_228 = tpu.sem_alloc : memref<!tpu.dma_semaphore, #tpu.memory_space<semaphore_mem>>
      %dma_start3A_229 = arith.constant 0 : i32
      %dma_start3A_230 = tpu.memref_slice %arg5[%run_scoped3A, %dma_start3A_229] : memref<4x128xi32, #tpu.memory_space<vmem>> -> memref<1x128xi32, #tpu.memory_space<vmem>>
      %dma_start3A_231 = tpu.memref_squeeze %dma_start3A_230 : memref<1x128xi32, #tpu.memory_space<vmem>> -> memref<128xi32, #tpu.memory_space<vmem>>
      %dma_start3A_232 = tpu.memref_slice %arg3[%add3A_6] : memref<32768xi32, #tpu.memory_space<hbm>> -> memref<128xi32, #tpu.memory_space<hbm>>
      %dma_start3A_233 = arith.constant 0 : i32
      %dma_start3A_234 = tpu.memref_slice %arg5[%run_scoped3A, %dma_start3A_233] : memref<4x128xi32, #tpu.memory_space<vmem>> -> memref<1x128xi32, #tpu.memory_space<vmem>>
      %dma_start3A_235 = tpu.memref_squeeze %dma_start3A_234 : memref<1x128xi32, #tpu.memory_space<vmem>> -> memref<128xi32, #tpu.memory_space<vmem>>
      %dma_start3A_236 = tpu.memref_slice %arg3[%add3A_6] : memref<32768xi32, #tpu.memory_space<hbm>> -> memref<128xi32, #tpu.memory_space<hbm>>
      tpu.enqueue_dma source(%dma_start3A_236 : memref<128xi32, #tpu.memory_space<hbm>>) target(%dma_start3A_235 : memref<128xi32, #tpu.memory_space<vmem>>) target_semaphore(%run_scoped3A_228 : memref<!tpu.dma_semaphore, #tpu.memory_space<semaphore_mem>>)
      %dma_wait3A_237 = arith.constant 0 : i32
      %dma_wait3A_238 = tpu.memref_slice %arg5[%run_scoped3A, %dma_wait3A_237] : memref<4x128xi32, #tpu.memory_space<vmem>> -> memref<1x128xi32, #tpu.memory_space<vmem>>
      %dma_wait3A_239 = tpu.memref_squeeze %dma_wait3A_238 : memref<1x128xi32, #tpu.memory_space<vmem>> -> memref<128xi32, #tpu.memory_space<vmem>>
      %dma_wait3A_240 = tpu.memref_slice %arg3[%add3A_6] : memref<32768xi32, #tpu.memory_space<hbm>> -> memref<128xi32, #tpu.memory_space<hbm>>
      %dma_wait3A_241 = arith.constant 0 : i32
      %dma_wait3A_242 = tpu.memref_slice %arg5[%run_scoped3A, %dma_wait3A_241] : memref<4x128xi32, #tpu.memory_space<vmem>> -> memref<1x128xi32, #tpu.memory_space<vmem>>
      %dma_wait3A_243 = tpu.memref_squeeze %dma_wait3A_242 : memref<1x128xi32, #tpu.memory_space<vmem>> -> memref<128xi32, #tpu.memory_space<vmem>>
      %dma_wait3A_244 = tpu.memref_slice %arg3[%add3A_6] : memref<32768xi32, #tpu.memory_space<hbm>> -> memref<128xi32, #tpu.memory_space<hbm>>
      tpu.wait_dma2 semaphore(%run_scoped3A_228 : memref<!tpu.dma_semaphore, #tpu.memory_space<semaphore_mem>>) src(%dma_wait3A_244 : memref<128xi32, #tpu.memory_space<hbm>>) dst(%dma_wait3A_243 : memref<128xi32, #tpu.memory_space<vmem>>)
      tpu.yield
    }) : () -> ()
    %dma_start3A = arith.constant 0 : i32
    %dma_start3A_7 = arith.constant 0 : i32
    %dma_start3A_8 = arith.constant 0 : i32
    %dma_start3A_9 = arith.constant 0 : i32
    %dma_start3A_10 = tpu.memref_slice %arg6[%dma_start3A_7, %dma_start3A_8, %dma_start3A_9] : memref<4x128x128xf32, #tpu.memory_space<vmem>> -> memref<1x128x128xf32, #tpu.memory_space<vmem>>
    %dma_start3A_11 = tpu.memref_squeeze %dma_start3A_10 : memref<1x128x128xf32, #tpu.memory_space<vmem>> -> memref<128x128xf32, #tpu.memory_space<vmem>>
    %dma_start3A_12 = arith.constant 0 : i32
    %dma_start3A_13 = tpu.memref_slice %arg5[%dma_start3A, %dma_start3A_12] : memref<4x128xi32, #tpu.memory_space<vmem>> -> memref<1x128xi32, #tpu.memory_space<vmem>>
    %dma_start3A_14 = tpu.memref_squeeze %dma_start3A_13 : memref<1x128xi32, #tpu.memory_space<vmem>> -> memref<128xi32, #tpu.memory_space<vmem>>
    %dma_start3A_15 = arith.constant 0 : i32
    %dma_start3A_16 = arith.constant 0 : i32
    %dma_start3A_17 = tpu.memref_slice %arg2[%dma_start3A_15, %dma_start3A_16] : memref<1000000x128xf32, #tpu.memory_space<hbm>> -> memref<1000000x128xf32, #tpu.memory_space<hbm>>
    tpu.enqueue_indirect_dma source(%dma_start3A_17 : memref<1000000x128xf32, #tpu.memory_space<hbm>>) target(%dma_start3A_11 : memref<128x128xf32, #tpu.memory_space<vmem>>) offsets(%dma_start3A_14 : memref<128xi32, #tpu.memory_space<vmem>>) semaphore(%arg7 : memref<!tpu.dma_semaphore, #tpu.memory_space<semaphore_mem>>)
    %add3A_18 = arith.constant 128 : i32
    %add3A_19 = arith.addi %mul3A_2, %add3A_18 : i32
    %add3A_20 = arith.constant 16384 : i32
    %add3A_21 = arith.addi %add3A_20, %add3A_19 : i32
    %run_scoped3A_22 = arith.constant 1 : i32
    "tpu.region"() ({
      %run_scoped3A_228 = tpu.sem_alloc : memref<!tpu.dma_semaphore, #tpu.memory_space<semaphore_mem>>
      %dma_start3A_229 = arith.constant 0 : i32
      %dma_start3A_230 = tpu.memref_slice %arg5[%run_scoped3A_22, %dma_start3A_229] : memref<4x128xi32, #tpu.memory_space<vmem>> -> memref<1x128xi32, #tpu.memory_space<vmem>>
      %dma_start3A_231 = tpu.memref_squeeze %dma_start3A_230 : memref<1x128xi32, #tpu.memory_space<vmem>> -> memref<128xi32, #tpu.memory_space<vmem>>
      %dma_start3A_232 = tpu.memref_slice %arg3[%add3A_21] : memref<32768xi32, #tpu.memory_space<hbm>> -> memref<128xi32, #tpu.memory_space<hbm>>
      %dma_start3A_233 = arith.constant 0 : i32
      %dma_start3A_234 = tpu.memref_slice %arg5[%run_scoped3A_22, %dma_start3A_233] : memref<4x128xi32, #tpu.memory_space<vmem>> -> memref<1x128xi32, #tpu.memory_space<vmem>>
      %dma_start3A_235 = tpu.memref_squeeze %dma_start3A_234 : memref<1x128xi32, #tpu.memory_space<vmem>> -> memref<128xi32, #tpu.memory_space<vmem>>
      %dma_start3A_236 = tpu.memref_slice %arg3[%add3A_21] : memref<32768xi32, #tpu.memory_space<hbm>> -> memref<128xi32, #tpu.memory_space<hbm>>
      tpu.enqueue_dma source(%dma_start3A_236 : memref<128xi32, #tpu.memory_space<hbm>>) target(%dma_start3A_235 : memref<128xi32, #tpu.memory_space<vmem>>) target_semaphore(%run_scoped3A_228 : memref<!tpu.dma_semaphore, #tpu.memory_space<semaphore_mem>>)
      %dma_wait3A_237 = arith.constant 0 : i32
      %dma_wait3A_238 = tpu.memref_slice %arg5[%run_scoped3A_22, %dma_wait3A_237] : memref<4x128xi32, #tpu.memory_space<vmem>> -> memref<1x128xi32, #tpu.memory_space<vmem>>
      %dma_wait3A_239 = tpu.memref_squeeze %dma_wait3A_238 : memref<1x128xi32, #tpu.memory_space<vmem>> -> memref<128xi32, #tpu.memory_space<vmem>>
      %dma_wait3A_240 = tpu.memref_slice %arg3[%add3A_21] : memref<32768xi32, #tpu.memory_space<hbm>> -> memref<128xi32, #tpu.memory_space<hbm>>
      %dma_wait3A_241 = arith.constant 0 : i32
      %dma_wait3A_242 = tpu.memref_slice %arg5[%run_scoped3A_22, %dma_wait3A_241] : memref<4x128xi32, #tpu.memory_space<vmem>> -> memref<1x128xi32, #tpu.memory_space<vmem>>
      %dma_wait3A_243 = tpu.memref_squeeze %dma_wait3A_242 : memref<1x128xi32, #tpu.memory_space<vmem>> -> memref<128xi32, #tpu.memory_space<vmem>>
      %dma_wait3A_244 = tpu.memref_slice %arg3[%add3A_21] : memref<32768xi32, #tpu.memory_space<hbm>> -> memref<128xi32, #tpu.memory_space<hbm>>
      tpu.wait_dma2 semaphore(%run_scoped3A_228 : memref<!tpu.dma_semaphore, #tpu.memory_space<semaphore_mem>>) src(%dma_wait3A_244 : memref<128xi32, #tpu.memory_space<hbm>>) dst(%dma_wait3A_243 : memref<128xi32, #tpu.memory_space<vmem>>)
      tpu.yield
    }) : () -> ()
    %dma_start3A_23 = arith.constant 1 : i32
    %dma_start3A_24 = arith.constant 1 : i32
    %dma_start3A_25 = arith.constant 0 : i32
    %dma_start3A_26 = arith.constant 0 : i32
    %dma_start3A_27 = tpu.memref_slice %arg6[%dma_start3A_24, %dma_start3A_25, %dma_start3A_26] : memref<4x128x128xf32, #tpu.memory_space<vmem>> -> memref<1x128x128xf32, #tpu.memory_space<vmem>>
    %dma_start3A_28 = tpu.memref_squeeze %dma_start3A_27 : memref<1x128x128xf32, #tpu.memory_space<vmem>> -> memref<128x128xf32, #tpu.memory_space<vmem>>
    %dma_start3A_29 = arith.constant 0 : i32
    %dma_start3A_30 = tpu.memref_slice %arg5[%dma_start3A_23, %dma_start3A_29] : memref<4x128xi32, #tpu.memory_space<vmem>> -> memref<1x128xi32, #tpu.memory_space<vmem>>
    %dma_start3A_31 = tpu.memref_squeeze %dma_start3A_30 : memref<1x128xi32, #tpu.memory_space<vmem>> -> memref<128xi32, #tpu.memory_space<vmem>>
    %dma_start3A_32 = arith.constant 0 : i32
    %dma_start3A_33 = arith.constant 0 : i32
    %dma_start3A_34 = tpu.memref_slice %arg2[%dma_start3A_32, %dma_start3A_33] : memref<1000000x128xf32, #tpu.memory_space<hbm>> -> memref<1000000x128xf32, #tpu.memory_space<hbm>>
    tpu.enqueue_indirect_dma source(%dma_start3A_34 : memref<1000000x128xf32, #tpu.memory_space<hbm>>) target(%dma_start3A_28 : memref<128x128xf32, #tpu.memory_space<vmem>>) offsets(%dma_start3A_31 : memref<128xi32, #tpu.memory_space<vmem>>) semaphore(%arg7 : memref<!tpu.dma_semaphore, #tpu.memory_space<semaphore_mem>>)
    %add3A_35 = arith.constant 256 : i32
    %add3A_36 = arith.addi %mul3A_2, %add3A_35 : i32
    %add3A_37 = arith.constant 16384 : i32
    %add3A_38 = arith.addi %add3A_37, %add3A_36 : i32
    %run_scoped3A_39 = arith.constant 2 : i32
    "tpu.region"() ({
      %run_scoped3A_228 = tpu.sem_alloc : memref<!tpu.dma_semaphore, #tpu.memory_space<semaphore_mem>>
      %dma_start3A_229 = arith.constant 0 : i32
      %dma_start3A_230 = tpu.memref_slice %arg5[%run_scoped3A_39, %dma_start3A_229] : memref<4x128xi32, #tpu.memory_space<vmem>> -> memref<1x128xi32, #tpu.memory_space<vmem>>
      %dma_start3A_231 = tpu.memref_squeeze %dma_start3A_230 : memref<1x128xi32, #tpu.memory_space<vmem>> -> memref<128xi32, #tpu.memory_space<vmem>>
      %dma_start3A_232 = tpu.memref_slice %arg3[%add3A_38] : memref<32768xi32, #tpu.memory_space<hbm>> -> memref<128xi32, #tpu.memory_space<hbm>>
      %dma_start3A_233 = arith.constant 0 : i32
      %dma_start3A_234 = tpu.memref_slice %arg5[%run_scoped3A_39, %dma_start3A_233] : memref<4x128xi32, #tpu.memory_space<vmem>> -> memref<1x128xi32, #tpu.memory_space<vmem>>
      %dma_start3A_235 = tpu.memref_squeeze %dma_start3A_234 : memref<1x128xi32, #tpu.memory_space<vmem>> -> memref<128xi32, #tpu.memory_space<vmem>>
      %dma_start3A_236 = tpu.memref_slice %arg3[%add3A_38] : memref<32768xi32, #tpu.memory_space<hbm>> -> memref<128xi32, #tpu.memory_space<hbm>>
      tpu.enqueue_dma source(%dma_start3A_236 : memref<128xi32, #tpu.memory_space<hbm>>) target(%dma_start3A_235 : memref<128xi32, #tpu.memory_space<vmem>>) target_semaphore(%run_scoped3A_228 : memref<!tpu.dma_semaphore, #tpu.memory_space<semaphore_mem>>)
      %dma_wait3A_237 = arith.constant 0 : i32
      %dma_wait3A_238 = tpu.memref_slice %arg5[%run_scoped3A_39, %dma_wait3A_237] : memref<4x128xi32, #tpu.memory_space<vmem>> -> memref<1x128xi32, #tpu.memory_space<vmem>>
      %dma_wait3A_239 = tpu.memref_squeeze %dma_wait3A_238 : memref<1x128xi32, #tpu.memory_space<vmem>> -> memref<128xi32, #tpu.memory_space<vmem>>
      %dma_wait3A_240 = tpu.memref_slice %arg3[%add3A_38] : memref<32768xi32, #tpu.memory_space<hbm>> -> memref<128xi32, #tpu.memory_space<hbm>>
      %dma_wait3A_241 = arith.constant 0 : i32
      %dma_wait3A_242 = tpu.memref_slice %arg5[%run_scoped3A_39, %dma_wait3A_241] : memref<4x128xi32, #tpu.memory_space<vmem>> -> memref<1x128xi32, #tpu.memory_space<vmem>>
      %dma_wait3A_243 = tpu.memref_squeeze %dma_wait3A_242 : memref<1x128xi32, #tpu.memory_space<vmem>> -> memref<128xi32, #tpu.memory_space<vmem>>
      %dma_wait3A_244 = tpu.memref_slice %arg3[%add3A_38] : memref<32768xi32, #tpu.memory_space<hbm>> -> memref<128xi32, #tpu.memory_space<hbm>>
      tpu.wait_dma2 semaphore(%run_scoped3A_228 : memref<!tpu.dma_semaphore, #tpu.memory_space<semaphore_mem>>) src(%dma_wait3A_244 : memref<128xi32, #tpu.memory_space<hbm>>) dst(%dma_wait3A_243 : memref<128xi32, #tpu.memory_space<vmem>>)
      tpu.yield
    }) : () -> ()
    %dma_start3A_40 = arith.constant 2 : i32
    %dma_start3A_41 = arith.constant 2 : i32
    %dma_start3A_42 = arith.constant 0 : i32
    %dma_start3A_43 = arith.constant 0 : i32
    %dma_start3A_44 = tpu.memref_slice %arg6[%dma_start3A_41, %dma_start3A_42, %dma_start3A_43] : memref<4x128x128xf32, #tpu.memory_space<vmem>> -> memref<1x128x128xf32, #tpu.memory_space<vmem>>
    %dma_start3A_45 = tpu.memref_squeeze %dma_start3A_44 : memref<1x128x128xf32, #tpu.memory_space<vmem>> -> memref<128x128xf32, #tpu.memory_space<vmem>>
    %dma_start3A_46 = arith.constant 0 : i32
    %dma_start3A_47 = tpu.memref_slice %arg5[%dma_start3A_40, %dma_start3A_46] : memref<4x128xi32, #tpu.memory_space<vmem>> -> memref<1x128xi32, #tpu.memory_space<vmem>>
    %dma_start3A_48 = tpu.memref_squeeze %dma_start3A_47 : memref<1x128xi32, #tpu.memory_space<vmem>> -> memref<128xi32, #tpu.memory_space<vmem>>
    %dma_start3A_49 = arith.constant 0 : i32
    %dma_start3A_50 = arith.constant 0 : i32
    %dma_start3A_51 = tpu.memref_slice %arg2[%dma_start3A_49, %dma_start3A_50] : memref<1000000x128xf32, #tpu.memory_space<hbm>> -> memref<1000000x128xf32, #tpu.memory_space<hbm>>
    tpu.enqueue_indirect_dma source(%dma_start3A_51 : memref<1000000x128xf32, #tpu.memory_space<hbm>>) target(%dma_start3A_45 : memref<128x128xf32, #tpu.memory_space<vmem>>) offsets(%dma_start3A_48 : memref<128xi32, #tpu.memory_space<vmem>>) semaphore(%arg8 : memref<!tpu.dma_semaphore, #tpu.memory_space<semaphore_mem>>)
    %add3A_52 = arith.constant 384 : i32
    %add3A_53 = arith.addi %mul3A_2, %add3A_52 : i32
    %add3A_54 = arith.constant 16384 : i32
    %add3A_55 = arith.addi %add3A_54, %add3A_53 : i32
    %run_scoped3A_56 = arith.constant 3 : i32
    "tpu.region"() ({
      %run_scoped3A_228 = tpu.sem_alloc : memref<!tpu.dma_semaphore, #tpu.memory_space<semaphore_mem>>
      %dma_start3A_229 = arith.constant 0 : i32
      %dma_start3A_230 = tpu.memref_slice %arg5[%run_scoped3A_56, %dma_start3A_229] : memref<4x128xi32, #tpu.memory_space<vmem>> -> memref<1x128xi32, #tpu.memory_space<vmem>>
      %dma_start3A_231 = tpu.memref_squeeze %dma_start3A_230 : memref<1x128xi32, #tpu.memory_space<vmem>> -> memref<128xi32, #tpu.memory_space<vmem>>
      %dma_start3A_232 = tpu.memref_slice %arg3[%add3A_55] : memref<32768xi32, #tpu.memory_space<hbm>> -> memref<128xi32, #tpu.memory_space<hbm>>
      %dma_start3A_233 = arith.constant 0 : i32
      %dma_start3A_234 = tpu.memref_slice %arg5[%run_scoped3A_56, %dma_start3A_233] : memref<4x128xi32, #tpu.memory_space<vmem>> -> memref<1x128xi32, #tpu.memory_space<vmem>>
      %dma_start3A_235 = tpu.memref_squeeze %dma_start3A_234 : memref<1x128xi32, #tpu.memory_space<vmem>> -> memref<128xi32, #tpu.memory_space<vmem>>
      %dma_start3A_236 = tpu.memref_slice %arg3[%add3A_55] : memref<32768xi32, #tpu.memory_space<hbm>> -> memref<128xi32, #tpu.memory_space<hbm>>
      tpu.enqueue_dma source(%dma_start3A_236 : memref<128xi32, #tpu.memory_space<hbm>>) target(%dma_start3A_235 : memref<128xi32, #tpu.memory_space<vmem>>) target_semaphore(%run_scoped3A_228 : memref<!tpu.dma_semaphore, #tpu.memory_space<semaphore_mem>>)
      %dma_wait3A_237 = arith.constant 0 : i32
      %dma_wait3A_238 = tpu.memref_slice %arg5[%run_scoped3A_56, %dma_wait3A_237] : memref<4x128xi32, #tpu.memory_space<vmem>> -> memref<1x128xi32, #tpu.memory_space<vmem>>
      %dma_wait3A_239 = tpu.memref_squeeze %dma_wait3A_238 : memref<1x128xi32, #tpu.memory_space<vmem>> -> memref<128xi32, #tpu.memory_space<vmem>>
      %dma_wait3A_240 = tpu.memref_slice %arg3[%add3A_55] : memref<32768xi32, #tpu.memory_space<hbm>> -> memref<128xi32, #tpu.memory_space<hbm>>
      %dma_wait3A_241 = arith.constant 0 : i32
      %dma_wait3A_242 = tpu.memref_slice %arg5[%run_scoped3A_56, %dma_wait3A_241] : memref<4x128xi32, #tpu.memory_space<vmem>> -> memref<1x128xi32, #tpu.memory_space<vmem>>
      %dma_wait3A_243 = tpu.memref_squeeze %dma_wait3A_242 : memref<1x128xi32, #tpu.memory_space<vmem>> -> memref<128xi32, #tpu.memory_space<vmem>>
      %dma_wait3A_244 = tpu.memref_slice %arg3[%add3A_55] : memref<32768xi32, #tpu.memory_space<hbm>> -> memref<128xi32, #tpu.memory_space<hbm>>
      tpu.wait_dma2 semaphore(%run_scoped3A_228 : memref<!tpu.dma_semaphore, #tpu.memory_space<semaphore_mem>>) src(%dma_wait3A_244 : memref<128xi32, #tpu.memory_space<hbm>>) dst(%dma_wait3A_243 : memref<128xi32, #tpu.memory_space<vmem>>)
      tpu.yield
    }) : () -> ()
    %dma_start3A_57 = arith.constant 3 : i32
    %dma_start3A_58 = arith.constant 3 : i32
    %dma_start3A_59 = arith.constant 0 : i32
    %dma_start3A_60 = arith.constant 0 : i32
    %dma_start3A_61 = tpu.memref_slice %arg6[%dma_start3A_58, %dma_start3A_59, %dma_start3A_60] : memref<4x128x128xf32, #tpu.memory_space<vmem>> -> memref<1x128x128xf32, #tpu.memory_space<vmem>>
    %dma_start3A_62 = tpu.memref_squeeze %dma_start3A_61 : memref<1x128x128xf32, #tpu.memory_space<vmem>> -> memref<128x128xf32, #tpu.memory_space<vmem>>
    %dma_start3A_63 = arith.constant 0 : i32
    %dma_start3A_64 = tpu.memref_slice %arg5[%dma_start3A_57, %dma_start3A_63] : memref<4x128xi32, #tpu.memory_space<vmem>> -> memref<1x128xi32, #tpu.memory_space<vmem>>
    %dma_start3A_65 = tpu.memref_squeeze %dma_start3A_64 : memref<1x128xi32, #tpu.memory_space<vmem>> -> memref<128xi32, #tpu.memory_space<vmem>>
    %dma_start3A_66 = arith.constant 0 : i32
    %dma_start3A_67 = arith.constant 0 : i32
    %dma_start3A_68 = tpu.memref_slice %arg2[%dma_start3A_66, %dma_start3A_67] : memref<1000000x128xf32, #tpu.memory_space<hbm>> -> memref<1000000x128xf32, #tpu.memory_space<hbm>>
    tpu.enqueue_indirect_dma source(%dma_start3A_68 : memref<1000000x128xf32, #tpu.memory_space<hbm>>) target(%dma_start3A_62 : memref<128x128xf32, #tpu.memory_space<vmem>>) offsets(%dma_start3A_65 : memref<128xi32, #tpu.memory_space<vmem>>) semaphore(%arg8 : memref<!tpu.dma_semaphore, #tpu.memory_space<semaphore_mem>>)
    %dma_wait3A = arith.constant 0 : i32
    %dma_wait3A_69 = arith.constant 0 : i32
    %dma_wait3A_70 = arith.constant 0 : i32
    %dma_wait3A_71 = arith.constant 0 : i32
    %dma_wait3A_72 = tpu.memref_slice %arg6[%dma_wait3A_69, %dma_wait3A_70, %dma_wait3A_71] : memref<4x128x128xf32, #tpu.memory_space<vmem>> -> memref<1x128x128xf32, #tpu.memory_space<vmem>>
    %dma_wait3A_73 = tpu.memref_squeeze %dma_wait3A_72 : memref<1x128x128xf32, #tpu.memory_space<vmem>> -> memref<128x128xf32, #tpu.memory_space<vmem>>
    %dma_wait3A_74 = arith.constant 0 : i32
    %dma_wait3A_75 = tpu.memref_slice %arg5[%dma_wait3A, %dma_wait3A_74] : memref<4x128xi32, #tpu.memory_space<vmem>> -> memref<1x128xi32, #tpu.memory_space<vmem>>
    %dma_wait3A_76 = tpu.memref_squeeze %dma_wait3A_75 : memref<1x128xi32, #tpu.memory_space<vmem>> -> memref<128xi32, #tpu.memory_space<vmem>>
    %dma_wait3A_77 = arith.constant 0 : i32
    %dma_wait3A_78 = arith.constant 0 : i32
    %dma_wait3A_79 = tpu.memref_slice %arg2[%dma_wait3A_77, %dma_wait3A_78] : memref<1000000x128xf32, #tpu.memory_space<hbm>> -> memref<1000000x128xf32, #tpu.memory_space<hbm>>
    tpu.wait_indirect_dma semaphore(%arg7 : memref<!tpu.dma_semaphore, #tpu.memory_space<semaphore_mem>>) src(%dma_wait3A_79 : memref<1000000x128xf32, #tpu.memory_space<hbm>>) dst(%dma_wait3A_73 : memref<128x128xf32, #tpu.memory_space<vmem>>)
    %dma_wait3A_80 = arith.constant 1 : i32
    %dma_wait3A_81 = arith.constant 1 : i32
    %dma_wait3A_82 = arith.constant 0 : i32
    %dma_wait3A_83 = arith.constant 0 : i32
    %dma_wait3A_84 = tpu.memref_slice %arg6[%dma_wait3A_81, %dma_wait3A_82, %dma_wait3A_83] : memref<4x128x128xf32, #tpu.memory_space<vmem>> -> memref<1x128x128xf32, #tpu.memory_space<vmem>>
    %dma_wait3A_85 = tpu.memref_squeeze %dma_wait3A_84 : memref<1x128x128xf32, #tpu.memory_space<vmem>> -> memref<128x128xf32, #tpu.memory_space<vmem>>
    %dma_wait3A_86 = arith.constant 0 : i32
    %dma_wait3A_87 = tpu.memref_slice %arg5[%dma_wait3A_80, %dma_wait3A_86] : memref<4x128xi32, #tpu.memory_space<vmem>> -> memref<1x128xi32, #tpu.memory_space<vmem>>
    %dma_wait3A_88 = tpu.memref_squeeze %dma_wait3A_87 : memref<1x128xi32, #tpu.memory_space<vmem>> -> memref<128xi32, #tpu.memory_space<vmem>>
    %dma_wait3A_89 = arith.constant 0 : i32
    %dma_wait3A_90 = arith.constant 0 : i32
    %dma_wait3A_91 = tpu.memref_slice %arg2[%dma_wait3A_89, %dma_wait3A_90] : memref<1000000x128xf32, #tpu.memory_space<hbm>> -> memref<1000000x128xf32, #tpu.memory_space<hbm>>
    tpu.wait_indirect_dma semaphore(%arg7 : memref<!tpu.dma_semaphore, #tpu.memory_space<semaphore_mem>>) src(%dma_wait3A_91 : memref<1000000x128xf32, #tpu.memory_space<hbm>>) dst(%dma_wait3A_85 : memref<128x128xf32, #tpu.memory_space<vmem>>)
    %add3A_92 = arith.constant 0 : i32
    %add3A_93 = arith.addi %mul3A_2, %add3A_92 : i32
    %dma_start3A_94 = arith.constant 0 : i32
    %dma_start3A_95 = arith.constant 0 : i32
    %dma_start3A_96 = arith.constant 0 : i32
    %dma_start3A_97 = tpu.memref_slice %arg6[%dma_start3A_94, %dma_start3A_95, %dma_start3A_96] : memref<4x128x128xf32, #tpu.memory_space<vmem>> -> memref<1x128x128xf32, #tpu.memory_space<vmem>>
    %dma_start3A_98 = tpu.memref_squeeze %dma_start3A_97 : memref<1x128x128xf32, #tpu.memory_space<vmem>> -> memref<128x128xf32, #tpu.memory_space<vmem>>
    %dma_start3A_99 = arith.constant 0 : i32
    %dma_start3A_100 = tpu.memref_slice %arg4[%add3A_93, %dma_start3A_99] : memref<16384x128xf32, #tpu.memory_space<hbm>> -> memref<128x128xf32, #tpu.memory_space<hbm>>
    %dma_start3A_101 = arith.constant 0 : i32
    %dma_start3A_102 = tpu.memref_slice %arg4[%add3A_93, %dma_start3A_101] : memref<16384x128xf32, #tpu.memory_space<hbm>> -> memref<128x128xf32, #tpu.memory_space<hbm>>
    %dma_start3A_103 = arith.constant 0 : i32
    %dma_start3A_104 = arith.constant 0 : i32
    %dma_start3A_105 = tpu.memref_slice %arg6[%dma_start3A_94, %dma_start3A_103, %dma_start3A_104] : memref<4x128x128xf32, #tpu.memory_space<vmem>> -> memref<1x128x128xf32, #tpu.memory_space<vmem>>
    %dma_start3A_106 = tpu.memref_squeeze %dma_start3A_105 : memref<1x128x128xf32, #tpu.memory_space<vmem>> -> memref<128x128xf32, #tpu.memory_space<vmem>>
    tpu.enqueue_dma source(%dma_start3A_106 : memref<128x128xf32, #tpu.memory_space<vmem>>) target(%dma_start3A_102 : memref<128x128xf32, #tpu.memory_space<hbm>>) target_semaphore(%arg9 : memref<!tpu.dma_semaphore, #tpu.memory_space<semaphore_mem>>)
    %add3A_107 = arith.constant 128 : i32
    %add3A_108 = arith.addi %mul3A_2, %add3A_107 : i32
    %dma_start3A_109 = arith.constant 1 : i32
    %dma_start3A_110 = arith.constant 0 : i32
    %dma_start3A_111 = arith.constant 0 : i32
    %dma_start3A_112 = tpu.memref_slice %arg6[%dma_start3A_109, %dma_start3A_110, %dma_start3A_111] : memref<4x128x128xf32, #tpu.memory_space<vmem>> -> memref<1x128x128xf32, #tpu.memory_space<vmem>>
    %dma_start3A_113 = tpu.memref_squeeze %dma_start3A_112 : memref<1x128x128xf32, #tpu.memory_space<vmem>> -> memref<128x128xf32, #tpu.memory_space<vmem>>
    %dma_start3A_114 = arith.constant 0 : i32
    %dma_start3A_115 = tpu.memref_slice %arg4[%add3A_108, %dma_start3A_114] : memref<16384x128xf32, #tpu.memory_space<hbm>> -> memref<128x128xf32, #tpu.memory_space<hbm>>
    %dma_start3A_116 = arith.constant 0 : i32
    %dma_start3A_117 = tpu.memref_slice %arg4[%add3A_108, %dma_start3A_116] : memref<16384x128xf32, #tpu.memory_space<hbm>> -> memref<128x128xf32, #tpu.memory_space<hbm>>
    %dma_start3A_118 = arith.constant 0 : i32
    %dma_start3A_119 = arith.constant 0 : i32
    %dma_start3A_120 = tpu.memref_slice %arg6[%dma_start3A_109, %dma_start3A_118, %dma_start3A_119] : memref<4x128x128xf32, #tpu.memory_space<vmem>> -> memref<1x128x128xf32, #tpu.memory_space<vmem>>
    %dma_start3A_121 = tpu.memref_squeeze %dma_start3A_120 : memref<1x128x128xf32, #tpu.memory_space<vmem>> -> memref<128x128xf32, #tpu.memory_space<vmem>>
    tpu.enqueue_dma source(%dma_start3A_121 : memref<128x128xf32, #tpu.memory_space<vmem>>) target(%dma_start3A_117 : memref<128x128xf32, #tpu.memory_space<hbm>>) target_semaphore(%arg9 : memref<!tpu.dma_semaphore, #tpu.memory_space<semaphore_mem>>)
    %dma_wait3A_122 = arith.constant 0 : i32
    %dma_wait3A_123 = arith.constant 0 : i32
    %dma_wait3A_124 = arith.constant 0 : i32
    %dma_wait3A_125 = tpu.memref_slice %arg6[%dma_wait3A_122, %dma_wait3A_123, %dma_wait3A_124] : memref<4x128x128xf32, #tpu.memory_space<vmem>> -> memref<1x128x128xf32, #tpu.memory_space<vmem>>
    %dma_wait3A_126 = tpu.memref_squeeze %dma_wait3A_125 : memref<1x128x128xf32, #tpu.memory_space<vmem>> -> memref<128x128xf32, #tpu.memory_space<vmem>>
    %dma_wait3A_127 = arith.constant 0 : i32
    %dma_wait3A_128 = tpu.memref_slice %arg4[%add3A_93, %dma_wait3A_127] : memref<16384x128xf32, #tpu.memory_space<hbm>> -> memref<128x128xf32, #tpu.memory_space<hbm>>
    %dma_wait3A_129 = arith.constant 0 : i32
    %dma_wait3A_130 = tpu.memref_slice %arg4[%add3A_93, %dma_wait3A_129] : memref<16384x128xf32, #tpu.memory_space<hbm>> -> memref<128x128xf32, #tpu.memory_space<hbm>>
    %dma_wait3A_131 = arith.constant 0 : i32
    %dma_wait3A_132 = arith.constant 0 : i32
    %dma_wait3A_133 = tpu.memref_slice %arg6[%dma_wait3A_122, %dma_wait3A_131, %dma_wait3A_132] : memref<4x128x128xf32, #tpu.memory_space<vmem>> -> memref<1x128x128xf32, #tpu.memory_space<vmem>>
    %dma_wait3A_134 = tpu.memref_squeeze %dma_wait3A_133 : memref<1x128x128xf32, #tpu.memory_space<vmem>> -> memref<128x128xf32, #tpu.memory_space<vmem>>
    tpu.wait_dma2 semaphore(%arg9 : memref<!tpu.dma_semaphore, #tpu.memory_space<semaphore_mem>>) src(%dma_wait3A_134 : memref<128x128xf32, #tpu.memory_space<vmem>>) dst(%dma_wait3A_130 : memref<128x128xf32, #tpu.memory_space<hbm>>)
    %dma_wait3A_135 = arith.constant 1 : i32
    %dma_wait3A_136 = arith.constant 0 : i32
    %dma_wait3A_137 = arith.constant 0 : i32
    %dma_wait3A_138 = tpu.memref_slice %arg6[%dma_wait3A_135, %dma_wait3A_136, %dma_wait3A_137] : memref<4x128x128xf32, #tpu.memory_space<vmem>> -> memref<1x128x128xf32, #tpu.memory_space<vmem>>
    %dma_wait3A_139 = tpu.memref_squeeze %dma_wait3A_138 : memref<1x128x128xf32, #tpu.memory_space<vmem>> -> memref<128x128xf32, #tpu.memory_space<vmem>>
    %dma_wait3A_140 = arith.constant 0 : i32
    %dma_wait3A_141 = tpu.memref_slice %arg4[%add3A_108, %dma_wait3A_140] : memref<16384x128xf32, #tpu.memory_space<hbm>> -> memref<128x128xf32, #tpu.memory_space<hbm>>
    %dma_wait3A_142 = arith.constant 0 : i32
    %dma_wait3A_143 = tpu.memref_slice %arg4[%add3A_108, %dma_wait3A_142] : memref<16384x128xf32, #tpu.memory_space<hbm>> -> memref<128x128xf32, #tpu.memory_space<hbm>>
    %dma_wait3A_144 = arith.constant 0 : i32
    %dma_wait3A_145 = arith.constant 0 : i32
    %dma_wait3A_146 = tpu.memref_slice %arg6[%dma_wait3A_135, %dma_wait3A_144, %dma_wait3A_145] : memref<4x128x128xf32, #tpu.memory_space<vmem>> -> memref<1x128x128xf32, #tpu.memory_space<vmem>>
    %dma_wait3A_147 = tpu.memref_squeeze %dma_wait3A_146 : memref<1x128x128xf32, #tpu.memory_space<vmem>> -> memref<128x128xf32, #tpu.memory_space<vmem>>
    tpu.wait_dma2 semaphore(%arg9 : memref<!tpu.dma_semaphore, #tpu.memory_space<semaphore_mem>>) src(%dma_wait3A_147 : memref<128x128xf32, #tpu.memory_space<vmem>>) dst(%dma_wait3A_143 : memref<128x128xf32, #tpu.memory_space<hbm>>)
    %dma_wait3A_148 = arith.constant 2 : i32
    %dma_wait3A_149 = arith.constant 2 : i32
    %dma_wait3A_150 = arith.constant 0 : i32
    %dma_wait3A_151 = arith.constant 0 : i32
    %dma_wait3A_152 = tpu.memref_slice %arg6[%dma_wait3A_149, %dma_wait3A_150, %dma_wait3A_151] : memref<4x128x128xf32, #tpu.memory_space<vmem>> -> memref<1x128x128xf32, #tpu.memory_space<vmem>>
    %dma_wait3A_153 = tpu.memref_squeeze %dma_wait3A_152 : memref<1x128x128xf32, #tpu.memory_space<vmem>> -> memref<128x128xf32, #tpu.memory_space<vmem>>
    %dma_wait3A_154 = arith.constant 0 : i32
    %dma_wait3A_155 = tpu.memref_slice %arg5[%dma_wait3A_148, %dma_wait3A_154] : memref<4x128xi32, #tpu.memory_space<vmem>> -> memref<1x128xi32, #tpu.memory_space<vmem>>
    %dma_wait3A_156 = tpu.memref_squeeze %dma_wait3A_155 : memref<1x128xi32, #tpu.memory_space<vmem>> -> memref<128xi32, #tpu.memory_space<vmem>>
    %dma_wait3A_157 = arith.constant 0 : i32
    %dma_wait3A_158 = arith.constant 0 : i32
    %dma_wait3A_159 = tpu.memref_slice %arg2[%dma_wait3A_157, %dma_wait3A_158] : memref<1000000x128xf32, #tpu.memory_space<hbm>> -> memref<1000000x128xf32, #tpu.memory_space<hbm>>
    tpu.wait_indirect_dma semaphore(%arg8 : memref<!tpu.dma_semaphore, #tpu.memory_space<semaphore_mem>>) src(%dma_wait3A_159 : memref<1000000x128xf32, #tpu.memory_space<hbm>>) dst(%dma_wait3A_153 : memref<128x128xf32, #tpu.memory_space<vmem>>)
    %dma_wait3A_160 = arith.constant 3 : i32
    %dma_wait3A_161 = arith.constant 3 : i32
    %dma_wait3A_162 = arith.constant 0 : i32
    %dma_wait3A_163 = arith.constant 0 : i32
    %dma_wait3A_164 = tpu.memref_slice %arg6[%dma_wait3A_161, %dma_wait3A_162, %dma_wait3A_163] : memref<4x128x128xf32, #tpu.memory_space<vmem>> -> memref<1x128x128xf32, #tpu.memory_space<vmem>>
    %dma_wait3A_165 = tpu.memref_squeeze %dma_wait3A_164 : memref<1x128x128xf32, #tpu.memory_space<vmem>> -> memref<128x128xf32, #tpu.memory_space<vmem>>
    %dma_wait3A_166 = arith.constant 0 : i32
    %dma_wait3A_167 = tpu.memref_slice %arg5[%dma_wait3A_160, %dma_wait3A_166] : memref<4x128xi32, #tpu.memory_space<vmem>> -> memref<1x128xi32, #tpu.memory_space<vmem>>
    %dma_wait3A_168 = tpu.memref_squeeze %dma_wait3A_167 : memref<1x128xi32, #tpu.memory_space<vmem>> -> memref<128xi32, #tpu.memory_space<vmem>>
    %dma_wait3A_169 = arith.constant 0 : i32
    %dma_wait3A_170 = arith.constant 0 : i32
    %dma_wait3A_171 = tpu.memref_slice %arg2[%dma_wait3A_169, %dma_wait3A_170] : memref<1000000x128xf32, #tpu.memory_space<hbm>> -> memref<1000000x128xf32, #tpu.memory_space<hbm>>
    tpu.wait_indirect_dma semaphore(%arg8 : memref<!tpu.dma_semaphore, #tpu.memory_space<semaphore_mem>>) src(%dma_wait3A_171 : memref<1000000x128xf32, #tpu.memory_space<hbm>>) dst(%dma_wait3A_165 : memref<128x128xf32, #tpu.memory_space<vmem>>)
    %add3A_172 = arith.constant 256 : i32
    %add3A_173 = arith.addi %mul3A_2, %add3A_172 : i32
    %dma_start3A_174 = arith.constant 2 : i32
    %dma_start3A_175 = arith.constant 0 : i32
    %dma_start3A_176 = arith.constant 0 : i32
    %dma_start3A_177 = tpu.memref_slice %arg6[%dma_start3A_174, %dma_start3A_175, %dma_start3A_176] : memref<4x128x128xf32, #tpu.memory_space<vmem>> -> memref<1x128x128xf32, #tpu.memory_space<vmem>>
    %dma_start3A_178 = tpu.memref_squeeze %dma_start3A_177 : memref<1x128x128xf32, #tpu.memory_space<vmem>> -> memref<128x128xf32, #tpu.memory_space<vmem>>
    %dma_start3A_179 = arith.constant 0 : i32
    %dma_start3A_180 = tpu.memref_slice %arg4[%add3A_173, %dma_start3A_179] : memref<16384x128xf32, #tpu.memory_space<hbm>> -> memref<128x128xf32, #tpu.memory_space<hbm>>
    %dma_start3A_181 = arith.constant 0 : i32
    %dma_start3A_182 = tpu.memref_slice %arg4[%add3A_173, %dma_start3A_181] : memref<16384x128xf32, #tpu.memory_space<hbm>> -> memref<128x128xf32, #tpu.memory_space<hbm>>
    %dma_start3A_183 = arith.constant 0 : i32
    %dma_start3A_184 = arith.constant 0 : i32
    %dma_start3A_185 = tpu.memref_slice %arg6[%dma_start3A_174, %dma_start3A_183, %dma_start3A_184] : memref<4x128x128xf32, #tpu.memory_space<vmem>> -> memref<1x128x128xf32, #tpu.memory_space<vmem>>
    %dma_start3A_186 = tpu.memref_squeeze %dma_start3A_185 : memref<1x128x128xf32, #tpu.memory_space<vmem>> -> memref<128x128xf32, #tpu.memory_space<vmem>>
    tpu.enqueue_dma source(%dma_start3A_186 : memref<128x128xf32, #tpu.memory_space<vmem>>) target(%dma_start3A_182 : memref<128x128xf32, #tpu.memory_space<hbm>>) target_semaphore(%arg10 : memref<!tpu.dma_semaphore, #tpu.memory_space<semaphore_mem>>)
    %add3A_187 = arith.constant 384 : i32
    %add3A_188 = arith.addi %mul3A_2, %add3A_187 : i32
    %dma_start3A_189 = arith.constant 3 : i32
    %dma_start3A_190 = arith.constant 0 : i32
    %dma_start3A_191 = arith.constant 0 : i32
    %dma_start3A_192 = tpu.memref_slice %arg6[%dma_start3A_189, %dma_start3A_190, %dma_start3A_191] : memref<4x128x128xf32, #tpu.memory_space<vmem>> -> memref<1x128x128xf32, #tpu.memory_space<vmem>>
    %dma_start3A_193 = tpu.memref_squeeze %dma_start3A_192 : memref<1x128x128xf32, #tpu.memory_space<vmem>> -> memref<128x128xf32, #tpu.memory_space<vmem>>
    %dma_start3A_194 = arith.constant 0 : i32
    %dma_start3A_195 = tpu.memref_slice %arg4[%add3A_188, %dma_start3A_194] : memref<16384x128xf32, #tpu.memory_space<hbm>> -> memref<128x128xf32, #tpu.memory_space<hbm>>
    %dma_start3A_196 = arith.constant 0 : i32
    %dma_start3A_197 = tpu.memref_slice %arg4[%add3A_188, %dma_start3A_196] : memref<16384x128xf32, #tpu.memory_space<hbm>> -> memref<128x128xf32, #tpu.memory_space<hbm>>
    %dma_start3A_198 = arith.constant 0 : i32
    %dma_start3A_199 = arith.constant 0 : i32
    %dma_start3A_200 = tpu.memref_slice %arg6[%dma_start3A_189, %dma_start3A_198, %dma_start3A_199] : memref<4x128x128xf32, #tpu.memory_space<vmem>> -> memref<1x128x128xf32, #tpu.memory_space<vmem>>
    %dma_start3A_201 = tpu.memref_squeeze %dma_start3A_200 : memref<1x128x128xf32, #tpu.memory_space<vmem>> -> memref<128x128xf32, #tpu.memory_space<vmem>>
    tpu.enqueue_dma source(%dma_start3A_201 : memref<128x128xf32, #tpu.memory_space<vmem>>) target(%dma_start3A_197 : memref<128x128xf32, #tpu.memory_space<hbm>>) target_semaphore(%arg10 : memref<!tpu.dma_semaphore, #tpu.memory_space<semaphore_mem>>)
    %dma_wait3A_202 = arith.constant 2 : i32
    %dma_wait3A_203 = arith.constant 0 : i32
    %dma_wait3A_204 = arith.constant 0 : i32
    %dma_wait3A_205 = tpu.memref_slice %arg6[%dma_wait3A_202, %dma_wait3A_203, %dma_wait3A_204] : memref<4x128x128xf32, #tpu.memory_space<vmem>> -> memref<1x128x128xf32, #tpu.memory_space<vmem>>
    %dma_wait3A_206 = tpu.memref_squeeze %dma_wait3A_205 : memref<1x128x128xf32, #tpu.memory_space<vmem>> -> memref<128x128xf32, #tpu.memory_space<vmem>>
    %dma_wait3A_207 = arith.constant 0 : i32
    %dma_wait3A_208 = tpu.memref_slice %arg4[%add3A_173, %dma_wait3A_207] : memref<16384x128xf32, #tpu.memory_space<hbm>> -> memref<128x128xf32, #tpu.memory_space<hbm>>
    %dma_wait3A_209 = arith.constant 0 : i32
    %dma_wait3A_210 = tpu.memref_slice %arg4[%add3A_173, %dma_wait3A_209] : memref<16384x128xf32, #tpu.memory_space<hbm>> -> memref<128x128xf32, #tpu.memory_space<hbm>>
    %dma_wait3A_211 = arith.constant 0 : i32
    %dma_wait3A_212 = arith.constant 0 : i32
    %dma_wait3A_213 = tpu.memref_slice %arg6[%dma_wait3A_202, %dma_wait3A_211, %dma_wait3A_212] : memref<4x128x128xf32, #tpu.memory_space<vmem>> -> memref<1x128x128xf32, #tpu.memory_space<vmem>>
    %dma_wait3A_214 = tpu.memref_squeeze %dma_wait3A_213 : memref<1x128x128xf32, #tpu.memory_space<vmem>> -> memref<128x128xf32, #tpu.memory_space<vmem>>
    tpu.wait_dma2 semaphore(%arg10 : memref<!tpu.dma_semaphore, #tpu.memory_space<semaphore_mem>>) src(%dma_wait3A_214 : memref<128x128xf32, #tpu.memory_space<vmem>>) dst(%dma_wait3A_210 : memref<128x128xf32, #tpu.memory_space<hbm>>)
    %dma_wait3A_215 = arith.constant 3 : i32
    %dma_wait3A_216 = arith.constant 0 : i32
    %dma_wait3A_217 = arith.constant 0 : i32
    %dma_wait3A_218 = tpu.memref_slice %arg6[%dma_wait3A_215, %dma_wait3A_216, %dma_wait3A_217] : memref<4x128x128xf32, #tpu.memory_space<vmem>> -> memref<1x128x128xf32, #tpu.memory_space<vmem>>
    %dma_wait3A_219 = tpu.memref_squeeze %dma_wait3A_218 : memref<1x128x128xf32, #tpu.memory_space<vmem>> -> memref<128x128xf32, #tpu.memory_space<vmem>>
    %dma_wait3A_220 = arith.constant 0 : i32
    %dma_wait3A_221 = tpu.memref_slice %arg4[%add3A_188, %dma_wait3A_220] : memref<16384x128xf32, #tpu.memory_space<hbm>> -> memref<128x128xf32, #tpu.memory_space<hbm>>
    %dma_wait3A_222 = arith.constant 0 : i32
    %dma_wait3A_223 = tpu.memref_slice %arg4[%add3A_188, %dma_wait3A_222] : memref<16384x128xf32, #tpu.memory_space<hbm>> -> memref<128x128xf32, #tpu.memory_space<hbm>>
    %dma_wait3A_224 = arith.constant 0 : i32
    %dma_wait3A_225 = arith.constant 0 : i32
    %dma_wait3A_226 = tpu.memref_slice %arg6[%dma_wait3A_215, %dma_wait3A_224, %dma_wait3A_225] : memref<4x128x128xf32, #tpu.memory_space<vmem>> -> memref<1x128x128xf32, #tpu.memory_space<vmem>>
    %dma_wait3A_227 = tpu.memref_squeeze %dma_wait3A_226 : memref<1x128x128xf32, #tpu.memory_space<vmem>> -> memref<128x128xf32, #tpu.memory_space<vmem>>
    tpu.wait_dma2 semaphore(%arg10 : memref<!tpu.dma_semaphore, #tpu.memory_space<semaphore_mem>>) src(%dma_wait3A_227 : memref<128x128xf32, #tpu.memory_space<vmem>>) dst(%dma_wait3A_223 : memref<128x128xf32, #tpu.memory_space<hbm>>)
    return
  }
}

#map = affine_map<(d0, d1) -> (0, 0)>
#map1 = affine_map<(d0, d1) -> (0)>
module attributes {stable_mosaic.version = 14 : i64} {
  func.func @gk(%arg0: i32, %arg1: i32, %arg2: memref<1000000x128xf32, #tpu.memory_space<hbm>>, %arg3: memref<32768xi32, #tpu.memory_space<hbm>>, %arg4: memref<16384x128xf32, #tpu.memory_space<hbm>>, %arg5: memref<4x128xi32, #tpu.memory_space<vmem>>, %arg6: memref<4x128x128xf32, #tpu.memory_space<vmem>>, %arg7: memref<!tpu.dma_semaphore, #tpu.memory_space<semaphore_mem>>, %arg8: memref<!tpu.dma_semaphore, #tpu.memory_space<semaphore_mem>>, %arg9: memref<!tpu.dma_semaphore, #tpu.memory_space<semaphore_mem>>, %arg10: memref<!tpu.dma_semaphore, #tpu.memory_space<semaphore_mem>>) attributes {dimension_semantics = [#tpu.dimension_semantics<core_parallel>, #tpu.dimension_semantics<subcore_parallel>], iteration_bounds = array<i64: 2, 16>, scalar_prefetch = 0 : i64, scratch_operands = 6 : i64, tpu.core_type = #tpu.core_type<sc_vector_subcore>, window_params = [{transform_indices = #map}, {transform_indices = #map1}, {transform_indices = #map}]} {
    %mul3A = arith.constant 2 : i32
    %mul3A_0 = arith.muli %arg1, %mul3A : i32
    %add3A = arith.addi %mul3A_0, %arg0 : i32
    %mul3A_1 = arith.constant 512 : i32
    %mul3A_2 = arith.muli %add3A, %mul3A_1 : i32
    %add3A_3 = arith.constant 0 : i32
    %add3A_4 = arith.addi %mul3A_2, %add3A_3 : i32
    %add3A_5 = arith.constant 0 : i32
    %add3A_6 = arith.addi %add3A_5, %add3A_4 : i32
    %run_scoped3A = arith.constant 0 : i32
    "tpu.region"() ({
      %run_scoped3A_228 = tpu.sem_alloc : memref<!tpu.dma_semaphore, #tpu.memory_space<semaphore_mem>>
      %dma_start3A_229 = arith.constant 0 : i32
      %dma_start3A_230 = tpu.memref_slice %arg5[%run_scoped3A, %dma_start3A_229] : memref<4x128xi32, #tpu.memory_space<vmem>> -> memref<1x128xi32, #tpu.memory_space<vmem>>
      %dma_start3A_231 = tpu.memref_squeeze %dma_start3A_230 : memref<1x128xi32, #tpu.memory_space<vmem>> -> memref<128xi32, #tpu.memory_space<vmem>>
      %dma_start3A_232 = tpu.memref_slice %arg3[%add3A_6] : memref<32768xi32, #tpu.memory_space<hbm>> -> memref<128xi32, #tpu.memory_space<hbm>>
      %dma_start3A_233 = arith.constant 0 : i32
      %dma_start3A_234 = tpu.memref_slice %arg5[%run_scoped3A, %dma_start3A_233] : memref<4x128xi32, #tpu.memory_space<vmem>> -> memref<1x128xi32, #tpu.memory_space<vmem>>
      %dma_start3A_235 = tpu.memref_squeeze %dma_start3A_234 : memref<1x128xi32, #tpu.memory_space<vmem>> -> memref<128xi32, #tpu.memory_space<vmem>>
      %dma_start3A_236 = tpu.memref_slice %arg3[%add3A_6] : memref<32768xi32, #tpu.memory_space<hbm>> -> memref<128xi32, #tpu.memory_space<hbm>>
      tpu.enqueue_dma source(%dma_start3A_236 : memref<128xi32, #tpu.memory_space<hbm>>) target(%dma_start3A_235 : memref<128xi32, #tpu.memory_space<vmem>>) target_semaphore(%run_scoped3A_228 : memref<!tpu.dma_semaphore, #tpu.memory_space<semaphore_mem>>)
      %dma_wait3A_237 = arith.constant 0 : i32
      %dma_wait3A_238 = tpu.memref_slice %arg5[%run_scoped3A, %dma_wait3A_237] : memref<4x128xi32, #tpu.memory_space<vmem>> -> memref<1x128xi32, #tpu.memory_space<vmem>>
      %dma_wait3A_239 = tpu.memref_squeeze %dma_wait3A_238 : memref<1x128xi32, #tpu.memory_space<vmem>> -> memref<128xi32, #tpu.memory_space<vmem>>
      %dma_wait3A_240 = tpu.memref_slice %arg3[%add3A_6] : memref<32768xi32, #tpu.memory_space<hbm>> -> memref<128xi32, #tpu.memory_space<hbm>>
      %dma_wait3A_241 = arith.constant 0 : i32
      %dma_wait3A_242 = tpu.memref_slice %arg5[%run_scoped3A, %dma_wait3A_241] : memref<4x128xi32, #tpu.memory_space<vmem>> -> memref<1x128xi32, #tpu.memory_space<vmem>>
      %dma_wait3A_243 = tpu.memref_squeeze %dma_wait3A_242 : memref<1x128xi32, #tpu.memory_space<vmem>> -> memref<128xi32, #tpu.memory_space<vmem>>
      %dma_wait3A_244 = tpu.memref_slice %arg3[%add3A_6] : memref<32768xi32, #tpu.memory_space<hbm>> -> memref<128xi32, #tpu.memory_space<hbm>>
      tpu.wait_dma2 semaphore(%run_scoped3A_228 : memref<!tpu.dma_semaphore, #tpu.memory_space<semaphore_mem>>) src(%dma_wait3A_244 : memref<128xi32, #tpu.memory_space<hbm>>) dst(%dma_wait3A_243 : memref<128xi32, #tpu.memory_space<vmem>>)
      tpu.yield
    }) : () -> ()
    %dma_start3A = arith.constant 0 : i32
    %dma_start3A_7 = arith.constant 0 : i32
    %dma_start3A_8 = arith.constant 0 : i32
    %dma_start3A_9 = arith.constant 0 : i32
    %dma_start3A_10 = tpu.memref_slice %arg6[%dma_start3A_7, %dma_start3A_8, %dma_start3A_9] : memref<4x128x128xf32, #tpu.memory_space<vmem>> -> memref<1x128x128xf32, #tpu.memory_space<vmem>>
    %dma_start3A_11 = tpu.memref_squeeze %dma_start3A_10 : memref<1x128x128xf32, #tpu.memory_space<vmem>> -> memref<128x128xf32, #tpu.memory_space<vmem>>
    %dma_start3A_12 = arith.constant 0 : i32
    %dma_start3A_13 = tpu.memref_slice %arg5[%dma_start3A, %dma_start3A_12] : memref<4x128xi32, #tpu.memory_space<vmem>> -> memref<1x128xi32, #tpu.memory_space<vmem>>
    %dma_start3A_14 = tpu.memref_squeeze %dma_start3A_13 : memref<1x128xi32, #tpu.memory_space<vmem>> -> memref<128xi32, #tpu.memory_space<vmem>>
    %dma_start3A_15 = arith.constant 0 : i32
    %dma_start3A_16 = arith.constant 0 : i32
    %dma_start3A_17 = tpu.memref_slice %arg2[%dma_start3A_15, %dma_start3A_16] : memref<1000000x128xf32, #tpu.memory_space<hbm>> -> memref<1000000x128xf32, #tpu.memory_space<hbm>>
    tpu.enqueue_indirect_dma source(%dma_start3A_17 : memref<1000000x128xf32, #tpu.memory_space<hbm>>) target(%dma_start3A_11 : memref<128x128xf32, #tpu.memory_space<vmem>>) offsets(%dma_start3A_14 : memref<128xi32, #tpu.memory_space<vmem>>) semaphore(%arg7 : memref<!tpu.dma_semaphore, #tpu.memory_space<semaphore_mem>>)
    %add3A_18 = arith.constant 128 : i32
    %add3A_19 = arith.addi %mul3A_2, %add3A_18 : i32
    %add3A_20 = arith.constant 0 : i32
    %add3A_21 = arith.addi %add3A_20, %add3A_19 : i32
    %run_scoped3A_22 = arith.constant 1 : i32
    "tpu.region"() ({
      %run_scoped3A_228 = tpu.sem_alloc : memref<!tpu.dma_semaphore, #tpu.memory_space<semaphore_mem>>
      %dma_start3A_229 = arith.constant 0 : i32
      %dma_start3A_230 = tpu.memref_slice %arg5[%run_scoped3A_22, %dma_start3A_229] : memref<4x128xi32, #tpu.memory_space<vmem>> -> memref<1x128xi32, #tpu.memory_space<vmem>>
      %dma_start3A_231 = tpu.memref_squeeze %dma_start3A_230 : memref<1x128xi32, #tpu.memory_space<vmem>> -> memref<128xi32, #tpu.memory_space<vmem>>
      %dma_start3A_232 = tpu.memref_slice %arg3[%add3A_21] : memref<32768xi32, #tpu.memory_space<hbm>> -> memref<128xi32, #tpu.memory_space<hbm>>
      %dma_start3A_233 = arith.constant 0 : i32
      %dma_start3A_234 = tpu.memref_slice %arg5[%run_scoped3A_22, %dma_start3A_233] : memref<4x128xi32, #tpu.memory_space<vmem>> -> memref<1x128xi32, #tpu.memory_space<vmem>>
      %dma_start3A_235 = tpu.memref_squeeze %dma_start3A_234 : memref<1x128xi32, #tpu.memory_space<vmem>> -> memref<128xi32, #tpu.memory_space<vmem>>
      %dma_start3A_236 = tpu.memref_slice %arg3[%add3A_21] : memref<32768xi32, #tpu.memory_space<hbm>> -> memref<128xi32, #tpu.memory_space<hbm>>
      tpu.enqueue_dma source(%dma_start3A_236 : memref<128xi32, #tpu.memory_space<hbm>>) target(%dma_start3A_235 : memref<128xi32, #tpu.memory_space<vmem>>) target_semaphore(%run_scoped3A_228 : memref<!tpu.dma_semaphore, #tpu.memory_space<semaphore_mem>>)
      %dma_wait3A_237 = arith.constant 0 : i32
      %dma_wait3A_238 = tpu.memref_slice %arg5[%run_scoped3A_22, %dma_wait3A_237] : memref<4x128xi32, #tpu.memory_space<vmem>> -> memref<1x128xi32, #tpu.memory_space<vmem>>
      %dma_wait3A_239 = tpu.memref_squeeze %dma_wait3A_238 : memref<1x128xi32, #tpu.memory_space<vmem>> -> memref<128xi32, #tpu.memory_space<vmem>>
      %dma_wait3A_240 = tpu.memref_slice %arg3[%add3A_21] : memref<32768xi32, #tpu.memory_space<hbm>> -> memref<128xi32, #tpu.memory_space<hbm>>
      %dma_wait3A_241 = arith.constant 0 : i32
      %dma_wait3A_242 = tpu.memref_slice %arg5[%run_scoped3A_22, %dma_wait3A_241] : memref<4x128xi32, #tpu.memory_space<vmem>> -> memref<1x128xi32, #tpu.memory_space<vmem>>
      %dma_wait3A_243 = tpu.memref_squeeze %dma_wait3A_242 : memref<1x128xi32, #tpu.memory_space<vmem>> -> memref<128xi32, #tpu.memory_space<vmem>>
      %dma_wait3A_244 = tpu.memref_slice %arg3[%add3A_21] : memref<32768xi32, #tpu.memory_space<hbm>> -> memref<128xi32, #tpu.memory_space<hbm>>
      tpu.wait_dma2 semaphore(%run_scoped3A_228 : memref<!tpu.dma_semaphore, #tpu.memory_space<semaphore_mem>>) src(%dma_wait3A_244 : memref<128xi32, #tpu.memory_space<hbm>>) dst(%dma_wait3A_243 : memref<128xi32, #tpu.memory_space<vmem>>)
      tpu.yield
    }) : () -> ()
    %dma_start3A_23 = arith.constant 1 : i32
    %dma_start3A_24 = arith.constant 1 : i32
    %dma_start3A_25 = arith.constant 0 : i32
    %dma_start3A_26 = arith.constant 0 : i32
    %dma_start3A_27 = tpu.memref_slice %arg6[%dma_start3A_24, %dma_start3A_25, %dma_start3A_26] : memref<4x128x128xf32, #tpu.memory_space<vmem>> -> memref<1x128x128xf32, #tpu.memory_space<vmem>>
    %dma_start3A_28 = tpu.memref_squeeze %dma_start3A_27 : memref<1x128x128xf32, #tpu.memory_space<vmem>> -> memref<128x128xf32, #tpu.memory_space<vmem>>
    %dma_start3A_29 = arith.constant 0 : i32
    %dma_start3A_30 = tpu.memref_slice %arg5[%dma_start3A_23, %dma_start3A_29] : memref<4x128xi32, #tpu.memory_space<vmem>> -> memref<1x128xi32, #tpu.memory_space<vmem>>
    %dma_start3A_31 = tpu.memref_squeeze %dma_start3A_30 : memref<1x128xi32, #tpu.memory_space<vmem>> -> memref<128xi32, #tpu.memory_space<vmem>>
    %dma_start3A_32 = arith.constant 0 : i32
    %dma_start3A_33 = arith.constant 0 : i32
    %dma_start3A_34 = tpu.memref_slice %arg2[%dma_start3A_32, %dma_start3A_33] : memref<1000000x128xf32, #tpu.memory_space<hbm>> -> memref<1000000x128xf32, #tpu.memory_space<hbm>>
    tpu.enqueue_indirect_dma source(%dma_start3A_34 : memref<1000000x128xf32, #tpu.memory_space<hbm>>) target(%dma_start3A_28 : memref<128x128xf32, #tpu.memory_space<vmem>>) offsets(%dma_start3A_31 : memref<128xi32, #tpu.memory_space<vmem>>) semaphore(%arg7 : memref<!tpu.dma_semaphore, #tpu.memory_space<semaphore_mem>>)
    %add3A_35 = arith.constant 256 : i32
    %add3A_36 = arith.addi %mul3A_2, %add3A_35 : i32
    %add3A_37 = arith.constant 0 : i32
    %add3A_38 = arith.addi %add3A_37, %add3A_36 : i32
    %run_scoped3A_39 = arith.constant 2 : i32
    "tpu.region"() ({
      %run_scoped3A_228 = tpu.sem_alloc : memref<!tpu.dma_semaphore, #tpu.memory_space<semaphore_mem>>
      %dma_start3A_229 = arith.constant 0 : i32
      %dma_start3A_230 = tpu.memref_slice %arg5[%run_scoped3A_39, %dma_start3A_229] : memref<4x128xi32, #tpu.memory_space<vmem>> -> memref<1x128xi32, #tpu.memory_space<vmem>>
      %dma_start3A_231 = tpu.memref_squeeze %dma_start3A_230 : memref<1x128xi32, #tpu.memory_space<vmem>> -> memref<128xi32, #tpu.memory_space<vmem>>
      %dma_start3A_232 = tpu.memref_slice %arg3[%add3A_38] : memref<32768xi32, #tpu.memory_space<hbm>> -> memref<128xi32, #tpu.memory_space<hbm>>
      %dma_start3A_233 = arith.constant 0 : i32
      %dma_start3A_234 = tpu.memref_slice %arg5[%run_scoped3A_39, %dma_start3A_233] : memref<4x128xi32, #tpu.memory_space<vmem>> -> memref<1x128xi32, #tpu.memory_space<vmem>>
      %dma_start3A_235 = tpu.memref_squeeze %dma_start3A_234 : memref<1x128xi32, #tpu.memory_space<vmem>> -> memref<128xi32, #tpu.memory_space<vmem>>
      %dma_start3A_236 = tpu.memref_slice %arg3[%add3A_38] : memref<32768xi32, #tpu.memory_space<hbm>> -> memref<128xi32, #tpu.memory_space<hbm>>
      tpu.enqueue_dma source(%dma_start3A_236 : memref<128xi32, #tpu.memory_space<hbm>>) target(%dma_start3A_235 : memref<128xi32, #tpu.memory_space<vmem>>) target_semaphore(%run_scoped3A_228 : memref<!tpu.dma_semaphore, #tpu.memory_space<semaphore_mem>>)
      %dma_wait3A_237 = arith.constant 0 : i32
      %dma_wait3A_238 = tpu.memref_slice %arg5[%run_scoped3A_39, %dma_wait3A_237] : memref<4x128xi32, #tpu.memory_space<vmem>> -> memref<1x128xi32, #tpu.memory_space<vmem>>
      %dma_wait3A_239 = tpu.memref_squeeze %dma_wait3A_238 : memref<1x128xi32, #tpu.memory_space<vmem>> -> memref<128xi32, #tpu.memory_space<vmem>>
      %dma_wait3A_240 = tpu.memref_slice %arg3[%add3A_38] : memref<32768xi32, #tpu.memory_space<hbm>> -> memref<128xi32, #tpu.memory_space<hbm>>
      %dma_wait3A_241 = arith.constant 0 : i32
      %dma_wait3A_242 = tpu.memref_slice %arg5[%run_scoped3A_39, %dma_wait3A_241] : memref<4x128xi32, #tpu.memory_space<vmem>> -> memref<1x128xi32, #tpu.memory_space<vmem>>
      %dma_wait3A_243 = tpu.memref_squeeze %dma_wait3A_242 : memref<1x128xi32, #tpu.memory_space<vmem>> -> memref<128xi32, #tpu.memory_space<vmem>>
      %dma_wait3A_244 = tpu.memref_slice %arg3[%add3A_38] : memref<32768xi32, #tpu.memory_space<hbm>> -> memref<128xi32, #tpu.memory_space<hbm>>
      tpu.wait_dma2 semaphore(%run_scoped3A_228 : memref<!tpu.dma_semaphore, #tpu.memory_space<semaphore_mem>>) src(%dma_wait3A_244 : memref<128xi32, #tpu.memory_space<hbm>>) dst(%dma_wait3A_243 : memref<128xi32, #tpu.memory_space<vmem>>)
      tpu.yield
    }) : () -> ()
    %dma_start3A_40 = arith.constant 2 : i32
    %dma_start3A_41 = arith.constant 2 : i32
    %dma_start3A_42 = arith.constant 0 : i32
    %dma_start3A_43 = arith.constant 0 : i32
    %dma_start3A_44 = tpu.memref_slice %arg6[%dma_start3A_41, %dma_start3A_42, %dma_start3A_43] : memref<4x128x128xf32, #tpu.memory_space<vmem>> -> memref<1x128x128xf32, #tpu.memory_space<vmem>>
    %dma_start3A_45 = tpu.memref_squeeze %dma_start3A_44 : memref<1x128x128xf32, #tpu.memory_space<vmem>> -> memref<128x128xf32, #tpu.memory_space<vmem>>
    %dma_start3A_46 = arith.constant 0 : i32
    %dma_start3A_47 = tpu.memref_slice %arg5[%dma_start3A_40, %dma_start3A_46] : memref<4x128xi32, #tpu.memory_space<vmem>> -> memref<1x128xi32, #tpu.memory_space<vmem>>
    %dma_start3A_48 = tpu.memref_squeeze %dma_start3A_47 : memref<1x128xi32, #tpu.memory_space<vmem>> -> memref<128xi32, #tpu.memory_space<vmem>>
    %dma_start3A_49 = arith.constant 0 : i32
    %dma_start3A_50 = arith.constant 0 : i32
    %dma_start3A_51 = tpu.memref_slice %arg2[%dma_start3A_49, %dma_start3A_50] : memref<1000000x128xf32, #tpu.memory_space<hbm>> -> memref<1000000x128xf32, #tpu.memory_space<hbm>>
    tpu.enqueue_indirect_dma source(%dma_start3A_51 : memref<1000000x128xf32, #tpu.memory_space<hbm>>) target(%dma_start3A_45 : memref<128x128xf32, #tpu.memory_space<vmem>>) offsets(%dma_start3A_48 : memref<128xi32, #tpu.memory_space<vmem>>) semaphore(%arg8 : memref<!tpu.dma_semaphore, #tpu.memory_space<semaphore_mem>>)
    %add3A_52 = arith.constant 384 : i32
    %add3A_53 = arith.addi %mul3A_2, %add3A_52 : i32
    %add3A_54 = arith.constant 0 : i32
    %add3A_55 = arith.addi %add3A_54, %add3A_53 : i32
    %run_scoped3A_56 = arith.constant 3 : i32
    "tpu.region"() ({
      %run_scoped3A_228 = tpu.sem_alloc : memref<!tpu.dma_semaphore, #tpu.memory_space<semaphore_mem>>
      %dma_start3A_229 = arith.constant 0 : i32
      %dma_start3A_230 = tpu.memref_slice %arg5[%run_scoped3A_56, %dma_start3A_229] : memref<4x128xi32, #tpu.memory_space<vmem>> -> memref<1x128xi32, #tpu.memory_space<vmem>>
      %dma_start3A_231 = tpu.memref_squeeze %dma_start3A_230 : memref<1x128xi32, #tpu.memory_space<vmem>> -> memref<128xi32, #tpu.memory_space<vmem>>
      %dma_start3A_232 = tpu.memref_slice %arg3[%add3A_55] : memref<32768xi32, #tpu.memory_space<hbm>> -> memref<128xi32, #tpu.memory_space<hbm>>
      %dma_start3A_233 = arith.constant 0 : i32
      %dma_start3A_234 = tpu.memref_slice %arg5[%run_scoped3A_56, %dma_start3A_233] : memref<4x128xi32, #tpu.memory_space<vmem>> -> memref<1x128xi32, #tpu.memory_space<vmem>>
      %dma_start3A_235 = tpu.memref_squeeze %dma_start3A_234 : memref<1x128xi32, #tpu.memory_space<vmem>> -> memref<128xi32, #tpu.memory_space<vmem>>
      %dma_start3A_236 = tpu.memref_slice %arg3[%add3A_55] : memref<32768xi32, #tpu.memory_space<hbm>> -> memref<128xi32, #tpu.memory_space<hbm>>
      tpu.enqueue_dma source(%dma_start3A_236 : memref<128xi32, #tpu.memory_space<hbm>>) target(%dma_start3A_235 : memref<128xi32, #tpu.memory_space<vmem>>) target_semaphore(%run_scoped3A_228 : memref<!tpu.dma_semaphore, #tpu.memory_space<semaphore_mem>>)
      %dma_wait3A_237 = arith.constant 0 : i32
      %dma_wait3A_238 = tpu.memref_slice %arg5[%run_scoped3A_56, %dma_wait3A_237] : memref<4x128xi32, #tpu.memory_space<vmem>> -> memref<1x128xi32, #tpu.memory_space<vmem>>
      %dma_wait3A_239 = tpu.memref_squeeze %dma_wait3A_238 : memref<1x128xi32, #tpu.memory_space<vmem>> -> memref<128xi32, #tpu.memory_space<vmem>>
      %dma_wait3A_240 = tpu.memref_slice %arg3[%add3A_55] : memref<32768xi32, #tpu.memory_space<hbm>> -> memref<128xi32, #tpu.memory_space<hbm>>
      %dma_wait3A_241 = arith.constant 0 : i32
      %dma_wait3A_242 = tpu.memref_slice %arg5[%run_scoped3A_56, %dma_wait3A_241] : memref<4x128xi32, #tpu.memory_space<vmem>> -> memref<1x128xi32, #tpu.memory_space<vmem>>
      %dma_wait3A_243 = tpu.memref_squeeze %dma_wait3A_242 : memref<1x128xi32, #tpu.memory_space<vmem>> -> memref<128xi32, #tpu.memory_space<vmem>>
      %dma_wait3A_244 = tpu.memref_slice %arg3[%add3A_55] : memref<32768xi32, #tpu.memory_space<hbm>> -> memref<128xi32, #tpu.memory_space<hbm>>
      tpu.wait_dma2 semaphore(%run_scoped3A_228 : memref<!tpu.dma_semaphore, #tpu.memory_space<semaphore_mem>>) src(%dma_wait3A_244 : memref<128xi32, #tpu.memory_space<hbm>>) dst(%dma_wait3A_243 : memref<128xi32, #tpu.memory_space<vmem>>)
      tpu.yield
    }) : () -> ()
    %dma_start3A_57 = arith.constant 3 : i32
    %dma_start3A_58 = arith.constant 3 : i32
    %dma_start3A_59 = arith.constant 0 : i32
    %dma_start3A_60 = arith.constant 0 : i32
    %dma_start3A_61 = tpu.memref_slice %arg6[%dma_start3A_58, %dma_start3A_59, %dma_start3A_60] : memref<4x128x128xf32, #tpu.memory_space<vmem>> -> memref<1x128x128xf32, #tpu.memory_space<vmem>>
    %dma_start3A_62 = tpu.memref_squeeze %dma_start3A_61 : memref<1x128x128xf32, #tpu.memory_space<vmem>> -> memref<128x128xf32, #tpu.memory_space<vmem>>
    %dma_start3A_63 = arith.constant 0 : i32
    %dma_start3A_64 = tpu.memref_slice %arg5[%dma_start3A_57, %dma_start3A_63] : memref<4x128xi32, #tpu.memory_space<vmem>> -> memref<1x128xi32, #tpu.memory_space<vmem>>
    %dma_start3A_65 = tpu.memref_squeeze %dma_start3A_64 : memref<1x128xi32, #tpu.memory_space<vmem>> -> memref<128xi32, #tpu.memory_space<vmem>>
    %dma_start3A_66 = arith.constant 0 : i32
    %dma_start3A_67 = arith.constant 0 : i32
    %dma_start3A_68 = tpu.memref_slice %arg2[%dma_start3A_66, %dma_start3A_67] : memref<1000000x128xf32, #tpu.memory_space<hbm>> -> memref<1000000x128xf32, #tpu.memory_space<hbm>>
    tpu.enqueue_indirect_dma source(%dma_start3A_68 : memref<1000000x128xf32, #tpu.memory_space<hbm>>) target(%dma_start3A_62 : memref<128x128xf32, #tpu.memory_space<vmem>>) offsets(%dma_start3A_65 : memref<128xi32, #tpu.memory_space<vmem>>) semaphore(%arg8 : memref<!tpu.dma_semaphore, #tpu.memory_space<semaphore_mem>>)
    %dma_wait3A = arith.constant 0 : i32
    %dma_wait3A_69 = arith.constant 0 : i32
    %dma_wait3A_70 = arith.constant 0 : i32
    %dma_wait3A_71 = arith.constant 0 : i32
    %dma_wait3A_72 = tpu.memref_slice %arg6[%dma_wait3A_69, %dma_wait3A_70, %dma_wait3A_71] : memref<4x128x128xf32, #tpu.memory_space<vmem>> -> memref<1x128x128xf32, #tpu.memory_space<vmem>>
    %dma_wait3A_73 = tpu.memref_squeeze %dma_wait3A_72 : memref<1x128x128xf32, #tpu.memory_space<vmem>> -> memref<128x128xf32, #tpu.memory_space<vmem>>
    %dma_wait3A_74 = arith.constant 0 : i32
    %dma_wait3A_75 = tpu.memref_slice %arg5[%dma_wait3A, %dma_wait3A_74] : memref<4x128xi32, #tpu.memory_space<vmem>> -> memref<1x128xi32, #tpu.memory_space<vmem>>
    %dma_wait3A_76 = tpu.memref_squeeze %dma_wait3A_75 : memref<1x128xi32, #tpu.memory_space<vmem>> -> memref<128xi32, #tpu.memory_space<vmem>>
    %dma_wait3A_77 = arith.constant 0 : i32
    %dma_wait3A_78 = arith.constant 0 : i32
    %dma_wait3A_79 = tpu.memref_slice %arg2[%dma_wait3A_77, %dma_wait3A_78] : memref<1000000x128xf32, #tpu.memory_space<hbm>> -> memref<1000000x128xf32, #tpu.memory_space<hbm>>
    tpu.wait_indirect_dma semaphore(%arg7 : memref<!tpu.dma_semaphore, #tpu.memory_space<semaphore_mem>>) src(%dma_wait3A_79 : memref<1000000x128xf32, #tpu.memory_space<hbm>>) dst(%dma_wait3A_73 : memref<128x128xf32, #tpu.memory_space<vmem>>)
    %dma_wait3A_80 = arith.constant 1 : i32
    %dma_wait3A_81 = arith.constant 1 : i32
    %dma_wait3A_82 = arith.constant 0 : i32
    %dma_wait3A_83 = arith.constant 0 : i32
    %dma_wait3A_84 = tpu.memref_slice %arg6[%dma_wait3A_81, %dma_wait3A_82, %dma_wait3A_83] : memref<4x128x128xf32, #tpu.memory_space<vmem>> -> memref<1x128x128xf32, #tpu.memory_space<vmem>>
    %dma_wait3A_85 = tpu.memref_squeeze %dma_wait3A_84 : memref<1x128x128xf32, #tpu.memory_space<vmem>> -> memref<128x128xf32, #tpu.memory_space<vmem>>
    %dma_wait3A_86 = arith.constant 0 : i32
    %dma_wait3A_87 = tpu.memref_slice %arg5[%dma_wait3A_80, %dma_wait3A_86] : memref<4x128xi32, #tpu.memory_space<vmem>> -> memref<1x128xi32, #tpu.memory_space<vmem>>
    %dma_wait3A_88 = tpu.memref_squeeze %dma_wait3A_87 : memref<1x128xi32, #tpu.memory_space<vmem>> -> memref<128xi32, #tpu.memory_space<vmem>>
    %dma_wait3A_89 = arith.constant 0 : i32
    %dma_wait3A_90 = arith.constant 0 : i32
    %dma_wait3A_91 = tpu.memref_slice %arg2[%dma_wait3A_89, %dma_wait3A_90] : memref<1000000x128xf32, #tpu.memory_space<hbm>> -> memref<1000000x128xf32, #tpu.memory_space<hbm>>
    tpu.wait_indirect_dma semaphore(%arg7 : memref<!tpu.dma_semaphore, #tpu.memory_space<semaphore_mem>>) src(%dma_wait3A_91 : memref<1000000x128xf32, #tpu.memory_space<hbm>>) dst(%dma_wait3A_85 : memref<128x128xf32, #tpu.memory_space<vmem>>)
    %add3A_92 = arith.constant 0 : i32
    %add3A_93 = arith.addi %mul3A_2, %add3A_92 : i32
    %dma_start3A_94 = arith.constant 0 : i32
    %dma_start3A_95 = arith.constant 0 : i32
    %dma_start3A_96 = arith.constant 0 : i32
    %dma_start3A_97 = tpu.memref_slice %arg6[%dma_start3A_94, %dma_start3A_95, %dma_start3A_96] : memref<4x128x128xf32, #tpu.memory_space<vmem>> -> memref<1x128x128xf32, #tpu.memory_space<vmem>>
    %dma_start3A_98 = tpu.memref_squeeze %dma_start3A_97 : memref<1x128x128xf32, #tpu.memory_space<vmem>> -> memref<128x128xf32, #tpu.memory_space<vmem>>
    %dma_start3A_99 = arith.constant 0 : i32
    %dma_start3A_100 = tpu.memref_slice %arg4[%add3A_93, %dma_start3A_99] : memref<16384x128xf32, #tpu.memory_space<hbm>> -> memref<128x128xf32, #tpu.memory_space<hbm>>
    %dma_start3A_101 = arith.constant 0 : i32
    %dma_start3A_102 = tpu.memref_slice %arg4[%add3A_93, %dma_start3A_101] : memref<16384x128xf32, #tpu.memory_space<hbm>> -> memref<128x128xf32, #tpu.memory_space<hbm>>
    %dma_start3A_103 = arith.constant 0 : i32
    %dma_start3A_104 = arith.constant 0 : i32
    %dma_start3A_105 = tpu.memref_slice %arg6[%dma_start3A_94, %dma_start3A_103, %dma_start3A_104] : memref<4x128x128xf32, #tpu.memory_space<vmem>> -> memref<1x128x128xf32, #tpu.memory_space<vmem>>
    %dma_start3A_106 = tpu.memref_squeeze %dma_start3A_105 : memref<1x128x128xf32, #tpu.memory_space<vmem>> -> memref<128x128xf32, #tpu.memory_space<vmem>>
    tpu.enqueue_dma source(%dma_start3A_106 : memref<128x128xf32, #tpu.memory_space<vmem>>) target(%dma_start3A_102 : memref<128x128xf32, #tpu.memory_space<hbm>>) target_semaphore(%arg9 : memref<!tpu.dma_semaphore, #tpu.memory_space<semaphore_mem>>)
    %add3A_107 = arith.constant 128 : i32
    %add3A_108 = arith.addi %mul3A_2, %add3A_107 : i32
    %dma_start3A_109 = arith.constant 1 : i32
    %dma_start3A_110 = arith.constant 0 : i32
    %dma_start3A_111 = arith.constant 0 : i32
    %dma_start3A_112 = tpu.memref_slice %arg6[%dma_start3A_109, %dma_start3A_110, %dma_start3A_111] : memref<4x128x128xf32, #tpu.memory_space<vmem>> -> memref<1x128x128xf32, #tpu.memory_space<vmem>>
    %dma_start3A_113 = tpu.memref_squeeze %dma_start3A_112 : memref<1x128x128xf32, #tpu.memory_space<vmem>> -> memref<128x128xf32, #tpu.memory_space<vmem>>
    %dma_start3A_114 = arith.constant 0 : i32
    %dma_start3A_115 = tpu.memref_slice %arg4[%add3A_108, %dma_start3A_114] : memref<16384x128xf32, #tpu.memory_space<hbm>> -> memref<128x128xf32, #tpu.memory_space<hbm>>
    %dma_start3A_116 = arith.constant 0 : i32
    %dma_start3A_117 = tpu.memref_slice %arg4[%add3A_108, %dma_start3A_116] : memref<16384x128xf32, #tpu.memory_space<hbm>> -> memref<128x128xf32, #tpu.memory_space<hbm>>
    %dma_start3A_118 = arith.constant 0 : i32
    %dma_start3A_119 = arith.constant 0 : i32
    %dma_start3A_120 = tpu.memref_slice %arg6[%dma_start3A_109, %dma_start3A_118, %dma_start3A_119] : memref<4x128x128xf32, #tpu.memory_space<vmem>> -> memref<1x128x128xf32, #tpu.memory_space<vmem>>
    %dma_start3A_121 = tpu.memref_squeeze %dma_start3A_120 : memref<1x128x128xf32, #tpu.memory_space<vmem>> -> memref<128x128xf32, #tpu.memory_space<vmem>>
    tpu.enqueue_dma source(%dma_start3A_121 : memref<128x128xf32, #tpu.memory_space<vmem>>) target(%dma_start3A_117 : memref<128x128xf32, #tpu.memory_space<hbm>>) target_semaphore(%arg9 : memref<!tpu.dma_semaphore, #tpu.memory_space<semaphore_mem>>)
    %dma_wait3A_122 = arith.constant 0 : i32
    %dma_wait3A_123 = arith.constant 0 : i32
    %dma_wait3A_124 = arith.constant 0 : i32
    %dma_wait3A_125 = tpu.memref_slice %arg6[%dma_wait3A_122, %dma_wait3A_123, %dma_wait3A_124] : memref<4x128x128xf32, #tpu.memory_space<vmem>> -> memref<1x128x128xf32, #tpu.memory_space<vmem>>
    %dma_wait3A_126 = tpu.memref_squeeze %dma_wait3A_125 : memref<1x128x128xf32, #tpu.memory_space<vmem>> -> memref<128x128xf32, #tpu.memory_space<vmem>>
    %dma_wait3A_127 = arith.constant 0 : i32
    %dma_wait3A_128 = tpu.memref_slice %arg4[%add3A_93, %dma_wait3A_127] : memref<16384x128xf32, #tpu.memory_space<hbm>> -> memref<128x128xf32, #tpu.memory_space<hbm>>
    %dma_wait3A_129 = arith.constant 0 : i32
    %dma_wait3A_130 = tpu.memref_slice %arg4[%add3A_93, %dma_wait3A_129] : memref<16384x128xf32, #tpu.memory_space<hbm>> -> memref<128x128xf32, #tpu.memory_space<hbm>>
    %dma_wait3A_131 = arith.constant 0 : i32
    %dma_wait3A_132 = arith.constant 0 : i32
    %dma_wait3A_133 = tpu.memref_slice %arg6[%dma_wait3A_122, %dma_wait3A_131, %dma_wait3A_132] : memref<4x128x128xf32, #tpu.memory_space<vmem>> -> memref<1x128x128xf32, #tpu.memory_space<vmem>>
    %dma_wait3A_134 = tpu.memref_squeeze %dma_wait3A_133 : memref<1x128x128xf32, #tpu.memory_space<vmem>> -> memref<128x128xf32, #tpu.memory_space<vmem>>
    tpu.wait_dma2 semaphore(%arg9 : memref<!tpu.dma_semaphore, #tpu.memory_space<semaphore_mem>>) src(%dma_wait3A_134 : memref<128x128xf32, #tpu.memory_space<vmem>>) dst(%dma_wait3A_130 : memref<128x128xf32, #tpu.memory_space<hbm>>)
    %dma_wait3A_135 = arith.constant 1 : i32
    %dma_wait3A_136 = arith.constant 0 : i32
    %dma_wait3A_137 = arith.constant 0 : i32
    %dma_wait3A_138 = tpu.memref_slice %arg6[%dma_wait3A_135, %dma_wait3A_136, %dma_wait3A_137] : memref<4x128x128xf32, #tpu.memory_space<vmem>> -> memref<1x128x128xf32, #tpu.memory_space<vmem>>
    %dma_wait3A_139 = tpu.memref_squeeze %dma_wait3A_138 : memref<1x128x128xf32, #tpu.memory_space<vmem>> -> memref<128x128xf32, #tpu.memory_space<vmem>>
    %dma_wait3A_140 = arith.constant 0 : i32
    %dma_wait3A_141 = tpu.memref_slice %arg4[%add3A_108, %dma_wait3A_140] : memref<16384x128xf32, #tpu.memory_space<hbm>> -> memref<128x128xf32, #tpu.memory_space<hbm>>
    %dma_wait3A_142 = arith.constant 0 : i32
    %dma_wait3A_143 = tpu.memref_slice %arg4[%add3A_108, %dma_wait3A_142] : memref<16384x128xf32, #tpu.memory_space<hbm>> -> memref<128x128xf32, #tpu.memory_space<hbm>>
    %dma_wait3A_144 = arith.constant 0 : i32
    %dma_wait3A_145 = arith.constant 0 : i32
    %dma_wait3A_146 = tpu.memref_slice %arg6[%dma_wait3A_135, %dma_wait3A_144, %dma_wait3A_145] : memref<4x128x128xf32, #tpu.memory_space<vmem>> -> memref<1x128x128xf32, #tpu.memory_space<vmem>>
    %dma_wait3A_147 = tpu.memref_squeeze %dma_wait3A_146 : memref<1x128x128xf32, #tpu.memory_space<vmem>> -> memref<128x128xf32, #tpu.memory_space<vmem>>
    tpu.wait_dma2 semaphore(%arg9 : memref<!tpu.dma_semaphore, #tpu.memory_space<semaphore_mem>>) src(%dma_wait3A_147 : memref<128x128xf32, #tpu.memory_space<vmem>>) dst(%dma_wait3A_143 : memref<128x128xf32, #tpu.memory_space<hbm>>)
    %dma_wait3A_148 = arith.constant 2 : i32
    %dma_wait3A_149 = arith.constant 2 : i32
    %dma_wait3A_150 = arith.constant 0 : i32
    %dma_wait3A_151 = arith.constant 0 : i32
    %dma_wait3A_152 = tpu.memref_slice %arg6[%dma_wait3A_149, %dma_wait3A_150, %dma_wait3A_151] : memref<4x128x128xf32, #tpu.memory_space<vmem>> -> memref<1x128x128xf32, #tpu.memory_space<vmem>>
    %dma_wait3A_153 = tpu.memref_squeeze %dma_wait3A_152 : memref<1x128x128xf32, #tpu.memory_space<vmem>> -> memref<128x128xf32, #tpu.memory_space<vmem>>
    %dma_wait3A_154 = arith.constant 0 : i32
    %dma_wait3A_155 = tpu.memref_slice %arg5[%dma_wait3A_148, %dma_wait3A_154] : memref<4x128xi32, #tpu.memory_space<vmem>> -> memref<1x128xi32, #tpu.memory_space<vmem>>
    %dma_wait3A_156 = tpu.memref_squeeze %dma_wait3A_155 : memref<1x128xi32, #tpu.memory_space<vmem>> -> memref<128xi32, #tpu.memory_space<vmem>>
    %dma_wait3A_157 = arith.constant 0 : i32
    %dma_wait3A_158 = arith.constant 0 : i32
    %dma_wait3A_159 = tpu.memref_slice %arg2[%dma_wait3A_157, %dma_wait3A_158] : memref<1000000x128xf32, #tpu.memory_space<hbm>> -> memref<1000000x128xf32, #tpu.memory_space<hbm>>
    tpu.wait_indirect_dma semaphore(%arg8 : memref<!tpu.dma_semaphore, #tpu.memory_space<semaphore_mem>>) src(%dma_wait3A_159 : memref<1000000x128xf32, #tpu.memory_space<hbm>>) dst(%dma_wait3A_153 : memref<128x128xf32, #tpu.memory_space<vmem>>)
    %dma_wait3A_160 = arith.constant 3 : i32
    %dma_wait3A_161 = arith.constant 3 : i32
    %dma_wait3A_162 = arith.constant 0 : i32
    %dma_wait3A_163 = arith.constant 0 : i32
    %dma_wait3A_164 = tpu.memref_slice %arg6[%dma_wait3A_161, %dma_wait3A_162, %dma_wait3A_163] : memref<4x128x128xf32, #tpu.memory_space<vmem>> -> memref<1x128x128xf32, #tpu.memory_space<vmem>>
    %dma_wait3A_165 = tpu.memref_squeeze %dma_wait3A_164 : memref<1x128x128xf32, #tpu.memory_space<vmem>> -> memref<128x128xf32, #tpu.memory_space<vmem>>
    %dma_wait3A_166 = arith.constant 0 : i32
    %dma_wait3A_167 = tpu.memref_slice %arg5[%dma_wait3A_160, %dma_wait3A_166] : memref<4x128xi32, #tpu.memory_space<vmem>> -> memref<1x128xi32, #tpu.memory_space<vmem>>
    %dma_wait3A_168 = tpu.memref_squeeze %dma_wait3A_167 : memref<1x128xi32, #tpu.memory_space<vmem>> -> memref<128xi32, #tpu.memory_space<vmem>>
    %dma_wait3A_169 = arith.constant 0 : i32
    %dma_wait3A_170 = arith.constant 0 : i32
    %dma_wait3A_171 = tpu.memref_slice %arg2[%dma_wait3A_169, %dma_wait3A_170] : memref<1000000x128xf32, #tpu.memory_space<hbm>> -> memref<1000000x128xf32, #tpu.memory_space<hbm>>
    tpu.wait_indirect_dma semaphore(%arg8 : memref<!tpu.dma_semaphore, #tpu.memory_space<semaphore_mem>>) src(%dma_wait3A_171 : memref<1000000x128xf32, #tpu.memory_space<hbm>>) dst(%dma_wait3A_165 : memref<128x128xf32, #tpu.memory_space<vmem>>)
    %add3A_172 = arith.constant 256 : i32
    %add3A_173 = arith.addi %mul3A_2, %add3A_172 : i32
    %dma_start3A_174 = arith.constant 2 : i32
    %dma_start3A_175 = arith.constant 0 : i32
    %dma_start3A_176 = arith.constant 0 : i32
    %dma_start3A_177 = tpu.memref_slice %arg6[%dma_start3A_174, %dma_start3A_175, %dma_start3A_176] : memref<4x128x128xf32, #tpu.memory_space<vmem>> -> memref<1x128x128xf32, #tpu.memory_space<vmem>>
    %dma_start3A_178 = tpu.memref_squeeze %dma_start3A_177 : memref<1x128x128xf32, #tpu.memory_space<vmem>> -> memref<128x128xf32, #tpu.memory_space<vmem>>
    %dma_start3A_179 = arith.constant 0 : i32
    %dma_start3A_180 = tpu.memref_slice %arg4[%add3A_173, %dma_start3A_179] : memref<16384x128xf32, #tpu.memory_space<hbm>> -> memref<128x128xf32, #tpu.memory_space<hbm>>
    %dma_start3A_181 = arith.constant 0 : i32
    %dma_start3A_182 = tpu.memref_slice %arg4[%add3A_173, %dma_start3A_181] : memref<16384x128xf32, #tpu.memory_space<hbm>> -> memref<128x128xf32, #tpu.memory_space<hbm>>
    %dma_start3A_183 = arith.constant 0 : i32
    %dma_start3A_184 = arith.constant 0 : i32
    %dma_start3A_185 = tpu.memref_slice %arg6[%dma_start3A_174, %dma_start3A_183, %dma_start3A_184] : memref<4x128x128xf32, #tpu.memory_space<vmem>> -> memref<1x128x128xf32, #tpu.memory_space<vmem>>
    %dma_start3A_186 = tpu.memref_squeeze %dma_start3A_185 : memref<1x128x128xf32, #tpu.memory_space<vmem>> -> memref<128x128xf32, #tpu.memory_space<vmem>>
    tpu.enqueue_dma source(%dma_start3A_186 : memref<128x128xf32, #tpu.memory_space<vmem>>) target(%dma_start3A_182 : memref<128x128xf32, #tpu.memory_space<hbm>>) target_semaphore(%arg10 : memref<!tpu.dma_semaphore, #tpu.memory_space<semaphore_mem>>)
    %add3A_187 = arith.constant 384 : i32
    %add3A_188 = arith.addi %mul3A_2, %add3A_187 : i32
    %dma_start3A_189 = arith.constant 3 : i32
    %dma_start3A_190 = arith.constant 0 : i32
    %dma_start3A_191 = arith.constant 0 : i32
    %dma_start3A_192 = tpu.memref_slice %arg6[%dma_start3A_189, %dma_start3A_190, %dma_start3A_191] : memref<4x128x128xf32, #tpu.memory_space<vmem>> -> memref<1x128x128xf32, #tpu.memory_space<vmem>>
    %dma_start3A_193 = tpu.memref_squeeze %dma_start3A_192 : memref<1x128x128xf32, #tpu.memory_space<vmem>> -> memref<128x128xf32, #tpu.memory_space<vmem>>
    %dma_start3A_194 = arith.constant 0 : i32
    %dma_start3A_195 = tpu.memref_slice %arg4[%add3A_188, %dma_start3A_194] : memref<16384x128xf32, #tpu.memory_space<hbm>> -> memref<128x128xf32, #tpu.memory_space<hbm>>
    %dma_start3A_196 = arith.constant 0 : i32
    %dma_start3A_197 = tpu.memref_slice %arg4[%add3A_188, %dma_start3A_196] : memref<16384x128xf32, #tpu.memory_space<hbm>> -> memref<128x128xf32, #tpu.memory_space<hbm>>
    %dma_start3A_198 = arith.constant 0 : i32
    %dma_start3A_199 = arith.constant 0 : i32
    %dma_start3A_200 = tpu.memref_slice %arg6[%dma_start3A_189, %dma_start3A_198, %dma_start3A_199] : memref<4x128x128xf32, #tpu.memory_space<vmem>> -> memref<1x128x128xf32, #tpu.memory_space<vmem>>
    %dma_start3A_201 = tpu.memref_squeeze %dma_start3A_200 : memref<1x128x128xf32, #tpu.memory_space<vmem>> -> memref<128x128xf32, #tpu.memory_space<vmem>>
    tpu.enqueue_dma source(%dma_start3A_201 : memref<128x128xf32, #tpu.memory_space<vmem>>) target(%dma_start3A_197 : memref<128x128xf32, #tpu.memory_space<hbm>>) target_semaphore(%arg10 : memref<!tpu.dma_semaphore, #tpu.memory_space<semaphore_mem>>)
    %dma_wait3A_202 = arith.constant 2 : i32
    %dma_wait3A_203 = arith.constant 0 : i32
    %dma_wait3A_204 = arith.constant 0 : i32
    %dma_wait3A_205 = tpu.memref_slice %arg6[%dma_wait3A_202, %dma_wait3A_203, %dma_wait3A_204] : memref<4x128x128xf32, #tpu.memory_space<vmem>> -> memref<1x128x128xf32, #tpu.memory_space<vmem>>
    %dma_wait3A_206 = tpu.memref_squeeze %dma_wait3A_205 : memref<1x128x128xf32, #tpu.memory_space<vmem>> -> memref<128x128xf32, #tpu.memory_space<vmem>>
    %dma_wait3A_207 = arith.constant 0 : i32
    %dma_wait3A_208 = tpu.memref_slice %arg4[%add3A_173, %dma_wait3A_207] : memref<16384x128xf32, #tpu.memory_space<hbm>> -> memref<128x128xf32, #tpu.memory_space<hbm>>
    %dma_wait3A_209 = arith.constant 0 : i32
    %dma_wait3A_210 = tpu.memref_slice %arg4[%add3A_173, %dma_wait3A_209] : memref<16384x128xf32, #tpu.memory_space<hbm>> -> memref<128x128xf32, #tpu.memory_space<hbm>>
    %dma_wait3A_211 = arith.constant 0 : i32
    %dma_wait3A_212 = arith.constant 0 : i32
    %dma_wait3A_213 = tpu.memref_slice %arg6[%dma_wait3A_202, %dma_wait3A_211, %dma_wait3A_212] : memref<4x128x128xf32, #tpu.memory_space<vmem>> -> memref<1x128x128xf32, #tpu.memory_space<vmem>>
    %dma_wait3A_214 = tpu.memref_squeeze %dma_wait3A_213 : memref<1x128x128xf32, #tpu.memory_space<vmem>> -> memref<128x128xf32, #tpu.memory_space<vmem>>
    tpu.wait_dma2 semaphore(%arg10 : memref<!tpu.dma_semaphore, #tpu.memory_space<semaphore_mem>>) src(%dma_wait3A_214 : memref<128x128xf32, #tpu.memory_space<vmem>>) dst(%dma_wait3A_210 : memref<128x128xf32, #tpu.memory_space<hbm>>)
    %dma_wait3A_215 = arith.constant 3 : i32
    %dma_wait3A_216 = arith.constant 0 : i32
    %dma_wait3A_217 = arith.constant 0 : i32
    %dma_wait3A_218 = tpu.memref_slice %arg6[%dma_wait3A_215, %dma_wait3A_216, %dma_wait3A_217] : memref<4x128x128xf32, #tpu.memory_space<vmem>> -> memref<1x128x128xf32, #tpu.memory_space<vmem>>
    %dma_wait3A_219 = tpu.memref_squeeze %dma_wait3A_218 : memref<1x128x128xf32, #tpu.memory_space<vmem>> -> memref<128x128xf32, #tpu.memory_space<vmem>>
    %dma_wait3A_220 = arith.constant 0 : i32
    %dma_wait3A_221 = tpu.memref_slice %arg4[%add3A_188, %dma_wait3A_220] : memref<16384x128xf32, #tpu.memory_space<hbm>> -> memref<128x128xf32, #tpu.memory_space<hbm>>
    %dma_wait3A_222 = arith.constant 0 : i32
    %dma_wait3A_223 = tpu.memref_slice %arg4[%add3A_188, %dma_wait3A_222] : memref<16384x128xf32, #tpu.memory_space<hbm>> -> memref<128x128xf32, #tpu.memory_space<hbm>>
    %dma_wait3A_224 = arith.constant 0 : i32
    %dma_wait3A_225 = arith.constant 0 : i32
    %dma_wait3A_226 = tpu.memref_slice %arg6[%dma_wait3A_215, %dma_wait3A_224, %dma_wait3A_225] : memref<4x128x128xf32, #tpu.memory_space<vmem>> -> memref<1x128x128xf32, #tpu.memory_space<vmem>>
    %dma_wait3A_227 = tpu.memref_squeeze %dma_wait3A_226 : memref<1x128x128xf32, #tpu.memory_space<vmem>> -> memref<128x128xf32, #tpu.memory_space<vmem>>
    tpu.wait_dma2 semaphore(%arg10 : memref<!tpu.dma_semaphore, #tpu.memory_space<semaphore_mem>>) src(%dma_wait3A_227 : memref<128x128xf32, #tpu.memory_space<vmem>>) dst(%dma_wait3A_223 : memref<128x128xf32, #tpu.memory_space<hbm>>)
    return
  }
}

module attributes {stable_mosaic.version = 14 : i64} {
  func.func @_dense_body(%arg0: i32, %arg1: memref<4x2048x128xf32, #tpu.memory_space<vmem>>, %arg2: memref<128x128xf32, #tpu.memory_space<vmem>>, %arg3: memref<1x128xf32, #tpu.memory_space<vmem>>, %arg4: memref<128x64xf32, #tpu.memory_space<vmem>>, %arg5: memref<128x128xf32, #tpu.memory_space<vmem>>, %arg6: memref<1x128xf32, #tpu.memory_space<vmem>>, %arg7: memref<64x128xf32, #tpu.memory_space<vmem>>, %arg8: memref<64x128xf32, #tpu.memory_space<vmem>>, %arg9: memref<1x50xf32, #tpu.memory_space<vmem>>, %arg10: memref<8x50xf32, #tpu.memory_space<vmem>>, %arg11: memref<16x50xf32, #tpu.memory_space<vmem>>) attributes {dimension_semantics = [#tpu.dimension_semantics<arbitrary>], iteration_bounds = array<i64: 2>, scalar_prefetch = 0 : i64, scratch_operands = 0 : i64, tpu.core_type = #tpu.core_type<tc>, window_params = [{transform_indices = @transform_0, window_bounds = array<i64: 4, 2048, 128>}, {pipeline_mode = #tpu.pipeline_mode<synchronous>, transform_indices = @transform_1, window_bounds = array<i64: 128, 128>}, {pipeline_mode = #tpu.pipeline_mode<synchronous>, transform_indices = @transform_2, window_bounds = array<i64: 1, 128>}, {pipeline_mode = #tpu.pipeline_mode<synchronous>, transform_indices = @transform_3, window_bounds = array<i64: 128, 64>}, {pipeline_mode = #tpu.pipeline_mode<synchronous>, transform_indices = @transform_4, window_bounds = array<i64: 128, 128>}, {pipeline_mode = #tpu.pipeline_mode<synchronous>, transform_indices = @transform_5, window_bounds = array<i64: 1, 128>}, {pipeline_mode = #tpu.pipeline_mode<synchronous>, transform_indices = @transform_6, window_bounds = array<i64: 64, 128>}, {pipeline_mode = #tpu.pipeline_mode<synchronous>, transform_indices = @transform_7, window_bounds = array<i64: 64, 128>}, {pipeline_mode = #tpu.pipeline_mode<synchronous>, transform_indices = @transform_8, window_bounds = array<i64: 1, 50>}, {pipeline_mode = #tpu.pipeline_mode<synchronous>, transform_indices = @transform_9, window_bounds = array<i64: 8, 50>}, {pipeline_mode = #tpu.pipeline_mode<synchronous>, transform_indices = @transform_10, window_bounds = array<i64: 16, 50>}]} {
    %get3A = arith.constant 0 : index
    %get3A_0 = arith.constant 0 : index
    %get3A_1 = vector.load %arg10[%get3A, %get3A_0] : memref<8x50xf32, #tpu.memory_space<vmem>>, vector<8x50xf32>
    %swap3A = arith.constant 0 : index
    %swap3A_2 = arith.constant 0 : index
    %swap3A_3 = vector.load %arg11[%swap3A, %swap3A_2] : memref<16x50xf32, #tpu.memory_space<vmem>>, vector<8x50xf32>
    tpu.vector_store %arg11[%swap3A, %swap3A_2], %get3A_1 {strides = array<i32>} : memref<16x50xf32, #tpu.memory_space<vmem>>, vector<8x50xf32>,
    %get3A_4 = arith.constant 0 : index
    %get3A_5 = arith.constant 0 : index
    %get3A_6 = arith.constant 0 : index
    %get3A_7 = vector.load %arg1[%get3A_4, %get3A_5, %get3A_6] : memref<4x2048x128xf32, #tpu.memory_space<vmem>>, vector<4x2048x128xf32>
    %reshape3A = vector.shape_cast %get3A_7 : vector<4x2048x128xf32> to vector<8192x128xf32>
    %get3A_8 = arith.constant 0 : index
    %get3A_9 = arith.constant 0 : index
    %get3A_10 = vector.load %arg2[%get3A_8, %get3A_9] : memref<128x128xf32, #tpu.memory_space<vmem>>, vector<128x128xf32>
    %dot_general3A = arith.constant dense<0.000000e+00> : vector<8192x128xf32>
    %dot_general3A_11 = tpu.matmul %reshape3A, %get3A_10, %dot_general3A {dimension_numbers = #tpu.dot_dimension_numbers<[1], [0], [0], [1], [0, 0, 1, 1], [], []>, transpose_lhs_hint = false} : vector<8192x128xf32>, vector<128x128xf32>, vector<8192x128xf32> -> vector<8192x128xf32>
    %get3A_12 = arith.constant 0 : index
    %get3A_13 = arith.constant 0 : index
    %get3A_14 = vector.load %arg3[%get3A_12, %get3A_13] : memref<1x128xf32, #tpu.memory_space<vmem>>, vector<1x128xf32>
    %add3A = vector.broadcast %get3A_14 : vector<1x128xf32> to vector<8192x128xf32>
    %add3A_15 = arith.addf %dot_general3A_11, %add3A : vector<8192x128xf32>
    %tanh3A = math.tanh %add3A_15 : vector<8192x128xf32>
    %get3A_16 = arith.constant 0 : index
    %get3A_17 = arith.constant 0 : index
    %get3A_18 = vector.load %arg4[%get3A_16, %get3A_17] : memref<128x64xf32, #tpu.memory_space<vmem>>, vector<128x64xf32>
    %dot_general3A_19 = arith.constant dense<0.000000e+00> : vector<8192x64xf32>
    %dot_general3A_20 = tpu.matmul %tanh3A, %get3A_18, %dot_general3A_19 {dimension_numbers = #tpu.dot_dimension_numbers<[1], [0], [0], [1], [0, 0, 1, 1], [], []>, transpose_lhs_hint = false} : vector<8192x128xf32>, vector<128x64xf32>, vector<8192x64xf32> -> vector<8192x64xf32>
    %reshape3A_21 = vector.shape_cast %dot_general3A_20 : vector<8192x64xf32> to vector<128x64x64xf32>
    %exp3A = math.exp %reshape3A_21 : vector<128x64x64xf32>
    %reduce_sum3A = arith.constant dense<0.000000e+00> : vector<128x64xf32>
    %reduce_sum3A_22 = vector.multi_reduction <add>, %exp3A, %reduce_sum3A [1] : vector<128x64x64xf32> to vector<128x64xf32>
    %broadcast_in_dim3A = vector.shape_cast %reduce_sum3A_22 : vector<128x64xf32> to vector<128x1x64xf32>
    %div3A = vector.broadcast %broadcast_in_dim3A : vector<128x1x64xf32> to vector<128x64x64xf32>
    %div3A_23 = arith.divf %exp3A, %div3A : vector<128x64x64xf32>
    %reshape3A_24 = vector.shape_cast %div3A_23 : vector<128x64x64xf32> to vector<8192x64xf32>
    %slice3A = vector.extract_strided_slice %reshape3A_24 {offsets = [0, 0], sizes = [64, 64], strides = [1, 1]} : vector<8192x64xf32> to vector<64x64xf32>
    %slice3A_25 = vector.extract_strided_slice %add3A_15 {offsets = [0, 0], sizes = [64, 128], strides = [1, 1]} : vector<8192x128xf32> to vector<64x128xf32>
    %dot_general3A_26 = arith.constant dense<0.000000e+00> : vector<64x128xf32>
    %dot_general3A_27 = tpu.matmul %slice3A, %slice3A_25, %dot_general3A_26 {dimension_numbers = #tpu.dot_dimension_numbers<[0], [0], [1], [1], [0, 1, 1, 1], [], []>, transpose_lhs_hint = false} : vector<64x64xf32>, vector<64x128xf32>, vector<64x128xf32> -> vector<64x128xf32>
    %slice3A_28 = vector.extract_strided_slice %reshape3A_24 {offsets = [64, 0], sizes = [64, 64], strides = [1, 1]} : vector<8192x64xf32> to vector<64x64xf32>
    %slice3A_29 = vector.extract_strided_slice %add3A_15 {offsets = [64, 0], sizes = [64, 128], strides = [1, 1]} : vector<8192x128xf32> to vector<64x128xf32>
    %dot_general3A_30 = arith.constant dense<0.000000e+00> : vector<64x128xf32>
    %dot_general3A_31 = tpu.matmul %slice3A_28, %slice3A_29, %dot_general3A_30 {dimension_numbers = #tpu.dot_dimension_numbers<[0], [0], [1], [1], [0, 1, 1, 1], [], []>, transpose_lhs_hint = false} : vector<64x64xf32>, vector<64x128xf32>, vector<64x128xf32> -> vector<64x128xf32>
    %slice3A_32 = vector.extract_strided_slice %reshape3A_24 {offsets = [128, 0], sizes = [64, 64], strides = [1, 1]} : vector<8192x64xf32> to vector<64x64xf32>
    %slice3A_33 = vector.extract_strided_slice %add3A_15 {offsets = [128, 0], sizes = [64, 128], strides = [1, 1]} : vector<8192x128xf32> to vector<64x128xf32>
    %dot_general3A_34 = arith.constant dense<0.000000e+00> : vector<64x128xf32>
    %dot_general3A_35 = tpu.matmul %slice3A_32, %slice3A_33, %dot_general3A_34 {dimension_numbers = #tpu.dot_dimension_numbers<[0], [0], [1], [1], [0, 1, 1, 1], [], []>, transpose_lhs_hint = false} : vector<64x64xf32>, vector<64x128xf32>, vector<64x128xf32> -> vector<64x128xf32>
    %slice3A_36 = vector.extract_strided_slice %reshape3A_24 {offsets = [192, 0], sizes = [64, 64], strides = [1, 1]} : vector<8192x64xf32> to vector<64x64xf32>
    %slice3A_37 = vector.extract_strided_slice %add3A_15 {offsets = [192, 0], sizes = [64, 128], strides = [1, 1]} : vector<8192x128xf32> to vector<64x128xf32>
    %dot_general3A_38 = arith.constant dense<0.000000e+00> : vector<64x128xf32>
    %dot_general3A_39 = tpu.matmul %slice3A_36, %slice3A_37, %dot_general3A_38 {dimension_numbers = #tpu.dot_dimension_numbers<[0], [0], [1], [1], [0, 1, 1, 1], [], []>, transpose_lhs_hint = false} : vector<64x64xf32>, vector<64x128xf32>, vector<64x128xf32> -> vector<64x128xf32>
    %slice3A_40 = vector.extract_strided_slice %reshape3A_24 {offsets = [256, 0], sizes = [64, 64], strides = [1, 1]} : vector<8192x64xf32> to vector<64x64xf32>
    %slice3A_41 = vector.extract_strided_slice %add3A_15 {offsets = [256, 0], sizes = [64, 128], strides = [1, 1]} : vector<8192x128xf32> to vector<64x128xf32>
    %dot_general3A_42 = arith.constant dense<0.000000e+00> : vector<64x128xf32>
    %dot_general3A_43 = tpu.matmul %slice3A_40, %slice3A_41, %dot_general3A_42 {dimension_numbers = #tpu.dot_dimension_numbers<[0], [0], [1], [1], [0, 1, 1, 1], [], []>, transpose_lhs_hint = false} : vector<64x64xf32>, vector<64x128xf32>, vector<64x128xf32> -> vector<64x128xf32>
    %slice3A_44 = vector.extract_strided_slice %reshape3A_24 {offsets = [320, 0], sizes = [64, 64], strides = [1, 1]} : vector<8192x64xf32> to vector<64x64xf32>
    %slice3A_45 = vector.extract_strided_slice %add3A_15 {offsets = [320, 0], sizes = [64, 128], strides = [1, 1]} : vector<8192x128xf32> to vector<64x128xf32>
    %dot_general3A_46 = arith.constant dense<0.000000e+00> : vector<64x128xf32>
    %dot_general3A_47 = tpu.matmul %slice3A_44, %slice3A_45, %dot_general3A_46 {dimension_numbers = #tpu.dot_dimension_numbers<[0], [0], [1], [1], [0, 1, 1, 1], [], []>, transpose_lhs_hint = false} : vector<64x64xf32>, vector<64x128xf32>, vector<64x128xf32> -> vector<64x128xf32>
    %slice3A_48 = vector.extract_strided_slice %reshape3A_24 {offsets = [384, 0], sizes = [64, 64], strides = [1, 1]} : vector<8192x64xf32> to vector<64x64xf32>
    %slice3A_49 = vector.extract_strided_slice %add3A_15 {offsets = [384, 0], sizes = [64, 128], strides = [1, 1]} : vector<8192x128xf32> to vector<64x128xf32>
    %dot_general3A_50 = arith.constant dense<0.000000e+00> : vector<64x128xf32>
    %dot_general3A_51 = tpu.matmul %slice3A_48, %slice3A_49, %dot_general3A_50 {dimension_numbers = #tpu.dot_dimension_numbers<[0], [0], [1], [1], [0, 1, 1, 1], [], []>, transpose_lhs_hint = false} : vector<64x64xf32>, vector<64x128xf32>, vector<64x128xf32> -> vector<64x128xf32>
    %slice3A_52 = vector.extract_strided_slice %reshape3A_24 {offsets = [448, 0], sizes = [64, 64], strides = [1, 1]} : vector<8192x64xf32> to vector<64x64xf32>
    %slice3A_53 = vector.extract_strided_slice %add3A_15 {offsets = [448, 0], sizes = [64, 128], strides = [1, 1]} : vector<8192x128xf32> to vector<64x128xf32>
    %dot_general3A_54 = arith.constant dense<0.000000e+00> : vector<64x128xf32>
    %dot_general3A_55 = tpu.matmul %slice3A_52, %slice3A_53, %dot_general3A_54 {dimension_numbers = #tpu.dot_dimension_numbers<[0], [0], [1], [1], [0, 1, 1, 1], [], []>, transpose_lhs_hint = false} : vector<64x64xf32>, vector<64x128xf32>, vector<64x128xf32> -> vector<64x128xf32>
    %slice3A_56 = vector.extract_strided_slice %reshape3A_24 {offsets = [512, 0], sizes = [64, 64], strides = [1, 1]} : vector<8192x64xf32> to vector<64x64xf32>
    %slice3A_57 = vector.extract_strided_slice %add3A_15 {offsets = [512, 0], sizes = [64, 128], strides = [1, 1]} : vector<8192x128xf32> to vector<64x128xf32>
    %dot_general3A_58 = arith.constant dense<0.000000e+00> : vector<64x128xf32>
    %dot_general3A_59 = tpu.matmul %slice3A_56, %slice3A_57, %dot_general3A_58 {dimension_numbers = #tpu.dot_dimension_numbers<[0], [0], [1], [1], [0, 1, 1, 1], [], []>, transpose_lhs_hint = false} : vector<64x64xf32>, vector<64x128xf32>, vector<64x128xf32> -> vector<64x128xf32>
    %slice3A_60 = vector.extract_strided_slice %reshape3A_24 {offsets = [576, 0], sizes = [64, 64], strides = [1, 1]} : vector<8192x64xf32> to vector<64x64xf32>
    %slice3A_61 = vector.extract_strided_slice %add3A_15 {offsets = [576, 0], sizes = [64, 128], strides = [1, 1]} : vector<8192x128xf32> to vector<64x128xf32>
    %dot_general3A_62 = arith.constant dense<0.000000e+00> : vector<64x128xf32>
    %dot_general3A_63 = tpu.matmul %slice3A_60, %slice3A_61, %dot_general3A_62 {dimension_numbers = #tpu.dot_dimension_numbers<[0], [0], [1], [1], [0, 1, 1, 1], [], []>, transpose_lhs_hint = false} : vector<64x64xf32>, vector<64x128xf32>, vector<64x128xf32> -> vector<64x128xf32>
    %slice3A_64 = vector.extract_strided_slice %reshape3A_24 {offsets = [640, 0], sizes = [64, 64], strides = [1, 1]} : vector<8192x64xf32> to vector<64x64xf32>
    %slice3A_65 = vector.extract_strided_slice %add3A_15 {offsets = [640, 0], sizes = [64, 128], strides = [1, 1]} : vector<8192x128xf32> to vector<64x128xf32>
    %dot_general3A_66 = arith.constant dense<0.000000e+00> : vector<64x128xf32>
    %dot_general3A_67 = tpu.matmul %slice3A_64, %slice3A_65, %dot_general3A_66 {dimension_numbers = #tpu.dot_dimension_numbers<[0], [0], [1], [1], [0, 1, 1, 1], [], []>, transpose_lhs_hint = false} : vector<64x64xf32>, vector<64x128xf32>, vector<64x128xf32> -> vector<64x128xf32>
    %slice3A_68 = vector.extract_strided_slice %reshape3A_24 {offsets = [704, 0], sizes = [64, 64], strides = [1, 1]} : vector<8192x64xf32> to vector<64x64xf32>
    %slice3A_69 = vector.extract_strided_slice %add3A_15 {offsets = [704, 0], sizes = [64, 128], strides = [1, 1]} : vector<8192x128xf32> to vector<64x128xf32>
    %dot_general3A_70 = arith.constant dense<0.000000e+00> : vector<64x128xf32>
    %dot_general3A_71 = tpu.matmul %slice3A_68, %slice3A_69, %dot_general3A_70 {dimension_numbers = #tpu.dot_dimension_numbers<[0], [0], [1], [1], [0, 1, 1, 1], [], []>, transpose_lhs_hint = false} : vector<64x64xf32>, vector<64x128xf32>, vector<64x128xf32> -> vector<64x128xf32>
    %slice3A_72 = vector.extract_strided_slice %reshape3A_24 {offsets = [768, 0], sizes = [64, 64], strides = [1, 1]} : vector<8192x64xf32> to vector<64x64xf32>
    %slice3A_73 = vector.extract_strided_slice %add3A_15 {offsets = [768, 0], sizes = [64, 128], strides = [1, 1]} : vector<8192x128xf32> to vector<64x128xf32>
    %dot_general3A_74 = arith.constant dense<0.000000e+00> : vector<64x128xf32>
    %dot_general3A_75 = tpu.matmul %slice3A_72, %slice3A_73, %dot_general3A_74 {dimension_numbers = #tpu.dot_dimension_numbers<[0], [0], [1], [1], [0, 1, 1, 1], [], []>, transpose_lhs_hint = false} : vector<64x64xf32>, vector<64x128xf32>, vector<64x128xf32> -> vector<64x128xf32>
    %slice3A_76 = vector.extract_strided_slice %reshape3A_24 {offsets = [832, 0], sizes = [64, 64], strides = [1, 1]} : vector<8192x64xf32> to vector<64x64xf32>
    %slice3A_77 = vector.extract_strided_slice %add3A_15 {offsets = [832, 0], sizes = [64, 128], strides = [1, 1]} : vector<8192x128xf32> to vector<64x128xf32>
    %dot_general3A_78 = arith.constant dense<0.000000e+00> : vector<64x128xf32>
    %dot_general3A_79 = tpu.matmul %slice3A_76, %slice3A_77, %dot_general3A_78 {dimension_numbers = #tpu.dot_dimension_numbers<[0], [0], [1], [1], [0, 1, 1, 1], [], []>, transpose_lhs_hint = false} : vector<64x64xf32>, vector<64x128xf32>, vector<64x128xf32> -> vector<64x128xf32>
    %slice3A_80 = vector.extract_strided_slice %reshape3A_24 {offsets = [896, 0], sizes = [64, 64], strides = [1, 1]} : vector<8192x64xf32> to vector<64x64xf32>
    %slice3A_81 = vector.extract_strided_slice %add3A_15 {offsets = [896, 0], sizes = [64, 128], strides = [1, 1]} : vector<8192x128xf32> to vector<64x128xf32>
    %dot_general3A_82 = arith.constant dense<0.000000e+00> : vector<64x128xf32>
    %dot_general3A_83 = tpu.matmul %slice3A_80, %slice3A_81, %dot_general3A_82 {dimension_numbers = #tpu.dot_dimension_numbers<[0], [0], [1], [1], [0, 1, 1, 1], [], []>, transpose_lhs_hint = false} : vector<64x64xf32>, vector<64x128xf32>, vector<64x128xf32> -> vector<64x128xf32>
    %slice3A_84 = vector.extract_strided_slice %reshape3A_24 {offsets = [960, 0], sizes = [64, 64], strides = [1, 1]} : vector<8192x64xf32> to vector<64x64xf32>
    %slice3A_85 = vector.extract_strided_slice %add3A_15 {offsets = [960, 0], sizes = [64, 128], strides = [1, 1]} : vector<8192x128xf32> to vector<64x128xf32>
    %dot_general3A_86 = arith.constant dense<0.000000e+00> : vector<64x128xf32>
    %dot_general3A_87 = tpu.matmul %slice3A_84, %slice3A_85, %dot_general3A_86 {dimension_numbers = #tpu.dot_dimension_numbers<[0], [0], [1], [1], [0, 1, 1, 1], [], []>, transpose_lhs_hint = false} : vector<64x64xf32>, vector<64x128xf32>, vector<64x128xf32> -> vector<64x128xf32>
    %slice3A_88 = vector.extract_strided_slice %reshape3A_24 {offsets = [1024, 0], sizes = [64, 64], strides = [1, 1]} : vector<8192x64xf32> to vector<64x64xf32>
    %slice3A_89 = vector.extract_strided_slice %add3A_15 {offsets = [1024, 0], sizes = [64, 128], strides = [1, 1]} : vector<8192x128xf32> to vector<64x128xf32>
    %dot_general3A_90 = arith.constant dense<0.000000e+00> : vector<64x128xf32>
    %dot_general3A_91 = tpu.matmul %slice3A_88, %slice3A_89, %dot_general3A_90 {dimension_numbers = #tpu.dot_dimension_numbers<[0], [0], [1], [1], [0, 1, 1, 1], [], []>, transpose_lhs_hint = false} : vector<64x64xf32>, vector<64x128xf32>, vector<64x128xf32> -> vector<64x128xf32>
    %slice3A_92 = vector.extract_strided_slice %reshape3A_24 {offsets = [1088, 0], sizes = [64, 64], strides = [1, 1]} : vector<8192x64xf32> to vector<64x64xf32>
    %slice3A_93 = vector.extract_strided_slice %add3A_15 {offsets = [1088, 0], sizes = [64, 128], strides = [1, 1]} : vector<8192x128xf32> to vector<64x128xf32>
    %dot_general3A_94 = arith.constant dense<0.000000e+00> : vector<64x128xf32>
    %dot_general3A_95 = tpu.matmul %slice3A_92, %slice3A_93, %dot_general3A_94 {dimension_numbers = #tpu.dot_dimension_numbers<[0], [0], [1], [1], [0, 1, 1, 1], [], []>, transpose_lhs_hint = false} : vector<64x64xf32>, vector<64x128xf32>, vector<64x128xf32> -> vector<64x128xf32>
    %slice3A_96 = vector.extract_strided_slice %reshape3A_24 {offsets = [1152, 0], sizes = [64, 64], strides = [1, 1]} : vector<8192x64xf32> to vector<64x64xf32>
    %slice3A_97 = vector.extract_strided_slice %add3A_15 {offsets = [1152, 0], sizes = [64, 128], strides = [1, 1]} : vector<8192x128xf32> to vector<64x128xf32>
    %dot_general3A_98 = arith.constant dense<0.000000e+00> : vector<64x128xf32>
    %dot_general3A_99 = tpu.matmul %slice3A_96, %slice3A_97, %dot_general3A_98 {dimension_numbers = #tpu.dot_dimension_numbers<[0], [0], [1], [1], [0, 1, 1, 1], [], []>, transpose_lhs_hint = false} : vector<64x64xf32>, vector<64x128xf32>, vector<64x128xf32> -> vector<64x128xf32>
    %slice3A_100 = vector.extract_strided_slice %reshape3A_24 {offsets = [1216, 0], sizes = [64, 64], strides = [1, 1]} : vector<8192x64xf32> to vector<64x64xf32>
    %slice3A_101 = vector.extract_strided_slice %add3A_15 {offsets = [1216, 0], sizes = [64, 128], strides = [1, 1]} : vector<8192x128xf32> to vector<64x128xf32>
    %dot_general3A_102 = arith.constant dense<0.000000e+00> : vector<64x128xf32>
    %dot_general3A_103 = tpu.matmul %slice3A_100, %slice3A_101, %dot_general3A_102 {dimension_numbers = #tpu.dot_dimension_numbers<[0], [0], [1], [1], [0, 1, 1, 1], [], []>, transpose_lhs_hint = false} : vector<64x64xf32>, vector<64x128xf32>, vector<64x128xf32> -> vector<64x128xf32>
    %slice3A_104 = vector.extract_strided_slice %reshape3A_24 {offsets = [1280, 0], sizes = [64, 64], strides = [1, 1]} : vector<8192x64xf32> to vector<64x64xf32>
    %slice3A_105 = vector.extract_strided_slice %add3A_15 {offsets = [1280, 0], sizes = [64, 128], strides = [1, 1]} : vector<8192x128xf32> to vector<64x128xf32>
    %dot_general3A_106 = arith.constant dense<0.000000e+00> : vector<64x128xf32>
    %dot_general3A_107 = tpu.matmul %slice3A_104, %slice3A_105, %dot_general3A_106 {dimension_numbers = #tpu.dot_dimension_numbers<[0], [0], [1], [1], [0, 1, 1, 1], [], []>, transpose_lhs_hint = false} : vector<64x64xf32>, vector<64x128xf32>, vector<64x128xf32> -> vector<64x128xf32>
    %slice3A_108 = vector.extract_strided_slice %reshape3A_24 {offsets = [1344, 0], sizes = [64, 64], strides = [1, 1]} : vector<8192x64xf32> to vector<64x64xf32>
    %slice3A_109 = vector.extract_strided_slice %add3A_15 {offsets = [1344, 0], sizes = [64, 128], strides = [1, 1]} : vector<8192x128xf32> to vector<64x128xf32>
    %dot_general3A_110 = arith.constant dense<0.000000e+00> : vector<64x128xf32>
    %dot_general3A_111 = tpu.matmul %slice3A_108, %slice3A_109, %dot_general3A_110 {dimension_numbers = #tpu.dot_dimension_numbers<[0], [0], [1], [1], [0, 1, 1, 1], [], []>, transpose_lhs_hint = false} : vector<64x64xf32>, vector<64x128xf32>, vector<64x128xf32> -> vector<64x128xf32>
    %slice3A_112 = vector.extract_strided_slice %reshape3A_24 {offsets = [1408, 0], sizes = [64, 64], strides = [1, 1]} : vector<8192x64xf32> to vector<64x64xf32>
    %slice3A_113 = vector.extract_strided_slice %add3A_15 {offsets = [1408, 0], sizes = [64, 128], strides = [1, 1]} : vector<8192x128xf32> to vector<64x128xf32>
    %dot_general3A_114 = arith.constant dense<0.000000e+00> : vector<64x128xf32>
    %dot_general3A_115 = tpu.matmul %slice3A_112, %slice3A_113, %dot_general3A_114 {dimension_numbers = #tpu.dot_dimension_numbers<[0], [0], [1], [1], [0, 1, 1, 1], [], []>, transpose_lhs_hint = false} : vector<64x64xf32>, vector<64x128xf32>, vector<64x128xf32> -> vector<64x128xf32>
    %slice3A_116 = vector.extract_strided_slice %reshape3A_24 {offsets = [1472, 0], sizes = [64, 64], strides = [1, 1]} : vector<8192x64xf32> to vector<64x64xf32>
    %slice3A_117 = vector.extract_strided_slice %add3A_15 {offsets = [1472, 0], sizes = [64, 128], strides = [1, 1]} : vector<8192x128xf32> to vector<64x128xf32>
    %dot_general3A_118 = arith.constant dense<0.000000e+00> : vector<64x128xf32>
    %dot_general3A_119 = tpu.matmul %slice3A_116, %slice3A_117, %dot_general3A_118 {dimension_numbers = #tpu.dot_dimension_numbers<[0], [0], [1], [1], [0, 1, 1, 1], [], []>, transpose_lhs_hint = false} : vector<64x64xf32>, vector<64x128xf32>, vector<64x128xf32> -> vector<64x128xf32>
    %slice3A_120 = vector.extract_strided_slice %reshape3A_24 {offsets = [1536, 0], sizes = [64, 64], strides = [1, 1]} : vector<8192x64xf32> to vector<64x64xf32>
    %slice3A_121 = vector.extract_strided_slice %add3A_15 {offsets = [1536, 0], sizes = [64, 128], strides = [1, 1]} : vector<8192x128xf32> to vector<64x128xf32>
    %dot_general3A_122 = arith.constant dense<0.000000e+00> : vector<64x128xf32>
    %dot_general3A_123 = tpu.matmul %slice3A_120, %slice3A_121, %dot_general3A_122 {dimension_numbers = #tpu.dot_dimension_numbers<[0], [0], [1], [1], [0, 1, 1, 1], [], []>, transpose_lhs_hint = false} : vector<64x64xf32>, vector<64x128xf32>, vector<64x128xf32> -> vector<64x128xf32>
    %slice3A_124 = vector.extract_strided_slice %reshape3A_24 {offsets = [1600, 0], sizes = [64, 64], strides = [1, 1]} : vector<8192x64xf32> to vector<64x64xf32>
    %slice3A_125 = vector.extract_strided_slice %add3A_15 {offsets = [1600, 0], sizes = [64, 128], strides = [1, 1]} : vector<8192x128xf32> to vector<64x128xf32>
    %dot_general3A_126 = arith.constant dense<0.000000e+00> : vector<64x128xf32>
    %dot_general3A_127 = tpu.matmul %slice3A_124, %slice3A_125, %dot_general3A_126 {dimension_numbers = #tpu.dot_dimension_numbers<[0], [0], [1], [1], [0, 1, 1, 1], [], []>, transpose_lhs_hint = false} : vector<64x64xf32>, vector<64x128xf32>, vector<64x128xf32> -> vector<64x128xf32>
    %slice3A_128 = vector.extract_strided_slice %reshape3A_24 {offsets = [1664, 0], sizes = [64, 64], strides = [1, 1]} : vector<8192x64xf32> to vector<64x64xf32>
    %slice3A_129 = vector.extract_strided_slice %add3A_15 {offsets = [1664, 0], sizes = [64, 128], strides = [1, 1]} : vector<8192x128xf32> to vector<64x128xf32>
    %dot_general3A_130 = arith.constant dense<0.000000e+00> : vector<64x128xf32>
    %dot_general3A_131 = tpu.matmul %slice3A_128, %slice3A_129, %dot_general3A_130 {dimension_numbers = #tpu.dot_dimension_numbers<[0], [0], [1], [1], [0, 1, 1, 1], [], []>, transpose_lhs_hint = false} : vector<64x64xf32>, vector<64x128xf32>, vector<64x128xf32> -> vector<64x128xf32>
    %slice3A_132 = vector.extract_strided_slice %reshape3A_24 {offsets = [1728, 0], sizes = [64, 64], strides = [1, 1]} : vector<8192x64xf32> to vector<64x64xf32>
    %slice3A_133 = vector.extract_strided_slice %add3A_15 {offsets = [1728, 0], sizes = [64, 128], strides = [1, 1]} : vector<8192x128xf32> to vector<64x128xf32>
    %dot_general3A_134 = arith.constant dense<0.000000e+00> : vector<64x128xf32>
    %dot_general3A_135 = tpu.matmul %slice3A_132, %slice3A_133, %dot_general3A_134 {dimension_numbers = #tpu.dot_dimension_numbers<[0], [0], [1], [1], [0, 1, 1, 1], [], []>, transpose_lhs_hint = false} : vector<64x64xf32>, vector<64x128xf32>, vector<64x128xf32> -> vector<64x128xf32>
    %slice3A_136 = vector.extract_strided_slice %reshape3A_24 {offsets = [1792, 0], sizes = [64, 64], strides = [1, 1]} : vector<8192x64xf32> to vector<64x64xf32>
    %slice3A_137 = vector.extract_strided_slice %add3A_15 {offsets = [1792, 0], sizes = [64, 128], strides = [1, 1]} : vector<8192x128xf32> to vector<64x128xf32>
    %dot_general3A_138 = arith.constant dense<0.000000e+00> : vector<64x128xf32>
    %dot_general3A_139 = tpu.matmul %slice3A_136, %slice3A_137, %dot_general3A_138 {dimension_numbers = #tpu.dot_dimension_numbers<[0], [0], [1], [1], [0, 1, 1, 1], [], []>, transpose_lhs_hint = false} : vector<64x64xf32>, vector<64x128xf32>, vector<64x128xf32> -> vector<64x128xf32>
    %slice3A_140 = vector.extract_strided_slice %reshape3A_24 {offsets = [1856, 0], sizes = [64, 64], strides = [1, 1]} : vector<8192x64xf32> to vector<64x64xf32>
    %slice3A_141 = vector.extract_strided_slice %add3A_15 {offsets = [1856, 0], sizes = [64, 128], strides = [1, 1]} : vector<8192x128xf32> to vector<64x128xf32>
    %dot_general3A_142 = arith.constant dense<0.000000e+00> : vector<64x128xf32>
    %dot_general3A_143 = tpu.matmul %slice3A_140, %slice3A_141, %dot_general3A_142 {dimension_numbers = #tpu.dot_dimension_numbers<[0], [0], [1], [1], [0, 1, 1, 1], [], []>, transpose_lhs_hint = false} : vector<64x64xf32>, vector<64x128xf32>, vector<64x128xf32> -> vector<64x128xf32>
    %slice3A_144 = vector.extract_strided_slice %reshape3A_24 {offsets = [1920, 0], sizes = [64, 64], strides = [1, 1]} : vector<8192x64xf32> to vector<64x64xf32>
    %slice3A_145 = vector.extract_strided_slice %add3A_15 {offsets = [1920, 0], sizes = [64, 128], strides = [1, 1]} : vector<8192x128xf32> to vector<64x128xf32>
    %dot_general3A_146 = arith.constant dense<0.000000e+00> : vector<64x128xf32>
    %dot_general3A_147 = tpu.matmul %slice3A_144, %slice3A_145, %dot_general3A_146 {dimension_numbers = #tpu.dot_dimension_numbers<[0], [0], [1], [1], [0, 1, 1, 1], [], []>, transpose_lhs_hint = false} : vector<64x64xf32>, vector<64x128xf32>, vector<64x128xf32> -> vector<64x128xf32>
    %slice3A_148 = vector.extract_strided_slice %reshape3A_24 {offsets = [1984, 0], sizes = [64, 64], strides = [1, 1]} : vector<8192x64xf32> to vector<64x64xf32>
    %slice3A_149 = vector.extract_strided_slice %add3A_15 {offsets = [1984, 0], sizes = [64, 128], strides = [1, 1]} : vector<8192x128xf32> to vector<64x128xf32>
    %dot_general3A_150 = arith.constant dense<0.000000e+00> : vector<64x128xf32>
    %dot_general3A_151 = tpu.matmul %slice3A_148, %slice3A_149, %dot_general3A_150 {dimension_numbers = #tpu.dot_dimension_numbers<[0], [0], [1], [1], [0, 1, 1, 1], [], []>, transpose_lhs_hint = false} : vector<64x64xf32>, vector<64x128xf32>, vector<64x128xf32> -> vector<64x128xf32>
    %slice3A_152 = vector.extract_strided_slice %reshape3A_24 {offsets = [2048, 0], sizes = [64, 64], strides = [1, 1]} : vector<8192x64xf32> to vector<64x64xf32>
    %slice3A_153 = vector.extract_strided_slice %add3A_15 {offsets = [2048, 0], sizes = [64, 128], strides = [1, 1]} : vector<8192x128xf32> to vector<64x128xf32>
    %dot_general3A_154 = arith.constant dense<0.000000e+00> : vector<64x128xf32>
    %dot_general3A_155 = tpu.matmul %slice3A_152, %slice3A_153, %dot_general3A_154 {dimension_numbers = #tpu.dot_dimension_numbers<[0], [0], [1], [1], [0, 1, 1, 1], [], []>, transpose_lhs_hint = false} : vector<64x64xf32>, vector<64x128xf32>, vector<64x128xf32> -> vector<64x128xf32>
    %slice3A_156 = vector.extract_strided_slice %reshape3A_24 {offsets = [2112, 0], sizes = [64, 64], strides = [1, 1]} : vector<8192x64xf32> to vector<64x64xf32>
    %slice3A_157 = vector.extract_strided_slice %add3A_15 {offsets = [2112, 0], sizes = [64, 128], strides = [1, 1]} : vector<8192x128xf32> to vector<64x128xf32>
    %dot_general3A_158 = arith.constant dense<0.000000e+00> : vector<64x128xf32>
    %dot_general3A_159 = tpu.matmul %slice3A_156, %slice3A_157, %dot_general3A_158 {dimension_numbers = #tpu.dot_dimension_numbers<[0], [0], [1], [1], [0, 1, 1, 1], [], []>, transpose_lhs_hint = false} : vector<64x64xf32>, vector<64x128xf32>, vector<64x128xf32> -> vector<64x128xf32>
    %slice3A_160 = vector.extract_strided_slice %reshape3A_24 {offsets = [2176, 0], sizes = [64, 64], strides = [1, 1]} : vector<8192x64xf32> to vector<64x64xf32>
    %slice3A_161 = vector.extract_strided_slice %add3A_15 {offsets = [2176, 0], sizes = [64, 128], strides = [1, 1]} : vector<8192x128xf32> to vector<64x128xf32>
    %dot_general3A_162 = arith.constant dense<0.000000e+00> : vector<64x128xf32>
    %dot_general3A_163 = tpu.matmul %slice3A_160, %slice3A_161, %dot_general3A_162 {dimension_numbers = #tpu.dot_dimension_numbers<[0], [0], [1], [1], [0, 1, 1, 1], [], []>, transpose_lhs_hint = false} : vector<64x64xf32>, vector<64x128xf32>, vector<64x128xf32> -> vector<64x128xf32>
    %slice3A_164 = vector.extract_strided_slice %reshape3A_24 {offsets = [2240, 0], sizes = [64, 64], strides = [1, 1]} : vector<8192x64xf32> to vector<64x64xf32>
    %slice3A_165 = vector.extract_strided_slice %add3A_15 {offsets = [2240, 0], sizes = [64, 128], strides = [1, 1]} : vector<8192x128xf32> to vector<64x128xf32>
    %dot_general3A_166 = arith.constant dense<0.000000e+00> : vector<64x128xf32>
    %dot_general3A_167 = tpu.matmul %slice3A_164, %slice3A_165, %dot_general3A_166 {dimension_numbers = #tpu.dot_dimension_numbers<[0], [0], [1], [1], [0, 1, 1, 1], [], []>, transpose_lhs_hint = false} : vector<64x64xf32>, vector<64x128xf32>, vector<64x128xf32> -> vector<64x128xf32>
    %slice3A_168 = vector.extract_strided_slice %reshape3A_24 {offsets = [2304, 0], sizes = [64, 64], strides = [1, 1]} : vector<8192x64xf32> to vector<64x64xf32>
    %slice3A_169 = vector.extract_strided_slice %add3A_15 {offsets = [2304, 0], sizes = [64, 128], strides = [1, 1]} : vector<8192x128xf32> to vector<64x128xf32>
    %dot_general3A_170 = arith.constant dense<0.000000e+00> : vector<64x128xf32>
    %dot_general3A_171 = tpu.matmul %slice3A_168, %slice3A_169, %dot_general3A_170 {dimension_numbers = #tpu.dot_dimension_numbers<[0], [0], [1], [1], [0, 1, 1, 1], [], []>, transpose_lhs_hint = false} : vector<64x64xf32>, vector<64x128xf32>, vector<64x128xf32> -> vector<64x128xf32>
    %slice3A_172 = vector.extract_strided_slice %reshape3A_24 {offsets = [2368, 0], sizes = [64, 64], strides = [1, 1]} : vector<8192x64xf32> to vector<64x64xf32>
    %slice3A_173 = vector.extract_strided_slice %add3A_15 {offsets = [2368, 0], sizes = [64, 128], strides = [1, 1]} : vector<8192x128xf32> to vector<64x128xf32>
    %dot_general3A_174 = arith.constant dense<0.000000e+00> : vector<64x128xf32>
    %dot_general3A_175 = tpu.matmul %slice3A_172, %slice3A_173, %dot_general3A_174 {dimension_numbers = #tpu.dot_dimension_numbers<[0], [0], [1], [1], [0, 1, 1, 1], [], []>, transpose_lhs_hint = false} : vector<64x64xf32>, vector<64x128xf32>, vector<64x128xf32> -> vector<64x128xf32>
    %slice3A_176 = vector.extract_strided_slice %reshape3A_24 {offsets = [2432, 0], sizes = [64, 64], strides = [1, 1]} : vector<8192x64xf32> to vector<64x64xf32>
    %slice3A_177 = vector.extract_strided_slice %add3A_15 {offsets = [2432, 0], sizes = [64, 128], strides = [1, 1]} : vector<8192x128xf32> to vector<64x128xf32>
    %dot_general3A_178 = arith.constant dense<0.000000e+00> : vector<64x128xf32>
    %dot_general3A_179 = tpu.matmul %slice3A_176, %slice3A_177, %dot_general3A_178 {dimension_numbers = #tpu.dot_dimension_numbers<[0], [0], [1], [1], [0, 1, 1, 1], [], []>, transpose_lhs_hint = false} : vector<64x64xf32>, vector<64x128xf32>, vector<64x128xf32> -> vector<64x128xf32>
    %slice3A_180 = vector.extract_strided_slice %reshape3A_24 {offsets = [2496, 0], sizes = [64, 64], strides = [1, 1]} : vector<8192x64xf32> to vector<64x64xf32>
    %slice3A_181 = vector.extract_strided_slice %add3A_15 {offsets = [2496, 0], sizes = [64, 128], strides = [1, 1]} : vector<8192x128xf32> to vector<64x128xf32>
    %dot_general3A_182 = arith.constant dense<0.000000e+00> : vector<64x128xf32>
    %dot_general3A_183 = tpu.matmul %slice3A_180, %slice3A_181, %dot_general3A_182 {dimension_numbers = #tpu.dot_dimension_numbers<[0], [0], [1], [1], [0, 1, 1, 1], [], []>, transpose_lhs_hint = false} : vector<64x64xf32>, vector<64x128xf32>, vector<64x128xf32> -> vector<64x128xf32>
    %slice3A_184 = vector.extract_strided_slice %reshape3A_24 {offsets = [2560, 0], sizes = [64, 64], strides = [1, 1]} : vector<8192x64xf32> to vector<64x64xf32>
    %slice3A_185 = vector.extract_strided_slice %add3A_15 {offsets = [2560, 0], sizes = [64, 128], strides = [1, 1]} : vector<8192x128xf32> to vector<64x128xf32>
    %dot_general3A_186 = arith.constant dense<0.000000e+00> : vector<64x128xf32>
    %dot_general3A_187 = tpu.matmul %slice3A_184, %slice3A_185, %dot_general3A_186 {dimension_numbers = #tpu.dot_dimension_numbers<[0], [0], [1], [1], [0, 1, 1, 1], [], []>, transpose_lhs_hint = false} : vector<64x64xf32>, vector<64x128xf32>, vector<64x128xf32> -> vector<64x128xf32>
    %slice3A_188 = vector.extract_strided_slice %reshape3A_24 {offsets = [2624, 0], sizes = [64, 64], strides = [1, 1]} : vector<8192x64xf32> to vector<64x64xf32>
    %slice3A_189 = vector.extract_strided_slice %add3A_15 {offsets = [2624, 0], sizes = [64, 128], strides = [1, 1]} : vector<8192x128xf32> to vector<64x128xf32>
    %dot_general3A_190 = arith.constant dense<0.000000e+00> : vector<64x128xf32>
    %dot_general3A_191 = tpu.matmul %slice3A_188, %slice3A_189, %dot_general3A_190 {dimension_numbers = #tpu.dot_dimension_numbers<[0], [0], [1], [1], [0, 1, 1, 1], [], []>, transpose_lhs_hint = false} : vector<64x64xf32>, vector<64x128xf32>, vector<64x128xf32> -> vector<64x128xf32>
    %slice3A_192 = vector.extract_strided_slice %reshape3A_24 {offsets = [2688, 0], sizes = [64, 64], strides = [1, 1]} : vector<8192x64xf32> to vector<64x64xf32>
    %slice3A_193 = vector.extract_strided_slice %add3A_15 {offsets = [2688, 0], sizes = [64, 128], strides = [1, 1]} : vector<8192x128xf32> to vector<64x128xf32>
    %dot_general3A_194 = arith.constant dense<0.000000e+00> : vector<64x128xf32>
    %dot_general3A_195 = tpu.matmul %slice3A_192, %slice3A_193, %dot_general3A_194 {dimension_numbers = #tpu.dot_dimension_numbers<[0], [0], [1], [1], [0, 1, 1, 1], [], []>, transpose_lhs_hint = false} : vector<64x64xf32>, vector<64x128xf32>, vector<64x128xf32> -> vector<64x128xf32>
    %slice3A_196 = vector.extract_strided_slice %reshape3A_24 {offsets = [2752, 0], sizes = [64, 64], strides = [1, 1]} : vector<8192x64xf32> to vector<64x64xf32>
    %slice3A_197 = vector.extract_strided_slice %add3A_15 {offsets = [2752, 0], sizes = [64, 128], strides = [1, 1]} : vector<8192x128xf32> to vector<64x128xf32>
    %dot_general3A_198 = arith.constant dense<0.000000e+00> : vector<64x128xf32>
    %dot_general3A_199 = tpu.matmul %slice3A_196, %slice3A_197, %dot_general3A_198 {dimension_numbers = #tpu.dot_dimension_numbers<[0], [0], [1], [1], [0, 1, 1, 1], [], []>, transpose_lhs_hint = false} : vector<64x64xf32>, vector<64x128xf32>, vector<64x128xf32> -> vector<64x128xf32>
    %slice3A_200 = vector.extract_strided_slice %reshape3A_24 {offsets = [2816, 0], sizes = [64, 64], strides = [1, 1]} : vector<8192x64xf32> to vector<64x64xf32>
    %slice3A_201 = vector.extract_strided_slice %add3A_15 {offsets = [2816, 0], sizes = [64, 128], strides = [1, 1]} : vector<8192x128xf32> to vector<64x128xf32>
    %dot_general3A_202 = arith.constant dense<0.000000e+00> : vector<64x128xf32>
    %dot_general3A_203 = tpu.matmul %slice3A_200, %slice3A_201, %dot_general3A_202 {dimension_numbers = #tpu.dot_dimension_numbers<[0], [0], [1], [1], [0, 1, 1, 1], [], []>, transpose_lhs_hint = false} : vector<64x64xf32>, vector<64x128xf32>, vector<64x128xf32> -> vector<64x128xf32>
    %slice3A_204 = vector.extract_strided_slice %reshape3A_24 {offsets = [2880, 0], sizes = [64, 64], strides = [1, 1]} : vector<8192x64xf32> to vector<64x64xf32>
    %slice3A_205 = vector.extract_strided_slice %add3A_15 {offsets = [2880, 0], sizes = [64, 128], strides = [1, 1]} : vector<8192x128xf32> to vector<64x128xf32>
    %dot_general3A_206 = arith.constant dense<0.000000e+00> : vector<64x128xf32>
    %dot_general3A_207 = tpu.matmul %slice3A_204, %slice3A_205, %dot_general3A_206 {dimension_numbers = #tpu.dot_dimension_numbers<[0], [0], [1], [1], [0, 1, 1, 1], [], []>, transpose_lhs_hint = false} : vector<64x64xf32>, vector<64x128xf32>, vector<64x128xf32> -> vector<64x128xf32>
    %slice3A_208 = vector.extract_strided_slice %reshape3A_24 {offsets = [2944, 0], sizes = [64, 64], strides = [1, 1]} : vector<8192x64xf32> to vector<64x64xf32>
    %slice3A_209 = vector.extract_strided_slice %add3A_15 {offsets = [2944, 0], sizes = [64, 128], strides = [1, 1]} : vector<8192x128xf32> to vector<64x128xf32>
    %dot_general3A_210 = arith.constant dense<0.000000e+00> : vector<64x128xf32>
    %dot_general3A_211 = tpu.matmul %slice3A_208, %slice3A_209, %dot_general3A_210 {dimension_numbers = #tpu.dot_dimension_numbers<[0], [0], [1], [1], [0, 1, 1, 1], [], []>, transpose_lhs_hint = false} : vector<64x64xf32>, vector<64x128xf32>, vector<64x128xf32> -> vector<64x128xf32>
    %slice3A_212 = vector.extract_strided_slice %reshape3A_24 {offsets = [3008, 0], sizes = [64, 64], strides = [1, 1]} : vector<8192x64xf32> to vector<64x64xf32>
    %slice3A_213 = vector.extract_strided_slice %add3A_15 {offsets = [3008, 0], sizes = [64, 128], strides = [1, 1]} : vector<8192x128xf32> to vector<64x128xf32>
    %dot_general3A_214 = arith.constant dense<0.000000e+00> : vector<64x128xf32>
    %dot_general3A_215 = tpu.matmul %slice3A_212, %slice3A_213, %dot_general3A_214 {dimension_numbers = #tpu.dot_dimension_numbers<[0], [0], [1], [1], [0, 1, 1, 1], [], []>, transpose_lhs_hint = false} : vector<64x64xf32>, vector<64x128xf32>, vector<64x128xf32> -> vector<64x128xf32>
    %slice3A_216 = vector.extract_strided_slice %reshape3A_24 {offsets = [3072, 0], sizes = [64, 64], strides = [1, 1]} : vector<8192x64xf32> to vector<64x64xf32>
    %slice3A_217 = vector.extract_strided_slice %add3A_15 {offsets = [3072, 0], sizes = [64, 128], strides = [1, 1]} : vector<8192x128xf32> to vector<64x128xf32>
    %dot_general3A_218 = arith.constant dense<0.000000e+00> : vector<64x128xf32>
    %dot_general3A_219 = tpu.matmul %slice3A_216, %slice3A_217, %dot_general3A_218 {dimension_numbers = #tpu.dot_dimension_numbers<[0], [0], [1], [1], [0, 1, 1, 1], [], []>, transpose_lhs_hint = false} : vector<64x64xf32>, vector<64x128xf32>, vector<64x128xf32> -> vector<64x128xf32>
    %slice3A_220 = vector.extract_strided_slice %reshape3A_24 {offsets = [3136, 0], sizes = [64, 64], strides = [1, 1]} : vector<8192x64xf32> to vector<64x64xf32>
    %slice3A_221 = vector.extract_strided_slice %add3A_15 {offsets = [3136, 0], sizes = [64, 128], strides = [1, 1]} : vector<8192x128xf32> to vector<64x128xf32>
    %dot_general3A_222 = arith.constant dense<0.000000e+00> : vector<64x128xf32>
    %dot_general3A_223 = tpu.matmul %slice3A_220, %slice3A_221, %dot_general3A_222 {dimension_numbers = #tpu.dot_dimension_numbers<[0], [0], [1], [1], [0, 1, 1, 1], [], []>, transpose_lhs_hint = false} : vector<64x64xf32>, vector<64x128xf32>, vector<64x128xf32> -> vector<64x128xf32>
    %slice3A_224 = vector.extract_strided_slice %reshape3A_24 {offsets = [3200, 0], sizes = [64, 64], strides = [1, 1]} : vector<8192x64xf32> to vector<64x64xf32>
    %slice3A_225 = vector.extract_strided_slice %add3A_15 {offsets = [3200, 0], sizes = [64, 128], strides = [1, 1]} : vector<8192x128xf32> to vector<64x128xf32>
    %dot_general3A_226 = arith.constant dense<0.000000e+00> : vector<64x128xf32>
    %dot_general3A_227 = tpu.matmul %slice3A_224, %slice3A_225, %dot_general3A_226 {dimension_numbers = #tpu.dot_dimension_numbers<[0], [0], [1], [1], [0, 1, 1, 1], [], []>, transpose_lhs_hint = false} : vector<64x64xf32>, vector<64x128xf32>, vector<64x128xf32> -> vector<64x128xf32>
    %slice3A_228 = vector.extract_strided_slice %reshape3A_24 {offsets = [3264, 0], sizes = [64, 64], strides = [1, 1]} : vector<8192x64xf32> to vector<64x64xf32>
    %slice3A_229 = vector.extract_strided_slice %add3A_15 {offsets = [3264, 0], sizes = [64, 128], strides = [1, 1]} : vector<8192x128xf32> to vector<64x128xf32>
    %dot_general3A_230 = arith.constant dense<0.000000e+00> : vector<64x128xf32>
    %dot_general3A_231 = tpu.matmul %slice3A_228, %slice3A_229, %dot_general3A_230 {dimension_numbers = #tpu.dot_dimension_numbers<[0], [0], [1], [1], [0, 1, 1, 1], [], []>, transpose_lhs_hint = false} : vector<64x64xf32>, vector<64x128xf32>, vector<64x128xf32> -> vector<64x128xf32>
    %slice3A_232 = vector.extract_strided_slice %reshape3A_24 {offsets = [3328, 0], sizes = [64, 64], strides = [1, 1]} : vector<8192x64xf32> to vector<64x64xf32>
    %slice3A_233 = vector.extract_strided_slice %add3A_15 {offsets = [3328, 0], sizes = [64, 128], strides = [1, 1]} : vector<8192x128xf32> to vector<64x128xf32>
    %dot_general3A_234 = arith.constant dense<0.000000e+00> : vector<64x128xf32>
    %dot_general3A_235 = tpu.matmul %slice3A_232, %slice3A_233, %dot_general3A_234 {dimension_numbers = #tpu.dot_dimension_numbers<[0], [0], [1], [1], [0, 1, 1, 1], [], []>, transpose_lhs_hint = false} : vector<64x64xf32>, vector<64x128xf32>, vector<64x128xf32> -> vector<64x128xf32>
    %slice3A_236 = vector.extract_strided_slice %reshape3A_24 {offsets = [3392, 0], sizes = [64, 64], strides = [1, 1]} : vector<8192x64xf32> to vector<64x64xf32>
    %slice3A_237 = vector.extract_strided_slice %add3A_15 {offsets = [3392, 0], sizes = [64, 128], strides = [1, 1]} : vector<8192x128xf32> to vector<64x128xf32>
    %dot_general3A_238 = arith.constant dense<0.000000e+00> : vector<64x128xf32>
    %dot_general3A_239 = tpu.matmul %slice3A_236, %slice3A_237, %dot_general3A_238 {dimension_numbers = #tpu.dot_dimension_numbers<[0], [0], [1], [1], [0, 1, 1, 1], [], []>, transpose_lhs_hint = false} : vector<64x64xf32>, vector<64x128xf32>, vector<64x128xf32> -> vector<64x128xf32>
    %slice3A_240 = vector.extract_strided_slice %reshape3A_24 {offsets = [3456, 0], sizes = [64, 64], strides = [1, 1]} : vector<8192x64xf32> to vector<64x64xf32>
    %slice3A_241 = vector.extract_strided_slice %add3A_15 {offsets = [3456, 0], sizes = [64, 128], strides = [1, 1]} : vector<8192x128xf32> to vector<64x128xf32>
    %dot_general3A_242 = arith.constant dense<0.000000e+00> : vector<64x128xf32>
    %dot_general3A_243 = tpu.matmul %slice3A_240, %slice3A_241, %dot_general3A_242 {dimension_numbers = #tpu.dot_dimension_numbers<[0], [0], [1], [1], [0, 1, 1, 1], [], []>, transpose_lhs_hint = false} : vector<64x64xf32>, vector<64x128xf32>, vector<64x128xf32> -> vector<64x128xf32>
    %slice3A_244 = vector.extract_strided_slice %reshape3A_24 {offsets = [3520, 0], sizes = [64, 64], strides = [1, 1]} : vector<8192x64xf32> to vector<64x64xf32>
    %slice3A_245 = vector.extract_strided_slice %add3A_15 {offsets = [3520, 0], sizes = [64, 128], strides = [1, 1]} : vector<8192x128xf32> to vector<64x128xf32>
    %dot_general3A_246 = arith.constant dense<0.000000e+00> : vector<64x128xf32>
    %dot_general3A_247 = tpu.matmul %slice3A_244, %slice3A_245, %dot_general3A_246 {dimension_numbers = #tpu.dot_dimension_numbers<[0], [0], [1], [1], [0, 1, 1, 1], [], []>, transpose_lhs_hint = false} : vector<64x64xf32>, vector<64x128xf32>, vector<64x128xf32> -> vector<64x128xf32>
    %slice3A_248 = vector.extract_strided_slice %reshape3A_24 {offsets = [3584, 0], sizes = [64, 64], strides = [1, 1]} : vector<8192x64xf32> to vector<64x64xf32>
    %slice3A_249 = vector.extract_strided_slice %add3A_15 {offsets = [3584, 0], sizes = [64, 128], strides = [1, 1]} : vector<8192x128xf32> to vector<64x128xf32>
    %dot_general3A_250 = arith.constant dense<0.000000e+00> : vector<64x128xf32>
    %dot_general3A_251 = tpu.matmul %slice3A_248, %slice3A_249, %dot_general3A_250 {dimension_numbers = #tpu.dot_dimension_numbers<[0], [0], [1], [1], [0, 1, 1, 1], [], []>, transpose_lhs_hint = false} : vector<64x64xf32>, vector<64x128xf32>, vector<64x128xf32> -> vector<64x128xf32>
    %slice3A_252 = vector.extract_strided_slice %reshape3A_24 {offsets = [3648, 0], sizes = [64, 64], strides = [1, 1]} : vector<8192x64xf32> to vector<64x64xf32>
    %slice3A_253 = vector.extract_strided_slice %add3A_15 {offsets = [3648, 0], sizes = [64, 128], strides = [1, 1]} : vector<8192x128xf32> to vector<64x128xf32>
    %dot_general3A_254 = arith.constant dense<0.000000e+00> : vector<64x128xf32>
    %dot_general3A_255 = tpu.matmul %slice3A_252, %slice3A_253, %dot_general3A_254 {dimension_numbers = #tpu.dot_dimension_numbers<[0], [0], [1], [1], [0, 1, 1, 1], [], []>, transpose_lhs_hint = false} : vector<64x64xf32>, vector<64x128xf32>, vector<64x128xf32> -> vector<64x128xf32>
    %slice3A_256 = vector.extract_strided_slice %reshape3A_24 {offsets = [3712, 0], sizes = [64, 64], strides = [1, 1]} : vector<8192x64xf32> to vector<64x64xf32>
    %slice3A_257 = vector.extract_strided_slice %add3A_15 {offsets = [3712, 0], sizes = [64, 128], strides = [1, 1]} : vector<8192x128xf32> to vector<64x128xf32>
    %dot_general3A_258 = arith.constant dense<0.000000e+00> : vector<64x128xf32>
    %dot_general3A_259 = tpu.matmul %slice3A_256, %slice3A_257, %dot_general3A_258 {dimension_numbers = #tpu.dot_dimension_numbers<[0], [0], [1], [1], [0, 1, 1, 1], [], []>, transpose_lhs_hint = false} : vector<64x64xf32>, vector<64x128xf32>, vector<64x128xf32> -> vector<64x128xf32>
    %slice3A_260 = vector.extract_strided_slice %reshape3A_24 {offsets = [3776, 0], sizes = [64, 64], strides = [1, 1]} : vector<8192x64xf32> to vector<64x64xf32>
    %slice3A_261 = vector.extract_strided_slice %add3A_15 {offsets = [3776, 0], sizes = [64, 128], strides = [1, 1]} : vector<8192x128xf32> to vector<64x128xf32>
    %dot_general3A_262 = arith.constant dense<0.000000e+00> : vector<64x128xf32>
    %dot_general3A_263 = tpu.matmul %slice3A_260, %slice3A_261, %dot_general3A_262 {dimension_numbers = #tpu.dot_dimension_numbers<[0], [0], [1], [1], [0, 1, 1, 1], [], []>, transpose_lhs_hint = false} : vector<64x64xf32>, vector<64x128xf32>, vector<64x128xf32> -> vector<64x128xf32>
    %slice3A_264 = vector.extract_strided_slice %reshape3A_24 {offsets = [3840, 0], sizes = [64, 64], strides = [1, 1]} : vector<8192x64xf32> to vector<64x64xf32>
    %slice3A_265 = vector.extract_strided_slice %add3A_15 {offsets = [3840, 0], sizes = [64, 128], strides = [1, 1]} : vector<8192x128xf32> to vector<64x128xf32>
    %dot_general3A_266 = arith.constant dense<0.000000e+00> : vector<64x128xf32>
    %dot_general3A_267 = tpu.matmul %slice3A_264, %slice3A_265, %dot_general3A_266 {dimension_numbers = #tpu.dot_dimension_numbers<[0], [0], [1], [1], [0, 1, 1, 1], [], []>, transpose_lhs_hint = false} : vector<64x64xf32>, vector<64x128xf32>, vector<64x128xf32> -> vector<64x128xf32>
    %slice3A_268 = vector.extract_strided_slice %reshape3A_24 {offsets = [3904, 0], sizes = [64, 64], strides = [1, 1]} : vector<8192x64xf32> to vector<64x64xf32>
    %slice3A_269 = vector.extract_strided_slice %add3A_15 {offsets = [3904, 0], sizes = [64, 128], strides = [1, 1]} : vector<8192x128xf32> to vector<64x128xf32>
    %dot_general3A_270 = arith.constant dense<0.000000e+00> : vector<64x128xf32>
    %dot_general3A_271 = tpu.matmul %slice3A_268, %slice3A_269, %dot_general3A_270 {dimension_numbers = #tpu.dot_dimension_numbers<[0], [0], [1], [1], [0, 1, 1, 1], [], []>, transpose_lhs_hint = false} : vector<64x64xf32>, vector<64x128xf32>, vector<64x128xf32> -> vector<64x128xf32>
    %slice3A_272 = vector.extract_strided_slice %reshape3A_24 {offsets = [3968, 0], sizes = [64, 64], strides = [1, 1]} : vector<8192x64xf32> to vector<64x64xf32>
    %slice3A_273 = vector.extract_strided_slice %add3A_15 {offsets = [3968, 0], sizes = [64, 128], strides = [1, 1]} : vector<8192x128xf32> to vector<64x128xf32>
    %dot_general3A_274 = arith.constant dense<0.000000e+00> : vector<64x128xf32>
    %dot_general3A_275 = tpu.matmul %slice3A_272, %slice3A_273, %dot_general3A_274 {dimension_numbers = #tpu.dot_dimension_numbers<[0], [0], [1], [1], [0, 1, 1, 1], [], []>, transpose_lhs_hint = false} : vector<64x64xf32>, vector<64x128xf32>, vector<64x128xf32> -> vector<64x128xf32>
    %slice3A_276 = vector.extract_strided_slice %reshape3A_24 {offsets = [4032, 0], sizes = [64, 64], strides = [1, 1]} : vector<8192x64xf32> to vector<64x64xf32>
    %slice3A_277 = vector.extract_strided_slice %add3A_15 {offsets = [4032, 0], sizes = [64, 128], strides = [1, 1]} : vector<8192x128xf32> to vector<64x128xf32>
    %dot_general3A_278 = arith.constant dense<0.000000e+00> : vector<64x128xf32>
    %dot_general3A_279 = tpu.matmul %slice3A_276, %slice3A_277, %dot_general3A_278 {dimension_numbers = #tpu.dot_dimension_numbers<[0], [0], [1], [1], [0, 1, 1, 1], [], []>, transpose_lhs_hint = false} : vector<64x64xf32>, vector<64x128xf32>, vector<64x128xf32> -> vector<64x128xf32>
    %slice3A_280 = vector.extract_strided_slice %reshape3A_24 {offsets = [4096, 0], sizes = [64, 64], strides = [1, 1]} : vector<8192x64xf32> to vector<64x64xf32>
    %slice3A_281 = vector.extract_strided_slice %add3A_15 {offsets = [4096, 0], sizes = [64, 128], strides = [1, 1]} : vector<8192x128xf32> to vector<64x128xf32>
    %dot_general3A_282 = arith.constant dense<0.000000e+00> : vector<64x128xf32>
    %dot_general3A_283 = tpu.matmul %slice3A_280, %slice3A_281, %dot_general3A_282 {dimension_numbers = #tpu.dot_dimension_numbers<[0], [0], [1], [1], [0, 1, 1, 1], [], []>, transpose_lhs_hint = false} : vector<64x64xf32>, vector<64x128xf32>, vector<64x128xf32> -> vector<64x128xf32>
    %slice3A_284 = vector.extract_strided_slice %reshape3A_24 {offsets = [4160, 0], sizes = [64, 64], strides = [1, 1]} : vector<8192x64xf32> to vector<64x64xf32>
    %slice3A_285 = vector.extract_strided_slice %add3A_15 {offsets = [4160, 0], sizes = [64, 128], strides = [1, 1]} : vector<8192x128xf32> to vector<64x128xf32>
    %dot_general3A_286 = arith.constant dense<0.000000e+00> : vector<64x128xf32>
    %dot_general3A_287 = tpu.matmul %slice3A_284, %slice3A_285, %dot_general3A_286 {dimension_numbers = #tpu.dot_dimension_numbers<[0], [0], [1], [1], [0, 1, 1, 1], [], []>, transpose_lhs_hint = false} : vector<64x64xf32>, vector<64x128xf32>, vector<64x128xf32> -> vector<64x128xf32>
    %slice3A_288 = vector.extract_strided_slice %reshape3A_24 {offsets = [4224, 0], sizes = [64, 64], strides = [1, 1]} : vector<8192x64xf32> to vector<64x64xf32>
    %slice3A_289 = vector.extract_strided_slice %add3A_15 {offsets = [4224, 0], sizes = [64, 128], strides = [1, 1]} : vector<8192x128xf32> to vector<64x128xf32>
    %dot_general3A_290 = arith.constant dense<0.000000e+00> : vector<64x128xf32>
    %dot_general3A_291 = tpu.matmul %slice3A_288, %slice3A_289, %dot_general3A_290 {dimension_numbers = #tpu.dot_dimension_numbers<[0], [0], [1], [1], [0, 1, 1, 1], [], []>, transpose_lhs_hint = false} : vector<64x64xf32>, vector<64x128xf32>, vector<64x128xf32> -> vector<64x128xf32>
    %slice3A_292 = vector.extract_strided_slice %reshape3A_24 {offsets = [4288, 0], sizes = [64, 64], strides = [1, 1]} : vector<8192x64xf32> to vector<64x64xf32>
    %slice3A_293 = vector.extract_strided_slice %add3A_15 {offsets = [4288, 0], sizes = [64, 128], strides = [1, 1]} : vector<8192x128xf32> to vector<64x128xf32>
    %dot_general3A_294 = arith.constant dense<0.000000e+00> : vector<64x128xf32>
    %dot_general3A_295 = tpu.matmul %slice3A_292, %slice3A_293, %dot_general3A_294 {dimension_numbers = #tpu.dot_dimension_numbers<[0], [0], [1], [1], [0, 1, 1, 1], [], []>, transpose_lhs_hint = false} : vector<64x64xf32>, vector<64x128xf32>, vector<64x128xf32> -> vector<64x128xf32>
    %slice3A_296 = vector.extract_strided_slice %reshape3A_24 {offsets = [4352, 0], sizes = [64, 64], strides = [1, 1]} : vector<8192x64xf32> to vector<64x64xf32>
    %slice3A_297 = vector.extract_strided_slice %add3A_15 {offsets = [4352, 0], sizes = [64, 128], strides = [1, 1]} : vector<8192x128xf32> to vector<64x128xf32>
    %dot_general3A_298 = arith.constant dense<0.000000e+00> : vector<64x128xf32>
    %dot_general3A_299 = tpu.matmul %slice3A_296, %slice3A_297, %dot_general3A_298 {dimension_numbers = #tpu.dot_dimension_numbers<[0], [0], [1], [1], [0, 1, 1, 1], [], []>, transpose_lhs_hint = false} : vector<64x64xf32>, vector<64x128xf32>, vector<64x128xf32> -> vector<64x128xf32>
    %slice3A_300 = vector.extract_strided_slice %reshape3A_24 {offsets = [4416, 0], sizes = [64, 64], strides = [1, 1]} : vector<8192x64xf32> to vector<64x64xf32>
    %slice3A_301 = vector.extract_strided_slice %add3A_15 {offsets = [4416, 0], sizes = [64, 128], strides = [1, 1]} : vector<8192x128xf32> to vector<64x128xf32>
    %dot_general3A_302 = arith.constant dense<0.000000e+00> : vector<64x128xf32>
    %dot_general3A_303 = tpu.matmul %slice3A_300, %slice3A_301, %dot_general3A_302 {dimension_numbers = #tpu.dot_dimension_numbers<[0], [0], [1], [1], [0, 1, 1, 1], [], []>, transpose_lhs_hint = false} : vector<64x64xf32>, vector<64x128xf32>, vector<64x128xf32> -> vector<64x128xf32>
    %slice3A_304 = vector.extract_strided_slice %reshape3A_24 {offsets = [4480, 0], sizes = [64, 64], strides = [1, 1]} : vector<8192x64xf32> to vector<64x64xf32>
    %slice3A_305 = vector.extract_strided_slice %add3A_15 {offsets = [4480, 0], sizes = [64, 128], strides = [1, 1]} : vector<8192x128xf32> to vector<64x128xf32>
    %dot_general3A_306 = arith.constant dense<0.000000e+00> : vector<64x128xf32>
    %dot_general3A_307 = tpu.matmul %slice3A_304, %slice3A_305, %dot_general3A_306 {dimension_numbers = #tpu.dot_dimension_numbers<[0], [0], [1], [1], [0, 1, 1, 1], [], []>, transpose_lhs_hint = false} : vector<64x64xf32>, vector<64x128xf32>, vector<64x128xf32> -> vector<64x128xf32>
    %slice3A_308 = vector.extract_strided_slice %reshape3A_24 {offsets = [4544, 0], sizes = [64, 64], strides = [1, 1]} : vector<8192x64xf32> to vector<64x64xf32>
    %slice3A_309 = vector.extract_strided_slice %add3A_15 {offsets = [4544, 0], sizes = [64, 128], strides = [1, 1]} : vector<8192x128xf32> to vector<64x128xf32>
    %dot_general3A_310 = arith.constant dense<0.000000e+00> : vector<64x128xf32>
    %dot_general3A_311 = tpu.matmul %slice3A_308, %slice3A_309, %dot_general3A_310 {dimension_numbers = #tpu.dot_dimension_numbers<[0], [0], [1], [1], [0, 1, 1, 1], [], []>, transpose_lhs_hint = false} : vector<64x64xf32>, vector<64x128xf32>, vector<64x128xf32> -> vector<64x128xf32>
    %slice3A_312 = vector.extract_strided_slice %reshape3A_24 {offsets = [4608, 0], sizes = [64, 64], strides = [1, 1]} : vector<8192x64xf32> to vector<64x64xf32>
    %slice3A_313 = vector.extract_strided_slice %add3A_15 {offsets = [4608, 0], sizes = [64, 128], strides = [1, 1]} : vector<8192x128xf32> to vector<64x128xf32>
    %dot_general3A_314 = arith.constant dense<0.000000e+00> : vector<64x128xf32>
    %dot_general3A_315 = tpu.matmul %slice3A_312, %slice3A_313, %dot_general3A_314 {dimension_numbers = #tpu.dot_dimension_numbers<[0], [0], [1], [1], [0, 1, 1, 1], [], []>, transpose_lhs_hint = false} : vector<64x64xf32>, vector<64x128xf32>, vector<64x128xf32> -> vector<64x128xf32>
    %slice3A_316 = vector.extract_strided_slice %reshape3A_24 {offsets = [4672, 0], sizes = [64, 64], strides = [1, 1]} : vector<8192x64xf32> to vector<64x64xf32>
    %slice3A_317 = vector.extract_strided_slice %add3A_15 {offsets = [4672, 0], sizes = [64, 128], strides = [1, 1]} : vector<8192x128xf32> to vector<64x128xf32>
    %dot_general3A_318 = arith.constant dense<0.000000e+00> : vector<64x128xf32>
    %dot_general3A_319 = tpu.matmul %slice3A_316, %slice3A_317, %dot_general3A_318 {dimension_numbers = #tpu.dot_dimension_numbers<[0], [0], [1], [1], [0, 1, 1, 1], [], []>, transpose_lhs_hint = false} : vector<64x64xf32>, vector<64x128xf32>, vector<64x128xf32> -> vector<64x128xf32>
    %slice3A_320 = vector.extract_strided_slice %reshape3A_24 {offsets = [4736, 0], sizes = [64, 64], strides = [1, 1]} : vector<8192x64xf32> to vector<64x64xf32>
    %slice3A_321 = vector.extract_strided_slice %add3A_15 {offsets = [4736, 0], sizes = [64, 128], strides = [1, 1]} : vector<8192x128xf32> to vector<64x128xf32>
    %dot_general3A_322 = arith.constant dense<0.000000e+00> : vector<64x128xf32>
    %dot_general3A_323 = tpu.matmul %slice3A_320, %slice3A_321, %dot_general3A_322 {dimension_numbers = #tpu.dot_dimension_numbers<[0], [0], [1], [1], [0, 1, 1, 1], [], []>, transpose_lhs_hint = false} : vector<64x64xf32>, vector<64x128xf32>, vector<64x128xf32> -> vector<64x128xf32>
    %slice3A_324 = vector.extract_strided_slice %reshape3A_24 {offsets = [4800, 0], sizes = [64, 64], strides = [1, 1]} : vector<8192x64xf32> to vector<64x64xf32>
    %slice3A_325 = vector.extract_strided_slice %add3A_15 {offsets = [4800, 0], sizes = [64, 128], strides = [1, 1]} : vector<8192x128xf32> to vector<64x128xf32>
    %dot_general3A_326 = arith.constant dense<0.000000e+00> : vector<64x128xf32>
    %dot_general3A_327 = tpu.matmul %slice3A_324, %slice3A_325, %dot_general3A_326 {dimension_numbers = #tpu.dot_dimension_numbers<[0], [0], [1], [1], [0, 1, 1, 1], [], []>, transpose_lhs_hint = false} : vector<64x64xf32>, vector<64x128xf32>, vector<64x128xf32> -> vector<64x128xf32>
    %slice3A_328 = vector.extract_strided_slice %reshape3A_24 {offsets = [4864, 0], sizes = [64, 64], strides = [1, 1]} : vector<8192x64xf32> to vector<64x64xf32>
    %slice3A_329 = vector.extract_strided_slice %add3A_15 {offsets = [4864, 0], sizes = [64, 128], strides = [1, 1]} : vector<8192x128xf32> to vector<64x128xf32>
    %dot_general3A_330 = arith.constant dense<0.000000e+00> : vector<64x128xf32>
    %dot_general3A_331 = tpu.matmul %slice3A_328, %slice3A_329, %dot_general3A_330 {dimension_numbers = #tpu.dot_dimension_numbers<[0], [0], [1], [1], [0, 1, 1, 1], [], []>, transpose_lhs_hint = false} : vector<64x64xf32>, vector<64x128xf32>, vector<64x128xf32> -> vector<64x128xf32>
    %slice3A_332 = vector.extract_strided_slice %reshape3A_24 {offsets = [4928, 0], sizes = [64, 64], strides = [1, 1]} : vector<8192x64xf32> to vector<64x64xf32>
    %slice3A_333 = vector.extract_strided_slice %add3A_15 {offsets = [4928, 0], sizes = [64, 128], strides = [1, 1]} : vector<8192x128xf32> to vector<64x128xf32>
    %dot_general3A_334 = arith.constant dense<0.000000e+00> : vector<64x128xf32>
    %dot_general3A_335 = tpu.matmul %slice3A_332, %slice3A_333, %dot_general3A_334 {dimension_numbers = #tpu.dot_dimension_numbers<[0], [0], [1], [1], [0, 1, 1, 1], [], []>, transpose_lhs_hint = false} : vector<64x64xf32>, vector<64x128xf32>, vector<64x128xf32> -> vector<64x128xf32>
    %slice3A_336 = vector.extract_strided_slice %reshape3A_24 {offsets = [4992, 0], sizes = [64, 64], strides = [1, 1]} : vector<8192x64xf32> to vector<64x64xf32>
    %slice3A_337 = vector.extract_strided_slice %add3A_15 {offsets = [4992, 0], sizes = [64, 128], strides = [1, 1]} : vector<8192x128xf32> to vector<64x128xf32>
    %dot_general3A_338 = arith.constant dense<0.000000e+00> : vector<64x128xf32>
    %dot_general3A_339 = tpu.matmul %slice3A_336, %slice3A_337, %dot_general3A_338 {dimension_numbers = #tpu.dot_dimension_numbers<[0], [0], [1], [1], [0, 1, 1, 1], [], []>, transpose_lhs_hint = false} : vector<64x64xf32>, vector<64x128xf32>, vector<64x128xf32> -> vector<64x128xf32>
    %slice3A_340 = vector.extract_strided_slice %reshape3A_24 {offsets = [5056, 0], sizes = [64, 64], strides = [1, 1]} : vector<8192x64xf32> to vector<64x64xf32>
    %slice3A_341 = vector.extract_strided_slice %add3A_15 {offsets = [5056, 0], sizes = [64, 128], strides = [1, 1]} : vector<8192x128xf32> to vector<64x128xf32>
    %dot_general3A_342 = arith.constant dense<0.000000e+00> : vector<64x128xf32>
    %dot_general3A_343 = tpu.matmul %slice3A_340, %slice3A_341, %dot_general3A_342 {dimension_numbers = #tpu.dot_dimension_numbers<[0], [0], [1], [1], [0, 1, 1, 1], [], []>, transpose_lhs_hint = false} : vector<64x64xf32>, vector<64x128xf32>, vector<64x128xf32> -> vector<64x128xf32>
    %slice3A_344 = vector.extract_strided_slice %reshape3A_24 {offsets = [5120, 0], sizes = [64, 64], strides = [1, 1]} : vector<8192x64xf32> to vector<64x64xf32>
    %slice3A_345 = vector.extract_strided_slice %add3A_15 {offsets = [5120, 0], sizes = [64, 128], strides = [1, 1]} : vector<8192x128xf32> to vector<64x128xf32>
    %dot_general3A_346 = arith.constant dense<0.000000e+00> : vector<64x128xf32>
    %dot_general3A_347 = tpu.matmul %slice3A_344, %slice3A_345, %dot_general3A_346 {dimension_numbers = #tpu.dot_dimension_numbers<[0], [0], [1], [1], [0, 1, 1, 1], [], []>, transpose_lhs_hint = false} : vector<64x64xf32>, vector<64x128xf32>, vector<64x128xf32> -> vector<64x128xf32>
    %slice3A_348 = vector.extract_strided_slice %reshape3A_24 {offsets = [5184, 0], sizes = [64, 64], strides = [1, 1]} : vector<8192x64xf32> to vector<64x64xf32>
    %slice3A_349 = vector.extract_strided_slice %add3A_15 {offsets = [5184, 0], sizes = [64, 128], strides = [1, 1]} : vector<8192x128xf32> to vector<64x128xf32>
    %dot_general3A_350 = arith.constant dense<0.000000e+00> : vector<64x128xf32>
    %dot_general3A_351 = tpu.matmul %slice3A_348, %slice3A_349, %dot_general3A_350 {dimension_numbers = #tpu.dot_dimension_numbers<[0], [0], [1], [1], [0, 1, 1, 1], [], []>, transpose_lhs_hint = false} : vector<64x64xf32>, vector<64x128xf32>, vector<64x128xf32> -> vector<64x128xf32>
    %slice3A_352 = vector.extract_strided_slice %reshape3A_24 {offsets = [5248, 0], sizes = [64, 64], strides = [1, 1]} : vector<8192x64xf32> to vector<64x64xf32>
    %slice3A_353 = vector.extract_strided_slice %add3A_15 {offsets = [5248, 0], sizes = [64, 128], strides = [1, 1]} : vector<8192x128xf32> to vector<64x128xf32>
    %dot_general3A_354 = arith.constant dense<0.000000e+00> : vector<64x128xf32>
    %dot_general3A_355 = tpu.matmul %slice3A_352, %slice3A_353, %dot_general3A_354 {dimension_numbers = #tpu.dot_dimension_numbers<[0], [0], [1], [1], [0, 1, 1, 1], [], []>, transpose_lhs_hint = false} : vector<64x64xf32>, vector<64x128xf32>, vector<64x128xf32> -> vector<64x128xf32>
    %slice3A_356 = vector.extract_strided_slice %reshape3A_24 {offsets = [5312, 0], sizes = [64, 64], strides = [1, 1]} : vector<8192x64xf32> to vector<64x64xf32>
    %slice3A_357 = vector.extract_strided_slice %add3A_15 {offsets = [5312, 0], sizes = [64, 128], strides = [1, 1]} : vector<8192x128xf32> to vector<64x128xf32>
    %dot_general3A_358 = arith.constant dense<0.000000e+00> : vector<64x128xf32>
    %dot_general3A_359 = tpu.matmul %slice3A_356, %slice3A_357, %dot_general3A_358 {dimension_numbers = #tpu.dot_dimension_numbers<[0], [0], [1], [1], [0, 1, 1, 1], [], []>, transpose_lhs_hint = false} : vector<64x64xf32>, vector<64x128xf32>, vector<64x128xf32> -> vector<64x128xf32>
    %slice3A_360 = vector.extract_strided_slice %reshape3A_24 {offsets = [5376, 0], sizes = [64, 64], strides = [1, 1]} : vector<8192x64xf32> to vector<64x64xf32>
    %slice3A_361 = vector.extract_strided_slice %add3A_15 {offsets = [5376, 0], sizes = [64, 128], strides = [1, 1]} : vector<8192x128xf32> to vector<64x128xf32>
    %dot_general3A_362 = arith.constant dense<0.000000e+00> : vector<64x128xf32>
    %dot_general3A_363 = tpu.matmul %slice3A_360, %slice3A_361, %dot_general3A_362 {dimension_numbers = #tpu.dot_dimension_numbers<[0], [0], [1], [1], [0, 1, 1, 1], [], []>, transpose_lhs_hint = false} : vector<64x64xf32>, vector<64x128xf32>, vector<64x128xf32> -> vector<64x128xf32>
    %slice3A_364 = vector.extract_strided_slice %reshape3A_24 {offsets = [5440, 0], sizes = [64, 64], strides = [1, 1]} : vector<8192x64xf32> to vector<64x64xf32>
    %slice3A_365 = vector.extract_strided_slice %add3A_15 {offsets = [5440, 0], sizes = [64, 128], strides = [1, 1]} : vector<8192x128xf32> to vector<64x128xf32>
    %dot_general3A_366 = arith.constant dense<0.000000e+00> : vector<64x128xf32>
    %dot_general3A_367 = tpu.matmul %slice3A_364, %slice3A_365, %dot_general3A_366 {dimension_numbers = #tpu.dot_dimension_numbers<[0], [0], [1], [1], [0, 1, 1, 1], [], []>, transpose_lhs_hint = false} : vector<64x64xf32>, vector<64x128xf32>, vector<64x128xf32> -> vector<64x128xf32>
    %slice3A_368 = vector.extract_strided_slice %reshape3A_24 {offsets = [5504, 0], sizes = [64, 64], strides = [1, 1]} : vector<8192x64xf32> to vector<64x64xf32>
    %slice3A_369 = vector.extract_strided_slice %add3A_15 {offsets = [5504, 0], sizes = [64, 128], strides = [1, 1]} : vector<8192x128xf32> to vector<64x128xf32>
    %dot_general3A_370 = arith.constant dense<0.000000e+00> : vector<64x128xf32>
    %dot_general3A_371 = tpu.matmul %slice3A_368, %slice3A_369, %dot_general3A_370 {dimension_numbers = #tpu.dot_dimension_numbers<[0], [0], [1], [1], [0, 1, 1, 1], [], []>, transpose_lhs_hint = false} : vector<64x64xf32>, vector<64x128xf32>, vector<64x128xf32> -> vector<64x128xf32>
    %slice3A_372 = vector.extract_strided_slice %reshape3A_24 {offsets = [5568, 0], sizes = [64, 64], strides = [1, 1]} : vector<8192x64xf32> to vector<64x64xf32>
    %slice3A_373 = vector.extract_strided_slice %add3A_15 {offsets = [5568, 0], sizes = [64, 128], strides = [1, 1]} : vector<8192x128xf32> to vector<64x128xf32>
    %dot_general3A_374 = arith.constant dense<0.000000e+00> : vector<64x128xf32>
    %dot_general3A_375 = tpu.matmul %slice3A_372, %slice3A_373, %dot_general3A_374 {dimension_numbers = #tpu.dot_dimension_numbers<[0], [0], [1], [1], [0, 1, 1, 1], [], []>, transpose_lhs_hint = false} : vector<64x64xf32>, vector<64x128xf32>, vector<64x128xf32> -> vector<64x128xf32>
    %slice3A_376 = vector.extract_strided_slice %reshape3A_24 {offsets = [5632, 0], sizes = [64, 64], strides = [1, 1]} : vector<8192x64xf32> to vector<64x64xf32>
    %slice3A_377 = vector.extract_strided_slice %add3A_15 {offsets = [5632, 0], sizes = [64, 128], strides = [1, 1]} : vector<8192x128xf32> to vector<64x128xf32>
    %dot_general3A_378 = arith.constant dense<0.000000e+00> : vector<64x128xf32>
    %dot_general3A_379 = tpu.matmul %slice3A_376, %slice3A_377, %dot_general3A_378 {dimension_numbers = #tpu.dot_dimension_numbers<[0], [0], [1], [1], [0, 1, 1, 1], [], []>, transpose_lhs_hint = false} : vector<64x64xf32>, vector<64x128xf32>, vector<64x128xf32> -> vector<64x128xf32>
    %slice3A_380 = vector.extract_strided_slice %reshape3A_24 {offsets = [5696, 0], sizes = [64, 64], strides = [1, 1]} : vector<8192x64xf32> to vector<64x64xf32>
    %slice3A_381 = vector.extract_strided_slice %add3A_15 {offsets = [5696, 0], sizes = [64, 128], strides = [1, 1]} : vector<8192x128xf32> to vector<64x128xf32>
    %dot_general3A_382 = arith.constant dense<0.000000e+00> : vector<64x128xf32>
    %dot_general3A_383 = tpu.matmul %slice3A_380, %slice3A_381, %dot_general3A_382 {dimension_numbers = #tpu.dot_dimension_numbers<[0], [0], [1], [1], [0, 1, 1, 1], [], []>, transpose_lhs_hint = false} : vector<64x64xf32>, vector<64x128xf32>, vector<64x128xf32> -> vector<64x128xf32>
    %slice3A_384 = vector.extract_strided_slice %reshape3A_24 {offsets = [5760, 0], sizes = [64, 64], strides = [1, 1]} : vector<8192x64xf32> to vector<64x64xf32>
    %slice3A_385 = vector.extract_strided_slice %add3A_15 {offsets = [5760, 0], sizes = [64, 128], strides = [1, 1]} : vector<8192x128xf32> to vector<64x128xf32>
    %dot_general3A_386 = arith.constant dense<0.000000e+00> : vector<64x128xf32>
    %dot_general3A_387 = tpu.matmul %slice3A_384, %slice3A_385, %dot_general3A_386 {dimension_numbers = #tpu.dot_dimension_numbers<[0], [0], [1], [1], [0, 1, 1, 1], [], []>, transpose_lhs_hint = false} : vector<64x64xf32>, vector<64x128xf32>, vector<64x128xf32> -> vector<64x128xf32>
    %slice3A_388 = vector.extract_strided_slice %reshape3A_24 {offsets = [5824, 0], sizes = [64, 64], strides = [1, 1]} : vector<8192x64xf32> to vector<64x64xf32>
    %slice3A_389 = vector.extract_strided_slice %add3A_15 {offsets = [5824, 0], sizes = [64, 128], strides = [1, 1]} : vector<8192x128xf32> to vector<64x128xf32>
    %dot_general3A_390 = arith.constant dense<0.000000e+00> : vector<64x128xf32>
    %dot_general3A_391 = tpu.matmul %slice3A_388, %slice3A_389, %dot_general3A_390 {dimension_numbers = #tpu.dot_dimension_numbers<[0], [0], [1], [1], [0, 1, 1, 1], [], []>, transpose_lhs_hint = false} : vector<64x64xf32>, vector<64x128xf32>, vector<64x128xf32> -> vector<64x128xf32>
    %slice3A_392 = vector.extract_strided_slice %reshape3A_24 {offsets = [5888, 0], sizes = [64, 64], strides = [1, 1]} : vector<8192x64xf32> to vector<64x64xf32>
    %slice3A_393 = vector.extract_strided_slice %add3A_15 {offsets = [5888, 0], sizes = [64, 128], strides = [1, 1]} : vector<8192x128xf32> to vector<64x128xf32>
    %dot_general3A_394 = arith.constant dense<0.000000e+00> : vector<64x128xf32>
    %dot_general3A_395 = tpu.matmul %slice3A_392, %slice3A_393, %dot_general3A_394 {dimension_numbers = #tpu.dot_dimension_numbers<[0], [0], [1], [1], [0, 1, 1, 1], [], []>, transpose_lhs_hint = false} : vector<64x64xf32>, vector<64x128xf32>, vector<64x128xf32> -> vector<64x128xf32>
    %slice3A_396 = vector.extract_strided_slice %reshape3A_24 {offsets = [5952, 0], sizes = [64, 64], strides = [1, 1]} : vector<8192x64xf32> to vector<64x64xf32>
    %slice3A_397 = vector.extract_strided_slice %add3A_15 {offsets = [5952, 0], sizes = [64, 128], strides = [1, 1]} : vector<8192x128xf32> to vector<64x128xf32>
    %dot_general3A_398 = arith.constant dense<0.000000e+00> : vector<64x128xf32>
    %dot_general3A_399 = tpu.matmul %slice3A_396, %slice3A_397, %dot_general3A_398 {dimension_numbers = #tpu.dot_dimension_numbers<[0], [0], [1], [1], [0, 1, 1, 1], [], []>, transpose_lhs_hint = false} : vector<64x64xf32>, vector<64x128xf32>, vector<64x128xf32> -> vector<64x128xf32>
    %slice3A_400 = vector.extract_strided_slice %reshape3A_24 {offsets = [6016, 0], sizes = [64, 64], strides = [1, 1]} : vector<8192x64xf32> to vector<64x64xf32>
    %slice3A_401 = vector.extract_strided_slice %add3A_15 {offsets = [6016, 0], sizes = [64, 128], strides = [1, 1]} : vector<8192x128xf32> to vector<64x128xf32>
    %dot_general3A_402 = arith.constant dense<0.000000e+00> : vector<64x128xf32>
    %dot_general3A_403 = tpu.matmul %slice3A_400, %slice3A_401, %dot_general3A_402 {dimension_numbers = #tpu.dot_dimension_numbers<[0], [0], [1], [1], [0, 1, 1, 1], [], []>, transpose_lhs_hint = false} : vector<64x64xf32>, vector<64x128xf32>, vector<64x128xf32> -> vector<64x128xf32>
    %slice3A_404 = vector.extract_strided_slice %reshape3A_24 {offsets = [6080, 0], sizes = [64, 64], strides = [1, 1]} : vector<8192x64xf32> to vector<64x64xf32>
    %slice3A_405 = vector.extract_strided_slice %add3A_15 {offsets = [6080, 0], sizes = [64, 128], strides = [1, 1]} : vector<8192x128xf32> to vector<64x128xf32>
    %dot_general3A_406 = arith.constant dense<0.000000e+00> : vector<64x128xf32>
    %dot_general3A_407 = tpu.matmul %slice3A_404, %slice3A_405, %dot_general3A_406 {dimension_numbers = #tpu.dot_dimension_numbers<[0], [0], [1], [1], [0, 1, 1, 1], [], []>, transpose_lhs_hint = false} : vector<64x64xf32>, vector<64x128xf32>, vector<64x128xf32> -> vector<64x128xf32>
    %slice3A_408 = vector.extract_strided_slice %reshape3A_24 {offsets = [6144, 0], sizes = [64, 64], strides = [1, 1]} : vector<8192x64xf32> to vector<64x64xf32>
    %slice3A_409 = vector.extract_strided_slice %add3A_15 {offsets = [6144, 0], sizes = [64, 128], strides = [1, 1]} : vector<8192x128xf32> to vector<64x128xf32>
    %dot_general3A_410 = arith.constant dense<0.000000e+00> : vector<64x128xf32>
    %dot_general3A_411 = tpu.matmul %slice3A_408, %slice3A_409, %dot_general3A_410 {dimension_numbers = #tpu.dot_dimension_numbers<[0], [0], [1], [1], [0, 1, 1, 1], [], []>, transpose_lhs_hint = false} : vector<64x64xf32>, vector<64x128xf32>, vector<64x128xf32> -> vector<64x128xf32>
    %slice3A_412 = vector.extract_strided_slice %reshape3A_24 {offsets = [6208, 0], sizes = [64, 64], strides = [1, 1]} : vector<8192x64xf32> to vector<64x64xf32>
    %slice3A_413 = vector.extract_strided_slice %add3A_15 {offsets = [6208, 0], sizes = [64, 128], strides = [1, 1]} : vector<8192x128xf32> to vector<64x128xf32>
    %dot_general3A_414 = arith.constant dense<0.000000e+00> : vector<64x128xf32>
    %dot_general3A_415 = tpu.matmul %slice3A_412, %slice3A_413, %dot_general3A_414 {dimension_numbers = #tpu.dot_dimension_numbers<[0], [0], [1], [1], [0, 1, 1, 1], [], []>, transpose_lhs_hint = false} : vector<64x64xf32>, vector<64x128xf32>, vector<64x128xf32> -> vector<64x128xf32>
    %slice3A_416 = vector.extract_strided_slice %reshape3A_24 {offsets = [6272, 0], sizes = [64, 64], strides = [1, 1]} : vector<8192x64xf32> to vector<64x64xf32>
    %slice3A_417 = vector.extract_strided_slice %add3A_15 {offsets = [6272, 0], sizes = [64, 128], strides = [1, 1]} : vector<8192x128xf32> to vector<64x128xf32>
    %dot_general3A_418 = arith.constant dense<0.000000e+00> : vector<64x128xf32>
    %dot_general3A_419 = tpu.matmul %slice3A_416, %slice3A_417, %dot_general3A_418 {dimension_numbers = #tpu.dot_dimension_numbers<[0], [0], [1], [1], [0, 1, 1, 1], [], []>, transpose_lhs_hint = false} : vector<64x64xf32>, vector<64x128xf32>, vector<64x128xf32> -> vector<64x128xf32>
    %slice3A_420 = vector.extract_strided_slice %reshape3A_24 {offsets = [6336, 0], sizes = [64, 64], strides = [1, 1]} : vector<8192x64xf32> to vector<64x64xf32>
    %slice3A_421 = vector.extract_strided_slice %add3A_15 {offsets = [6336, 0], sizes = [64, 128], strides = [1, 1]} : vector<8192x128xf32> to vector<64x128xf32>
    %dot_general3A_422 = arith.constant dense<0.000000e+00> : vector<64x128xf32>
    %dot_general3A_423 = tpu.matmul %slice3A_420, %slice3A_421, %dot_general3A_422 {dimension_numbers = #tpu.dot_dimension_numbers<[0], [0], [1], [1], [0, 1, 1, 1], [], []>, transpose_lhs_hint = false} : vector<64x64xf32>, vector<64x128xf32>, vector<64x128xf32> -> vector<64x128xf32>
    %slice3A_424 = vector.extract_strided_slice %reshape3A_24 {offsets = [6400, 0], sizes = [64, 64], strides = [1, 1]} : vector<8192x64xf32> to vector<64x64xf32>
    %slice3A_425 = vector.extract_strided_slice %add3A_15 {offsets = [6400, 0], sizes = [64, 128], strides = [1, 1]} : vector<8192x128xf32> to vector<64x128xf32>
    %dot_general3A_426 = arith.constant dense<0.000000e+00> : vector<64x128xf32>
    %dot_general3A_427 = tpu.matmul %slice3A_424, %slice3A_425, %dot_general3A_426 {dimension_numbers = #tpu.dot_dimension_numbers<[0], [0], [1], [1], [0, 1, 1, 1], [], []>, transpose_lhs_hint = false} : vector<64x64xf32>, vector<64x128xf32>, vector<64x128xf32> -> vector<64x128xf32>
    %slice3A_428 = vector.extract_strided_slice %reshape3A_24 {offsets = [6464, 0], sizes = [64, 64], strides = [1, 1]} : vector<8192x64xf32> to vector<64x64xf32>
    %slice3A_429 = vector.extract_strided_slice %add3A_15 {offsets = [6464, 0], sizes = [64, 128], strides = [1, 1]} : vector<8192x128xf32> to vector<64x128xf32>
    %dot_general3A_430 = arith.constant dense<0.000000e+00> : vector<64x128xf32>
    %dot_general3A_431 = tpu.matmul %slice3A_428, %slice3A_429, %dot_general3A_430 {dimension_numbers = #tpu.dot_dimension_numbers<[0], [0], [1], [1], [0, 1, 1, 1], [], []>, transpose_lhs_hint = false} : vector<64x64xf32>, vector<64x128xf32>, vector<64x128xf32> -> vector<64x128xf32>
    %slice3A_432 = vector.extract_strided_slice %reshape3A_24 {offsets = [6528, 0], sizes = [64, 64], strides = [1, 1]} : vector<8192x64xf32> to vector<64x64xf32>
    %slice3A_433 = vector.extract_strided_slice %add3A_15 {offsets = [6528, 0], sizes = [64, 128], strides = [1, 1]} : vector<8192x128xf32> to vector<64x128xf32>
    %dot_general3A_434 = arith.constant dense<0.000000e+00> : vector<64x128xf32>
    %dot_general3A_435 = tpu.matmul %slice3A_432, %slice3A_433, %dot_general3A_434 {dimension_numbers = #tpu.dot_dimension_numbers<[0], [0], [1], [1], [0, 1, 1, 1], [], []>, transpose_lhs_hint = false} : vector<64x64xf32>, vector<64x128xf32>, vector<64x128xf32> -> vector<64x128xf32>
    %slice3A_436 = vector.extract_strided_slice %reshape3A_24 {offsets = [6592, 0], sizes = [64, 64], strides = [1, 1]} : vector<8192x64xf32> to vector<64x64xf32>
    %slice3A_437 = vector.extract_strided_slice %add3A_15 {offsets = [6592, 0], sizes = [64, 128], strides = [1, 1]} : vector<8192x128xf32> to vector<64x128xf32>
    %dot_general3A_438 = arith.constant dense<0.000000e+00> : vector<64x128xf32>
    %dot_general3A_439 = tpu.matmul %slice3A_436, %slice3A_437, %dot_general3A_438 {dimension_numbers = #tpu.dot_dimension_numbers<[0], [0], [1], [1], [0, 1, 1, 1], [], []>, transpose_lhs_hint = false} : vector<64x64xf32>, vector<64x128xf32>, vector<64x128xf32> -> vector<64x128xf32>
    %slice3A_440 = vector.extract_strided_slice %reshape3A_24 {offsets = [6656, 0], sizes = [64, 64], strides = [1, 1]} : vector<8192x64xf32> to vector<64x64xf32>
    %slice3A_441 = vector.extract_strided_slice %add3A_15 {offsets = [6656, 0], sizes = [64, 128], strides = [1, 1]} : vector<8192x128xf32> to vector<64x128xf32>
    %dot_general3A_442 = arith.constant dense<0.000000e+00> : vector<64x128xf32>
    %dot_general3A_443 = tpu.matmul %slice3A_440, %slice3A_441, %dot_general3A_442 {dimension_numbers = #tpu.dot_dimension_numbers<[0], [0], [1], [1], [0, 1, 1, 1], [], []>, transpose_lhs_hint = false} : vector<64x64xf32>, vector<64x128xf32>, vector<64x128xf32> -> vector<64x128xf32>
    %slice3A_444 = vector.extract_strided_slice %reshape3A_24 {offsets = [6720, 0], sizes = [64, 64], strides = [1, 1]} : vector<8192x64xf32> to vector<64x64xf32>
    %slice3A_445 = vector.extract_strided_slice %add3A_15 {offsets = [6720, 0], sizes = [64, 128], strides = [1, 1]} : vector<8192x128xf32> to vector<64x128xf32>
    %dot_general3A_446 = arith.constant dense<0.000000e+00> : vector<64x128xf32>
    %dot_general3A_447 = tpu.matmul %slice3A_444, %slice3A_445, %dot_general3A_446 {dimension_numbers = #tpu.dot_dimension_numbers<[0], [0], [1], [1], [0, 1, 1, 1], [], []>, transpose_lhs_hint = false} : vector<64x64xf32>, vector<64x128xf32>, vector<64x128xf32> -> vector<64x128xf32>
    %slice3A_448 = vector.extract_strided_slice %reshape3A_24 {offsets = [6784, 0], sizes = [64, 64], strides = [1, 1]} : vector<8192x64xf32> to vector<64x64xf32>
    %slice3A_449 = vector.extract_strided_slice %add3A_15 {offsets = [6784, 0], sizes = [64, 128], strides = [1, 1]} : vector<8192x128xf32> to vector<64x128xf32>
    %dot_general3A_450 = arith.constant dense<0.000000e+00> : vector<64x128xf32>
    %dot_general3A_451 = tpu.matmul %slice3A_448, %slice3A_449, %dot_general3A_450 {dimension_numbers = #tpu.dot_dimension_numbers<[0], [0], [1], [1], [0, 1, 1, 1], [], []>, transpose_lhs_hint = false} : vector<64x64xf32>, vector<64x128xf32>, vector<64x128xf32> -> vector<64x128xf32>
    %slice3A_452 = vector.extract_strided_slice %reshape3A_24 {offsets = [6848, 0], sizes = [64, 64], strides = [1, 1]} : vector<8192x64xf32> to vector<64x64xf32>
    %slice3A_453 = vector.extract_strided_slice %add3A_15 {offsets = [6848, 0], sizes = [64, 128], strides = [1, 1]} : vector<8192x128xf32> to vector<64x128xf32>
    %dot_general3A_454 = arith.constant dense<0.000000e+00> : vector<64x128xf32>
    %dot_general3A_455 = tpu.matmul %slice3A_452, %slice3A_453, %dot_general3A_454 {dimension_numbers = #tpu.dot_dimension_numbers<[0], [0], [1], [1], [0, 1, 1, 1], [], []>, transpose_lhs_hint = false} : vector<64x64xf32>, vector<64x128xf32>, vector<64x128xf32> -> vector<64x128xf32>
    %slice3A_456 = vector.extract_strided_slice %reshape3A_24 {offsets = [6912, 0], sizes = [64, 64], strides = [1, 1]} : vector<8192x64xf32> to vector<64x64xf32>
    %slice3A_457 = vector.extract_strided_slice %add3A_15 {offsets = [6912, 0], sizes = [64, 128], strides = [1, 1]} : vector<8192x128xf32> to vector<64x128xf32>
    %dot_general3A_458 = arith.constant dense<0.000000e+00> : vector<64x128xf32>
    %dot_general3A_459 = tpu.matmul %slice3A_456, %slice3A_457, %dot_general3A_458 {dimension_numbers = #tpu.dot_dimension_numbers<[0], [0], [1], [1], [0, 1, 1, 1], [], []>, transpose_lhs_hint = false} : vector<64x64xf32>, vector<64x128xf32>, vector<64x128xf32> -> vector<64x128xf32>
    %slice3A_460 = vector.extract_strided_slice %reshape3A_24 {offsets = [6976, 0], sizes = [64, 64], strides = [1, 1]} : vector<8192x64xf32> to vector<64x64xf32>
    %slice3A_461 = vector.extract_strided_slice %add3A_15 {offsets = [6976, 0], sizes = [64, 128], strides = [1, 1]} : vector<8192x128xf32> to vector<64x128xf32>
    %dot_general3A_462 = arith.constant dense<0.000000e+00> : vector<64x128xf32>
    %dot_general3A_463 = tpu.matmul %slice3A_460, %slice3A_461, %dot_general3A_462 {dimension_numbers = #tpu.dot_dimension_numbers<[0], [0], [1], [1], [0, 1, 1, 1], [], []>, transpose_lhs_hint = false} : vector<64x64xf32>, vector<64x128xf32>, vector<64x128xf32> -> vector<64x128xf32>
    %slice3A_464 = vector.extract_strided_slice %reshape3A_24 {offsets = [7040, 0], sizes = [64, 64], strides = [1, 1]} : vector<8192x64xf32> to vector<64x64xf32>
    %slice3A_465 = vector.extract_strided_slice %add3A_15 {offsets = [7040, 0], sizes = [64, 128], strides = [1, 1]} : vector<8192x128xf32> to vector<64x128xf32>
    %dot_general3A_466 = arith.constant dense<0.000000e+00> : vector<64x128xf32>
    %dot_general3A_467 = tpu.matmul %slice3A_464, %slice3A_465, %dot_general3A_466 {dimension_numbers = #tpu.dot_dimension_numbers<[0], [0], [1], [1], [0, 1, 1, 1], [], []>, transpose_lhs_hint = false} : vector<64x64xf32>, vector<64x128xf32>, vector<64x128xf32> -> vector<64x128xf32>
    %slice3A_468 = vector.extract_strided_slice %reshape3A_24 {offsets = [7104, 0], sizes = [64, 64], strides = [1, 1]} : vector<8192x64xf32> to vector<64x64xf32>
    %slice3A_469 = vector.extract_strided_slice %add3A_15 {offsets = [7104, 0], sizes = [64, 128], strides = [1, 1]} : vector<8192x128xf32> to vector<64x128xf32>
    %dot_general3A_470 = arith.constant dense<0.000000e+00> : vector<64x128xf32>
    %dot_general3A_471 = tpu.matmul %slice3A_468, %slice3A_469, %dot_general3A_470 {dimension_numbers = #tpu.dot_dimension_numbers<[0], [0], [1], [1], [0, 1, 1, 1], [], []>, transpose_lhs_hint = false} : vector<64x64xf32>, vector<64x128xf32>, vector<64x128xf32> -> vector<64x128xf32>
    %slice3A_472 = vector.extract_strided_slice %reshape3A_24 {offsets = [7168, 0], sizes = [64, 64], strides = [1, 1]} : vector<8192x64xf32> to vector<64x64xf32>
    %slice3A_473 = vector.extract_strided_slice %add3A_15 {offsets = [7168, 0], sizes = [64, 128], strides = [1, 1]} : vector<8192x128xf32> to vector<64x128xf32>
    %dot_general3A_474 = arith.constant dense<0.000000e+00> : vector<64x128xf32>
    %dot_general3A_475 = tpu.matmul %slice3A_472, %slice3A_473, %dot_general3A_474 {dimension_numbers = #tpu.dot_dimension_numbers<[0], [0], [1], [1], [0, 1, 1, 1], [], []>, transpose_lhs_hint = false} : vector<64x64xf32>, vector<64x128xf32>, vector<64x128xf32> -> vector<64x128xf32>
    %slice3A_476 = vector.extract_strided_slice %reshape3A_24 {offsets = [7232, 0], sizes = [64, 64], strides = [1, 1]} : vector<8192x64xf32> to vector<64x64xf32>
    %slice3A_477 = vector.extract_strided_slice %add3A_15 {offsets = [7232, 0], sizes = [64, 128], strides = [1, 1]} : vector<8192x128xf32> to vector<64x128xf32>
    %dot_general3A_478 = arith.constant dense<0.000000e+00> : vector<64x128xf32>
    %dot_general3A_479 = tpu.matmul %slice3A_476, %slice3A_477, %dot_general3A_478 {dimension_numbers = #tpu.dot_dimension_numbers<[0], [0], [1], [1], [0, 1, 1, 1], [], []>, transpose_lhs_hint = false} : vector<64x64xf32>, vector<64x128xf32>, vector<64x128xf32> -> vector<64x128xf32>
    %slice3A_480 = vector.extract_strided_slice %reshape3A_24 {offsets = [7296, 0], sizes = [64, 64], strides = [1, 1]} : vector<8192x64xf32> to vector<64x64xf32>
    %slice3A_481 = vector.extract_strided_slice %add3A_15 {offsets = [7296, 0], sizes = [64, 128], strides = [1, 1]} : vector<8192x128xf32> to vector<64x128xf32>
    %dot_general3A_482 = arith.constant dense<0.000000e+00> : vector<64x128xf32>
    %dot_general3A_483 = tpu.matmul %slice3A_480, %slice3A_481, %dot_general3A_482 {dimension_numbers = #tpu.dot_dimension_numbers<[0], [0], [1], [1], [0, 1, 1, 1], [], []>, transpose_lhs_hint = false} : vector<64x64xf32>, vector<64x128xf32>, vector<64x128xf32> -> vector<64x128xf32>
    %slice3A_484 = vector.extract_strided_slice %reshape3A_24 {offsets = [7360, 0], sizes = [64, 64], strides = [1, 1]} : vector<8192x64xf32> to vector<64x64xf32>
    %slice3A_485 = vector.extract_strided_slice %add3A_15 {offsets = [7360, 0], sizes = [64, 128], strides = [1, 1]} : vector<8192x128xf32> to vector<64x128xf32>
    %dot_general3A_486 = arith.constant dense<0.000000e+00> : vector<64x128xf32>
    %dot_general3A_487 = tpu.matmul %slice3A_484, %slice3A_485, %dot_general3A_486 {dimension_numbers = #tpu.dot_dimension_numbers<[0], [0], [1], [1], [0, 1, 1, 1], [], []>, transpose_lhs_hint = false} : vector<64x64xf32>, vector<64x128xf32>, vector<64x128xf32> -> vector<64x128xf32>
    %slice3A_488 = vector.extract_strided_slice %reshape3A_24 {offsets = [7424, 0], sizes = [64, 64], strides = [1, 1]} : vector<8192x64xf32> to vector<64x64xf32>
    %slice3A_489 = vector.extract_strided_slice %add3A_15 {offsets = [7424, 0], sizes = [64, 128], strides = [1, 1]} : vector<8192x128xf32> to vector<64x128xf32>
    %dot_general3A_490 = arith.constant dense<0.000000e+00> : vector<64x128xf32>
    %dot_general3A_491 = tpu.matmul %slice3A_488, %slice3A_489, %dot_general3A_490 {dimension_numbers = #tpu.dot_dimension_numbers<[0], [0], [1], [1], [0, 1, 1, 1], [], []>, transpose_lhs_hint = false} : vector<64x64xf32>, vector<64x128xf32>, vector<64x128xf32> -> vector<64x128xf32>
    %slice3A_492 = vector.extract_strided_slice %reshape3A_24 {offsets = [7488, 0], sizes = [64, 64], strides = [1, 1]} : vector<8192x64xf32> to vector<64x64xf32>
    %slice3A_493 = vector.extract_strided_slice %add3A_15 {offsets = [7488, 0], sizes = [64, 128], strides = [1, 1]} : vector<8192x128xf32> to vector<64x128xf32>
    %dot_general3A_494 = arith.constant dense<0.000000e+00> : vector<64x128xf32>
    %dot_general3A_495 = tpu.matmul %slice3A_492, %slice3A_493, %dot_general3A_494 {dimension_numbers = #tpu.dot_dimension_numbers<[0], [0], [1], [1], [0, 1, 1, 1], [], []>, transpose_lhs_hint = false} : vector<64x64xf32>, vector<64x128xf32>, vector<64x128xf32> -> vector<64x128xf32>
    %slice3A_496 = vector.extract_strided_slice %reshape3A_24 {offsets = [7552, 0], sizes = [64, 64], strides = [1, 1]} : vector<8192x64xf32> to vector<64x64xf32>
    %slice3A_497 = vector.extract_strided_slice %add3A_15 {offsets = [7552, 0], sizes = [64, 128], strides = [1, 1]} : vector<8192x128xf32> to vector<64x128xf32>
    %dot_general3A_498 = arith.constant dense<0.000000e+00> : vector<64x128xf32>
    %dot_general3A_499 = tpu.matmul %slice3A_496, %slice3A_497, %dot_general3A_498 {dimension_numbers = #tpu.dot_dimension_numbers<[0], [0], [1], [1], [0, 1, 1, 1], [], []>, transpose_lhs_hint = false} : vector<64x64xf32>, vector<64x128xf32>, vector<64x128xf32> -> vector<64x128xf32>
    %slice3A_500 = vector.extract_strided_slice %reshape3A_24 {offsets = [7616, 0], sizes = [64, 64], strides = [1, 1]} : vector<8192x64xf32> to vector<64x64xf32>
    %slice3A_501 = vector.extract_strided_slice %add3A_15 {offsets = [7616, 0], sizes = [64, 128], strides = [1, 1]} : vector<8192x128xf32> to vector<64x128xf32>
    %dot_general3A_502 = arith.constant dense<0.000000e+00> : vector<64x128xf32>
    %dot_general3A_503 = tpu.matmul %slice3A_500, %slice3A_501, %dot_general3A_502 {dimension_numbers = #tpu.dot_dimension_numbers<[0], [0], [1], [1], [0, 1, 1, 1], [], []>, transpose_lhs_hint = false} : vector<64x64xf32>, vector<64x128xf32>, vector<64x128xf32> -> vector<64x128xf32>
    %slice3A_504 = vector.extract_strided_slice %reshape3A_24 {offsets = [7680, 0], sizes = [64, 64], strides = [1, 1]} : vector<8192x64xf32> to vector<64x64xf32>
    %slice3A_505 = vector.extract_strided_slice %add3A_15 {offsets = [7680, 0], sizes = [64, 128], strides = [1, 1]} : vector<8192x128xf32> to vector<64x128xf32>
    %dot_general3A_506 = arith.constant dense<0.000000e+00> : vector<64x128xf32>
    %dot_general3A_507 = tpu.matmul %slice3A_504, %slice3A_505, %dot_general3A_506 {dimension_numbers = #tpu.dot_dimension_numbers<[0], [0], [1], [1], [0, 1, 1, 1], [], []>, transpose_lhs_hint = false} : vector<64x64xf32>, vector<64x128xf32>, vector<64x128xf32> -> vector<64x128xf32>
    %slice3A_508 = vector.extract_strided_slice %reshape3A_24 {offsets = [7744, 0], sizes = [64, 64], strides = [1, 1]} : vector<8192x64xf32> to vector<64x64xf32>
    %slice3A_509 = vector.extract_strided_slice %add3A_15 {offsets = [7744, 0], sizes = [64, 128], strides = [1, 1]} : vector<8192x128xf32> to vector<64x128xf32>
    %dot_general3A_510 = arith.constant dense<0.000000e+00> : vector<64x128xf32>
    %dot_general3A_511 = tpu.matmul %slice3A_508, %slice3A_509, %dot_general3A_510 {dimension_numbers = #tpu.dot_dimension_numbers<[0], [0], [1], [1], [0, 1, 1, 1], [], []>, transpose_lhs_hint = false} : vector<64x64xf32>, vector<64x128xf32>, vector<64x128xf32> -> vector<64x128xf32>
    %slice3A_512 = vector.extract_strided_slice %reshape3A_24 {offsets = [7808, 0], sizes = [64, 64], strides = [1, 1]} : vector<8192x64xf32> to vector<64x64xf32>
    %slice3A_513 = vector.extract_strided_slice %add3A_15 {offsets = [7808, 0], sizes = [64, 128], strides = [1, 1]} : vector<8192x128xf32> to vector<64x128xf32>
    %dot_general3A_514 = arith.constant dense<0.000000e+00> : vector<64x128xf32>
    %dot_general3A_515 = tpu.matmul %slice3A_512, %slice3A_513, %dot_general3A_514 {dimension_numbers = #tpu.dot_dimension_numbers<[0], [0], [1], [1], [0, 1, 1, 1], [], []>, transpose_lhs_hint = false} : vector<64x64xf32>, vector<64x128xf32>, vector<64x128xf32> -> vector<64x128xf32>
    %slice3A_516 = vector.extract_strided_slice %reshape3A_24 {offsets = [7872, 0], sizes = [64, 64], strides = [1, 1]} : vector<8192x64xf32> to vector<64x64xf32>
    %slice3A_517 = vector.extract_strided_slice %add3A_15 {offsets = [7872, 0], sizes = [64, 128], strides = [1, 1]} : vector<8192x128xf32> to vector<64x128xf32>
    %dot_general3A_518 = arith.constant dense<0.000000e+00> : vector<64x128xf32>
    %dot_general3A_519 = tpu.matmul %slice3A_516, %slice3A_517, %dot_general3A_518 {dimension_numbers = #tpu.dot_dimension_numbers<[0], [0], [1], [1], [0, 1, 1, 1], [], []>, transpose_lhs_hint = false} : vector<64x64xf32>, vector<64x128xf32>, vector<64x128xf32> -> vector<64x128xf32>
    %slice3A_520 = vector.extract_strided_slice %reshape3A_24 {offsets = [7936, 0], sizes = [64, 64], strides = [1, 1]} : vector<8192x64xf32> to vector<64x64xf32>
    %slice3A_521 = vector.extract_strided_slice %add3A_15 {offsets = [7936, 0], sizes = [64, 128], strides = [1, 1]} : vector<8192x128xf32> to vector<64x128xf32>
    %dot_general3A_522 = arith.constant dense<0.000000e+00> : vector<64x128xf32>
    %dot_general3A_523 = tpu.matmul %slice3A_520, %slice3A_521, %dot_general3A_522 {dimension_numbers = #tpu.dot_dimension_numbers<[0], [0], [1], [1], [0, 1, 1, 1], [], []>, transpose_lhs_hint = false} : vector<64x64xf32>, vector<64x128xf32>, vector<64x128xf32> -> vector<64x128xf32>
    %slice3A_524 = vector.extract_strided_slice %reshape3A_24 {offsets = [8000, 0], sizes = [64, 64], strides = [1, 1]} : vector<8192x64xf32> to vector<64x64xf32>
    %slice3A_525 = vector.extract_strided_slice %add3A_15 {offsets = [8000, 0], sizes = [64, 128], strides = [1, 1]} : vector<8192x128xf32> to vector<64x128xf32>
    %dot_general3A_526 = arith.constant dense<0.000000e+00> : vector<64x128xf32>
    %dot_general3A_527 = tpu.matmul %slice3A_524, %slice3A_525, %dot_general3A_526 {dimension_numbers = #tpu.dot_dimension_numbers<[0], [0], [1], [1], [0, 1, 1, 1], [], []>, transpose_lhs_hint = false} : vector<64x64xf32>, vector<64x128xf32>, vector<64x128xf32> -> vector<64x128xf32>
    %slice3A_528 = vector.extract_strided_slice %reshape3A_24 {offsets = [8064, 0], sizes = [64, 64], strides = [1, 1]} : vector<8192x64xf32> to vector<64x64xf32>
    %slice3A_529 = vector.extract_strided_slice %add3A_15 {offsets = [8064, 0], sizes = [64, 128], strides = [1, 1]} : vector<8192x128xf32> to vector<64x128xf32>
    %dot_general3A_530 = arith.constant dense<0.000000e+00> : vector<64x128xf32>
    %dot_general3A_531 = tpu.matmul %slice3A_528, %slice3A_529, %dot_general3A_530 {dimension_numbers = #tpu.dot_dimension_numbers<[0], [0], [1], [1], [0, 1, 1, 1], [], []>, transpose_lhs_hint = false} : vector<64x64xf32>, vector<64x128xf32>, vector<64x128xf32> -> vector<64x128xf32>
    %slice3A_532 = vector.extract_strided_slice %reshape3A_24 {offsets = [8128, 0], sizes = [64, 64], strides = [1, 1]} : vector<8192x64xf32> to vector<64x64xf32>
    %slice3A_533 = vector.extract_strided_slice %add3A_15 {offsets = [8128, 0], sizes = [64, 128], strides = [1, 1]} : vector<8192x128xf32> to vector<64x128xf32>
    %dot_general3A_534 = arith.constant dense<0.000000e+00> : vector<64x128xf32>
    %dot_general3A_535 = tpu.matmul %slice3A_532, %slice3A_533, %dot_general3A_534 {dimension_numbers = #tpu.dot_dimension_numbers<[0], [0], [1], [1], [0, 1, 1, 1], [], []>, transpose_lhs_hint = false} : vector<64x64xf32>, vector<64x128xf32>, vector<64x128xf32> -> vector<64x128xf32>
    %concatenate3A = tpu.concatenate %dot_general3A_27, %dot_general3A_31, %dot_general3A_35, %dot_general3A_39, %dot_general3A_43, %dot_general3A_47, %dot_general3A_51, %dot_general3A_55, %dot_general3A_59, %dot_general3A_63, %dot_general3A_67, %dot_general3A_71, %dot_general3A_75, %dot_general3A_79, %dot_general3A_83, %dot_general3A_87, %dot_general3A_91, %dot_general3A_95, %dot_general3A_99, %dot_general3A_103, %dot_general3A_107, %dot_general3A_111, %dot_general3A_115, %dot_general3A_119, %dot_general3A_123, %dot_general3A_127, %dot_general3A_131, %dot_general3A_135, %dot_general3A_139, %dot_general3A_143, %dot_general3A_147, %dot_general3A_151, %dot_general3A_155, %dot_general3A_159, %dot_general3A_163, %dot_general3A_167, %dot_general3A_171, %dot_general3A_175, %dot_general3A_179, %dot_general3A_183, %dot_general3A_187, %dot_general3A_191, %dot_general3A_195, %dot_general3A_199, %dot_general3A_203, %dot_general3A_207, %dot_general3A_211, %dot_general3A_215, %dot_general3A_219, %dot_general3A_223, %dot_general3A_227, %dot_general3A_231, %dot_general3A_235, %dot_general3A_239, %dot_general3A_243, %dot_general3A_247, %dot_general3A_251, %dot_general3A_255, %dot_general3A_259, %dot_general3A_263, %dot_general3A_267, %dot_general3A_271, %dot_general3A_275, %dot_general3A_279, %dot_general3A_283, %dot_general3A_287, %dot_general3A_291, %dot_general3A_295, %dot_general3A_299, %dot_general3A_303, %dot_general3A_307, %dot_general3A_311, %dot_general3A_315, %dot_general3A_319, %dot_general3A_323, %dot_general3A_327, %dot_general3A_331, %dot_general3A_335, %dot_general3A_339, %dot_general3A_343, %dot_general3A_347, %dot_general3A_351, %dot_general3A_355, %dot_general3A_359, %dot_general3A_363, %dot_general3A_367, %dot_general3A_371, %dot_general3A_375, %dot_general3A_379, %dot_general3A_383, %dot_general3A_387, %dot_general3A_391, %dot_general3A_395, %dot_general3A_399, %dot_general3A_403, %dot_general3A_407, %dot_general3A_411, %dot_general3A_415, %dot_general3A_419, %dot_general3A_423, %dot_general3A_427, %dot_general3A_431, %dot_general3A_435, %dot_general3A_439, %dot_general3A_443, %dot_general3A_447, %dot_general3A_451, %dot_general3A_455, %dot_general3A_459, %dot_general3A_463, %dot_general3A_467, %dot_general3A_471, %dot_general3A_475, %dot_general3A_479, %dot_general3A_483, %dot_general3A_487, %dot_general3A_491, %dot_general3A_495, %dot_general3A_499, %dot_general3A_503, %dot_general3A_507, %dot_general3A_511, %dot_general3A_515, %dot_general3A_519, %dot_general3A_523, %dot_general3A_527, %dot_general3A_531, %dot_general3A_535 in 0 : vector<64x128xf32>, vector<64x128xf32>, vector<64x128xf32>, vector<64x128xf32>, vector<64x128xf32>, vector<64x128xf32>, vector<64x128xf32>, vector<64x128xf32>, vector<64x128xf32>, vector<64x128xf32>, vector<64x128xf32>, vector<64x128xf32>, vector<64x128xf32>, vector<64x128xf32>, vector<64x128xf32>, vector<64x128xf32>, vector<64x128xf32>, vector<64x128xf32>, vector<64x128xf32>, vector<64x128xf32>, vector<64x128xf32>, vector<64x128xf32>, vector<64x128xf32>, vector<64x128xf32>, vector<64x128xf32>, vector<64x128xf32>, vector<64x128xf32>, vector<64x128xf32>, vector<64x128xf32>, vector<64x128xf32>, vector<64x128xf32>, vector<64x128xf32>, vector<64x128xf32>, vector<64x128xf32>, vector<64x128xf32>, vector<64x128xf32>, vector<64x128xf32>, vector<64x128xf32>, vector<64x128xf32>, vector<64x128xf32>, vector<64x128xf32>, vector<64x128xf32>, vector<64x128xf32>, vector<64x128xf32>, vector<64x128xf32>, vector<64x128xf32>, vector<64x128xf32>, vector<64x128xf32>, vector<64x128xf32>, vector<64x128xf32>, vector<64x128xf32>, vector<64x128xf32>, vector<64x128xf32>, vector<64x128xf32>, vector<64x128xf32>, vector<64x128xf32>, vector<64x128xf32>, vector<64x128xf32>, vector<64x128xf32>, vector<64x128xf32>, vector<64x128xf32>, vector<64x128xf32>, vector<64x128xf32>, vector<64x128xf32>, vector<64x128xf32>, vector<64x128xf32>, vector<64x128xf32>, vector<64x128xf32>, vector<64x128xf32>, vector<64x128xf32>, vector<64x128xf32>, vector<64x128xf32>, vector<64x128xf32>, vector<64x128xf32>, vector<64x128xf32>, vector<64x128xf32>, vector<64x128xf32>, vector<64x128xf32>, vector<64x128xf32>, vector<64x128xf32>, vector<64x128xf32>, vector<64x128xf32>, vector<64x128xf32>, vector<64x128xf32>, vector<64x128xf32>, vector<64x128xf32>, vector<64x128xf32>, vector<64x128xf32>, vector<64x128xf32>, vector<64x128xf32>, vector<64x128xf32>, vector<64x128xf32>, vector<64x128xf32>, vector<64x128xf32>, vector<64x128xf32>, vector<64x128xf32>, vector<64x128xf32>, vector<64x128xf32>, vector<64x128xf32>, vector<64x128xf32>, vector<64x128xf32>, vector<64x128xf32>, vector<64x128xf32>, vector<64x128xf32>, vector<64x128xf32>, vector<64x128xf32>, vector<64x128xf32>, vector<64x128xf32>, vector<64x128xf32>, vector<64x128xf32>, vector<64x128xf32>, vector<64x128xf32>, vector<64x128xf32>, vector<64x128xf32>, vector<64x128xf32>, vector<64x128xf32>, vector<64x128xf32>, vector<64x128xf32>, vector<64x128xf32>, vector<64x128xf32>, vector<64x128xf32>, vector<64x128xf32>, vector<64x128xf32>, vector<64x128xf32>, vector<64x128xf32>, vector<64x128xf32>, vector<64x128xf32>, vector<64x128xf32> -> vector<8192x128xf32>
    %get3A_536 = arith.constant 0 : index
    %get3A_537 = arith.constant 0 : index
    %get3A_538 = vector.load %arg5[%get3A_536, %get3A_537] : memref<128x128xf32, #tpu.memory_space<vmem>>, vector<128x128xf32>
    %dot_general3A_539 = arith.constant dense<0.000000e+00> : vector<8192x128xf32>
    %dot_general3A_540 = tpu.matmul %concatenate3A, %get3A_538, %dot_general3A_539 {dimension_numbers = #tpu.dot_dimension_numbers<[1], [0], [0], [1], [0, 0, 1, 1], [], []>, transpose_lhs_hint = false} : vector<8192x128xf32>, vector<128x128xf32>, vector<8192x128xf32> -> vector<8192x128xf32>
    %get3A_541 = arith.constant 0 : index
    %get3A_542 = arith.constant 0 : index
    %get3A_543 = vector.load %arg6[%get3A_541, %get3A_542] : memref<1x128xf32, #tpu.memory_space<vmem>>, vector<1x128xf32>
    %add3A_544 = vector.broadcast %get3A_543 : vector<1x128xf32> to vector<8192x128xf32>
    %add3A_545 = arith.addf %dot_general3A_540, %add3A_544 : vector<8192x128xf32>
    %tanh3A_546 = math.tanh %add3A_545 : vector<8192x128xf32>
    %reshape3A_547 = vector.shape_cast %tanh3A_546 : vector<8192x128xf32> to vector<128x64x128xf32>
    %get3A_548 = arith.constant 0 : index
    %get3A_549 = arith.constant 0 : index
    %get3A_550 = vector.load %arg7[%get3A_548, %get3A_549] : memref<64x128xf32, #tpu.memory_space<vmem>>, vector<64x128xf32>
    %broadcast_in_dim3A_551 = vector.shape_cast %get3A_550 : vector<64x128xf32> to vector<1x64x128xf32>
    %mul3A = vector.broadcast %broadcast_in_dim3A_551 : vector<1x64x128xf32> to vector<128x64x128xf32>
    %mul3A_552 = arith.mulf %reshape3A_547, %mul3A : vector<128x64x128xf32>
    %reduce_sum3A_553 = arith.constant dense<0.000000e+00> : vector<128x64xf32>
    %reduce_sum3A_554 = vector.multi_reduction <add>, %mul3A_552, %reduce_sum3A_553 [2] : vector<128x64x128xf32> to vector<128x64xf32>
    %exp3A_555 = math.exp %reduce_sum3A_554 : vector<128x64xf32>
    %reshape3A_556 = vector.shape_cast %concatenate3A : vector<8192x128xf32> to vector<128x64x128xf32>
    %slice3A_557 = vector.extract_strided_slice %exp3A_555 {offsets = [0, 0], sizes = [32, 64], strides = [1, 1]} : vector<128x64xf32> to vector<32x64xf32>
    %reduce_sum3A_558 = arith.constant dense<0.000000e+00> : vector<64xf32>
    %reduce_sum3A_559 = vector.multi_reduction <add>, %slice3A_557, %reduce_sum3A_558 [0] : vector<32x64xf32> to vector<64xf32>
    %broadcast_in_dim3A_560 = vector.shape_cast %reduce_sum3A_559 : vector<64xf32> to vector<1x64xf32>
    %div3A_561 = vector.broadcast %broadcast_in_dim3A_560 : vector<1x64xf32> to vector<32x64xf32>
    %div3A_562 = arith.divf %slice3A_557, %div3A_561 : vector<32x64xf32>
    %slice3A_563 = vector.extract_strided_slice %reshape3A_556 {offsets = [0, 0, 0], sizes = [32, 64, 128], strides = [1, 1, 1]} : vector<128x64x128xf32> to vector<32x64x128xf32>
    %broadcast_in_dim3A_564 = vector.shape_cast %div3A_562 : vector<32x64xf32> to vector<32x64x1xf32>
    %mul3A_565 = vector.broadcast %broadcast_in_dim3A_564 : vector<32x64x1xf32> to vector<32x64x128xf32>
    %mul3A_566 = arith.mulf %slice3A_563, %mul3A_565 : vector<32x64x128xf32>
    %reduce_sum3A_567 = arith.constant dense<0.000000e+00> : vector<64x128xf32>
    %reduce_sum3A_568 = vector.multi_reduction <add>, %mul3A_566, %reduce_sum3A_567 [0] : vector<32x64x128xf32> to vector<64x128xf32>
    %get3A_569 = arith.constant 0 : index
    %get3A_570 = arith.constant 0 : index
    %get3A_571 = vector.load %arg8[%get3A_569, %get3A_570] : memref<64x128xf32, #tpu.memory_space<vmem>>, vector<64x128xf32>
    %mul3A_572 = arith.mulf %reduce_sum3A_568, %get3A_571 : vector<64x128xf32>
    %reduce_sum3A_573 = arith.constant dense<0.000000e+00> : vector<64xf32>
    %reduce_sum3A_574 = vector.multi_reduction <add>, %mul3A_572, %reduce_sum3A_573 [1] : vector<64x128xf32> to vector<64xf32>
    %mul3A_575 = arith.constant 4 : i32
    %mul3A_576 = arith.muli %arg0, %mul3A_575 : i32
    %add3A_577 = arith.constant 8 : i32
    %add3A_578 = arith.addi %add3A_577, %mul3A_576 : i32
    %add3A_579 = arith.constant 0 : i32
    %add3A_580 = arith.addi %add3A_578, %add3A_579 : i32
    %slice3A_581 = vector.extract_strided_slice %reduce_sum3A_574 {offsets = [0], sizes = [50], strides = [1]} : vector<64xf32> to vector<50xf32>
    %broadcast_in_dim3A_582 = vector.shape_cast %slice3A_581 : vector<50xf32> to vector<1x50xf32>
    %get3A_583 = arith.constant 0 : index
    %get3A_584 = arith.constant 0 : index
    %get3A_585 = vector.load %arg9[%get3A_583, %get3A_584] : memref<1x50xf32, #tpu.memory_space<vmem>>, vector<1x50xf32>
    %add3A_586 = arith.addf %broadcast_in_dim3A_582, %get3A_585 : vector<1x50xf32>
    %swap3A_587 = arith.index_cast %add3A_580 : i32 to index
    %swap3A_588 = arith.constant 0 : index
    %swap3A_589 = vector.load %arg11[%swap3A_587, %swap3A_588] : memref<16x50xf32, #tpu.memory_space<vmem>>, vector<1x50xf32>
    tpu.vector_store %arg11[%swap3A_587, %swap3A_588], %add3A_586 {strides = array<i32>} : memref<16x50xf32, #tpu.memory_space<vmem>>, vector<1x50xf32>,
    %slice3A_590 = vector.extract_strided_slice %exp3A_555 {offsets = [32, 0], sizes = [32, 64], strides = [1, 1]} : vector<128x64xf32> to vector<32x64xf32>
    %reduce_sum3A_591 = arith.constant dense<0.000000e+00> : vector<64xf32>
    %reduce_sum3A_592 = vector.multi_reduction <add>, %slice3A_590, %reduce_sum3A_591 [0] : vector<32x64xf32> to vector<64xf32>
    %broadcast_in_dim3A_593 = vector.shape_cast %reduce_sum3A_592 : vector<64xf32> to vector<1x64xf32>
    %div3A_594 = vector.broadcast %broadcast_in_dim3A_593 : vector<1x64xf32> to vector<32x64xf32>
    %div3A_595 = arith.divf %slice3A_590, %div3A_594 : vector<32x64xf32>
    %slice3A_596 = vector.extract_strided_slice %reshape3A_556 {offsets = [32, 0, 0], sizes = [32, 64, 128], strides = [1, 1, 1]} : vector<128x64x128xf32> to vector<32x64x128xf32>
    %broadcast_in_dim3A_597 = vector.shape_cast %div3A_595 : vector<32x64xf32> to vector<32x64x1xf32>
    %mul3A_598 = vector.broadcast %broadcast_in_dim3A_597 : vector<32x64x1xf32> to vector<32x64x128xf32>
    %mul3A_599 = arith.mulf %slice3A_596, %mul3A_598 : vector<32x64x128xf32>
    %reduce_sum3A_600 = arith.constant dense<0.000000e+00> : vector<64x128xf32>
    %reduce_sum3A_601 = vector.multi_reduction <add>, %mul3A_599, %reduce_sum3A_600 [0] : vector<32x64x128xf32> to vector<64x128xf32>
    %get3A_602 = arith.constant 0 : index
    %get3A_603 = arith.constant 0 : index
    %get3A_604 = vector.load %arg8[%get3A_602, %get3A_603] : memref<64x128xf32, #tpu.memory_space<vmem>>, vector<64x128xf32>
    %mul3A_605 = arith.mulf %reduce_sum3A_601, %get3A_604 : vector<64x128xf32>
    %reduce_sum3A_606 = arith.constant dense<0.000000e+00> : vector<64xf32>
    %reduce_sum3A_607 = vector.multi_reduction <add>, %mul3A_605, %reduce_sum3A_606 [1] : vector<64x128xf32> to vector<64xf32>
    %mul3A_608 = arith.constant 4 : i32
    %mul3A_609 = arith.muli %arg0, %mul3A_608 : i32
    %add3A_610 = arith.constant 8 : i32
    %add3A_611 = arith.addi %add3A_610, %mul3A_609 : i32
    %add3A_612 = arith.constant 1 : i32
    %add3A_613 = arith.addi %add3A_611, %add3A_612 : i32
    %slice3A_614 = vector.extract_strided_slice %reduce_sum3A_607 {offsets = [0], sizes = [50], strides = [1]} : vector<64xf32> to vector<50xf32>
    %broadcast_in_dim3A_615 = vector.shape_cast %slice3A_614 : vector<50xf32> to vector<1x50xf32>
    %get3A_616 = arith.constant 0 : index
    %get3A_617 = arith.constant 0 : index
    %get3A_618 = vector.load %arg9[%get3A_616, %get3A_617] : memref<1x50xf32, #tpu.memory_space<vmem>>, vector<1x50xf32>
    %add3A_619 = arith.addf %broadcast_in_dim3A_615, %get3A_618 : vector<1x50xf32>
    %swap3A_620 = arith.index_cast %add3A_613 : i32 to index
    %swap3A_621 = arith.constant 0 : index
    %swap3A_622 = vector.load %arg11[%swap3A_620, %swap3A_621] : memref<16x50xf32, #tpu.memory_space<vmem>>, vector<1x50xf32>
    tpu.vector_store %arg11[%swap3A_620, %swap3A_621], %add3A_619 {strides = array<i32>} : memref<16x50xf32, #tpu.memory_space<vmem>>, vector<1x50xf32>,
    %slice3A_623 = vector.extract_strided_slice %exp3A_555 {offsets = [64, 0], sizes = [32, 64], strides = [1, 1]} : vector<128x64xf32> to vector<32x64xf32>
    %reduce_sum3A_624 = arith.constant dense<0.000000e+00> : vector<64xf32>
    %reduce_sum3A_625 = vector.multi_reduction <add>, %slice3A_623, %reduce_sum3A_624 [0] : vector<32x64xf32> to vector<64xf32>
    %broadcast_in_dim3A_626 = vector.shape_cast %reduce_sum3A_625 : vector<64xf32> to vector<1x64xf32>
    %div3A_627 = vector.broadcast %broadcast_in_dim3A_626 : vector<1x64xf32> to vector<32x64xf32>
    %div3A_628 = arith.divf %slice3A_623, %div3A_627 : vector<32x64xf32>
    %slice3A_629 = vector.extract_strided_slice %reshape3A_556 {offsets = [64, 0, 0], sizes = [32, 64, 128], strides = [1, 1, 1]} : vector<128x64x128xf32> to vector<32x64x128xf32>
    %broadcast_in_dim3A_630 = vector.shape_cast %div3A_628 : vector<32x64xf32> to vector<32x64x1xf32>
    %mul3A_631 = vector.broadcast %broadcast_in_dim3A_630 : vector<32x64x1xf32> to vector<32x64x128xf32>
    %mul3A_632 = arith.mulf %slice3A_629, %mul3A_631 : vector<32x64x128xf32>
    %reduce_sum3A_633 = arith.constant dense<0.000000e+00> : vector<64x128xf32>
    %reduce_sum3A_634 = vector.multi_reduction <add>, %mul3A_632, %reduce_sum3A_633 [0] : vector<32x64x128xf32> to vector<64x128xf32>
    %get3A_635 = arith.constant 0 : index
    %get3A_636 = arith.constant 0 : index
    %get3A_637 = vector.load %arg8[%get3A_635, %get3A_636] : memref<64x128xf32, #tpu.memory_space<vmem>>, vector<64x128xf32>
    %mul3A_638 = arith.mulf %reduce_sum3A_634, %get3A_637 : vector<64x128xf32>
    %reduce_sum3A_639 = arith.constant dense<0.000000e+00> : vector<64xf32>
    %reduce_sum3A_640 = vector.multi_reduction <add>, %mul3A_638, %reduce_sum3A_639 [1] : vector<64x128xf32> to vector<64xf32>
    %mul3A_641 = arith.constant 4 : i32
    %mul3A_642 = arith.muli %arg0, %mul3A_641 : i32
    %add3A_643 = arith.constant 8 : i32
    %add3A_644 = arith.addi %add3A_643, %mul3A_642 : i32
    %add3A_645 = arith.constant 2 : i32
    %add3A_646 = arith.addi %add3A_644, %add3A_645 : i32
    %slice3A_647 = vector.extract_strided_slice %reduce_sum3A_640 {offsets = [0], sizes = [50], strides = [1]} : vector<64xf32> to vector<50xf32>
    %broadcast_in_dim3A_648 = vector.shape_cast %slice3A_647 : vector<50xf32> to vector<1x50xf32>
    %get3A_649 = arith.constant 0 : index
    %get3A_650 = arith.constant 0 : index
    %get3A_651 = vector.load %arg9[%get3A_649, %get3A_650] : memref<1x50xf32, #tpu.memory_space<vmem>>, vector<1x50xf32>
    %add3A_652 = arith.addf %broadcast_in_dim3A_648, %get3A_651 : vector<1x50xf32>
    %swap3A_653 = arith.index_cast %add3A_646 : i32 to index
    %swap3A_654 = arith.constant 0 : index
    %swap3A_655 = vector.load %arg11[%swap3A_653, %swap3A_654] : memref<16x50xf32, #tpu.memory_space<vmem>>, vector<1x50xf32>
    tpu.vector_store %arg11[%swap3A_653, %swap3A_654], %add3A_652 {strides = array<i32>} : memref<16x50xf32, #tpu.memory_space<vmem>>, vector<1x50xf32>,
    %slice3A_656 = vector.extract_strided_slice %exp3A_555 {offsets = [96, 0], sizes = [32, 64], strides = [1, 1]} : vector<128x64xf32> to vector<32x64xf32>
    %reduce_sum3A_657 = arith.constant dense<0.000000e+00> : vector<64xf32>
    %reduce_sum3A_658 = vector.multi_reduction <add>, %slice3A_656, %reduce_sum3A_657 [0] : vector<32x64xf32> to vector<64xf32>
    %broadcast_in_dim3A_659 = vector.shape_cast %reduce_sum3A_658 : vector<64xf32> to vector<1x64xf32>
    %div3A_660 = vector.broadcast %broadcast_in_dim3A_659 : vector<1x64xf32> to vector<32x64xf32>
    %div3A_661 = arith.divf %slice3A_656, %div3A_660 : vector<32x64xf32>
    %slice3A_662 = vector.extract_strided_slice %reshape3A_556 {offsets = [96, 0, 0], sizes = [32, 64, 128], strides = [1, 1, 1]} : vector<128x64x128xf32> to vector<32x64x128xf32>
    %broadcast_in_dim3A_663 = vector.shape_cast %div3A_661 : vector<32x64xf32> to vector<32x64x1xf32>
    %mul3A_664 = vector.broadcast %broadcast_in_dim3A_663 : vector<32x64x1xf32> to vector<32x64x128xf32>
    %mul3A_665 = arith.mulf %slice3A_662, %mul3A_664 : vector<32x64x128xf32>
    %reduce_sum3A_666 = arith.constant dense<0.000000e+00> : vector<64x128xf32>
    %reduce_sum3A_667 = vector.multi_reduction <add>, %mul3A_665, %reduce_sum3A_666 [0] : vector<32x64x128xf32> to vector<64x128xf32>
    %get3A_668 = arith.constant 0 : index
    %get3A_669 = arith.constant 0 : index
    %get3A_670 = vector.load %arg8[%get3A_668, %get3A_669] : memref<64x128xf32, #tpu.memory_space<vmem>>, vector<64x128xf32>
    %mul3A_671 = arith.mulf %reduce_sum3A_667, %get3A_670 : vector<64x128xf32>
    %reduce_sum3A_672 = arith.constant dense<0.000000e+00> : vector<64xf32>
    %reduce_sum3A_673 = vector.multi_reduction <add>, %mul3A_671, %reduce_sum3A_672 [1] : vector<64x128xf32> to vector<64xf32>
    %mul3A_674 = arith.constant 4 : i32
    %mul3A_675 = arith.muli %arg0, %mul3A_674 : i32
    %add3A_676 = arith.constant 8 : i32
    %add3A_677 = arith.addi %add3A_676, %mul3A_675 : i32
    %add3A_678 = arith.constant 3 : i32
    %add3A_679 = arith.addi %add3A_677, %add3A_678 : i32
    %slice3A_680 = vector.extract_strided_slice %reduce_sum3A_673 {offsets = [0], sizes = [50], strides = [1]} : vector<64xf32> to vector<50xf32>
    %broadcast_in_dim3A_681 = vector.shape_cast %slice3A_680 : vector<50xf32> to vector<1x50xf32>
    %get3A_682 = arith.constant 0 : index
    %get3A_683 = arith.constant 0 : index
    %get3A_684 = vector.load %arg9[%get3A_682, %get3A_683] : memref<1x50xf32, #tpu.memory_space<vmem>>, vector<1x50xf32>
    %add3A_685 = arith.addf %broadcast_in_dim3A_681, %get3A_684 : vector<1x50xf32>
    %swap3A_686 = arith.index_cast %add3A_679 : i32 to index
    %swap3A_687 = arith.constant 0 : index
    %swap3A_688 = vector.load %arg11[%swap3A_686, %swap3A_687] : memref<16x50xf32, #tpu.memory_space<vmem>>, vector<1x50xf32>
    tpu.vector_store %arg11[%swap3A_686, %swap3A_687], %add3A_685 {strides = array<i32>} : memref<16x50xf32, #tpu.memory_space<vmem>>, vector<1x50xf32>,
    return
  }
  func.func @transform_0(%arg0: i32) -> (i32, i32, i32) {
    %c0_i32 = arith.constant 0 : i32
    %c0_i32_0 = arith.constant 0 : i32
    %c0_i32_1 = arith.constant 0 : i32
    return %arg0, %c0_i32, %c0_i32_0 : i32, i32, i32
  }
  func.func @transform_1(%arg0: i32) -> (i32, i32) {
    %c0_i32 = arith.constant 0 : i32
    %c0_i32_0 = arith.constant 0 : i32
    %c0_i32_1 = arith.constant 0 : i32
    return %c0_i32, %c0_i32_0 : i32, i32
  }
  func.func @transform_2(%arg0: i32) -> (i32, i32) {
    %c0_i32 = arith.constant 0 : i32
    %c0_i32_0 = arith.constant 0 : i32
    %c0_i32_1 = arith.constant 0 : i32
    return %c0_i32, %c0_i32_0 : i32, i32
  }
  func.func @transform_3(%arg0: i32) -> (i32, i32) {
    %c0_i32 = arith.constant 0 : i32
    %c0_i32_0 = arith.constant 0 : i32
    %c0_i32_1 = arith.constant 0 : i32
    return %c0_i32, %c0_i32_0 : i32, i32
  }
  func.func @transform_4(%arg0: i32) -> (i32, i32) {
    %c0_i32 = arith.constant 0 : i32
    %c0_i32_0 = arith.constant 0 : i32
    %c0_i32_1 = arith.constant 0 : i32
    return %c0_i32, %c0_i32_0 : i32, i32
  }
  func.func @transform_5(%arg0: i32) -> (i32, i32) {
    %c0_i32 = arith.constant 0 : i32
    %c0_i32_0 = arith.constant 0 : i32
    %c0_i32_1 = arith.constant 0 : i32
    return %c0_i32, %c0_i32_0 : i32, i32
  }
  func.func @transform_6(%arg0: i32) -> (i32, i32) {
    %c0_i32 = arith.constant 0 : i32
    %c0_i32_0 = arith.constant 0 : i32
    %c0_i32_1 = arith.constant 0 : i32
    return %c0_i32, %c0_i32_0 : i32, i32
  }
  func.func @transform_7(%arg0: i32) -> (i32, i32) {
    %c0_i32 = arith.constant 0 : i32
    %c0_i32_0 = arith.constant 0 : i32
    %c0_i32_1 = arith.constant 0 : i32
    return %c0_i32, %c0_i32_0 : i32, i32
  }
  func.func @transform_8(%arg0: i32) -> (i32, i32) {
    %c0_i32 = arith.constant 0 : i32
    %c0_i32_0 = arith.constant 0 : i32
    %c0_i32_1 = arith.constant 0 : i32
    return %c0_i32, %c0_i32_0 : i32, i32
  }
  func.func @transform_9(%arg0: i32) -> (i32, i32) {
    %c0_i32 = arith.constant 0 : i32
    %c0_i32_0 = arith.constant 0 : i32
    %c0_i32_1 = arith.constant 0 : i32
    return %c0_i32, %c0_i32_0 : i32, i32
  }
  func.func @transform_10(%arg0: i32) -> (i32, i32) {
    %c0_i32 = arith.constant 0 : i32
    %c0_i32_0 = arith.constant 0 : i32
    %c0_i32_1 = arith.constant 0 : i32
    return %c0_i32, %c0_i32_0 : i32, i32
  }
}

module attributes {stable_mosaic.version = 14 : i64} {
  func.func @_dense_body(%arg0: i32, %arg1: memref<4x2048x128xf32, #tpu.memory_space<vmem>>, %arg2: memref<128x128xf32, #tpu.memory_space<vmem>>, %arg3: memref<1x128xf32, #tpu.memory_space<vmem>>, %arg4: memref<128x64xf32, #tpu.memory_space<vmem>>, %arg5: memref<128x128xf32, #tpu.memory_space<vmem>>, %arg6: memref<1x128xf32, #tpu.memory_space<vmem>>, %arg7: memref<64x128xf32, #tpu.memory_space<vmem>>, %arg8: memref<64x128xf32, #tpu.memory_space<vmem>>, %arg9: memref<1x50xf32, #tpu.memory_space<vmem>>, %arg10: memref<8x50xf32, #tpu.memory_space<vmem>>) attributes {dimension_semantics = [#tpu.dimension_semantics<arbitrary>], iteration_bounds = array<i64: 2>, scalar_prefetch = 0 : i64, scratch_operands = 0 : i64, tpu.core_type = #tpu.core_type<tc>, window_params = [{transform_indices = @transform_0, window_bounds = array<i64: 4, 2048, 128>}, {pipeline_mode = #tpu.pipeline_mode<synchronous>, transform_indices = @transform_1, window_bounds = array<i64: 128, 128>}, {pipeline_mode = #tpu.pipeline_mode<synchronous>, transform_indices = @transform_2, window_bounds = array<i64: 1, 128>}, {pipeline_mode = #tpu.pipeline_mode<synchronous>, transform_indices = @transform_3, window_bounds = array<i64: 128, 64>}, {pipeline_mode = #tpu.pipeline_mode<synchronous>, transform_indices = @transform_4, window_bounds = array<i64: 128, 128>}, {pipeline_mode = #tpu.pipeline_mode<synchronous>, transform_indices = @transform_5, window_bounds = array<i64: 1, 128>}, {pipeline_mode = #tpu.pipeline_mode<synchronous>, transform_indices = @transform_6, window_bounds = array<i64: 64, 128>}, {pipeline_mode = #tpu.pipeline_mode<synchronous>, transform_indices = @transform_7, window_bounds = array<i64: 64, 128>}, {pipeline_mode = #tpu.pipeline_mode<synchronous>, transform_indices = @transform_8, window_bounds = array<i64: 1, 50>}, {pipeline_mode = #tpu.pipeline_mode<synchronous>, transform_indices = @transform_9, window_bounds = array<i64: 8, 50>}]} {
    %get3A = arith.constant 0 : index
    %get3A_0 = arith.constant 0 : index
    %get3A_1 = arith.constant 0 : index
    %get3A_2 = vector.load %arg1[%get3A, %get3A_0, %get3A_1] : memref<4x2048x128xf32, #tpu.memory_space<vmem>>, vector<4x2048x128xf32>
    %reshape3A = vector.shape_cast %get3A_2 : vector<4x2048x128xf32> to vector<8192x128xf32>
    %get3A_3 = arith.constant 0 : index
    %get3A_4 = arith.constant 0 : index
    %get3A_5 = vector.load %arg2[%get3A_3, %get3A_4] : memref<128x128xf32, #tpu.memory_space<vmem>>, vector<128x128xf32>
    %dot_general3A = arith.constant dense<0.000000e+00> : vector<8192x128xf32>
    %dot_general3A_6 = tpu.matmul %reshape3A, %get3A_5, %dot_general3A {dimension_numbers = #tpu.dot_dimension_numbers<[1], [0], [0], [1], [0, 0, 1, 1], [], []>, transpose_lhs_hint = false} : vector<8192x128xf32>, vector<128x128xf32>, vector<8192x128xf32> -> vector<8192x128xf32>
    %get3A_7 = arith.constant 0 : index
    %get3A_8 = arith.constant 0 : index
    %get3A_9 = vector.load %arg3[%get3A_7, %get3A_8] : memref<1x128xf32, #tpu.memory_space<vmem>>, vector<1x128xf32>
    %add3A = vector.broadcast %get3A_9 : vector<1x128xf32> to vector<8192x128xf32>
    %add3A_10 = arith.addf %dot_general3A_6, %add3A : vector<8192x128xf32>
    %tanh3A = math.tanh %add3A_10 : vector<8192x128xf32>
    %get3A_11 = arith.constant 0 : index
    %get3A_12 = arith.constant 0 : index
    %get3A_13 = vector.load %arg4[%get3A_11, %get3A_12] : memref<128x64xf32, #tpu.memory_space<vmem>>, vector<128x64xf32>
    %dot_general3A_14 = arith.constant dense<0.000000e+00> : vector<8192x64xf32>
    %dot_general3A_15 = tpu.matmul %tanh3A, %get3A_13, %dot_general3A_14 {dimension_numbers = #tpu.dot_dimension_numbers<[1], [0], [0], [1], [0, 0, 1, 1], [], []>, transpose_lhs_hint = false} : vector<8192x128xf32>, vector<128x64xf32>, vector<8192x64xf32> -> vector<8192x64xf32>
    %reshape3A_16 = vector.shape_cast %dot_general3A_15 : vector<8192x64xf32> to vector<128x64x64xf32>
    %exp3A = math.exp %reshape3A_16 : vector<128x64x64xf32>
    %reduce_sum3A = arith.constant dense<0.000000e+00> : vector<128x64xf32>
    %reduce_sum3A_17 = vector.multi_reduction <add>, %exp3A, %reduce_sum3A [1] : vector<128x64x64xf32> to vector<128x64xf32>
    %broadcast_in_dim3A = vector.shape_cast %reduce_sum3A_17 : vector<128x64xf32> to vector<128x1x64xf32>
    %div3A = vector.broadcast %broadcast_in_dim3A : vector<128x1x64xf32> to vector<128x64x64xf32>
    %div3A_18 = arith.divf %exp3A, %div3A : vector<128x64x64xf32>
    %reshape3A_19 = vector.shape_cast %div3A_18 : vector<128x64x64xf32> to vector<8192x64xf32>
    %slice3A = vector.extract_strided_slice %reshape3A_19 {offsets = [0, 0], sizes = [64, 64], strides = [1, 1]} : vector<8192x64xf32> to vector<64x64xf32>
    %slice3A_20 = vector.extract_strided_slice %add3A_10 {offsets = [0, 0], sizes = [64, 128], strides = [1, 1]} : vector<8192x128xf32> to vector<64x128xf32>
    %dot_general3A_21 = arith.constant dense<0.000000e+00> : vector<64x128xf32>
    %dot_general3A_22 = tpu.matmul %slice3A, %slice3A_20, %dot_general3A_21 {dimension_numbers = #tpu.dot_dimension_numbers<[0], [0], [1], [1], [0, 1, 1, 1], [], []>, transpose_lhs_hint = false} : vector<64x64xf32>, vector<64x128xf32>, vector<64x128xf32> -> vector<64x128xf32>
    %slice3A_23 = vector.extract_strided_slice %reshape3A_19 {offsets = [64, 0], sizes = [64, 64], strides = [1, 1]} : vector<8192x64xf32> to vector<64x64xf32>
    %slice3A_24 = vector.extract_strided_slice %add3A_10 {offsets = [64, 0], sizes = [64, 128], strides = [1, 1]} : vector<8192x128xf32> to vector<64x128xf32>
    %dot_general3A_25 = arith.constant dense<0.000000e+00> : vector<64x128xf32>
    %dot_general3A_26 = tpu.matmul %slice3A_23, %slice3A_24, %dot_general3A_25 {dimension_numbers = #tpu.dot_dimension_numbers<[0], [0], [1], [1], [0, 1, 1, 1], [], []>, transpose_lhs_hint = false} : vector<64x64xf32>, vector<64x128xf32>, vector<64x128xf32> -> vector<64x128xf32>
    %slice3A_27 = vector.extract_strided_slice %reshape3A_19 {offsets = [128, 0], sizes = [64, 64], strides = [1, 1]} : vector<8192x64xf32> to vector<64x64xf32>
    %slice3A_28 = vector.extract_strided_slice %add3A_10 {offsets = [128, 0], sizes = [64, 128], strides = [1, 1]} : vector<8192x128xf32> to vector<64x128xf32>
    %dot_general3A_29 = arith.constant dense<0.000000e+00> : vector<64x128xf32>
    %dot_general3A_30 = tpu.matmul %slice3A_27, %slice3A_28, %dot_general3A_29 {dimension_numbers = #tpu.dot_dimension_numbers<[0], [0], [1], [1], [0, 1, 1, 1], [], []>, transpose_lhs_hint = false} : vector<64x64xf32>, vector<64x128xf32>, vector<64x128xf32> -> vector<64x128xf32>
    %slice3A_31 = vector.extract_strided_slice %reshape3A_19 {offsets = [192, 0], sizes = [64, 64], strides = [1, 1]} : vector<8192x64xf32> to vector<64x64xf32>
    %slice3A_32 = vector.extract_strided_slice %add3A_10 {offsets = [192, 0], sizes = [64, 128], strides = [1, 1]} : vector<8192x128xf32> to vector<64x128xf32>
    %dot_general3A_33 = arith.constant dense<0.000000e+00> : vector<64x128xf32>
    %dot_general3A_34 = tpu.matmul %slice3A_31, %slice3A_32, %dot_general3A_33 {dimension_numbers = #tpu.dot_dimension_numbers<[0], [0], [1], [1], [0, 1, 1, 1], [], []>, transpose_lhs_hint = false} : vector<64x64xf32>, vector<64x128xf32>, vector<64x128xf32> -> vector<64x128xf32>
    %slice3A_35 = vector.extract_strided_slice %reshape3A_19 {offsets = [256, 0], sizes = [64, 64], strides = [1, 1]} : vector<8192x64xf32> to vector<64x64xf32>
    %slice3A_36 = vector.extract_strided_slice %add3A_10 {offsets = [256, 0], sizes = [64, 128], strides = [1, 1]} : vector<8192x128xf32> to vector<64x128xf32>
    %dot_general3A_37 = arith.constant dense<0.000000e+00> : vector<64x128xf32>
    %dot_general3A_38 = tpu.matmul %slice3A_35, %slice3A_36, %dot_general3A_37 {dimension_numbers = #tpu.dot_dimension_numbers<[0], [0], [1], [1], [0, 1, 1, 1], [], []>, transpose_lhs_hint = false} : vector<64x64xf32>, vector<64x128xf32>, vector<64x128xf32> -> vector<64x128xf32>
    %slice3A_39 = vector.extract_strided_slice %reshape3A_19 {offsets = [320, 0], sizes = [64, 64], strides = [1, 1]} : vector<8192x64xf32> to vector<64x64xf32>
    %slice3A_40 = vector.extract_strided_slice %add3A_10 {offsets = [320, 0], sizes = [64, 128], strides = [1, 1]} : vector<8192x128xf32> to vector<64x128xf32>
    %dot_general3A_41 = arith.constant dense<0.000000e+00> : vector<64x128xf32>
    %dot_general3A_42 = tpu.matmul %slice3A_39, %slice3A_40, %dot_general3A_41 {dimension_numbers = #tpu.dot_dimension_numbers<[0], [0], [1], [1], [0, 1, 1, 1], [], []>, transpose_lhs_hint = false} : vector<64x64xf32>, vector<64x128xf32>, vector<64x128xf32> -> vector<64x128xf32>
    %slice3A_43 = vector.extract_strided_slice %reshape3A_19 {offsets = [384, 0], sizes = [64, 64], strides = [1, 1]} : vector<8192x64xf32> to vector<64x64xf32>
    %slice3A_44 = vector.extract_strided_slice %add3A_10 {offsets = [384, 0], sizes = [64, 128], strides = [1, 1]} : vector<8192x128xf32> to vector<64x128xf32>
    %dot_general3A_45 = arith.constant dense<0.000000e+00> : vector<64x128xf32>
    %dot_general3A_46 = tpu.matmul %slice3A_43, %slice3A_44, %dot_general3A_45 {dimension_numbers = #tpu.dot_dimension_numbers<[0], [0], [1], [1], [0, 1, 1, 1], [], []>, transpose_lhs_hint = false} : vector<64x64xf32>, vector<64x128xf32>, vector<64x128xf32> -> vector<64x128xf32>
    %slice3A_47 = vector.extract_strided_slice %reshape3A_19 {offsets = [448, 0], sizes = [64, 64], strides = [1, 1]} : vector<8192x64xf32> to vector<64x64xf32>
    %slice3A_48 = vector.extract_strided_slice %add3A_10 {offsets = [448, 0], sizes = [64, 128], strides = [1, 1]} : vector<8192x128xf32> to vector<64x128xf32>
    %dot_general3A_49 = arith.constant dense<0.000000e+00> : vector<64x128xf32>
    %dot_general3A_50 = tpu.matmul %slice3A_47, %slice3A_48, %dot_general3A_49 {dimension_numbers = #tpu.dot_dimension_numbers<[0], [0], [1], [1], [0, 1, 1, 1], [], []>, transpose_lhs_hint = false} : vector<64x64xf32>, vector<64x128xf32>, vector<64x128xf32> -> vector<64x128xf32>
    %slice3A_51 = vector.extract_strided_slice %reshape3A_19 {offsets = [512, 0], sizes = [64, 64], strides = [1, 1]} : vector<8192x64xf32> to vector<64x64xf32>
    %slice3A_52 = vector.extract_strided_slice %add3A_10 {offsets = [512, 0], sizes = [64, 128], strides = [1, 1]} : vector<8192x128xf32> to vector<64x128xf32>
    %dot_general3A_53 = arith.constant dense<0.000000e+00> : vector<64x128xf32>
    %dot_general3A_54 = tpu.matmul %slice3A_51, %slice3A_52, %dot_general3A_53 {dimension_numbers = #tpu.dot_dimension_numbers<[0], [0], [1], [1], [0, 1, 1, 1], [], []>, transpose_lhs_hint = false} : vector<64x64xf32>, vector<64x128xf32>, vector<64x128xf32> -> vector<64x128xf32>
    %slice3A_55 = vector.extract_strided_slice %reshape3A_19 {offsets = [576, 0], sizes = [64, 64], strides = [1, 1]} : vector<8192x64xf32> to vector<64x64xf32>
    %slice3A_56 = vector.extract_strided_slice %add3A_10 {offsets = [576, 0], sizes = [64, 128], strides = [1, 1]} : vector<8192x128xf32> to vector<64x128xf32>
    %dot_general3A_57 = arith.constant dense<0.000000e+00> : vector<64x128xf32>
    %dot_general3A_58 = tpu.matmul %slice3A_55, %slice3A_56, %dot_general3A_57 {dimension_numbers = #tpu.dot_dimension_numbers<[0], [0], [1], [1], [0, 1, 1, 1], [], []>, transpose_lhs_hint = false} : vector<64x64xf32>, vector<64x128xf32>, vector<64x128xf32> -> vector<64x128xf32>
    %slice3A_59 = vector.extract_strided_slice %reshape3A_19 {offsets = [640, 0], sizes = [64, 64], strides = [1, 1]} : vector<8192x64xf32> to vector<64x64xf32>
    %slice3A_60 = vector.extract_strided_slice %add3A_10 {offsets = [640, 0], sizes = [64, 128], strides = [1, 1]} : vector<8192x128xf32> to vector<64x128xf32>
    %dot_general3A_61 = arith.constant dense<0.000000e+00> : vector<64x128xf32>
    %dot_general3A_62 = tpu.matmul %slice3A_59, %slice3A_60, %dot_general3A_61 {dimension_numbers = #tpu.dot_dimension_numbers<[0], [0], [1], [1], [0, 1, 1, 1], [], []>, transpose_lhs_hint = false} : vector<64x64xf32>, vector<64x128xf32>, vector<64x128xf32> -> vector<64x128xf32>
    %slice3A_63 = vector.extract_strided_slice %reshape3A_19 {offsets = [704, 0], sizes = [64, 64], strides = [1, 1]} : vector<8192x64xf32> to vector<64x64xf32>
    %slice3A_64 = vector.extract_strided_slice %add3A_10 {offsets = [704, 0], sizes = [64, 128], strides = [1, 1]} : vector<8192x128xf32> to vector<64x128xf32>
    %dot_general3A_65 = arith.constant dense<0.000000e+00> : vector<64x128xf32>
    %dot_general3A_66 = tpu.matmul %slice3A_63, %slice3A_64, %dot_general3A_65 {dimension_numbers = #tpu.dot_dimension_numbers<[0], [0], [1], [1], [0, 1, 1, 1], [], []>, transpose_lhs_hint = false} : vector<64x64xf32>, vector<64x128xf32>, vector<64x128xf32> -> vector<64x128xf32>
    %slice3A_67 = vector.extract_strided_slice %reshape3A_19 {offsets = [768, 0], sizes = [64, 64], strides = [1, 1]} : vector<8192x64xf32> to vector<64x64xf32>
    %slice3A_68 = vector.extract_strided_slice %add3A_10 {offsets = [768, 0], sizes = [64, 128], strides = [1, 1]} : vector<8192x128xf32> to vector<64x128xf32>
    %dot_general3A_69 = arith.constant dense<0.000000e+00> : vector<64x128xf32>
    %dot_general3A_70 = tpu.matmul %slice3A_67, %slice3A_68, %dot_general3A_69 {dimension_numbers = #tpu.dot_dimension_numbers<[0], [0], [1], [1], [0, 1, 1, 1], [], []>, transpose_lhs_hint = false} : vector<64x64xf32>, vector<64x128xf32>, vector<64x128xf32> -> vector<64x128xf32>
    %slice3A_71 = vector.extract_strided_slice %reshape3A_19 {offsets = [832, 0], sizes = [64, 64], strides = [1, 1]} : vector<8192x64xf32> to vector<64x64xf32>
    %slice3A_72 = vector.extract_strided_slice %add3A_10 {offsets = [832, 0], sizes = [64, 128], strides = [1, 1]} : vector<8192x128xf32> to vector<64x128xf32>
    %dot_general3A_73 = arith.constant dense<0.000000e+00> : vector<64x128xf32>
    %dot_general3A_74 = tpu.matmul %slice3A_71, %slice3A_72, %dot_general3A_73 {dimension_numbers = #tpu.dot_dimension_numbers<[0], [0], [1], [1], [0, 1, 1, 1], [], []>, transpose_lhs_hint = false} : vector<64x64xf32>, vector<64x128xf32>, vector<64x128xf32> -> vector<64x128xf32>
    %slice3A_75 = vector.extract_strided_slice %reshape3A_19 {offsets = [896, 0], sizes = [64, 64], strides = [1, 1]} : vector<8192x64xf32> to vector<64x64xf32>
    %slice3A_76 = vector.extract_strided_slice %add3A_10 {offsets = [896, 0], sizes = [64, 128], strides = [1, 1]} : vector<8192x128xf32> to vector<64x128xf32>
    %dot_general3A_77 = arith.constant dense<0.000000e+00> : vector<64x128xf32>
    %dot_general3A_78 = tpu.matmul %slice3A_75, %slice3A_76, %dot_general3A_77 {dimension_numbers = #tpu.dot_dimension_numbers<[0], [0], [1], [1], [0, 1, 1, 1], [], []>, transpose_lhs_hint = false} : vector<64x64xf32>, vector<64x128xf32>, vector<64x128xf32> -> vector<64x128xf32>
    %slice3A_79 = vector.extract_strided_slice %reshape3A_19 {offsets = [960, 0], sizes = [64, 64], strides = [1, 1]} : vector<8192x64xf32> to vector<64x64xf32>
    %slice3A_80 = vector.extract_strided_slice %add3A_10 {offsets = [960, 0], sizes = [64, 128], strides = [1, 1]} : vector<8192x128xf32> to vector<64x128xf32>
    %dot_general3A_81 = arith.constant dense<0.000000e+00> : vector<64x128xf32>
    %dot_general3A_82 = tpu.matmul %slice3A_79, %slice3A_80, %dot_general3A_81 {dimension_numbers = #tpu.dot_dimension_numbers<[0], [0], [1], [1], [0, 1, 1, 1], [], []>, transpose_lhs_hint = false} : vector<64x64xf32>, vector<64x128xf32>, vector<64x128xf32> -> vector<64x128xf32>
    %slice3A_83 = vector.extract_strided_slice %reshape3A_19 {offsets = [1024, 0], sizes = [64, 64], strides = [1, 1]} : vector<8192x64xf32> to vector<64x64xf32>
    %slice3A_84 = vector.extract_strided_slice %add3A_10 {offsets = [1024, 0], sizes = [64, 128], strides = [1, 1]} : vector<8192x128xf32> to vector<64x128xf32>
    %dot_general3A_85 = arith.constant dense<0.000000e+00> : vector<64x128xf32>
    %dot_general3A_86 = tpu.matmul %slice3A_83, %slice3A_84, %dot_general3A_85 {dimension_numbers = #tpu.dot_dimension_numbers<[0], [0], [1], [1], [0, 1, 1, 1], [], []>, transpose_lhs_hint = false} : vector<64x64xf32>, vector<64x128xf32>, vector<64x128xf32> -> vector<64x128xf32>
    %slice3A_87 = vector.extract_strided_slice %reshape3A_19 {offsets = [1088, 0], sizes = [64, 64], strides = [1, 1]} : vector<8192x64xf32> to vector<64x64xf32>
    %slice3A_88 = vector.extract_strided_slice %add3A_10 {offsets = [1088, 0], sizes = [64, 128], strides = [1, 1]} : vector<8192x128xf32> to vector<64x128xf32>
    %dot_general3A_89 = arith.constant dense<0.000000e+00> : vector<64x128xf32>
    %dot_general3A_90 = tpu.matmul %slice3A_87, %slice3A_88, %dot_general3A_89 {dimension_numbers = #tpu.dot_dimension_numbers<[0], [0], [1], [1], [0, 1, 1, 1], [], []>, transpose_lhs_hint = false} : vector<64x64xf32>, vector<64x128xf32>, vector<64x128xf32> -> vector<64x128xf32>
    %slice3A_91 = vector.extract_strided_slice %reshape3A_19 {offsets = [1152, 0], sizes = [64, 64], strides = [1, 1]} : vector<8192x64xf32> to vector<64x64xf32>
    %slice3A_92 = vector.extract_strided_slice %add3A_10 {offsets = [1152, 0], sizes = [64, 128], strides = [1, 1]} : vector<8192x128xf32> to vector<64x128xf32>
    %dot_general3A_93 = arith.constant dense<0.000000e+00> : vector<64x128xf32>
    %dot_general3A_94 = tpu.matmul %slice3A_91, %slice3A_92, %dot_general3A_93 {dimension_numbers = #tpu.dot_dimension_numbers<[0], [0], [1], [1], [0, 1, 1, 1], [], []>, transpose_lhs_hint = false} : vector<64x64xf32>, vector<64x128xf32>, vector<64x128xf32> -> vector<64x128xf32>
    %slice3A_95 = vector.extract_strided_slice %reshape3A_19 {offsets = [1216, 0], sizes = [64, 64], strides = [1, 1]} : vector<8192x64xf32> to vector<64x64xf32>
    %slice3A_96 = vector.extract_strided_slice %add3A_10 {offsets = [1216, 0], sizes = [64, 128], strides = [1, 1]} : vector<8192x128xf32> to vector<64x128xf32>
    %dot_general3A_97 = arith.constant dense<0.000000e+00> : vector<64x128xf32>
    %dot_general3A_98 = tpu.matmul %slice3A_95, %slice3A_96, %dot_general3A_97 {dimension_numbers = #tpu.dot_dimension_numbers<[0], [0], [1], [1], [0, 1, 1, 1], [], []>, transpose_lhs_hint = false} : vector<64x64xf32>, vector<64x128xf32>, vector<64x128xf32> -> vector<64x128xf32>
    %slice3A_99 = vector.extract_strided_slice %reshape3A_19 {offsets = [1280, 0], sizes = [64, 64], strides = [1, 1]} : vector<8192x64xf32> to vector<64x64xf32>
    %slice3A_100 = vector.extract_strided_slice %add3A_10 {offsets = [1280, 0], sizes = [64, 128], strides = [1, 1]} : vector<8192x128xf32> to vector<64x128xf32>
    %dot_general3A_101 = arith.constant dense<0.000000e+00> : vector<64x128xf32>
    %dot_general3A_102 = tpu.matmul %slice3A_99, %slice3A_100, %dot_general3A_101 {dimension_numbers = #tpu.dot_dimension_numbers<[0], [0], [1], [1], [0, 1, 1, 1], [], []>, transpose_lhs_hint = false} : vector<64x64xf32>, vector<64x128xf32>, vector<64x128xf32> -> vector<64x128xf32>
    %slice3A_103 = vector.extract_strided_slice %reshape3A_19 {offsets = [1344, 0], sizes = [64, 64], strides = [1, 1]} : vector<8192x64xf32> to vector<64x64xf32>
    %slice3A_104 = vector.extract_strided_slice %add3A_10 {offsets = [1344, 0], sizes = [64, 128], strides = [1, 1]} : vector<8192x128xf32> to vector<64x128xf32>
    %dot_general3A_105 = arith.constant dense<0.000000e+00> : vector<64x128xf32>
    %dot_general3A_106 = tpu.matmul %slice3A_103, %slice3A_104, %dot_general3A_105 {dimension_numbers = #tpu.dot_dimension_numbers<[0], [0], [1], [1], [0, 1, 1, 1], [], []>, transpose_lhs_hint = false} : vector<64x64xf32>, vector<64x128xf32>, vector<64x128xf32> -> vector<64x128xf32>
    %slice3A_107 = vector.extract_strided_slice %reshape3A_19 {offsets = [1408, 0], sizes = [64, 64], strides = [1, 1]} : vector<8192x64xf32> to vector<64x64xf32>
    %slice3A_108 = vector.extract_strided_slice %add3A_10 {offsets = [1408, 0], sizes = [64, 128], strides = [1, 1]} : vector<8192x128xf32> to vector<64x128xf32>
    %dot_general3A_109 = arith.constant dense<0.000000e+00> : vector<64x128xf32>
    %dot_general3A_110 = tpu.matmul %slice3A_107, %slice3A_108, %dot_general3A_109 {dimension_numbers = #tpu.dot_dimension_numbers<[0], [0], [1], [1], [0, 1, 1, 1], [], []>, transpose_lhs_hint = false} : vector<64x64xf32>, vector<64x128xf32>, vector<64x128xf32> -> vector<64x128xf32>
    %slice3A_111 = vector.extract_strided_slice %reshape3A_19 {offsets = [1472, 0], sizes = [64, 64], strides = [1, 1]} : vector<8192x64xf32> to vector<64x64xf32>
    %slice3A_112 = vector.extract_strided_slice %add3A_10 {offsets = [1472, 0], sizes = [64, 128], strides = [1, 1]} : vector<8192x128xf32> to vector<64x128xf32>
    %dot_general3A_113 = arith.constant dense<0.000000e+00> : vector<64x128xf32>
    %dot_general3A_114 = tpu.matmul %slice3A_111, %slice3A_112, %dot_general3A_113 {dimension_numbers = #tpu.dot_dimension_numbers<[0], [0], [1], [1], [0, 1, 1, 1], [], []>, transpose_lhs_hint = false} : vector<64x64xf32>, vector<64x128xf32>, vector<64x128xf32> -> vector<64x128xf32>
    %slice3A_115 = vector.extract_strided_slice %reshape3A_19 {offsets = [1536, 0], sizes = [64, 64], strides = [1, 1]} : vector<8192x64xf32> to vector<64x64xf32>
    %slice3A_116 = vector.extract_strided_slice %add3A_10 {offsets = [1536, 0], sizes = [64, 128], strides = [1, 1]} : vector<8192x128xf32> to vector<64x128xf32>
    %dot_general3A_117 = arith.constant dense<0.000000e+00> : vector<64x128xf32>
    %dot_general3A_118 = tpu.matmul %slice3A_115, %slice3A_116, %dot_general3A_117 {dimension_numbers = #tpu.dot_dimension_numbers<[0], [0], [1], [1], [0, 1, 1, 1], [], []>, transpose_lhs_hint = false} : vector<64x64xf32>, vector<64x128xf32>, vector<64x128xf32> -> vector<64x128xf32>
    %slice3A_119 = vector.extract_strided_slice %reshape3A_19 {offsets = [1600, 0], sizes = [64, 64], strides = [1, 1]} : vector<8192x64xf32> to vector<64x64xf32>
    %slice3A_120 = vector.extract_strided_slice %add3A_10 {offsets = [1600, 0], sizes = [64, 128], strides = [1, 1]} : vector<8192x128xf32> to vector<64x128xf32>
    %dot_general3A_121 = arith.constant dense<0.000000e+00> : vector<64x128xf32>
    %dot_general3A_122 = tpu.matmul %slice3A_119, %slice3A_120, %dot_general3A_121 {dimension_numbers = #tpu.dot_dimension_numbers<[0], [0], [1], [1], [0, 1, 1, 1], [], []>, transpose_lhs_hint = false} : vector<64x64xf32>, vector<64x128xf32>, vector<64x128xf32> -> vector<64x128xf32>
    %slice3A_123 = vector.extract_strided_slice %reshape3A_19 {offsets = [1664, 0], sizes = [64, 64], strides = [1, 1]} : vector<8192x64xf32> to vector<64x64xf32>
    %slice3A_124 = vector.extract_strided_slice %add3A_10 {offsets = [1664, 0], sizes = [64, 128], strides = [1, 1]} : vector<8192x128xf32> to vector<64x128xf32>
    %dot_general3A_125 = arith.constant dense<0.000000e+00> : vector<64x128xf32>
    %dot_general3A_126 = tpu.matmul %slice3A_123, %slice3A_124, %dot_general3A_125 {dimension_numbers = #tpu.dot_dimension_numbers<[0], [0], [1], [1], [0, 1, 1, 1], [], []>, transpose_lhs_hint = false} : vector<64x64xf32>, vector<64x128xf32>, vector<64x128xf32> -> vector<64x128xf32>
    %slice3A_127 = vector.extract_strided_slice %reshape3A_19 {offsets = [1728, 0], sizes = [64, 64], strides = [1, 1]} : vector<8192x64xf32> to vector<64x64xf32>
    %slice3A_128 = vector.extract_strided_slice %add3A_10 {offsets = [1728, 0], sizes = [64, 128], strides = [1, 1]} : vector<8192x128xf32> to vector<64x128xf32>
    %dot_general3A_129 = arith.constant dense<0.000000e+00> : vector<64x128xf32>
    %dot_general3A_130 = tpu.matmul %slice3A_127, %slice3A_128, %dot_general3A_129 {dimension_numbers = #tpu.dot_dimension_numbers<[0], [0], [1], [1], [0, 1, 1, 1], [], []>, transpose_lhs_hint = false} : vector<64x64xf32>, vector<64x128xf32>, vector<64x128xf32> -> vector<64x128xf32>
    %slice3A_131 = vector.extract_strided_slice %reshape3A_19 {offsets = [1792, 0], sizes = [64, 64], strides = [1, 1]} : vector<8192x64xf32> to vector<64x64xf32>
    %slice3A_132 = vector.extract_strided_slice %add3A_10 {offsets = [1792, 0], sizes = [64, 128], strides = [1, 1]} : vector<8192x128xf32> to vector<64x128xf32>
    %dot_general3A_133 = arith.constant dense<0.000000e+00> : vector<64x128xf32>
    %dot_general3A_134 = tpu.matmul %slice3A_131, %slice3A_132, %dot_general3A_133 {dimension_numbers = #tpu.dot_dimension_numbers<[0], [0], [1], [1], [0, 1, 1, 1], [], []>, transpose_lhs_hint = false} : vector<64x64xf32>, vector<64x128xf32>, vector<64x128xf32> -> vector<64x128xf32>
    %slice3A_135 = vector.extract_strided_slice %reshape3A_19 {offsets = [1856, 0], sizes = [64, 64], strides = [1, 1]} : vector<8192x64xf32> to vector<64x64xf32>
    %slice3A_136 = vector.extract_strided_slice %add3A_10 {offsets = [1856, 0], sizes = [64, 128], strides = [1, 1]} : vector<8192x128xf32> to vector<64x128xf32>
    %dot_general3A_137 = arith.constant dense<0.000000e+00> : vector<64x128xf32>
    %dot_general3A_138 = tpu.matmul %slice3A_135, %slice3A_136, %dot_general3A_137 {dimension_numbers = #tpu.dot_dimension_numbers<[0], [0], [1], [1], [0, 1, 1, 1], [], []>, transpose_lhs_hint = false} : vector<64x64xf32>, vector<64x128xf32>, vector<64x128xf32> -> vector<64x128xf32>
    %slice3A_139 = vector.extract_strided_slice %reshape3A_19 {offsets = [1920, 0], sizes = [64, 64], strides = [1, 1]} : vector<8192x64xf32> to vector<64x64xf32>
    %slice3A_140 = vector.extract_strided_slice %add3A_10 {offsets = [1920, 0], sizes = [64, 128], strides = [1, 1]} : vector<8192x128xf32> to vector<64x128xf32>
    %dot_general3A_141 = arith.constant dense<0.000000e+00> : vector<64x128xf32>
    %dot_general3A_142 = tpu.matmul %slice3A_139, %slice3A_140, %dot_general3A_141 {dimension_numbers = #tpu.dot_dimension_numbers<[0], [0], [1], [1], [0, 1, 1, 1], [], []>, transpose_lhs_hint = false} : vector<64x64xf32>, vector<64x128xf32>, vector<64x128xf32> -> vector<64x128xf32>
    %slice3A_143 = vector.extract_strided_slice %reshape3A_19 {offsets = [1984, 0], sizes = [64, 64], strides = [1, 1]} : vector<8192x64xf32> to vector<64x64xf32>
    %slice3A_144 = vector.extract_strided_slice %add3A_10 {offsets = [1984, 0], sizes = [64, 128], strides = [1, 1]} : vector<8192x128xf32> to vector<64x128xf32>
    %dot_general3A_145 = arith.constant dense<0.000000e+00> : vector<64x128xf32>
    %dot_general3A_146 = tpu.matmul %slice3A_143, %slice3A_144, %dot_general3A_145 {dimension_numbers = #tpu.dot_dimension_numbers<[0], [0], [1], [1], [0, 1, 1, 1], [], []>, transpose_lhs_hint = false} : vector<64x64xf32>, vector<64x128xf32>, vector<64x128xf32> -> vector<64x128xf32>
    %slice3A_147 = vector.extract_strided_slice %reshape3A_19 {offsets = [2048, 0], sizes = [64, 64], strides = [1, 1]} : vector<8192x64xf32> to vector<64x64xf32>
    %slice3A_148 = vector.extract_strided_slice %add3A_10 {offsets = [2048, 0], sizes = [64, 128], strides = [1, 1]} : vector<8192x128xf32> to vector<64x128xf32>
    %dot_general3A_149 = arith.constant dense<0.000000e+00> : vector<64x128xf32>
    %dot_general3A_150 = tpu.matmul %slice3A_147, %slice3A_148, %dot_general3A_149 {dimension_numbers = #tpu.dot_dimension_numbers<[0], [0], [1], [1], [0, 1, 1, 1], [], []>, transpose_lhs_hint = false} : vector<64x64xf32>, vector<64x128xf32>, vector<64x128xf32> -> vector<64x128xf32>
    %slice3A_151 = vector.extract_strided_slice %reshape3A_19 {offsets = [2112, 0], sizes = [64, 64], strides = [1, 1]} : vector<8192x64xf32> to vector<64x64xf32>
    %slice3A_152 = vector.extract_strided_slice %add3A_10 {offsets = [2112, 0], sizes = [64, 128], strides = [1, 1]} : vector<8192x128xf32> to vector<64x128xf32>
    %dot_general3A_153 = arith.constant dense<0.000000e+00> : vector<64x128xf32>
    %dot_general3A_154 = tpu.matmul %slice3A_151, %slice3A_152, %dot_general3A_153 {dimension_numbers = #tpu.dot_dimension_numbers<[0], [0], [1], [1], [0, 1, 1, 1], [], []>, transpose_lhs_hint = false} : vector<64x64xf32>, vector<64x128xf32>, vector<64x128xf32> -> vector<64x128xf32>
    %slice3A_155 = vector.extract_strided_slice %reshape3A_19 {offsets = [2176, 0], sizes = [64, 64], strides = [1, 1]} : vector<8192x64xf32> to vector<64x64xf32>
    %slice3A_156 = vector.extract_strided_slice %add3A_10 {offsets = [2176, 0], sizes = [64, 128], strides = [1, 1]} : vector<8192x128xf32> to vector<64x128xf32>
    %dot_general3A_157 = arith.constant dense<0.000000e+00> : vector<64x128xf32>
    %dot_general3A_158 = tpu.matmul %slice3A_155, %slice3A_156, %dot_general3A_157 {dimension_numbers = #tpu.dot_dimension_numbers<[0], [0], [1], [1], [0, 1, 1, 1], [], []>, transpose_lhs_hint = false} : vector<64x64xf32>, vector<64x128xf32>, vector<64x128xf32> -> vector<64x128xf32>
    %slice3A_159 = vector.extract_strided_slice %reshape3A_19 {offsets = [2240, 0], sizes = [64, 64], strides = [1, 1]} : vector<8192x64xf32> to vector<64x64xf32>
    %slice3A_160 = vector.extract_strided_slice %add3A_10 {offsets = [2240, 0], sizes = [64, 128], strides = [1, 1]} : vector<8192x128xf32> to vector<64x128xf32>
    %dot_general3A_161 = arith.constant dense<0.000000e+00> : vector<64x128xf32>
    %dot_general3A_162 = tpu.matmul %slice3A_159, %slice3A_160, %dot_general3A_161 {dimension_numbers = #tpu.dot_dimension_numbers<[0], [0], [1], [1], [0, 1, 1, 1], [], []>, transpose_lhs_hint = false} : vector<64x64xf32>, vector<64x128xf32>, vector<64x128xf32> -> vector<64x128xf32>
    %slice3A_163 = vector.extract_strided_slice %reshape3A_19 {offsets = [2304, 0], sizes = [64, 64], strides = [1, 1]} : vector<8192x64xf32> to vector<64x64xf32>
    %slice3A_164 = vector.extract_strided_slice %add3A_10 {offsets = [2304, 0], sizes = [64, 128], strides = [1, 1]} : vector<8192x128xf32> to vector<64x128xf32>
    %dot_general3A_165 = arith.constant dense<0.000000e+00> : vector<64x128xf32>
    %dot_general3A_166 = tpu.matmul %slice3A_163, %slice3A_164, %dot_general3A_165 {dimension_numbers = #tpu.dot_dimension_numbers<[0], [0], [1], [1], [0, 1, 1, 1], [], []>, transpose_lhs_hint = false} : vector<64x64xf32>, vector<64x128xf32>, vector<64x128xf32> -> vector<64x128xf32>
    %slice3A_167 = vector.extract_strided_slice %reshape3A_19 {offsets = [2368, 0], sizes = [64, 64], strides = [1, 1]} : vector<8192x64xf32> to vector<64x64xf32>
    %slice3A_168 = vector.extract_strided_slice %add3A_10 {offsets = [2368, 0], sizes = [64, 128], strides = [1, 1]} : vector<8192x128xf32> to vector<64x128xf32>
    %dot_general3A_169 = arith.constant dense<0.000000e+00> : vector<64x128xf32>
    %dot_general3A_170 = tpu.matmul %slice3A_167, %slice3A_168, %dot_general3A_169 {dimension_numbers = #tpu.dot_dimension_numbers<[0], [0], [1], [1], [0, 1, 1, 1], [], []>, transpose_lhs_hint = false} : vector<64x64xf32>, vector<64x128xf32>, vector<64x128xf32> -> vector<64x128xf32>
    %slice3A_171 = vector.extract_strided_slice %reshape3A_19 {offsets = [2432, 0], sizes = [64, 64], strides = [1, 1]} : vector<8192x64xf32> to vector<64x64xf32>
    %slice3A_172 = vector.extract_strided_slice %add3A_10 {offsets = [2432, 0], sizes = [64, 128], strides = [1, 1]} : vector<8192x128xf32> to vector<64x128xf32>
    %dot_general3A_173 = arith.constant dense<0.000000e+00> : vector<64x128xf32>
    %dot_general3A_174 = tpu.matmul %slice3A_171, %slice3A_172, %dot_general3A_173 {dimension_numbers = #tpu.dot_dimension_numbers<[0], [0], [1], [1], [0, 1, 1, 1], [], []>, transpose_lhs_hint = false} : vector<64x64xf32>, vector<64x128xf32>, vector<64x128xf32> -> vector<64x128xf32>
    %slice3A_175 = vector.extract_strided_slice %reshape3A_19 {offsets = [2496, 0], sizes = [64, 64], strides = [1, 1]} : vector<8192x64xf32> to vector<64x64xf32>
    %slice3A_176 = vector.extract_strided_slice %add3A_10 {offsets = [2496, 0], sizes = [64, 128], strides = [1, 1]} : vector<8192x128xf32> to vector<64x128xf32>
    %dot_general3A_177 = arith.constant dense<0.000000e+00> : vector<64x128xf32>
    %dot_general3A_178 = tpu.matmul %slice3A_175, %slice3A_176, %dot_general3A_177 {dimension_numbers = #tpu.dot_dimension_numbers<[0], [0], [1], [1], [0, 1, 1, 1], [], []>, transpose_lhs_hint = false} : vector<64x64xf32>, vector<64x128xf32>, vector<64x128xf32> -> vector<64x128xf32>
    %slice3A_179 = vector.extract_strided_slice %reshape3A_19 {offsets = [2560, 0], sizes = [64, 64], strides = [1, 1]} : vector<8192x64xf32> to vector<64x64xf32>
    %slice3A_180 = vector.extract_strided_slice %add3A_10 {offsets = [2560, 0], sizes = [64, 128], strides = [1, 1]} : vector<8192x128xf32> to vector<64x128xf32>
    %dot_general3A_181 = arith.constant dense<0.000000e+00> : vector<64x128xf32>
    %dot_general3A_182 = tpu.matmul %slice3A_179, %slice3A_180, %dot_general3A_181 {dimension_numbers = #tpu.dot_dimension_numbers<[0], [0], [1], [1], [0, 1, 1, 1], [], []>, transpose_lhs_hint = false} : vector<64x64xf32>, vector<64x128xf32>, vector<64x128xf32> -> vector<64x128xf32>
    %slice3A_183 = vector.extract_strided_slice %reshape3A_19 {offsets = [2624, 0], sizes = [64, 64], strides = [1, 1]} : vector<8192x64xf32> to vector<64x64xf32>
    %slice3A_184 = vector.extract_strided_slice %add3A_10 {offsets = [2624, 0], sizes = [64, 128], strides = [1, 1]} : vector<8192x128xf32> to vector<64x128xf32>
    %dot_general3A_185 = arith.constant dense<0.000000e+00> : vector<64x128xf32>
    %dot_general3A_186 = tpu.matmul %slice3A_183, %slice3A_184, %dot_general3A_185 {dimension_numbers = #tpu.dot_dimension_numbers<[0], [0], [1], [1], [0, 1, 1, 1], [], []>, transpose_lhs_hint = false} : vector<64x64xf32>, vector<64x128xf32>, vector<64x128xf32> -> vector<64x128xf32>
    %slice3A_187 = vector.extract_strided_slice %reshape3A_19 {offsets = [2688, 0], sizes = [64, 64], strides = [1, 1]} : vector<8192x64xf32> to vector<64x64xf32>
    %slice3A_188 = vector.extract_strided_slice %add3A_10 {offsets = [2688, 0], sizes = [64, 128], strides = [1, 1]} : vector<8192x128xf32> to vector<64x128xf32>
    %dot_general3A_189 = arith.constant dense<0.000000e+00> : vector<64x128xf32>
    %dot_general3A_190 = tpu.matmul %slice3A_187, %slice3A_188, %dot_general3A_189 {dimension_numbers = #tpu.dot_dimension_numbers<[0], [0], [1], [1], [0, 1, 1, 1], [], []>, transpose_lhs_hint = false} : vector<64x64xf32>, vector<64x128xf32>, vector<64x128xf32> -> vector<64x128xf32>
    %slice3A_191 = vector.extract_strided_slice %reshape3A_19 {offsets = [2752, 0], sizes = [64, 64], strides = [1, 1]} : vector<8192x64xf32> to vector<64x64xf32>
    %slice3A_192 = vector.extract_strided_slice %add3A_10 {offsets = [2752, 0], sizes = [64, 128], strides = [1, 1]} : vector<8192x128xf32> to vector<64x128xf32>
    %dot_general3A_193 = arith.constant dense<0.000000e+00> : vector<64x128xf32>
    %dot_general3A_194 = tpu.matmul %slice3A_191, %slice3A_192, %dot_general3A_193 {dimension_numbers = #tpu.dot_dimension_numbers<[0], [0], [1], [1], [0, 1, 1, 1], [], []>, transpose_lhs_hint = false} : vector<64x64xf32>, vector<64x128xf32>, vector<64x128xf32> -> vector<64x128xf32>
    %slice3A_195 = vector.extract_strided_slice %reshape3A_19 {offsets = [2816, 0], sizes = [64, 64], strides = [1, 1]} : vector<8192x64xf32> to vector<64x64xf32>
    %slice3A_196 = vector.extract_strided_slice %add3A_10 {offsets = [2816, 0], sizes = [64, 128], strides = [1, 1]} : vector<8192x128xf32> to vector<64x128xf32>
    %dot_general3A_197 = arith.constant dense<0.000000e+00> : vector<64x128xf32>
    %dot_general3A_198 = tpu.matmul %slice3A_195, %slice3A_196, %dot_general3A_197 {dimension_numbers = #tpu.dot_dimension_numbers<[0], [0], [1], [1], [0, 1, 1, 1], [], []>, transpose_lhs_hint = false} : vector<64x64xf32>, vector<64x128xf32>, vector<64x128xf32> -> vector<64x128xf32>
    %slice3A_199 = vector.extract_strided_slice %reshape3A_19 {offsets = [2880, 0], sizes = [64, 64], strides = [1, 1]} : vector<8192x64xf32> to vector<64x64xf32>
    %slice3A_200 = vector.extract_strided_slice %add3A_10 {offsets = [2880, 0], sizes = [64, 128], strides = [1, 1]} : vector<8192x128xf32> to vector<64x128xf32>
    %dot_general3A_201 = arith.constant dense<0.000000e+00> : vector<64x128xf32>
    %dot_general3A_202 = tpu.matmul %slice3A_199, %slice3A_200, %dot_general3A_201 {dimension_numbers = #tpu.dot_dimension_numbers<[0], [0], [1], [1], [0, 1, 1, 1], [], []>, transpose_lhs_hint = false} : vector<64x64xf32>, vector<64x128xf32>, vector<64x128xf32> -> vector<64x128xf32>
    %slice3A_203 = vector.extract_strided_slice %reshape3A_19 {offsets = [2944, 0], sizes = [64, 64], strides = [1, 1]} : vector<8192x64xf32> to vector<64x64xf32>
    %slice3A_204 = vector.extract_strided_slice %add3A_10 {offsets = [2944, 0], sizes = [64, 128], strides = [1, 1]} : vector<8192x128xf32> to vector<64x128xf32>
    %dot_general3A_205 = arith.constant dense<0.000000e+00> : vector<64x128xf32>
    %dot_general3A_206 = tpu.matmul %slice3A_203, %slice3A_204, %dot_general3A_205 {dimension_numbers = #tpu.dot_dimension_numbers<[0], [0], [1], [1], [0, 1, 1, 1], [], []>, transpose_lhs_hint = false} : vector<64x64xf32>, vector<64x128xf32>, vector<64x128xf32> -> vector<64x128xf32>
    %slice3A_207 = vector.extract_strided_slice %reshape3A_19 {offsets = [3008, 0], sizes = [64, 64], strides = [1, 1]} : vector<8192x64xf32> to vector<64x64xf32>
    %slice3A_208 = vector.extract_strided_slice %add3A_10 {offsets = [3008, 0], sizes = [64, 128], strides = [1, 1]} : vector<8192x128xf32> to vector<64x128xf32>
    %dot_general3A_209 = arith.constant dense<0.000000e+00> : vector<64x128xf32>
    %dot_general3A_210 = tpu.matmul %slice3A_207, %slice3A_208, %dot_general3A_209 {dimension_numbers = #tpu.dot_dimension_numbers<[0], [0], [1], [1], [0, 1, 1, 1], [], []>, transpose_lhs_hint = false} : vector<64x64xf32>, vector<64x128xf32>, vector<64x128xf32> -> vector<64x128xf32>
    %slice3A_211 = vector.extract_strided_slice %reshape3A_19 {offsets = [3072, 0], sizes = [64, 64], strides = [1, 1]} : vector<8192x64xf32> to vector<64x64xf32>
    %slice3A_212 = vector.extract_strided_slice %add3A_10 {offsets = [3072, 0], sizes = [64, 128], strides = [1, 1]} : vector<8192x128xf32> to vector<64x128xf32>
    %dot_general3A_213 = arith.constant dense<0.000000e+00> : vector<64x128xf32>
    %dot_general3A_214 = tpu.matmul %slice3A_211, %slice3A_212, %dot_general3A_213 {dimension_numbers = #tpu.dot_dimension_numbers<[0], [0], [1], [1], [0, 1, 1, 1], [], []>, transpose_lhs_hint = false} : vector<64x64xf32>, vector<64x128xf32>, vector<64x128xf32> -> vector<64x128xf32>
    %slice3A_215 = vector.extract_strided_slice %reshape3A_19 {offsets = [3136, 0], sizes = [64, 64], strides = [1, 1]} : vector<8192x64xf32> to vector<64x64xf32>
    %slice3A_216 = vector.extract_strided_slice %add3A_10 {offsets = [3136, 0], sizes = [64, 128], strides = [1, 1]} : vector<8192x128xf32> to vector<64x128xf32>
    %dot_general3A_217 = arith.constant dense<0.000000e+00> : vector<64x128xf32>
    %dot_general3A_218 = tpu.matmul %slice3A_215, %slice3A_216, %dot_general3A_217 {dimension_numbers = #tpu.dot_dimension_numbers<[0], [0], [1], [1], [0, 1, 1, 1], [], []>, transpose_lhs_hint = false} : vector<64x64xf32>, vector<64x128xf32>, vector<64x128xf32> -> vector<64x128xf32>
    %slice3A_219 = vector.extract_strided_slice %reshape3A_19 {offsets = [3200, 0], sizes = [64, 64], strides = [1, 1]} : vector<8192x64xf32> to vector<64x64xf32>
    %slice3A_220 = vector.extract_strided_slice %add3A_10 {offsets = [3200, 0], sizes = [64, 128], strides = [1, 1]} : vector<8192x128xf32> to vector<64x128xf32>
    %dot_general3A_221 = arith.constant dense<0.000000e+00> : vector<64x128xf32>
    %dot_general3A_222 = tpu.matmul %slice3A_219, %slice3A_220, %dot_general3A_221 {dimension_numbers = #tpu.dot_dimension_numbers<[0], [0], [1], [1], [0, 1, 1, 1], [], []>, transpose_lhs_hint = false} : vector<64x64xf32>, vector<64x128xf32>, vector<64x128xf32> -> vector<64x128xf32>
    %slice3A_223 = vector.extract_strided_slice %reshape3A_19 {offsets = [3264, 0], sizes = [64, 64], strides = [1, 1]} : vector<8192x64xf32> to vector<64x64xf32>
    %slice3A_224 = vector.extract_strided_slice %add3A_10 {offsets = [3264, 0], sizes = [64, 128], strides = [1, 1]} : vector<8192x128xf32> to vector<64x128xf32>
    %dot_general3A_225 = arith.constant dense<0.000000e+00> : vector<64x128xf32>
    %dot_general3A_226 = tpu.matmul %slice3A_223, %slice3A_224, %dot_general3A_225 {dimension_numbers = #tpu.dot_dimension_numbers<[0], [0], [1], [1], [0, 1, 1, 1], [], []>, transpose_lhs_hint = false} : vector<64x64xf32>, vector<64x128xf32>, vector<64x128xf32> -> vector<64x128xf32>
    %slice3A_227 = vector.extract_strided_slice %reshape3A_19 {offsets = [3328, 0], sizes = [64, 64], strides = [1, 1]} : vector<8192x64xf32> to vector<64x64xf32>
    %slice3A_228 = vector.extract_strided_slice %add3A_10 {offsets = [3328, 0], sizes = [64, 128], strides = [1, 1]} : vector<8192x128xf32> to vector<64x128xf32>
    %dot_general3A_229 = arith.constant dense<0.000000e+00> : vector<64x128xf32>
    %dot_general3A_230 = tpu.matmul %slice3A_227, %slice3A_228, %dot_general3A_229 {dimension_numbers = #tpu.dot_dimension_numbers<[0], [0], [1], [1], [0, 1, 1, 1], [], []>, transpose_lhs_hint = false} : vector<64x64xf32>, vector<64x128xf32>, vector<64x128xf32> -> vector<64x128xf32>
    %slice3A_231 = vector.extract_strided_slice %reshape3A_19 {offsets = [3392, 0], sizes = [64, 64], strides = [1, 1]} : vector<8192x64xf32> to vector<64x64xf32>
    %slice3A_232 = vector.extract_strided_slice %add3A_10 {offsets = [3392, 0], sizes = [64, 128], strides = [1, 1]} : vector<8192x128xf32> to vector<64x128xf32>
    %dot_general3A_233 = arith.constant dense<0.000000e+00> : vector<64x128xf32>
    %dot_general3A_234 = tpu.matmul %slice3A_231, %slice3A_232, %dot_general3A_233 {dimension_numbers = #tpu.dot_dimension_numbers<[0], [0], [1], [1], [0, 1, 1, 1], [], []>, transpose_lhs_hint = false} : vector<64x64xf32>, vector<64x128xf32>, vector<64x128xf32> -> vector<64x128xf32>
    %slice3A_235 = vector.extract_strided_slice %reshape3A_19 {offsets = [3456, 0], sizes = [64, 64], strides = [1, 1]} : vector<8192x64xf32> to vector<64x64xf32>
    %slice3A_236 = vector.extract_strided_slice %add3A_10 {offsets = [3456, 0], sizes = [64, 128], strides = [1, 1]} : vector<8192x128xf32> to vector<64x128xf32>
    %dot_general3A_237 = arith.constant dense<0.000000e+00> : vector<64x128xf32>
    %dot_general3A_238 = tpu.matmul %slice3A_235, %slice3A_236, %dot_general3A_237 {dimension_numbers = #tpu.dot_dimension_numbers<[0], [0], [1], [1], [0, 1, 1, 1], [], []>, transpose_lhs_hint = false} : vector<64x64xf32>, vector<64x128xf32>, vector<64x128xf32> -> vector<64x128xf32>
    %slice3A_239 = vector.extract_strided_slice %reshape3A_19 {offsets = [3520, 0], sizes = [64, 64], strides = [1, 1]} : vector<8192x64xf32> to vector<64x64xf32>
    %slice3A_240 = vector.extract_strided_slice %add3A_10 {offsets = [3520, 0], sizes = [64, 128], strides = [1, 1]} : vector<8192x128xf32> to vector<64x128xf32>
    %dot_general3A_241 = arith.constant dense<0.000000e+00> : vector<64x128xf32>
    %dot_general3A_242 = tpu.matmul %slice3A_239, %slice3A_240, %dot_general3A_241 {dimension_numbers = #tpu.dot_dimension_numbers<[0], [0], [1], [1], [0, 1, 1, 1], [], []>, transpose_lhs_hint = false} : vector<64x64xf32>, vector<64x128xf32>, vector<64x128xf32> -> vector<64x128xf32>
    %slice3A_243 = vector.extract_strided_slice %reshape3A_19 {offsets = [3584, 0], sizes = [64, 64], strides = [1, 1]} : vector<8192x64xf32> to vector<64x64xf32>
    %slice3A_244 = vector.extract_strided_slice %add3A_10 {offsets = [3584, 0], sizes = [64, 128], strides = [1, 1]} : vector<8192x128xf32> to vector<64x128xf32>
    %dot_general3A_245 = arith.constant dense<0.000000e+00> : vector<64x128xf32>
    %dot_general3A_246 = tpu.matmul %slice3A_243, %slice3A_244, %dot_general3A_245 {dimension_numbers = #tpu.dot_dimension_numbers<[0], [0], [1], [1], [0, 1, 1, 1], [], []>, transpose_lhs_hint = false} : vector<64x64xf32>, vector<64x128xf32>, vector<64x128xf32> -> vector<64x128xf32>
    %slice3A_247 = vector.extract_strided_slice %reshape3A_19 {offsets = [3648, 0], sizes = [64, 64], strides = [1, 1]} : vector<8192x64xf32> to vector<64x64xf32>
    %slice3A_248 = vector.extract_strided_slice %add3A_10 {offsets = [3648, 0], sizes = [64, 128], strides = [1, 1]} : vector<8192x128xf32> to vector<64x128xf32>
    %dot_general3A_249 = arith.constant dense<0.000000e+00> : vector<64x128xf32>
    %dot_general3A_250 = tpu.matmul %slice3A_247, %slice3A_248, %dot_general3A_249 {dimension_numbers = #tpu.dot_dimension_numbers<[0], [0], [1], [1], [0, 1, 1, 1], [], []>, transpose_lhs_hint = false} : vector<64x64xf32>, vector<64x128xf32>, vector<64x128xf32> -> vector<64x128xf32>
    %slice3A_251 = vector.extract_strided_slice %reshape3A_19 {offsets = [3712, 0], sizes = [64, 64], strides = [1, 1]} : vector<8192x64xf32> to vector<64x64xf32>
    %slice3A_252 = vector.extract_strided_slice %add3A_10 {offsets = [3712, 0], sizes = [64, 128], strides = [1, 1]} : vector<8192x128xf32> to vector<64x128xf32>
    %dot_general3A_253 = arith.constant dense<0.000000e+00> : vector<64x128xf32>
    %dot_general3A_254 = tpu.matmul %slice3A_251, %slice3A_252, %dot_general3A_253 {dimension_numbers = #tpu.dot_dimension_numbers<[0], [0], [1], [1], [0, 1, 1, 1], [], []>, transpose_lhs_hint = false} : vector<64x64xf32>, vector<64x128xf32>, vector<64x128xf32> -> vector<64x128xf32>
    %slice3A_255 = vector.extract_strided_slice %reshape3A_19 {offsets = [3776, 0], sizes = [64, 64], strides = [1, 1]} : vector<8192x64xf32> to vector<64x64xf32>
    %slice3A_256 = vector.extract_strided_slice %add3A_10 {offsets = [3776, 0], sizes = [64, 128], strides = [1, 1]} : vector<8192x128xf32> to vector<64x128xf32>
    %dot_general3A_257 = arith.constant dense<0.000000e+00> : vector<64x128xf32>
    %dot_general3A_258 = tpu.matmul %slice3A_255, %slice3A_256, %dot_general3A_257 {dimension_numbers = #tpu.dot_dimension_numbers<[0], [0], [1], [1], [0, 1, 1, 1], [], []>, transpose_lhs_hint = false} : vector<64x64xf32>, vector<64x128xf32>, vector<64x128xf32> -> vector<64x128xf32>
    %slice3A_259 = vector.extract_strided_slice %reshape3A_19 {offsets = [3840, 0], sizes = [64, 64], strides = [1, 1]} : vector<8192x64xf32> to vector<64x64xf32>
    %slice3A_260 = vector.extract_strided_slice %add3A_10 {offsets = [3840, 0], sizes = [64, 128], strides = [1, 1]} : vector<8192x128xf32> to vector<64x128xf32>
    %dot_general3A_261 = arith.constant dense<0.000000e+00> : vector<64x128xf32>
    %dot_general3A_262 = tpu.matmul %slice3A_259, %slice3A_260, %dot_general3A_261 {dimension_numbers = #tpu.dot_dimension_numbers<[0], [0], [1], [1], [0, 1, 1, 1], [], []>, transpose_lhs_hint = false} : vector<64x64xf32>, vector<64x128xf32>, vector<64x128xf32> -> vector<64x128xf32>
    %slice3A_263 = vector.extract_strided_slice %reshape3A_19 {offsets = [3904, 0], sizes = [64, 64], strides = [1, 1]} : vector<8192x64xf32> to vector<64x64xf32>
    %slice3A_264 = vector.extract_strided_slice %add3A_10 {offsets = [3904, 0], sizes = [64, 128], strides = [1, 1]} : vector<8192x128xf32> to vector<64x128xf32>
    %dot_general3A_265 = arith.constant dense<0.000000e+00> : vector<64x128xf32>
    %dot_general3A_266 = tpu.matmul %slice3A_263, %slice3A_264, %dot_general3A_265 {dimension_numbers = #tpu.dot_dimension_numbers<[0], [0], [1], [1], [0, 1, 1, 1], [], []>, transpose_lhs_hint = false} : vector<64x64xf32>, vector<64x128xf32>, vector<64x128xf32> -> vector<64x128xf32>
    %slice3A_267 = vector.extract_strided_slice %reshape3A_19 {offsets = [3968, 0], sizes = [64, 64], strides = [1, 1]} : vector<8192x64xf32> to vector<64x64xf32>
    %slice3A_268 = vector.extract_strided_slice %add3A_10 {offsets = [3968, 0], sizes = [64, 128], strides = [1, 1]} : vector<8192x128xf32> to vector<64x128xf32>
    %dot_general3A_269 = arith.constant dense<0.000000e+00> : vector<64x128xf32>
    %dot_general3A_270 = tpu.matmul %slice3A_267, %slice3A_268, %dot_general3A_269 {dimension_numbers = #tpu.dot_dimension_numbers<[0], [0], [1], [1], [0, 1, 1, 1], [], []>, transpose_lhs_hint = false} : vector<64x64xf32>, vector<64x128xf32>, vector<64x128xf32> -> vector<64x128xf32>
    %slice3A_271 = vector.extract_strided_slice %reshape3A_19 {offsets = [4032, 0], sizes = [64, 64], strides = [1, 1]} : vector<8192x64xf32> to vector<64x64xf32>
    %slice3A_272 = vector.extract_strided_slice %add3A_10 {offsets = [4032, 0], sizes = [64, 128], strides = [1, 1]} : vector<8192x128xf32> to vector<64x128xf32>
    %dot_general3A_273 = arith.constant dense<0.000000e+00> : vector<64x128xf32>
    %dot_general3A_274 = tpu.matmul %slice3A_271, %slice3A_272, %dot_general3A_273 {dimension_numbers = #tpu.dot_dimension_numbers<[0], [0], [1], [1], [0, 1, 1, 1], [], []>, transpose_lhs_hint = false} : vector<64x64xf32>, vector<64x128xf32>, vector<64x128xf32> -> vector<64x128xf32>
    %slice3A_275 = vector.extract_strided_slice %reshape3A_19 {offsets = [4096, 0], sizes = [64, 64], strides = [1, 1]} : vector<8192x64xf32> to vector<64x64xf32>
    %slice3A_276 = vector.extract_strided_slice %add3A_10 {offsets = [4096, 0], sizes = [64, 128], strides = [1, 1]} : vector<8192x128xf32> to vector<64x128xf32>
    %dot_general3A_277 = arith.constant dense<0.000000e+00> : vector<64x128xf32>
    %dot_general3A_278 = tpu.matmul %slice3A_275, %slice3A_276, %dot_general3A_277 {dimension_numbers = #tpu.dot_dimension_numbers<[0], [0], [1], [1], [0, 1, 1, 1], [], []>, transpose_lhs_hint = false} : vector<64x64xf32>, vector<64x128xf32>, vector<64x128xf32> -> vector<64x128xf32>
    %slice3A_279 = vector.extract_strided_slice %reshape3A_19 {offsets = [4160, 0], sizes = [64, 64], strides = [1, 1]} : vector<8192x64xf32> to vector<64x64xf32>
    %slice3A_280 = vector.extract_strided_slice %add3A_10 {offsets = [4160, 0], sizes = [64, 128], strides = [1, 1]} : vector<8192x128xf32> to vector<64x128xf32>
    %dot_general3A_281 = arith.constant dense<0.000000e+00> : vector<64x128xf32>
    %dot_general3A_282 = tpu.matmul %slice3A_279, %slice3A_280, %dot_general3A_281 {dimension_numbers = #tpu.dot_dimension_numbers<[0], [0], [1], [1], [0, 1, 1, 1], [], []>, transpose_lhs_hint = false} : vector<64x64xf32>, vector<64x128xf32>, vector<64x128xf32> -> vector<64x128xf32>
    %slice3A_283 = vector.extract_strided_slice %reshape3A_19 {offsets = [4224, 0], sizes = [64, 64], strides = [1, 1]} : vector<8192x64xf32> to vector<64x64xf32>
    %slice3A_284 = vector.extract_strided_slice %add3A_10 {offsets = [4224, 0], sizes = [64, 128], strides = [1, 1]} : vector<8192x128xf32> to vector<64x128xf32>
    %dot_general3A_285 = arith.constant dense<0.000000e+00> : vector<64x128xf32>
    %dot_general3A_286 = tpu.matmul %slice3A_283, %slice3A_284, %dot_general3A_285 {dimension_numbers = #tpu.dot_dimension_numbers<[0], [0], [1], [1], [0, 1, 1, 1], [], []>, transpose_lhs_hint = false} : vector<64x64xf32>, vector<64x128xf32>, vector<64x128xf32> -> vector<64x128xf32>
    %slice3A_287 = vector.extract_strided_slice %reshape3A_19 {offsets = [4288, 0], sizes = [64, 64], strides = [1, 1]} : vector<8192x64xf32> to vector<64x64xf32>
    %slice3A_288 = vector.extract_strided_slice %add3A_10 {offsets = [4288, 0], sizes = [64, 128], strides = [1, 1]} : vector<8192x128xf32> to vector<64x128xf32>
    %dot_general3A_289 = arith.constant dense<0.000000e+00> : vector<64x128xf32>
    %dot_general3A_290 = tpu.matmul %slice3A_287, %slice3A_288, %dot_general3A_289 {dimension_numbers = #tpu.dot_dimension_numbers<[0], [0], [1], [1], [0, 1, 1, 1], [], []>, transpose_lhs_hint = false} : vector<64x64xf32>, vector<64x128xf32>, vector<64x128xf32> -> vector<64x128xf32>
    %slice3A_291 = vector.extract_strided_slice %reshape3A_19 {offsets = [4352, 0], sizes = [64, 64], strides = [1, 1]} : vector<8192x64xf32> to vector<64x64xf32>
    %slice3A_292 = vector.extract_strided_slice %add3A_10 {offsets = [4352, 0], sizes = [64, 128], strides = [1, 1]} : vector<8192x128xf32> to vector<64x128xf32>
    %dot_general3A_293 = arith.constant dense<0.000000e+00> : vector<64x128xf32>
    %dot_general3A_294 = tpu.matmul %slice3A_291, %slice3A_292, %dot_general3A_293 {dimension_numbers = #tpu.dot_dimension_numbers<[0], [0], [1], [1], [0, 1, 1, 1], [], []>, transpose_lhs_hint = false} : vector<64x64xf32>, vector<64x128xf32>, vector<64x128xf32> -> vector<64x128xf32>
    %slice3A_295 = vector.extract_strided_slice %reshape3A_19 {offsets = [4416, 0], sizes = [64, 64], strides = [1, 1]} : vector<8192x64xf32> to vector<64x64xf32>
    %slice3A_296 = vector.extract_strided_slice %add3A_10 {offsets = [4416, 0], sizes = [64, 128], strides = [1, 1]} : vector<8192x128xf32> to vector<64x128xf32>
    %dot_general3A_297 = arith.constant dense<0.000000e+00> : vector<64x128xf32>
    %dot_general3A_298 = tpu.matmul %slice3A_295, %slice3A_296, %dot_general3A_297 {dimension_numbers = #tpu.dot_dimension_numbers<[0], [0], [1], [1], [0, 1, 1, 1], [], []>, transpose_lhs_hint = false} : vector<64x64xf32>, vector<64x128xf32>, vector<64x128xf32> -> vector<64x128xf32>
    %slice3A_299 = vector.extract_strided_slice %reshape3A_19 {offsets = [4480, 0], sizes = [64, 64], strides = [1, 1]} : vector<8192x64xf32> to vector<64x64xf32>
    %slice3A_300 = vector.extract_strided_slice %add3A_10 {offsets = [4480, 0], sizes = [64, 128], strides = [1, 1]} : vector<8192x128xf32> to vector<64x128xf32>
    %dot_general3A_301 = arith.constant dense<0.000000e+00> : vector<64x128xf32>
    %dot_general3A_302 = tpu.matmul %slice3A_299, %slice3A_300, %dot_general3A_301 {dimension_numbers = #tpu.dot_dimension_numbers<[0], [0], [1], [1], [0, 1, 1, 1], [], []>, transpose_lhs_hint = false} : vector<64x64xf32>, vector<64x128xf32>, vector<64x128xf32> -> vector<64x128xf32>
    %slice3A_303 = vector.extract_strided_slice %reshape3A_19 {offsets = [4544, 0], sizes = [64, 64], strides = [1, 1]} : vector<8192x64xf32> to vector<64x64xf32>
    %slice3A_304 = vector.extract_strided_slice %add3A_10 {offsets = [4544, 0], sizes = [64, 128], strides = [1, 1]} : vector<8192x128xf32> to vector<64x128xf32>
    %dot_general3A_305 = arith.constant dense<0.000000e+00> : vector<64x128xf32>
    %dot_general3A_306 = tpu.matmul %slice3A_303, %slice3A_304, %dot_general3A_305 {dimension_numbers = #tpu.dot_dimension_numbers<[0], [0], [1], [1], [0, 1, 1, 1], [], []>, transpose_lhs_hint = false} : vector<64x64xf32>, vector<64x128xf32>, vector<64x128xf32> -> vector<64x128xf32>
    %slice3A_307 = vector.extract_strided_slice %reshape3A_19 {offsets = [4608, 0], sizes = [64, 64], strides = [1, 1]} : vector<8192x64xf32> to vector<64x64xf32>
    %slice3A_308 = vector.extract_strided_slice %add3A_10 {offsets = [4608, 0], sizes = [64, 128], strides = [1, 1]} : vector<8192x128xf32> to vector<64x128xf32>
    %dot_general3A_309 = arith.constant dense<0.000000e+00> : vector<64x128xf32>
    %dot_general3A_310 = tpu.matmul %slice3A_307, %slice3A_308, %dot_general3A_309 {dimension_numbers = #tpu.dot_dimension_numbers<[0], [0], [1], [1], [0, 1, 1, 1], [], []>, transpose_lhs_hint = false} : vector<64x64xf32>, vector<64x128xf32>, vector<64x128xf32> -> vector<64x128xf32>
    %slice3A_311 = vector.extract_strided_slice %reshape3A_19 {offsets = [4672, 0], sizes = [64, 64], strides = [1, 1]} : vector<8192x64xf32> to vector<64x64xf32>
    %slice3A_312 = vector.extract_strided_slice %add3A_10 {offsets = [4672, 0], sizes = [64, 128], strides = [1, 1]} : vector<8192x128xf32> to vector<64x128xf32>
    %dot_general3A_313 = arith.constant dense<0.000000e+00> : vector<64x128xf32>
    %dot_general3A_314 = tpu.matmul %slice3A_311, %slice3A_312, %dot_general3A_313 {dimension_numbers = #tpu.dot_dimension_numbers<[0], [0], [1], [1], [0, 1, 1, 1], [], []>, transpose_lhs_hint = false} : vector<64x64xf32>, vector<64x128xf32>, vector<64x128xf32> -> vector<64x128xf32>
    %slice3A_315 = vector.extract_strided_slice %reshape3A_19 {offsets = [4736, 0], sizes = [64, 64], strides = [1, 1]} : vector<8192x64xf32> to vector<64x64xf32>
    %slice3A_316 = vector.extract_strided_slice %add3A_10 {offsets = [4736, 0], sizes = [64, 128], strides = [1, 1]} : vector<8192x128xf32> to vector<64x128xf32>
    %dot_general3A_317 = arith.constant dense<0.000000e+00> : vector<64x128xf32>
    %dot_general3A_318 = tpu.matmul %slice3A_315, %slice3A_316, %dot_general3A_317 {dimension_numbers = #tpu.dot_dimension_numbers<[0], [0], [1], [1], [0, 1, 1, 1], [], []>, transpose_lhs_hint = false} : vector<64x64xf32>, vector<64x128xf32>, vector<64x128xf32> -> vector<64x128xf32>
    %slice3A_319 = vector.extract_strided_slice %reshape3A_19 {offsets = [4800, 0], sizes = [64, 64], strides = [1, 1]} : vector<8192x64xf32> to vector<64x64xf32>
    %slice3A_320 = vector.extract_strided_slice %add3A_10 {offsets = [4800, 0], sizes = [64, 128], strides = [1, 1]} : vector<8192x128xf32> to vector<64x128xf32>
    %dot_general3A_321 = arith.constant dense<0.000000e+00> : vector<64x128xf32>
    %dot_general3A_322 = tpu.matmul %slice3A_319, %slice3A_320, %dot_general3A_321 {dimension_numbers = #tpu.dot_dimension_numbers<[0], [0], [1], [1], [0, 1, 1, 1], [], []>, transpose_lhs_hint = false} : vector<64x64xf32>, vector<64x128xf32>, vector<64x128xf32> -> vector<64x128xf32>
    %slice3A_323 = vector.extract_strided_slice %reshape3A_19 {offsets = [4864, 0], sizes = [64, 64], strides = [1, 1]} : vector<8192x64xf32> to vector<64x64xf32>
    %slice3A_324 = vector.extract_strided_slice %add3A_10 {offsets = [4864, 0], sizes = [64, 128], strides = [1, 1]} : vector<8192x128xf32> to vector<64x128xf32>
    %dot_general3A_325 = arith.constant dense<0.000000e+00> : vector<64x128xf32>
    %dot_general3A_326 = tpu.matmul %slice3A_323, %slice3A_324, %dot_general3A_325 {dimension_numbers = #tpu.dot_dimension_numbers<[0], [0], [1], [1], [0, 1, 1, 1], [], []>, transpose_lhs_hint = false} : vector<64x64xf32>, vector<64x128xf32>, vector<64x128xf32> -> vector<64x128xf32>
    %slice3A_327 = vector.extract_strided_slice %reshape3A_19 {offsets = [4928, 0], sizes = [64, 64], strides = [1, 1]} : vector<8192x64xf32> to vector<64x64xf32>
    %slice3A_328 = vector.extract_strided_slice %add3A_10 {offsets = [4928, 0], sizes = [64, 128], strides = [1, 1]} : vector<8192x128xf32> to vector<64x128xf32>
    %dot_general3A_329 = arith.constant dense<0.000000e+00> : vector<64x128xf32>
    %dot_general3A_330 = tpu.matmul %slice3A_327, %slice3A_328, %dot_general3A_329 {dimension_numbers = #tpu.dot_dimension_numbers<[0], [0], [1], [1], [0, 1, 1, 1], [], []>, transpose_lhs_hint = false} : vector<64x64xf32>, vector<64x128xf32>, vector<64x128xf32> -> vector<64x128xf32>
    %slice3A_331 = vector.extract_strided_slice %reshape3A_19 {offsets = [4992, 0], sizes = [64, 64], strides = [1, 1]} : vector<8192x64xf32> to vector<64x64xf32>
    %slice3A_332 = vector.extract_strided_slice %add3A_10 {offsets = [4992, 0], sizes = [64, 128], strides = [1, 1]} : vector<8192x128xf32> to vector<64x128xf32>
    %dot_general3A_333 = arith.constant dense<0.000000e+00> : vector<64x128xf32>
    %dot_general3A_334 = tpu.matmul %slice3A_331, %slice3A_332, %dot_general3A_333 {dimension_numbers = #tpu.dot_dimension_numbers<[0], [0], [1], [1], [0, 1, 1, 1], [], []>, transpose_lhs_hint = false} : vector<64x64xf32>, vector<64x128xf32>, vector<64x128xf32> -> vector<64x128xf32>
    %slice3A_335 = vector.extract_strided_slice %reshape3A_19 {offsets = [5056, 0], sizes = [64, 64], strides = [1, 1]} : vector<8192x64xf32> to vector<64x64xf32>
    %slice3A_336 = vector.extract_strided_slice %add3A_10 {offsets = [5056, 0], sizes = [64, 128], strides = [1, 1]} : vector<8192x128xf32> to vector<64x128xf32>
    %dot_general3A_337 = arith.constant dense<0.000000e+00> : vector<64x128xf32>
    %dot_general3A_338 = tpu.matmul %slice3A_335, %slice3A_336, %dot_general3A_337 {dimension_numbers = #tpu.dot_dimension_numbers<[0], [0], [1], [1], [0, 1, 1, 1], [], []>, transpose_lhs_hint = false} : vector<64x64xf32>, vector<64x128xf32>, vector<64x128xf32> -> vector<64x128xf32>
    %slice3A_339 = vector.extract_strided_slice %reshape3A_19 {offsets = [5120, 0], sizes = [64, 64], strides = [1, 1]} : vector<8192x64xf32> to vector<64x64xf32>
    %slice3A_340 = vector.extract_strided_slice %add3A_10 {offsets = [5120, 0], sizes = [64, 128], strides = [1, 1]} : vector<8192x128xf32> to vector<64x128xf32>
    %dot_general3A_341 = arith.constant dense<0.000000e+00> : vector<64x128xf32>
    %dot_general3A_342 = tpu.matmul %slice3A_339, %slice3A_340, %dot_general3A_341 {dimension_numbers = #tpu.dot_dimension_numbers<[0], [0], [1], [1], [0, 1, 1, 1], [], []>, transpose_lhs_hint = false} : vector<64x64xf32>, vector<64x128xf32>, vector<64x128xf32> -> vector<64x128xf32>
    %slice3A_343 = vector.extract_strided_slice %reshape3A_19 {offsets = [5184, 0], sizes = [64, 64], strides = [1, 1]} : vector<8192x64xf32> to vector<64x64xf32>
    %slice3A_344 = vector.extract_strided_slice %add3A_10 {offsets = [5184, 0], sizes = [64, 128], strides = [1, 1]} : vector<8192x128xf32> to vector<64x128xf32>
    %dot_general3A_345 = arith.constant dense<0.000000e+00> : vector<64x128xf32>
    %dot_general3A_346 = tpu.matmul %slice3A_343, %slice3A_344, %dot_general3A_345 {dimension_numbers = #tpu.dot_dimension_numbers<[0], [0], [1], [1], [0, 1, 1, 1], [], []>, transpose_lhs_hint = false} : vector<64x64xf32>, vector<64x128xf32>, vector<64x128xf32> -> vector<64x128xf32>
    %slice3A_347 = vector.extract_strided_slice %reshape3A_19 {offsets = [5248, 0], sizes = [64, 64], strides = [1, 1]} : vector<8192x64xf32> to vector<64x64xf32>
    %slice3A_348 = vector.extract_strided_slice %add3A_10 {offsets = [5248, 0], sizes = [64, 128], strides = [1, 1]} : vector<8192x128xf32> to vector<64x128xf32>
    %dot_general3A_349 = arith.constant dense<0.000000e+00> : vector<64x128xf32>
    %dot_general3A_350 = tpu.matmul %slice3A_347, %slice3A_348, %dot_general3A_349 {dimension_numbers = #tpu.dot_dimension_numbers<[0], [0], [1], [1], [0, 1, 1, 1], [], []>, transpose_lhs_hint = false} : vector<64x64xf32>, vector<64x128xf32>, vector<64x128xf32> -> vector<64x128xf32>
    %slice3A_351 = vector.extract_strided_slice %reshape3A_19 {offsets = [5312, 0], sizes = [64, 64], strides = [1, 1]} : vector<8192x64xf32> to vector<64x64xf32>
    %slice3A_352 = vector.extract_strided_slice %add3A_10 {offsets = [5312, 0], sizes = [64, 128], strides = [1, 1]} : vector<8192x128xf32> to vector<64x128xf32>
    %dot_general3A_353 = arith.constant dense<0.000000e+00> : vector<64x128xf32>
    %dot_general3A_354 = tpu.matmul %slice3A_351, %slice3A_352, %dot_general3A_353 {dimension_numbers = #tpu.dot_dimension_numbers<[0], [0], [1], [1], [0, 1, 1, 1], [], []>, transpose_lhs_hint = false} : vector<64x64xf32>, vector<64x128xf32>, vector<64x128xf32> -> vector<64x128xf32>
    %slice3A_355 = vector.extract_strided_slice %reshape3A_19 {offsets = [5376, 0], sizes = [64, 64], strides = [1, 1]} : vector<8192x64xf32> to vector<64x64xf32>
    %slice3A_356 = vector.extract_strided_slice %add3A_10 {offsets = [5376, 0], sizes = [64, 128], strides = [1, 1]} : vector<8192x128xf32> to vector<64x128xf32>
    %dot_general3A_357 = arith.constant dense<0.000000e+00> : vector<64x128xf32>
    %dot_general3A_358 = tpu.matmul %slice3A_355, %slice3A_356, %dot_general3A_357 {dimension_numbers = #tpu.dot_dimension_numbers<[0], [0], [1], [1], [0, 1, 1, 1], [], []>, transpose_lhs_hint = false} : vector<64x64xf32>, vector<64x128xf32>, vector<64x128xf32> -> vector<64x128xf32>
    %slice3A_359 = vector.extract_strided_slice %reshape3A_19 {offsets = [5440, 0], sizes = [64, 64], strides = [1, 1]} : vector<8192x64xf32> to vector<64x64xf32>
    %slice3A_360 = vector.extract_strided_slice %add3A_10 {offsets = [5440, 0], sizes = [64, 128], strides = [1, 1]} : vector<8192x128xf32> to vector<64x128xf32>
    %dot_general3A_361 = arith.constant dense<0.000000e+00> : vector<64x128xf32>
    %dot_general3A_362 = tpu.matmul %slice3A_359, %slice3A_360, %dot_general3A_361 {dimension_numbers = #tpu.dot_dimension_numbers<[0], [0], [1], [1], [0, 1, 1, 1], [], []>, transpose_lhs_hint = false} : vector<64x64xf32>, vector<64x128xf32>, vector<64x128xf32> -> vector<64x128xf32>
    %slice3A_363 = vector.extract_strided_slice %reshape3A_19 {offsets = [5504, 0], sizes = [64, 64], strides = [1, 1]} : vector<8192x64xf32> to vector<64x64xf32>
    %slice3A_364 = vector.extract_strided_slice %add3A_10 {offsets = [5504, 0], sizes = [64, 128], strides = [1, 1]} : vector<8192x128xf32> to vector<64x128xf32>
    %dot_general3A_365 = arith.constant dense<0.000000e+00> : vector<64x128xf32>
    %dot_general3A_366 = tpu.matmul %slice3A_363, %slice3A_364, %dot_general3A_365 {dimension_numbers = #tpu.dot_dimension_numbers<[0], [0], [1], [1], [0, 1, 1, 1], [], []>, transpose_lhs_hint = false} : vector<64x64xf32>, vector<64x128xf32>, vector<64x128xf32> -> vector<64x128xf32>
    %slice3A_367 = vector.extract_strided_slice %reshape3A_19 {offsets = [5568, 0], sizes = [64, 64], strides = [1, 1]} : vector<8192x64xf32> to vector<64x64xf32>
    %slice3A_368 = vector.extract_strided_slice %add3A_10 {offsets = [5568, 0], sizes = [64, 128], strides = [1, 1]} : vector<8192x128xf32> to vector<64x128xf32>
    %dot_general3A_369 = arith.constant dense<0.000000e+00> : vector<64x128xf32>
    %dot_general3A_370 = tpu.matmul %slice3A_367, %slice3A_368, %dot_general3A_369 {dimension_numbers = #tpu.dot_dimension_numbers<[0], [0], [1], [1], [0, 1, 1, 1], [], []>, transpose_lhs_hint = false} : vector<64x64xf32>, vector<64x128xf32>, vector<64x128xf32> -> vector<64x128xf32>
    %slice3A_371 = vector.extract_strided_slice %reshape3A_19 {offsets = [5632, 0], sizes = [64, 64], strides = [1, 1]} : vector<8192x64xf32> to vector<64x64xf32>
    %slice3A_372 = vector.extract_strided_slice %add3A_10 {offsets = [5632, 0], sizes = [64, 128], strides = [1, 1]} : vector<8192x128xf32> to vector<64x128xf32>
    %dot_general3A_373 = arith.constant dense<0.000000e+00> : vector<64x128xf32>
    %dot_general3A_374 = tpu.matmul %slice3A_371, %slice3A_372, %dot_general3A_373 {dimension_numbers = #tpu.dot_dimension_numbers<[0], [0], [1], [1], [0, 1, 1, 1], [], []>, transpose_lhs_hint = false} : vector<64x64xf32>, vector<64x128xf32>, vector<64x128xf32> -> vector<64x128xf32>
    %slice3A_375 = vector.extract_strided_slice %reshape3A_19 {offsets = [5696, 0], sizes = [64, 64], strides = [1, 1]} : vector<8192x64xf32> to vector<64x64xf32>
    %slice3A_376 = vector.extract_strided_slice %add3A_10 {offsets = [5696, 0], sizes = [64, 128], strides = [1, 1]} : vector<8192x128xf32> to vector<64x128xf32>
    %dot_general3A_377 = arith.constant dense<0.000000e+00> : vector<64x128xf32>
    %dot_general3A_378 = tpu.matmul %slice3A_375, %slice3A_376, %dot_general3A_377 {dimension_numbers = #tpu.dot_dimension_numbers<[0], [0], [1], [1], [0, 1, 1, 1], [], []>, transpose_lhs_hint = false} : vector<64x64xf32>, vector<64x128xf32>, vector<64x128xf32> -> vector<64x128xf32>
    %slice3A_379 = vector.extract_strided_slice %reshape3A_19 {offsets = [5760, 0], sizes = [64, 64], strides = [1, 1]} : vector<8192x64xf32> to vector<64x64xf32>
    %slice3A_380 = vector.extract_strided_slice %add3A_10 {offsets = [5760, 0], sizes = [64, 128], strides = [1, 1]} : vector<8192x128xf32> to vector<64x128xf32>
    %dot_general3A_381 = arith.constant dense<0.000000e+00> : vector<64x128xf32>
    %dot_general3A_382 = tpu.matmul %slice3A_379, %slice3A_380, %dot_general3A_381 {dimension_numbers = #tpu.dot_dimension_numbers<[0], [0], [1], [1], [0, 1, 1, 1], [], []>, transpose_lhs_hint = false} : vector<64x64xf32>, vector<64x128xf32>, vector<64x128xf32> -> vector<64x128xf32>
    %slice3A_383 = vector.extract_strided_slice %reshape3A_19 {offsets = [5824, 0], sizes = [64, 64], strides = [1, 1]} : vector<8192x64xf32> to vector<64x64xf32>
    %slice3A_384 = vector.extract_strided_slice %add3A_10 {offsets = [5824, 0], sizes = [64, 128], strides = [1, 1]} : vector<8192x128xf32> to vector<64x128xf32>
    %dot_general3A_385 = arith.constant dense<0.000000e+00> : vector<64x128xf32>
    %dot_general3A_386 = tpu.matmul %slice3A_383, %slice3A_384, %dot_general3A_385 {dimension_numbers = #tpu.dot_dimension_numbers<[0], [0], [1], [1], [0, 1, 1, 1], [], []>, transpose_lhs_hint = false} : vector<64x64xf32>, vector<64x128xf32>, vector<64x128xf32> -> vector<64x128xf32>
    %slice3A_387 = vector.extract_strided_slice %reshape3A_19 {offsets = [5888, 0], sizes = [64, 64], strides = [1, 1]} : vector<8192x64xf32> to vector<64x64xf32>
    %slice3A_388 = vector.extract_strided_slice %add3A_10 {offsets = [5888, 0], sizes = [64, 128], strides = [1, 1]} : vector<8192x128xf32> to vector<64x128xf32>
    %dot_general3A_389 = arith.constant dense<0.000000e+00> : vector<64x128xf32>
    %dot_general3A_390 = tpu.matmul %slice3A_387, %slice3A_388, %dot_general3A_389 {dimension_numbers = #tpu.dot_dimension_numbers<[0], [0], [1], [1], [0, 1, 1, 1], [], []>, transpose_lhs_hint = false} : vector<64x64xf32>, vector<64x128xf32>, vector<64x128xf32> -> vector<64x128xf32>
    %slice3A_391 = vector.extract_strided_slice %reshape3A_19 {offsets = [5952, 0], sizes = [64, 64], strides = [1, 1]} : vector<8192x64xf32> to vector<64x64xf32>
    %slice3A_392 = vector.extract_strided_slice %add3A_10 {offsets = [5952, 0], sizes = [64, 128], strides = [1, 1]} : vector<8192x128xf32> to vector<64x128xf32>
    %dot_general3A_393 = arith.constant dense<0.000000e+00> : vector<64x128xf32>
    %dot_general3A_394 = tpu.matmul %slice3A_391, %slice3A_392, %dot_general3A_393 {dimension_numbers = #tpu.dot_dimension_numbers<[0], [0], [1], [1], [0, 1, 1, 1], [], []>, transpose_lhs_hint = false} : vector<64x64xf32>, vector<64x128xf32>, vector<64x128xf32> -> vector<64x128xf32>
    %slice3A_395 = vector.extract_strided_slice %reshape3A_19 {offsets = [6016, 0], sizes = [64, 64], strides = [1, 1]} : vector<8192x64xf32> to vector<64x64xf32>
    %slice3A_396 = vector.extract_strided_slice %add3A_10 {offsets = [6016, 0], sizes = [64, 128], strides = [1, 1]} : vector<8192x128xf32> to vector<64x128xf32>
    %dot_general3A_397 = arith.constant dense<0.000000e+00> : vector<64x128xf32>
    %dot_general3A_398 = tpu.matmul %slice3A_395, %slice3A_396, %dot_general3A_397 {dimension_numbers = #tpu.dot_dimension_numbers<[0], [0], [1], [1], [0, 1, 1, 1], [], []>, transpose_lhs_hint = false} : vector<64x64xf32>, vector<64x128xf32>, vector<64x128xf32> -> vector<64x128xf32>
    %slice3A_399 = vector.extract_strided_slice %reshape3A_19 {offsets = [6080, 0], sizes = [64, 64], strides = [1, 1]} : vector<8192x64xf32> to vector<64x64xf32>
    %slice3A_400 = vector.extract_strided_slice %add3A_10 {offsets = [6080, 0], sizes = [64, 128], strides = [1, 1]} : vector<8192x128xf32> to vector<64x128xf32>
    %dot_general3A_401 = arith.constant dense<0.000000e+00> : vector<64x128xf32>
    %dot_general3A_402 = tpu.matmul %slice3A_399, %slice3A_400, %dot_general3A_401 {dimension_numbers = #tpu.dot_dimension_numbers<[0], [0], [1], [1], [0, 1, 1, 1], [], []>, transpose_lhs_hint = false} : vector<64x64xf32>, vector<64x128xf32>, vector<64x128xf32> -> vector<64x128xf32>
    %slice3A_403 = vector.extract_strided_slice %reshape3A_19 {offsets = [6144, 0], sizes = [64, 64], strides = [1, 1]} : vector<8192x64xf32> to vector<64x64xf32>
    %slice3A_404 = vector.extract_strided_slice %add3A_10 {offsets = [6144, 0], sizes = [64, 128], strides = [1, 1]} : vector<8192x128xf32> to vector<64x128xf32>
    %dot_general3A_405 = arith.constant dense<0.000000e+00> : vector<64x128xf32>
    %dot_general3A_406 = tpu.matmul %slice3A_403, %slice3A_404, %dot_general3A_405 {dimension_numbers = #tpu.dot_dimension_numbers<[0], [0], [1], [1], [0, 1, 1, 1], [], []>, transpose_lhs_hint = false} : vector<64x64xf32>, vector<64x128xf32>, vector<64x128xf32> -> vector<64x128xf32>
    %slice3A_407 = vector.extract_strided_slice %reshape3A_19 {offsets = [6208, 0], sizes = [64, 64], strides = [1, 1]} : vector<8192x64xf32> to vector<64x64xf32>
    %slice3A_408 = vector.extract_strided_slice %add3A_10 {offsets = [6208, 0], sizes = [64, 128], strides = [1, 1]} : vector<8192x128xf32> to vector<64x128xf32>
    %dot_general3A_409 = arith.constant dense<0.000000e+00> : vector<64x128xf32>
    %dot_general3A_410 = tpu.matmul %slice3A_407, %slice3A_408, %dot_general3A_409 {dimension_numbers = #tpu.dot_dimension_numbers<[0], [0], [1], [1], [0, 1, 1, 1], [], []>, transpose_lhs_hint = false} : vector<64x64xf32>, vector<64x128xf32>, vector<64x128xf32> -> vector<64x128xf32>
    %slice3A_411 = vector.extract_strided_slice %reshape3A_19 {offsets = [6272, 0], sizes = [64, 64], strides = [1, 1]} : vector<8192x64xf32> to vector<64x64xf32>
    %slice3A_412 = vector.extract_strided_slice %add3A_10 {offsets = [6272, 0], sizes = [64, 128], strides = [1, 1]} : vector<8192x128xf32> to vector<64x128xf32>
    %dot_general3A_413 = arith.constant dense<0.000000e+00> : vector<64x128xf32>
    %dot_general3A_414 = tpu.matmul %slice3A_411, %slice3A_412, %dot_general3A_413 {dimension_numbers = #tpu.dot_dimension_numbers<[0], [0], [1], [1], [0, 1, 1, 1], [], []>, transpose_lhs_hint = false} : vector<64x64xf32>, vector<64x128xf32>, vector<64x128xf32> -> vector<64x128xf32>
    %slice3A_415 = vector.extract_strided_slice %reshape3A_19 {offsets = [6336, 0], sizes = [64, 64], strides = [1, 1]} : vector<8192x64xf32> to vector<64x64xf32>
    %slice3A_416 = vector.extract_strided_slice %add3A_10 {offsets = [6336, 0], sizes = [64, 128], strides = [1, 1]} : vector<8192x128xf32> to vector<64x128xf32>
    %dot_general3A_417 = arith.constant dense<0.000000e+00> : vector<64x128xf32>
    %dot_general3A_418 = tpu.matmul %slice3A_415, %slice3A_416, %dot_general3A_417 {dimension_numbers = #tpu.dot_dimension_numbers<[0], [0], [1], [1], [0, 1, 1, 1], [], []>, transpose_lhs_hint = false} : vector<64x64xf32>, vector<64x128xf32>, vector<64x128xf32> -> vector<64x128xf32>
    %slice3A_419 = vector.extract_strided_slice %reshape3A_19 {offsets = [6400, 0], sizes = [64, 64], strides = [1, 1]} : vector<8192x64xf32> to vector<64x64xf32>
    %slice3A_420 = vector.extract_strided_slice %add3A_10 {offsets = [6400, 0], sizes = [64, 128], strides = [1, 1]} : vector<8192x128xf32> to vector<64x128xf32>
    %dot_general3A_421 = arith.constant dense<0.000000e+00> : vector<64x128xf32>
    %dot_general3A_422 = tpu.matmul %slice3A_419, %slice3A_420, %dot_general3A_421 {dimension_numbers = #tpu.dot_dimension_numbers<[0], [0], [1], [1], [0, 1, 1, 1], [], []>, transpose_lhs_hint = false} : vector<64x64xf32>, vector<64x128xf32>, vector<64x128xf32> -> vector<64x128xf32>
    %slice3A_423 = vector.extract_strided_slice %reshape3A_19 {offsets = [6464, 0], sizes = [64, 64], strides = [1, 1]} : vector<8192x64xf32> to vector<64x64xf32>
    %slice3A_424 = vector.extract_strided_slice %add3A_10 {offsets = [6464, 0], sizes = [64, 128], strides = [1, 1]} : vector<8192x128xf32> to vector<64x128xf32>
    %dot_general3A_425 = arith.constant dense<0.000000e+00> : vector<64x128xf32>
    %dot_general3A_426 = tpu.matmul %slice3A_423, %slice3A_424, %dot_general3A_425 {dimension_numbers = #tpu.dot_dimension_numbers<[0], [0], [1], [1], [0, 1, 1, 1], [], []>, transpose_lhs_hint = false} : vector<64x64xf32>, vector<64x128xf32>, vector<64x128xf32> -> vector<64x128xf32>
    %slice3A_427 = vector.extract_strided_slice %reshape3A_19 {offsets = [6528, 0], sizes = [64, 64], strides = [1, 1]} : vector<8192x64xf32> to vector<64x64xf32>
    %slice3A_428 = vector.extract_strided_slice %add3A_10 {offsets = [6528, 0], sizes = [64, 128], strides = [1, 1]} : vector<8192x128xf32> to vector<64x128xf32>
    %dot_general3A_429 = arith.constant dense<0.000000e+00> : vector<64x128xf32>
    %dot_general3A_430 = tpu.matmul %slice3A_427, %slice3A_428, %dot_general3A_429 {dimension_numbers = #tpu.dot_dimension_numbers<[0], [0], [1], [1], [0, 1, 1, 1], [], []>, transpose_lhs_hint = false} : vector<64x64xf32>, vector<64x128xf32>, vector<64x128xf32> -> vector<64x128xf32>
    %slice3A_431 = vector.extract_strided_slice %reshape3A_19 {offsets = [6592, 0], sizes = [64, 64], strides = [1, 1]} : vector<8192x64xf32> to vector<64x64xf32>
    %slice3A_432 = vector.extract_strided_slice %add3A_10 {offsets = [6592, 0], sizes = [64, 128], strides = [1, 1]} : vector<8192x128xf32> to vector<64x128xf32>
    %dot_general3A_433 = arith.constant dense<0.000000e+00> : vector<64x128xf32>
    %dot_general3A_434 = tpu.matmul %slice3A_431, %slice3A_432, %dot_general3A_433 {dimension_numbers = #tpu.dot_dimension_numbers<[0], [0], [1], [1], [0, 1, 1, 1], [], []>, transpose_lhs_hint = false} : vector<64x64xf32>, vector<64x128xf32>, vector<64x128xf32> -> vector<64x128xf32>
    %slice3A_435 = vector.extract_strided_slice %reshape3A_19 {offsets = [6656, 0], sizes = [64, 64], strides = [1, 1]} : vector<8192x64xf32> to vector<64x64xf32>
    %slice3A_436 = vector.extract_strided_slice %add3A_10 {offsets = [6656, 0], sizes = [64, 128], strides = [1, 1]} : vector<8192x128xf32> to vector<64x128xf32>
    %dot_general3A_437 = arith.constant dense<0.000000e+00> : vector<64x128xf32>
    %dot_general3A_438 = tpu.matmul %slice3A_435, %slice3A_436, %dot_general3A_437 {dimension_numbers = #tpu.dot_dimension_numbers<[0], [0], [1], [1], [0, 1, 1, 1], [], []>, transpose_lhs_hint = false} : vector<64x64xf32>, vector<64x128xf32>, vector<64x128xf32> -> vector<64x128xf32>
    %slice3A_439 = vector.extract_strided_slice %reshape3A_19 {offsets = [6720, 0], sizes = [64, 64], strides = [1, 1]} : vector<8192x64xf32> to vector<64x64xf32>
    %slice3A_440 = vector.extract_strided_slice %add3A_10 {offsets = [6720, 0], sizes = [64, 128], strides = [1, 1]} : vector<8192x128xf32> to vector<64x128xf32>
    %dot_general3A_441 = arith.constant dense<0.000000e+00> : vector<64x128xf32>
    %dot_general3A_442 = tpu.matmul %slice3A_439, %slice3A_440, %dot_general3A_441 {dimension_numbers = #tpu.dot_dimension_numbers<[0], [0], [1], [1], [0, 1, 1, 1], [], []>, transpose_lhs_hint = false} : vector<64x64xf32>, vector<64x128xf32>, vector<64x128xf32> -> vector<64x128xf32>
    %slice3A_443 = vector.extract_strided_slice %reshape3A_19 {offsets = [6784, 0], sizes = [64, 64], strides = [1, 1]} : vector<8192x64xf32> to vector<64x64xf32>
    %slice3A_444 = vector.extract_strided_slice %add3A_10 {offsets = [6784, 0], sizes = [64, 128], strides = [1, 1]} : vector<8192x128xf32> to vector<64x128xf32>
    %dot_general3A_445 = arith.constant dense<0.000000e+00> : vector<64x128xf32>
    %dot_general3A_446 = tpu.matmul %slice3A_443, %slice3A_444, %dot_general3A_445 {dimension_numbers = #tpu.dot_dimension_numbers<[0], [0], [1], [1], [0, 1, 1, 1], [], []>, transpose_lhs_hint = false} : vector<64x64xf32>, vector<64x128xf32>, vector<64x128xf32> -> vector<64x128xf32>
    %slice3A_447 = vector.extract_strided_slice %reshape3A_19 {offsets = [6848, 0], sizes = [64, 64], strides = [1, 1]} : vector<8192x64xf32> to vector<64x64xf32>
    %slice3A_448 = vector.extract_strided_slice %add3A_10 {offsets = [6848, 0], sizes = [64, 128], strides = [1, 1]} : vector<8192x128xf32> to vector<64x128xf32>
    %dot_general3A_449 = arith.constant dense<0.000000e+00> : vector<64x128xf32>
    %dot_general3A_450 = tpu.matmul %slice3A_447, %slice3A_448, %dot_general3A_449 {dimension_numbers = #tpu.dot_dimension_numbers<[0], [0], [1], [1], [0, 1, 1, 1], [], []>, transpose_lhs_hint = false} : vector<64x64xf32>, vector<64x128xf32>, vector<64x128xf32> -> vector<64x128xf32>
    %slice3A_451 = vector.extract_strided_slice %reshape3A_19 {offsets = [6912, 0], sizes = [64, 64], strides = [1, 1]} : vector<8192x64xf32> to vector<64x64xf32>
    %slice3A_452 = vector.extract_strided_slice %add3A_10 {offsets = [6912, 0], sizes = [64, 128], strides = [1, 1]} : vector<8192x128xf32> to vector<64x128xf32>
    %dot_general3A_453 = arith.constant dense<0.000000e+00> : vector<64x128xf32>
    %dot_general3A_454 = tpu.matmul %slice3A_451, %slice3A_452, %dot_general3A_453 {dimension_numbers = #tpu.dot_dimension_numbers<[0], [0], [1], [1], [0, 1, 1, 1], [], []>, transpose_lhs_hint = false} : vector<64x64xf32>, vector<64x128xf32>, vector<64x128xf32> -> vector<64x128xf32>
    %slice3A_455 = vector.extract_strided_slice %reshape3A_19 {offsets = [6976, 0], sizes = [64, 64], strides = [1, 1]} : vector<8192x64xf32> to vector<64x64xf32>
    %slice3A_456 = vector.extract_strided_slice %add3A_10 {offsets = [6976, 0], sizes = [64, 128], strides = [1, 1]} : vector<8192x128xf32> to vector<64x128xf32>
    %dot_general3A_457 = arith.constant dense<0.000000e+00> : vector<64x128xf32>
    %dot_general3A_458 = tpu.matmul %slice3A_455, %slice3A_456, %dot_general3A_457 {dimension_numbers = #tpu.dot_dimension_numbers<[0], [0], [1], [1], [0, 1, 1, 1], [], []>, transpose_lhs_hint = false} : vector<64x64xf32>, vector<64x128xf32>, vector<64x128xf32> -> vector<64x128xf32>
    %slice3A_459 = vector.extract_strided_slice %reshape3A_19 {offsets = [7040, 0], sizes = [64, 64], strides = [1, 1]} : vector<8192x64xf32> to vector<64x64xf32>
    %slice3A_460 = vector.extract_strided_slice %add3A_10 {offsets = [7040, 0], sizes = [64, 128], strides = [1, 1]} : vector<8192x128xf32> to vector<64x128xf32>
    %dot_general3A_461 = arith.constant dense<0.000000e+00> : vector<64x128xf32>
    %dot_general3A_462 = tpu.matmul %slice3A_459, %slice3A_460, %dot_general3A_461 {dimension_numbers = #tpu.dot_dimension_numbers<[0], [0], [1], [1], [0, 1, 1, 1], [], []>, transpose_lhs_hint = false} : vector<64x64xf32>, vector<64x128xf32>, vector<64x128xf32> -> vector<64x128xf32>
    %slice3A_463 = vector.extract_strided_slice %reshape3A_19 {offsets = [7104, 0], sizes = [64, 64], strides = [1, 1]} : vector<8192x64xf32> to vector<64x64xf32>
    %slice3A_464 = vector.extract_strided_slice %add3A_10 {offsets = [7104, 0], sizes = [64, 128], strides = [1, 1]} : vector<8192x128xf32> to vector<64x128xf32>
    %dot_general3A_465 = arith.constant dense<0.000000e+00> : vector<64x128xf32>
    %dot_general3A_466 = tpu.matmul %slice3A_463, %slice3A_464, %dot_general3A_465 {dimension_numbers = #tpu.dot_dimension_numbers<[0], [0], [1], [1], [0, 1, 1, 1], [], []>, transpose_lhs_hint = false} : vector<64x64xf32>, vector<64x128xf32>, vector<64x128xf32> -> vector<64x128xf32>
    %slice3A_467 = vector.extract_strided_slice %reshape3A_19 {offsets = [7168, 0], sizes = [64, 64], strides = [1, 1]} : vector<8192x64xf32> to vector<64x64xf32>
    %slice3A_468 = vector.extract_strided_slice %add3A_10 {offsets = [7168, 0], sizes = [64, 128], strides = [1, 1]} : vector<8192x128xf32> to vector<64x128xf32>
    %dot_general3A_469 = arith.constant dense<0.000000e+00> : vector<64x128xf32>
    %dot_general3A_470 = tpu.matmul %slice3A_467, %slice3A_468, %dot_general3A_469 {dimension_numbers = #tpu.dot_dimension_numbers<[0], [0], [1], [1], [0, 1, 1, 1], [], []>, transpose_lhs_hint = false} : vector<64x64xf32>, vector<64x128xf32>, vector<64x128xf32> -> vector<64x128xf32>
    %slice3A_471 = vector.extract_strided_slice %reshape3A_19 {offsets = [7232, 0], sizes = [64, 64], strides = [1, 1]} : vector<8192x64xf32> to vector<64x64xf32>
    %slice3A_472 = vector.extract_strided_slice %add3A_10 {offsets = [7232, 0], sizes = [64, 128], strides = [1, 1]} : vector<8192x128xf32> to vector<64x128xf32>
    %dot_general3A_473 = arith.constant dense<0.000000e+00> : vector<64x128xf32>
    %dot_general3A_474 = tpu.matmul %slice3A_471, %slice3A_472, %dot_general3A_473 {dimension_numbers = #tpu.dot_dimension_numbers<[0], [0], [1], [1], [0, 1, 1, 1], [], []>, transpose_lhs_hint = false} : vector<64x64xf32>, vector<64x128xf32>, vector<64x128xf32> -> vector<64x128xf32>
    %slice3A_475 = vector.extract_strided_slice %reshape3A_19 {offsets = [7296, 0], sizes = [64, 64], strides = [1, 1]} : vector<8192x64xf32> to vector<64x64xf32>
    %slice3A_476 = vector.extract_strided_slice %add3A_10 {offsets = [7296, 0], sizes = [64, 128], strides = [1, 1]} : vector<8192x128xf32> to vector<64x128xf32>
    %dot_general3A_477 = arith.constant dense<0.000000e+00> : vector<64x128xf32>
    %dot_general3A_478 = tpu.matmul %slice3A_475, %slice3A_476, %dot_general3A_477 {dimension_numbers = #tpu.dot_dimension_numbers<[0], [0], [1], [1], [0, 1, 1, 1], [], []>, transpose_lhs_hint = false} : vector<64x64xf32>, vector<64x128xf32>, vector<64x128xf32> -> vector<64x128xf32>
    %slice3A_479 = vector.extract_strided_slice %reshape3A_19 {offsets = [7360, 0], sizes = [64, 64], strides = [1, 1]} : vector<8192x64xf32> to vector<64x64xf32>
    %slice3A_480 = vector.extract_strided_slice %add3A_10 {offsets = [7360, 0], sizes = [64, 128], strides = [1, 1]} : vector<8192x128xf32> to vector<64x128xf32>
    %dot_general3A_481 = arith.constant dense<0.000000e+00> : vector<64x128xf32>
    %dot_general3A_482 = tpu.matmul %slice3A_479, %slice3A_480, %dot_general3A_481 {dimension_numbers = #tpu.dot_dimension_numbers<[0], [0], [1], [1], [0, 1, 1, 1], [], []>, transpose_lhs_hint = false} : vector<64x64xf32>, vector<64x128xf32>, vector<64x128xf32> -> vector<64x128xf32>
    %slice3A_483 = vector.extract_strided_slice %reshape3A_19 {offsets = [7424, 0], sizes = [64, 64], strides = [1, 1]} : vector<8192x64xf32> to vector<64x64xf32>
    %slice3A_484 = vector.extract_strided_slice %add3A_10 {offsets = [7424, 0], sizes = [64, 128], strides = [1, 1]} : vector<8192x128xf32> to vector<64x128xf32>
    %dot_general3A_485 = arith.constant dense<0.000000e+00> : vector<64x128xf32>
    %dot_general3A_486 = tpu.matmul %slice3A_483, %slice3A_484, %dot_general3A_485 {dimension_numbers = #tpu.dot_dimension_numbers<[0], [0], [1], [1], [0, 1, 1, 1], [], []>, transpose_lhs_hint = false} : vector<64x64xf32>, vector<64x128xf32>, vector<64x128xf32> -> vector<64x128xf32>
    %slice3A_487 = vector.extract_strided_slice %reshape3A_19 {offsets = [7488, 0], sizes = [64, 64], strides = [1, 1]} : vector<8192x64xf32> to vector<64x64xf32>
    %slice3A_488 = vector.extract_strided_slice %add3A_10 {offsets = [7488, 0], sizes = [64, 128], strides = [1, 1]} : vector<8192x128xf32> to vector<64x128xf32>
    %dot_general3A_489 = arith.constant dense<0.000000e+00> : vector<64x128xf32>
    %dot_general3A_490 = tpu.matmul %slice3A_487, %slice3A_488, %dot_general3A_489 {dimension_numbers = #tpu.dot_dimension_numbers<[0], [0], [1], [1], [0, 1, 1, 1], [], []>, transpose_lhs_hint = false} : vector<64x64xf32>, vector<64x128xf32>, vector<64x128xf32> -> vector<64x128xf32>
    %slice3A_491 = vector.extract_strided_slice %reshape3A_19 {offsets = [7552, 0], sizes = [64, 64], strides = [1, 1]} : vector<8192x64xf32> to vector<64x64xf32>
    %slice3A_492 = vector.extract_strided_slice %add3A_10 {offsets = [7552, 0], sizes = [64, 128], strides = [1, 1]} : vector<8192x128xf32> to vector<64x128xf32>
    %dot_general3A_493 = arith.constant dense<0.000000e+00> : vector<64x128xf32>
    %dot_general3A_494 = tpu.matmul %slice3A_491, %slice3A_492, %dot_general3A_493 {dimension_numbers = #tpu.dot_dimension_numbers<[0], [0], [1], [1], [0, 1, 1, 1], [], []>, transpose_lhs_hint = false} : vector<64x64xf32>, vector<64x128xf32>, vector<64x128xf32> -> vector<64x128xf32>
    %slice3A_495 = vector.extract_strided_slice %reshape3A_19 {offsets = [7616, 0], sizes = [64, 64], strides = [1, 1]} : vector<8192x64xf32> to vector<64x64xf32>
    %slice3A_496 = vector.extract_strided_slice %add3A_10 {offsets = [7616, 0], sizes = [64, 128], strides = [1, 1]} : vector<8192x128xf32> to vector<64x128xf32>
    %dot_general3A_497 = arith.constant dense<0.000000e+00> : vector<64x128xf32>
    %dot_general3A_498 = tpu.matmul %slice3A_495, %slice3A_496, %dot_general3A_497 {dimension_numbers = #tpu.dot_dimension_numbers<[0], [0], [1], [1], [0, 1, 1, 1], [], []>, transpose_lhs_hint = false} : vector<64x64xf32>, vector<64x128xf32>, vector<64x128xf32> -> vector<64x128xf32>
    %slice3A_499 = vector.extract_strided_slice %reshape3A_19 {offsets = [7680, 0], sizes = [64, 64], strides = [1, 1]} : vector<8192x64xf32> to vector<64x64xf32>
    %slice3A_500 = vector.extract_strided_slice %add3A_10 {offsets = [7680, 0], sizes = [64, 128], strides = [1, 1]} : vector<8192x128xf32> to vector<64x128xf32>
    %dot_general3A_501 = arith.constant dense<0.000000e+00> : vector<64x128xf32>
    %dot_general3A_502 = tpu.matmul %slice3A_499, %slice3A_500, %dot_general3A_501 {dimension_numbers = #tpu.dot_dimension_numbers<[0], [0], [1], [1], [0, 1, 1, 1], [], []>, transpose_lhs_hint = false} : vector<64x64xf32>, vector<64x128xf32>, vector<64x128xf32> -> vector<64x128xf32>
    %slice3A_503 = vector.extract_strided_slice %reshape3A_19 {offsets = [7744, 0], sizes = [64, 64], strides = [1, 1]} : vector<8192x64xf32> to vector<64x64xf32>
    %slice3A_504 = vector.extract_strided_slice %add3A_10 {offsets = [7744, 0], sizes = [64, 128], strides = [1, 1]} : vector<8192x128xf32> to vector<64x128xf32>
    %dot_general3A_505 = arith.constant dense<0.000000e+00> : vector<64x128xf32>
    %dot_general3A_506 = tpu.matmul %slice3A_503, %slice3A_504, %dot_general3A_505 {dimension_numbers = #tpu.dot_dimension_numbers<[0], [0], [1], [1], [0, 1, 1, 1], [], []>, transpose_lhs_hint = false} : vector<64x64xf32>, vector<64x128xf32>, vector<64x128xf32> -> vector<64x128xf32>
    %slice3A_507 = vector.extract_strided_slice %reshape3A_19 {offsets = [7808, 0], sizes = [64, 64], strides = [1, 1]} : vector<8192x64xf32> to vector<64x64xf32>
    %slice3A_508 = vector.extract_strided_slice %add3A_10 {offsets = [7808, 0], sizes = [64, 128], strides = [1, 1]} : vector<8192x128xf32> to vector<64x128xf32>
    %dot_general3A_509 = arith.constant dense<0.000000e+00> : vector<64x128xf32>
    %dot_general3A_510 = tpu.matmul %slice3A_507, %slice3A_508, %dot_general3A_509 {dimension_numbers = #tpu.dot_dimension_numbers<[0], [0], [1], [1], [0, 1, 1, 1], [], []>, transpose_lhs_hint = false} : vector<64x64xf32>, vector<64x128xf32>, vector<64x128xf32> -> vector<64x128xf32>
    %slice3A_511 = vector.extract_strided_slice %reshape3A_19 {offsets = [7872, 0], sizes = [64, 64], strides = [1, 1]} : vector<8192x64xf32> to vector<64x64xf32>
    %slice3A_512 = vector.extract_strided_slice %add3A_10 {offsets = [7872, 0], sizes = [64, 128], strides = [1, 1]} : vector<8192x128xf32> to vector<64x128xf32>
    %dot_general3A_513 = arith.constant dense<0.000000e+00> : vector<64x128xf32>
    %dot_general3A_514 = tpu.matmul %slice3A_511, %slice3A_512, %dot_general3A_513 {dimension_numbers = #tpu.dot_dimension_numbers<[0], [0], [1], [1], [0, 1, 1, 1], [], []>, transpose_lhs_hint = false} : vector<64x64xf32>, vector<64x128xf32>, vector<64x128xf32> -> vector<64x128xf32>
    %slice3A_515 = vector.extract_strided_slice %reshape3A_19 {offsets = [7936, 0], sizes = [64, 64], strides = [1, 1]} : vector<8192x64xf32> to vector<64x64xf32>
    %slice3A_516 = vector.extract_strided_slice %add3A_10 {offsets = [7936, 0], sizes = [64, 128], strides = [1, 1]} : vector<8192x128xf32> to vector<64x128xf32>
    %dot_general3A_517 = arith.constant dense<0.000000e+00> : vector<64x128xf32>
    %dot_general3A_518 = tpu.matmul %slice3A_515, %slice3A_516, %dot_general3A_517 {dimension_numbers = #tpu.dot_dimension_numbers<[0], [0], [1], [1], [0, 1, 1, 1], [], []>, transpose_lhs_hint = false} : vector<64x64xf32>, vector<64x128xf32>, vector<64x128xf32> -> vector<64x128xf32>
    %slice3A_519 = vector.extract_strided_slice %reshape3A_19 {offsets = [8000, 0], sizes = [64, 64], strides = [1, 1]} : vector<8192x64xf32> to vector<64x64xf32>
    %slice3A_520 = vector.extract_strided_slice %add3A_10 {offsets = [8000, 0], sizes = [64, 128], strides = [1, 1]} : vector<8192x128xf32> to vector<64x128xf32>
    %dot_general3A_521 = arith.constant dense<0.000000e+00> : vector<64x128xf32>
    %dot_general3A_522 = tpu.matmul %slice3A_519, %slice3A_520, %dot_general3A_521 {dimension_numbers = #tpu.dot_dimension_numbers<[0], [0], [1], [1], [0, 1, 1, 1], [], []>, transpose_lhs_hint = false} : vector<64x64xf32>, vector<64x128xf32>, vector<64x128xf32> -> vector<64x128xf32>
    %slice3A_523 = vector.extract_strided_slice %reshape3A_19 {offsets = [8064, 0], sizes = [64, 64], strides = [1, 1]} : vector<8192x64xf32> to vector<64x64xf32>
    %slice3A_524 = vector.extract_strided_slice %add3A_10 {offsets = [8064, 0], sizes = [64, 128], strides = [1, 1]} : vector<8192x128xf32> to vector<64x128xf32>
    %dot_general3A_525 = arith.constant dense<0.000000e+00> : vector<64x128xf32>
    %dot_general3A_526 = tpu.matmul %slice3A_523, %slice3A_524, %dot_general3A_525 {dimension_numbers = #tpu.dot_dimension_numbers<[0], [0], [1], [1], [0, 1, 1, 1], [], []>, transpose_lhs_hint = false} : vector<64x64xf32>, vector<64x128xf32>, vector<64x128xf32> -> vector<64x128xf32>
    %slice3A_527 = vector.extract_strided_slice %reshape3A_19 {offsets = [8128, 0], sizes = [64, 64], strides = [1, 1]} : vector<8192x64xf32> to vector<64x64xf32>
    %slice3A_528 = vector.extract_strided_slice %add3A_10 {offsets = [8128, 0], sizes = [64, 128], strides = [1, 1]} : vector<8192x128xf32> to vector<64x128xf32>
    %dot_general3A_529 = arith.constant dense<0.000000e+00> : vector<64x128xf32>
    %dot_general3A_530 = tpu.matmul %slice3A_527, %slice3A_528, %dot_general3A_529 {dimension_numbers = #tpu.dot_dimension_numbers<[0], [0], [1], [1], [0, 1, 1, 1], [], []>, transpose_lhs_hint = false} : vector<64x64xf32>, vector<64x128xf32>, vector<64x128xf32> -> vector<64x128xf32>
    %concatenate3A = tpu.concatenate %dot_general3A_22, %dot_general3A_26, %dot_general3A_30, %dot_general3A_34, %dot_general3A_38, %dot_general3A_42, %dot_general3A_46, %dot_general3A_50, %dot_general3A_54, %dot_general3A_58, %dot_general3A_62, %dot_general3A_66, %dot_general3A_70, %dot_general3A_74, %dot_general3A_78, %dot_general3A_82, %dot_general3A_86, %dot_general3A_90, %dot_general3A_94, %dot_general3A_98, %dot_general3A_102, %dot_general3A_106, %dot_general3A_110, %dot_general3A_114, %dot_general3A_118, %dot_general3A_122, %dot_general3A_126, %dot_general3A_130, %dot_general3A_134, %dot_general3A_138, %dot_general3A_142, %dot_general3A_146, %dot_general3A_150, %dot_general3A_154, %dot_general3A_158, %dot_general3A_162, %dot_general3A_166, %dot_general3A_170, %dot_general3A_174, %dot_general3A_178, %dot_general3A_182, %dot_general3A_186, %dot_general3A_190, %dot_general3A_194, %dot_general3A_198, %dot_general3A_202, %dot_general3A_206, %dot_general3A_210, %dot_general3A_214, %dot_general3A_218, %dot_general3A_222, %dot_general3A_226, %dot_general3A_230, %dot_general3A_234, %dot_general3A_238, %dot_general3A_242, %dot_general3A_246, %dot_general3A_250, %dot_general3A_254, %dot_general3A_258, %dot_general3A_262, %dot_general3A_266, %dot_general3A_270, %dot_general3A_274, %dot_general3A_278, %dot_general3A_282, %dot_general3A_286, %dot_general3A_290, %dot_general3A_294, %dot_general3A_298, %dot_general3A_302, %dot_general3A_306, %dot_general3A_310, %dot_general3A_314, %dot_general3A_318, %dot_general3A_322, %dot_general3A_326, %dot_general3A_330, %dot_general3A_334, %dot_general3A_338, %dot_general3A_342, %dot_general3A_346, %dot_general3A_350, %dot_general3A_354, %dot_general3A_358, %dot_general3A_362, %dot_general3A_366, %dot_general3A_370, %dot_general3A_374, %dot_general3A_378, %dot_general3A_382, %dot_general3A_386, %dot_general3A_390, %dot_general3A_394, %dot_general3A_398, %dot_general3A_402, %dot_general3A_406, %dot_general3A_410, %dot_general3A_414, %dot_general3A_418, %dot_general3A_422, %dot_general3A_426, %dot_general3A_430, %dot_general3A_434, %dot_general3A_438, %dot_general3A_442, %dot_general3A_446, %dot_general3A_450, %dot_general3A_454, %dot_general3A_458, %dot_general3A_462, %dot_general3A_466, %dot_general3A_470, %dot_general3A_474, %dot_general3A_478, %dot_general3A_482, %dot_general3A_486, %dot_general3A_490, %dot_general3A_494, %dot_general3A_498, %dot_general3A_502, %dot_general3A_506, %dot_general3A_510, %dot_general3A_514, %dot_general3A_518, %dot_general3A_522, %dot_general3A_526, %dot_general3A_530 in 0 : vector<64x128xf32>, vector<64x128xf32>, vector<64x128xf32>, vector<64x128xf32>, vector<64x128xf32>, vector<64x128xf32>, vector<64x128xf32>, vector<64x128xf32>, vector<64x128xf32>, vector<64x128xf32>, vector<64x128xf32>, vector<64x128xf32>, vector<64x128xf32>, vector<64x128xf32>, vector<64x128xf32>, vector<64x128xf32>, vector<64x128xf32>, vector<64x128xf32>, vector<64x128xf32>, vector<64x128xf32>, vector<64x128xf32>, vector<64x128xf32>, vector<64x128xf32>, vector<64x128xf32>, vector<64x128xf32>, vector<64x128xf32>, vector<64x128xf32>, vector<64x128xf32>, vector<64x128xf32>, vector<64x128xf32>, vector<64x128xf32>, vector<64x128xf32>, vector<64x128xf32>, vector<64x128xf32>, vector<64x128xf32>, vector<64x128xf32>, vector<64x128xf32>, vector<64x128xf32>, vector<64x128xf32>, vector<64x128xf32>, vector<64x128xf32>, vector<64x128xf32>, vector<64x128xf32>, vector<64x128xf32>, vector<64x128xf32>, vector<64x128xf32>, vector<64x128xf32>, vector<64x128xf32>, vector<64x128xf32>, vector<64x128xf32>, vector<64x128xf32>, vector<64x128xf32>, vector<64x128xf32>, vector<64x128xf32>, vector<64x128xf32>, vector<64x128xf32>, vector<64x128xf32>, vector<64x128xf32>, vector<64x128xf32>, vector<64x128xf32>, vector<64x128xf32>, vector<64x128xf32>, vector<64x128xf32>, vector<64x128xf32>, vector<64x128xf32>, vector<64x128xf32>, vector<64x128xf32>, vector<64x128xf32>, vector<64x128xf32>, vector<64x128xf32>, vector<64x128xf32>, vector<64x128xf32>, vector<64x128xf32>, vector<64x128xf32>, vector<64x128xf32>, vector<64x128xf32>, vector<64x128xf32>, vector<64x128xf32>, vector<64x128xf32>, vector<64x128xf32>, vector<64x128xf32>, vector<64x128xf32>, vector<64x128xf32>, vector<64x128xf32>, vector<64x128xf32>, vector<64x128xf32>, vector<64x128xf32>, vector<64x128xf32>, vector<64x128xf32>, vector<64x128xf32>, vector<64x128xf32>, vector<64x128xf32>, vector<64x128xf32>, vector<64x128xf32>, vector<64x128xf32>, vector<64x128xf32>, vector<64x128xf32>, vector<64x128xf32>, vector<64x128xf32>, vector<64x128xf32>, vector<64x128xf32>, vector<64x128xf32>, vector<64x128xf32>, vector<64x128xf32>, vector<64x128xf32>, vector<64x128xf32>, vector<64x128xf32>, vector<64x128xf32>, vector<64x128xf32>, vector<64x128xf32>, vector<64x128xf32>, vector<64x128xf32>, vector<64x128xf32>, vector<64x128xf32>, vector<64x128xf32>, vector<64x128xf32>, vector<64x128xf32>, vector<64x128xf32>, vector<64x128xf32>, vector<64x128xf32>, vector<64x128xf32>, vector<64x128xf32>, vector<64x128xf32>, vector<64x128xf32>, vector<64x128xf32>, vector<64x128xf32>, vector<64x128xf32>, vector<64x128xf32> -> vector<8192x128xf32>
    %get3A_531 = arith.constant 0 : index
    %get3A_532 = arith.constant 0 : index
    %get3A_533 = vector.load %arg5[%get3A_531, %get3A_532] : memref<128x128xf32, #tpu.memory_space<vmem>>, vector<128x128xf32>
    %dot_general3A_534 = arith.constant dense<0.000000e+00> : vector<8192x128xf32>
    %dot_general3A_535 = tpu.matmul %concatenate3A, %get3A_533, %dot_general3A_534 {dimension_numbers = #tpu.dot_dimension_numbers<[1], [0], [0], [1], [0, 0, 1, 1], [], []>, transpose_lhs_hint = false} : vector<8192x128xf32>, vector<128x128xf32>, vector<8192x128xf32> -> vector<8192x128xf32>
    %get3A_536 = arith.constant 0 : index
    %get3A_537 = arith.constant 0 : index
    %get3A_538 = vector.load %arg6[%get3A_536, %get3A_537] : memref<1x128xf32, #tpu.memory_space<vmem>>, vector<1x128xf32>
    %add3A_539 = vector.broadcast %get3A_538 : vector<1x128xf32> to vector<8192x128xf32>
    %add3A_540 = arith.addf %dot_general3A_535, %add3A_539 : vector<8192x128xf32>
    %tanh3A_541 = math.tanh %add3A_540 : vector<8192x128xf32>
    %reshape3A_542 = vector.shape_cast %tanh3A_541 : vector<8192x128xf32> to vector<128x64x128xf32>
    %get3A_543 = arith.constant 0 : index
    %get3A_544 = arith.constant 0 : index
    %get3A_545 = vector.load %arg7[%get3A_543, %get3A_544] : memref<64x128xf32, #tpu.memory_space<vmem>>, vector<64x128xf32>
    %broadcast_in_dim3A_546 = vector.shape_cast %get3A_545 : vector<64x128xf32> to vector<1x64x128xf32>
    %mul3A = vector.broadcast %broadcast_in_dim3A_546 : vector<1x64x128xf32> to vector<128x64x128xf32>
    %mul3A_547 = arith.mulf %reshape3A_542, %mul3A : vector<128x64x128xf32>
    %reduce_sum3A_548 = arith.constant dense<0.000000e+00> : vector<128x64xf32>
    %reduce_sum3A_549 = vector.multi_reduction <add>, %mul3A_547, %reduce_sum3A_548 [2] : vector<128x64x128xf32> to vector<128x64xf32>
    %exp3A_550 = math.exp %reduce_sum3A_549 : vector<128x64xf32>
    %reshape3A_551 = vector.shape_cast %concatenate3A : vector<8192x128xf32> to vector<128x64x128xf32>
    %slice3A_552 = vector.extract_strided_slice %exp3A_550 {offsets = [0, 0], sizes = [32, 64], strides = [1, 1]} : vector<128x64xf32> to vector<32x64xf32>
    %reduce_sum3A_553 = arith.constant dense<0.000000e+00> : vector<64xf32>
    %reduce_sum3A_554 = vector.multi_reduction <add>, %slice3A_552, %reduce_sum3A_553 [0] : vector<32x64xf32> to vector<64xf32>
    %broadcast_in_dim3A_555 = vector.shape_cast %reduce_sum3A_554 : vector<64xf32> to vector<1x64xf32>
    %div3A_556 = vector.broadcast %broadcast_in_dim3A_555 : vector<1x64xf32> to vector<32x64xf32>
    %div3A_557 = arith.divf %slice3A_552, %div3A_556 : vector<32x64xf32>
    %slice3A_558 = vector.extract_strided_slice %reshape3A_551 {offsets = [0, 0, 0], sizes = [32, 64, 128], strides = [1, 1, 1]} : vector<128x64x128xf32> to vector<32x64x128xf32>
    %broadcast_in_dim3A_559 = vector.shape_cast %div3A_557 : vector<32x64xf32> to vector<32x64x1xf32>
    %mul3A_560 = vector.broadcast %broadcast_in_dim3A_559 : vector<32x64x1xf32> to vector<32x64x128xf32>
    %mul3A_561 = arith.mulf %slice3A_558, %mul3A_560 : vector<32x64x128xf32>
    %reduce_sum3A_562 = arith.constant dense<0.000000e+00> : vector<64x128xf32>
    %reduce_sum3A_563 = vector.multi_reduction <add>, %mul3A_561, %reduce_sum3A_562 [0] : vector<32x64x128xf32> to vector<64x128xf32>
    %get3A_564 = arith.constant 0 : index
    %get3A_565 = arith.constant 0 : index
    %get3A_566 = vector.load %arg8[%get3A_564, %get3A_565] : memref<64x128xf32, #tpu.memory_space<vmem>>, vector<64x128xf32>
    %mul3A_567 = arith.mulf %reduce_sum3A_563, %get3A_566 : vector<64x128xf32>
    %reduce_sum3A_568 = arith.constant dense<0.000000e+00> : vector<64xf32>
    %reduce_sum3A_569 = vector.multi_reduction <add>, %mul3A_567, %reduce_sum3A_568 [1] : vector<64x128xf32> to vector<64xf32>
    %mul3A_570 = arith.constant 4 : i32
    %mul3A_571 = arith.muli %arg0, %mul3A_570 : i32
    %add3A_572 = arith.constant 0 : i32
    %add3A_573 = arith.addi %add3A_572, %mul3A_571 : i32
    %add3A_574 = arith.constant 0 : i32
    %add3A_575 = arith.addi %add3A_573, %add3A_574 : i32
    %slice3A_576 = vector.extract_strided_slice %reduce_sum3A_569 {offsets = [0], sizes = [50], strides = [1]} : vector<64xf32> to vector<50xf32>
    %broadcast_in_dim3A_577 = vector.shape_cast %slice3A_576 : vector<50xf32> to vector<1x50xf32>
    %get3A_578 = arith.constant 0 : index
    %get3A_579 = arith.constant 0 : index
    %get3A_580 = vector.load %arg9[%get3A_578, %get3A_579] : memref<1x50xf32, #tpu.memory_space<vmem>>, vector<1x50xf32>
    %add3A_581 = arith.addf %broadcast_in_dim3A_577, %get3A_580 : vector<1x50xf32>
    %swap3A = arith.index_cast %add3A_575 : i32 to index
    %swap3A_582 = arith.constant 0 : index
    %swap3A_583 = vector.load %arg10[%swap3A, %swap3A_582] : memref<8x50xf32, #tpu.memory_space<vmem>>, vector<1x50xf32>
    tpu.vector_store %arg10[%swap3A, %swap3A_582], %add3A_581 {strides = array<i32>} : memref<8x50xf32, #tpu.memory_space<vmem>>, vector<1x50xf32>,
    %slice3A_584 = vector.extract_strided_slice %exp3A_550 {offsets = [32, 0], sizes = [32, 64], strides = [1, 1]} : vector<128x64xf32> to vector<32x64xf32>
    %reduce_sum3A_585 = arith.constant dense<0.000000e+00> : vector<64xf32>
    %reduce_sum3A_586 = vector.multi_reduction <add>, %slice3A_584, %reduce_sum3A_585 [0] : vector<32x64xf32> to vector<64xf32>
    %broadcast_in_dim3A_587 = vector.shape_cast %reduce_sum3A_586 : vector<64xf32> to vector<1x64xf32>
    %div3A_588 = vector.broadcast %broadcast_in_dim3A_587 : vector<1x64xf32> to vector<32x64xf32>
    %div3A_589 = arith.divf %slice3A_584, %div3A_588 : vector<32x64xf32>
    %slice3A_590 = vector.extract_strided_slice %reshape3A_551 {offsets = [32, 0, 0], sizes = [32, 64, 128], strides = [1, 1, 1]} : vector<128x64x128xf32> to vector<32x64x128xf32>
    %broadcast_in_dim3A_591 = vector.shape_cast %div3A_589 : vector<32x64xf32> to vector<32x64x1xf32>
    %mul3A_592 = vector.broadcast %broadcast_in_dim3A_591 : vector<32x64x1xf32> to vector<32x64x128xf32>
    %mul3A_593 = arith.mulf %slice3A_590, %mul3A_592 : vector<32x64x128xf32>
    %reduce_sum3A_594 = arith.constant dense<0.000000e+00> : vector<64x128xf32>
    %reduce_sum3A_595 = vector.multi_reduction <add>, %mul3A_593, %reduce_sum3A_594 [0] : vector<32x64x128xf32> to vector<64x128xf32>
    %get3A_596 = arith.constant 0 : index
    %get3A_597 = arith.constant 0 : index
    %get3A_598 = vector.load %arg8[%get3A_596, %get3A_597] : memref<64x128xf32, #tpu.memory_space<vmem>>, vector<64x128xf32>
    %mul3A_599 = arith.mulf %reduce_sum3A_595, %get3A_598 : vector<64x128xf32>
    %reduce_sum3A_600 = arith.constant dense<0.000000e+00> : vector<64xf32>
    %reduce_sum3A_601 = vector.multi_reduction <add>, %mul3A_599, %reduce_sum3A_600 [1] : vector<64x128xf32> to vector<64xf32>
    %mul3A_602 = arith.constant 4 : i32
    %mul3A_603 = arith.muli %arg0, %mul3A_602 : i32
    %add3A_604 = arith.constant 0 : i32
    %add3A_605 = arith.addi %add3A_604, %mul3A_603 : i32
    %add3A_606 = arith.constant 1 : i32
    %add3A_607 = arith.addi %add3A_605, %add3A_606 : i32
    %slice3A_608 = vector.extract_strided_slice %reduce_sum3A_601 {offsets = [0], sizes = [50], strides = [1]} : vector<64xf32> to vector<50xf32>
    %broadcast_in_dim3A_609 = vector.shape_cast %slice3A_608 : vector<50xf32> to vector<1x50xf32>
    %get3A_610 = arith.constant 0 : index
    %get3A_611 = arith.constant 0 : index
    %get3A_612 = vector.load %arg9[%get3A_610, %get3A_611] : memref<1x50xf32, #tpu.memory_space<vmem>>, vector<1x50xf32>
    %add3A_613 = arith.addf %broadcast_in_dim3A_609, %get3A_612 : vector<1x50xf32>
    %swap3A_614 = arith.index_cast %add3A_607 : i32 to index
    %swap3A_615 = arith.constant 0 : index
    %swap3A_616 = vector.load %arg10[%swap3A_614, %swap3A_615] : memref<8x50xf32, #tpu.memory_space<vmem>>, vector<1x50xf32>
    tpu.vector_store %arg10[%swap3A_614, %swap3A_615], %add3A_613 {strides = array<i32>} : memref<8x50xf32, #tpu.memory_space<vmem>>, vector<1x50xf32>,
    %slice3A_617 = vector.extract_strided_slice %exp3A_550 {offsets = [64, 0], sizes = [32, 64], strides = [1, 1]} : vector<128x64xf32> to vector<32x64xf32>
    %reduce_sum3A_618 = arith.constant dense<0.000000e+00> : vector<64xf32>
    %reduce_sum3A_619 = vector.multi_reduction <add>, %slice3A_617, %reduce_sum3A_618 [0] : vector<32x64xf32> to vector<64xf32>
    %broadcast_in_dim3A_620 = vector.shape_cast %reduce_sum3A_619 : vector<64xf32> to vector<1x64xf32>
    %div3A_621 = vector.broadcast %broadcast_in_dim3A_620 : vector<1x64xf32> to vector<32x64xf32>
    %div3A_622 = arith.divf %slice3A_617, %div3A_621 : vector<32x64xf32>
    %slice3A_623 = vector.extract_strided_slice %reshape3A_551 {offsets = [64, 0, 0], sizes = [32, 64, 128], strides = [1, 1, 1]} : vector<128x64x128xf32> to vector<32x64x128xf32>
    %broadcast_in_dim3A_624 = vector.shape_cast %div3A_622 : vector<32x64xf32> to vector<32x64x1xf32>
    %mul3A_625 = vector.broadcast %broadcast_in_dim3A_624 : vector<32x64x1xf32> to vector<32x64x128xf32>
    %mul3A_626 = arith.mulf %slice3A_623, %mul3A_625 : vector<32x64x128xf32>
    %reduce_sum3A_627 = arith.constant dense<0.000000e+00> : vector<64x128xf32>
    %reduce_sum3A_628 = vector.multi_reduction <add>, %mul3A_626, %reduce_sum3A_627 [0] : vector<32x64x128xf32> to vector<64x128xf32>
    %get3A_629 = arith.constant 0 : index
    %get3A_630 = arith.constant 0 : index
    %get3A_631 = vector.load %arg8[%get3A_629, %get3A_630] : memref<64x128xf32, #tpu.memory_space<vmem>>, vector<64x128xf32>
    %mul3A_632 = arith.mulf %reduce_sum3A_628, %get3A_631 : vector<64x128xf32>
    %reduce_sum3A_633 = arith.constant dense<0.000000e+00> : vector<64xf32>
    %reduce_sum3A_634 = vector.multi_reduction <add>, %mul3A_632, %reduce_sum3A_633 [1] : vector<64x128xf32> to vector<64xf32>
    %mul3A_635 = arith.constant 4 : i32
    %mul3A_636 = arith.muli %arg0, %mul3A_635 : i32
    %add3A_637 = arith.constant 0 : i32
    %add3A_638 = arith.addi %add3A_637, %mul3A_636 : i32
    %add3A_639 = arith.constant 2 : i32
    %add3A_640 = arith.addi %add3A_638, %add3A_639 : i32
    %slice3A_641 = vector.extract_strided_slice %reduce_sum3A_634 {offsets = [0], sizes = [50], strides = [1]} : vector<64xf32> to vector<50xf32>
    %broadcast_in_dim3A_642 = vector.shape_cast %slice3A_641 : vector<50xf32> to vector<1x50xf32>
    %get3A_643 = arith.constant 0 : index
    %get3A_644 = arith.constant 0 : index
    %get3A_645 = vector.load %arg9[%get3A_643, %get3A_644] : memref<1x50xf32, #tpu.memory_space<vmem>>, vector<1x50xf32>
    %add3A_646 = arith.addf %broadcast_in_dim3A_642, %get3A_645 : vector<1x50xf32>
    %swap3A_647 = arith.index_cast %add3A_640 : i32 to index
    %swap3A_648 = arith.constant 0 : index
    %swap3A_649 = vector.load %arg10[%swap3A_647, %swap3A_648] : memref<8x50xf32, #tpu.memory_space<vmem>>, vector<1x50xf32>
    tpu.vector_store %arg10[%swap3A_647, %swap3A_648], %add3A_646 {strides = array<i32>} : memref<8x50xf32, #tpu.memory_space<vmem>>, vector<1x50xf32>,
    %slice3A_650 = vector.extract_strided_slice %exp3A_550 {offsets = [96, 0], sizes = [32, 64], strides = [1, 1]} : vector<128x64xf32> to vector<32x64xf32>
    %reduce_sum3A_651 = arith.constant dense<0.000000e+00> : vector<64xf32>
    %reduce_sum3A_652 = vector.multi_reduction <add>, %slice3A_650, %reduce_sum3A_651 [0] : vector<32x64xf32> to vector<64xf32>
    %broadcast_in_dim3A_653 = vector.shape_cast %reduce_sum3A_652 : vector<64xf32> to vector<1x64xf32>
    %div3A_654 = vector.broadcast %broadcast_in_dim3A_653 : vector<1x64xf32> to vector<32x64xf32>
    %div3A_655 = arith.divf %slice3A_650, %div3A_654 : vector<32x64xf32>
    %slice3A_656 = vector.extract_strided_slice %reshape3A_551 {offsets = [96, 0, 0], sizes = [32, 64, 128], strides = [1, 1, 1]} : vector<128x64x128xf32> to vector<32x64x128xf32>
    %broadcast_in_dim3A_657 = vector.shape_cast %div3A_655 : vector<32x64xf32> to vector<32x64x1xf32>
    %mul3A_658 = vector.broadcast %broadcast_in_dim3A_657 : vector<32x64x1xf32> to vector<32x64x128xf32>
    %mul3A_659 = arith.mulf %slice3A_656, %mul3A_658 : vector<32x64x128xf32>
    %reduce_sum3A_660 = arith.constant dense<0.000000e+00> : vector<64x128xf32>
    %reduce_sum3A_661 = vector.multi_reduction <add>, %mul3A_659, %reduce_sum3A_660 [0] : vector<32x64x128xf32> to vector<64x128xf32>
    %get3A_662 = arith.constant 0 : index
    %get3A_663 = arith.constant 0 : index
    %get3A_664 = vector.load %arg8[%get3A_662, %get3A_663] : memref<64x128xf32, #tpu.memory_space<vmem>>, vector<64x128xf32>
    %mul3A_665 = arith.mulf %reduce_sum3A_661, %get3A_664 : vector<64x128xf32>
    %reduce_sum3A_666 = arith.constant dense<0.000000e+00> : vector<64xf32>
    %reduce_sum3A_667 = vector.multi_reduction <add>, %mul3A_665, %reduce_sum3A_666 [1] : vector<64x128xf32> to vector<64xf32>
    %mul3A_668 = arith.constant 4 : i32
    %mul3A_669 = arith.muli %arg0, %mul3A_668 : i32
    %add3A_670 = arith.constant 0 : i32
    %add3A_671 = arith.addi %add3A_670, %mul3A_669 : i32
    %add3A_672 = arith.constant 3 : i32
    %add3A_673 = arith.addi %add3A_671, %add3A_672 : i32
    %slice3A_674 = vector.extract_strided_slice %reduce_sum3A_667 {offsets = [0], sizes = [50], strides = [1]} : vector<64xf32> to vector<50xf32>
    %broadcast_in_dim3A_675 = vector.shape_cast %slice3A_674 : vector<50xf32> to vector<1x50xf32>
    %get3A_676 = arith.constant 0 : index
    %get3A_677 = arith.constant 0 : index
    %get3A_678 = vector.load %arg9[%get3A_676, %get3A_677] : memref<1x50xf32, #tpu.memory_space<vmem>>, vector<1x50xf32>
    %add3A_679 = arith.addf %broadcast_in_dim3A_675, %get3A_678 : vector<1x50xf32>
    %swap3A_680 = arith.index_cast %add3A_673 : i32 to index
    %swap3A_681 = arith.constant 0 : index
    %swap3A_682 = vector.load %arg10[%swap3A_680, %swap3A_681] : memref<8x50xf32, #tpu.memory_space<vmem>>, vector<1x50xf32>
    tpu.vector_store %arg10[%swap3A_680, %swap3A_681], %add3A_679 {strides = array<i32>} : memref<8x50xf32, #tpu.memory_space<vmem>>, vector<1x50xf32>,
    return
  }
  func.func @transform_0(%arg0: i32) -> (i32, i32, i32) {
    %c0_i32 = arith.constant 0 : i32
    %c0_i32_0 = arith.constant 0 : i32
    %c0_i32_1 = arith.constant 0 : i32
    return %arg0, %c0_i32, %c0_i32_0 : i32, i32, i32
  }
  func.func @transform_1(%arg0: i32) -> (i32, i32) {
    %c0_i32 = arith.constant 0 : i32
    %c0_i32_0 = arith.constant 0 : i32
    %c0_i32_1 = arith.constant 0 : i32
    return %c0_i32, %c0_i32_0 : i32, i32
  }
  func.func @transform_2(%arg0: i32) -> (i32, i32) {
    %c0_i32 = arith.constant 0 : i32
    %c0_i32_0 = arith.constant 0 : i32
    %c0_i32_1 = arith.constant 0 : i32
    return %c0_i32, %c0_i32_0 : i32, i32
  }
  func.func @transform_3(%arg0: i32) -> (i32, i32) {
    %c0_i32 = arith.constant 0 : i32
    %c0_i32_0 = arith.constant 0 : i32
    %c0_i32_1 = arith.constant 0 : i32
    return %c0_i32, %c0_i32_0 : i32, i32
  }
  func.func @transform_4(%arg0: i32) -> (i32, i32) {
    %c0_i32 = arith.constant 0 : i32
    %c0_i32_0 = arith.constant 0 : i32
    %c0_i32_1 = arith.constant 0 : i32
    return %c0_i32, %c0_i32_0 : i32, i32
  }
  func.func @transform_5(%arg0: i32) -> (i32, i32) {
    %c0_i32 = arith.constant 0 : i32
    %c0_i32_0 = arith.constant 0 : i32
    %c0_i32_1 = arith.constant 0 : i32
    return %c0_i32, %c0_i32_0 : i32, i32
  }
  func.func @transform_6(%arg0: i32) -> (i32, i32) {
    %c0_i32 = arith.constant 0 : i32
    %c0_i32_0 = arith.constant 0 : i32
    %c0_i32_1 = arith.constant 0 : i32
    return %c0_i32, %c0_i32_0 : i32, i32
  }
  func.func @transform_7(%arg0: i32) -> (i32, i32) {
    %c0_i32 = arith.constant 0 : i32
    %c0_i32_0 = arith.constant 0 : i32
    %c0_i32_1 = arith.constant 0 : i32
    return %c0_i32, %c0_i32_0 : i32, i32
  }
  func.func @transform_8(%arg0: i32) -> (i32, i32) {
    %c0_i32 = arith.constant 0 : i32
    %c0_i32_0 = arith.constant 0 : i32
    %c0_i32_1 = arith.constant 0 : i32
    return %c0_i32, %c0_i32_0 : i32, i32
  }
  func.func @transform_9(%arg0: i32) -> (i32, i32) {
    %c0_i32 = arith.constant 0 : i32
    %c0_i32_0 = arith.constant 0 : i32
    %c0_i32_1 = arith.constant 0 : i32
    return %c0_i32, %c0_i32_0 : i32, i32
  }
}

</mosaic_0001>

<sc_bundles>
// kernel: kernel.6.cloned.1.call-start
scs
__scs_entry_jumppad:
0x0: {  	(pc) =	sbr.rel $0x88, $3  }
0x1: {  	(tag) =	ssettag $0x0;
	lr =	simm.s32 $0x1  }
0x2: {  	[smem:$0x3F97] =	sst lr;
	_ =	strace $0xD0000000  }
0x3: {  	_ = 	snop  }
0x4: {  	_ = 	snop  }
0x5: {  	_ = 	snop  }
0x6: {  	_ = 	snop  }
0x7: {  	_ = 	snop  }
__scs_overlays_trampoline_lowered:
0x8: {  	[smem:$0x3FA6] =	sst s0  }
0x9: {  	[smem:$0x3FA7] =	sst s1  }
0xa: {  	[smem:$0x3FA8] =	sst s2  }
0xb: {  	[smem:$0x3FA9] =	sst s3  }
0xc: {  	[smem:$0x3FAA] =	sst s4  }
0xd: {  	[smem:$0x3FAB] =	sst s5  }
0xe: {  	[smem:$0x3FAC] =	sst s6  }
0xf: {  	[smem:$0x3FAD] =	sst s7  }
0x10: {  	[smem:$0x3FAE] =	sst s8  }
0x11: {  	[smem:$0x3FAF] =	sst s9;
	s0 =	simm.s32 @!p0 $0x0  }
0x12: {  	s1 =	sld [smem:$0x3F95];
	s0 =	simm.s32 @p0 $0x1  }
0x13: {  	[smem:$0x3FB0] =	sst s0;
	s0 =	simm.s32 @!p1 $0x0  }
0x14: {  	s2 =	sld [smem:$0x3F94];
	s0 =	simm.s32 @p1 $0x1  }
0x15: {  	[smem:$0x3FB1] =	sst s0;
	s0 =	simm.s32 @!p2 $0x0  }
0x16: {  	s3 =	sld [smem:$0x3FDB];
	s0 =	simm.s32 @p2 $0x1  }
0x17: {  	s4 =	simm.s32 $0x1BF5;
	[smem:$0x3FB3] =	sst s0  }
0x18: {  	s0 =	sld [smem:$0x3F96];
	_ =	swait.ge [sflag:s4], $0x0  }
0x19: {  	s7 =	sld [smem:$0x3F97]  }
0x1a: {  	s8 =	sadd.s32 $0xFFFFE003, lr  }
0x1b: {  	s9 =	sadd.s32 $0xFFFFFEF7, lr;
	s5 =	simm.s32 $0xFFFFFFFF;
	p2 =	slt.u32 s8, $0xFFFFF086  }
0x1c: {  	p1 =	slt.u32 s9, $0xF7A;
	s5 =	simm.s32 @!p2 $0x0  }
0x1d: {  	s5 =	simm.s32 @p1 $0x1;
	p0 =	seq.s32 s7, s2  }
0x1e: {  	s7 =	smul.u32 @!p0 $0xF7A, s2;
	p2 =	seq.s32 @!p0 s5, $0x0  }
0x1f: {  	s9 =	smul.u32 $0xF7A, s1;
	s8 =	simm.s32 @!p0 $0x1BF5;
	p2 =	por !p2, p0  }
0x20: {  	[sflag:s8] =	ssyncset.s32 @!p0 $0xFFFFF086;
	s6 =	sadd.s32 @!p0 s3, s7;
	s7 =	simm.s32 @!p0 $0x108  }
0x21: {  	s3 =	sadd.s32 s3, s9;
	s6 =	sadd.s32 @!p0 $0x88, s6;
	s7 =	simm.s32 @p2 $0x1082  }
0x22: {  	[simem:s7], [sflag:s8] =	dma.local @!p0 [hbm:s6], $0xF7A  }
0x23: {  	s9 =	sor.u32 $0xD0000000, s2;
	s6 =	simm.s32 $0x108;
	_ =	swait.ge @!p0 [sflag:s8], $0x0  }
0x24: {  	s3 =	sadd.s32 $0x88, s3;
	s6 =	simm.s32 @!p1 $0x1082;
	[sflag:s4] =	ssyncset.s32 $0xFFFFF086  }
0x25: {  	[simem:s6], [sflag:s4] =	dma.local [hbm:s3], $0xF7A  }
0x26: {  	[smem:$0x3F97] =	sst s1;
	(tag) =	ssettag s2;
	_ =	strace s9  }
0x27: {  	s1 =	sld [smem:$0x3FA7]  }
0x28: {  	s2 =	sld [smem:$0x3FA8]  }
0x29: {  	s4 =	sld [smem:$0x3FAA]  }
0x2a: {  	p0 =	seq.s32 s5, $0x0;
	s5 =	sld [smem:$0x3FAB]  }
0x2b: {  	s6 =	sld [smem:$0x3FAC]  }
0x2c: {  	s7 =	sld [smem:$0x3FAD]  }
0x2d: {  	s3 =	simm.s32 $0x108;
	s8 =	sld [smem:$0x3FAE]  }
0x2e: {  	s3 =	simm.s32 @!p0 $0x1082;
	s9 =	sld [smem:$0x3FAF]  }
0x2f: {  	lr =	sadd.s32 s0, s3;
	s0 =	sld [smem:$0x3FA6]  }
0x30: {  	s3 =	sld [smem:$0x3FA9]  }
0x31: {  	[smem:$0x3FB2] =	sst s10  }
0x32: {  	s10 =	sld [smem:$0x3FB0];
	_ =	sdelay $0x3  }
0x33: {  	p0 =	seq.s32 s10, $0x1;
	s10 =	sld [smem:$0x3FB2];
	_ =	sdelay $0x3  }
0x34: {  	[smem:$0x3FB2] =	sst s10  }
0x35: {  	s10 =	sld [smem:$0x3FB1];
	_ =	sdelay $0x3  }
0x36: {  	p1 =	seq.s32 s10, $0x1;
	s10 =	sld [smem:$0x3FB2];
	_ =	sdelay $0x3  }
0x37: {  	[smem:$0x3FB2] =	sst s10  }
0x38: {  	s10 =	sld [smem:$0x3FB3]  }
0x39: {  	_ = 	snop;
	(pc) =	sbr.ind lr, $3  }
0x3a: {  	_ = 	snop  }
0x3b: {  	_ = 	snop  }
0x3c: {  	p2 =	seq.s32 s10, $0x1;
	s10 =	sld [smem:$0x3FB2]  }
0x3d: {  	_ =	shalt  }
0x3e: {  	_ =	shalt  }
0x3f: {  	_ =	shalt  }
0x40: {  	_ =	shalt  }
0x41: {  	_ =	shalt  }
0x42: {  	_ =	shalt  }
0x43: {  	_ =	shalt  }
0x44: {  	_ =	shalt  }
0x45: {  	_ =	shalt  }
0x46: {  	_ =	shalt  }
0x47: {  	_ =	shalt  }
0x48: {  	_ =	shalt  }
0x49: {  	_ =	shalt  }
0x4a: {  	_ =	shalt  }
0x4b: {  	_ =	shalt  }
0x4c: {  	_ =	shalt  }
0x4d: {  	_ =	shalt  }
0x4e: {  	_ =	shalt  }
0x4f: {  	_ =	shalt  }
0x50: {  	_ =	shalt  }
0x51: {  	_ =	shalt  }
0x52: {  	_ =	shalt  }
0x53: {  	_ =	shalt  }
0x54: {  	_ =	shalt  }
0x55: {  	_ =	shalt  }
0x56: {  	_ =	shalt  }
0x57: {  	_ =	shalt  }
0x58: {  	_ =	shalt  }
0x59: {  	_ =	shalt  }
0x5a: {  	_ =	shalt  }
0x5b: {  	_ =	shalt  }
0x5c: {  	_ =	shalt  }
0x5d: {  	_ =	shalt  }
0x5e: {  	_ =	shalt  }
0x5f: {  	_ =	shalt  }
0x60: {  	_ =	shalt  }
0x61: {  	_ =	shalt  }
0x62: {  	_ =	shalt  }
0x63: {  	_ =	shalt  }
0x64: {  	_ =	shalt  }
0x65: {  	_ =	shalt  }
0x66: {  	_ =	shalt  }
0x67: {  	_ =	shalt  }
0x68: {  	_ =	shalt  }
0x69: {  	_ =	shalt  }
0x6a: {  	_ =	shalt  }
0x6b: {  	_ =	shalt  }
0x6c: {  	_ =	shalt  }
0x6d: {  	_ =	shalt  }
0x6e: {  	_ =	shalt  }
0x6f: {  	_ =	shalt  }
0x70: {  	_ =	shalt  }
0x71: {  	_ =	shalt  }
0x72: {  	_ =	shalt  }
0x73: {  	_ =	shalt  }
0x74: {  	_ =	shalt  }
0x75: {  	_ =	shalt  }
0x76: {  	_ =	shalt  }
0x77: {  	_ =	shalt  }
0x78: {  	_ =	shalt  }
0x79: {  	_ =	shalt  }
0x7a: {  	_ =	shalt  }
0x7b: {  	_ =	shalt  }
0x7c: {  	_ =	shalt  }
0x7d: {  	_ =	shalt  }
0x7e: {  	_ =	shalt  }
0x7f: {  	_ =	shalt  }
0x80: {  	_ =	shalt  }
0x81: {  	_ =	shalt  }
0x82: {  	_ =	shalt  }
0x83: {  	_ =	shalt  }
0x84: {  	_ =	shalt  }
0x85: {  	_ =	shalt  }
0x86: {  	_ =	shalt  }
0x87: {  	_ =	shalt  }
.Lfunc_end0:
.L_simem_size_0:
called_computation_lowered:
.L_overlay_start_0:
0x88: {  	s2 =	sld [smem:$0x3FD9]  }
0x89: {  	s3 =	sld [smem:$0x3FFE];
	_ =	sdelay $0x1  }
0x8a: {  	s1 =	srdreg.scid  }
0x8b: {  	s0 =	sand.u32 $0x1, s1  }
0x8c: {  	s17 =	sshll.u32 s0, $0xA;
	s2 =	sadd.s32 s3, s2  }
0x8d: {  	s2 =	sadd.s32 s2, s17  }
0x8e: {  	[smem:$0x3FBE] =	sst s2  }
0x8f: {  	_ = 	snop  }
0x90: {  	s2 =	sld [smem:$0x3FC8];
	(tm) =	ssettm $0x1  }
0x91: {  	s18 =	sld [smem:$0x3FFB];
	_ =	sdelay $0x3  }
0x92: {  	_ =	strace s18  }
0x93: {  	s3 =	sld [smem:$0x3FFC];
	_ =	sdelay $0x3  }
0x94: {  	_ =	strace s3  }
0x95: {  	s3 =	sld [smem:$0x3FFD];
	_ =	sdelay $0x3  }
0x96: {  	_ =	strace s3  }
0x97: {  	_ =	strace $0x8FFFFFFF  }
0x98: {  	s19 =	sld [smem:$0x3FDB];
	_ =	sdelay $0x1  }
0x99: {  	s4 =	simm.s32 $_scs_section_size  }
0x9a: {  	s5 =	simm.s32 $_size__tile_overlayer_lowered;
	s6 =	simm.s32 $_tile_overlayer_lowered  }
0x9b: {  	s22 =	simm.s32 $0x1BFF;
	s21 =	sshll.u32 s6, $0x1;
	s3 =	sadd.s32 s4, s19  }
0x9c: {  	s7 =	simm.s32 $0x0;
	s20 =	sshll.u32 s5, $0x1;
	s5 =	sadd.s32 s21, s3  }
0x9d: {  	[timem:s7], [sflag:s22] =	dma.local [hbm:s5], s20  }
0x9e: {  	_ =	swait.ge [sflag:s22], s20  }
0x9f: {  	s4 =	ssub.s32 $0x0, s20;
	[sflag:s22] =	ssyncset.done $0x0  }
0xa0: {  	[sflag:s22] =	ssyncadd.s32 s4;
	_ =	sdelay $0x1  }
0xa1: {  	s23 =	simm.s32 $0x1B8B  }
0xa2: {  	_ =	swait.ge [sflag:s23], $0x1  }
0xa3: {  	[sflag:s23] =	ssyncset.done $0x0  }
0xa4: {  	s25 =	simm.s32 $0x1B8E;
	s24 =	sld [smem:$0x3FFE];
	[sflag:s23] =	ssyncadd.s32 $0xFFFFFFFF  }
0xa5: {  	s26 =	simm.s32 $execute0_lowered;
	[smem:$0x3FD2] =	sst s25  }
0xa6: {  	s5 =	sshll.u32 s26, $0x1;
	_ =	strace $0x80000046;
	[dreg:$0x1] =	wrdreg $0xFFFFFFFF  }
0xa7: {  	s28 =	simm.s32 $_size_execute0_lowered;
	s3 =	sadd.s32 s3, s5;
	[dreg:$0x0] =	wrdreg $0x0  }
0xa8: {  	s5 =	sshll.u32 s28, $0x1;
	[dreg:$0x2] =	wrdreg s3  }
0xa9: {  	[dreg:$0x3] =	wrdreg s5  }
0xaa: {  	[dreg:$0x4] =	wrdreg $0xC0  }
0xab: {  	_ =	task [dreg:s7], $0x5FFFF  }
0xac: {  	[dreg:$0x1] =	wrdreg $0xFFFFFFFF  }
0xad: {  	[dreg:$0x0] =	wrdreg $0x60  }
0xae: {  	[dreg:$0x2] =	wrdreg s2  }
0xaf: {  	[dreg:$0x3] =	wrdreg s24  }
0xb0: {  	[dreg:$0x4] =	wrdreg $0x9  }
0xb1: {  	_ =	task.clear_ibuf [dreg:s7], $0x5FFFF;
	_ =	strace $0x90000046  }
0xb2: {  	s29 =	simm.s32 $0x9;
	_ =	strace $0x80000048  }
0xb3: {  	_ =	swait.ge [sflag:s29], $0x1  }
0xb4: {  	[sflag:s29] =	ssyncadd.s32 $0xFFFFFFFF  }
0xb5: {  	_ =	strace $0x90000048  }
0xb6: {  	_ =	sfence  }
0xb7: {  	s30 =	sld [smem:$0x0];
	_ =	sdelay $0x2  }
0xb8: {  	s31 =	sshll.u32 s1, $0xD;
	s1 =	sshrl.u32 s1, $0x2  }
0xb9: {  	s3 =	sand.u32 $0x4000, s31;
	s1 =	sadd.s32 s1, s30  }
0xba: {  	s0 =	sor.u32 s3, s0;
	s1 =	sshll.u32 s1, $0x11  }
0xbb: {  	s0 =	sor.u32 s1, s0  }
0xbc: {  	s0 =	sadd.s32 $0x8F2B, s0  }
0xbd: {  	[sflag:s0] =	ssyncadd.remote.s32 $0x1  }
0xbe: {  	_ =	sfence.sel $0xFFFF  }
0xbf: {  	[dreg:$0x0] =	wrdreg $0xFFFFFFFF;
	(pc) =	sbr.abs _section_cstart, $3  }
0xc0: {  	[dreg:$0x1] =	wrdreg $0xFFFFFFFF  }
0xc1: {  	_ =	task.clear_ibuf [dreg:s7], $0x2FFFF;
	_ =	strace $0x9FFFFFFF  }
0xc2: {  	(tm) =	ssettm $0x7FFFFFFF  }
0xc3: {  	_ =	shalt  }
tec
execute0_lowered:
.L_overlay_start_1:
0x0: {  	(tag) =	ssettag $0x1  }
0x1: {  	s1 =	srdreg.scid  }
0x2: {  	s2 =	rddreg [dreg:$0x0];
	s0 =	stileid.u32;
	s22 =	sand.u32 $0x1, s1  }
0x3: {  	s17 =	rddreg [dreg:$0x1];
	s4 =	sshll.u32 s0, $0xA;
	s5 =	sshll.u32 s22, $0x9  }
0x4: {  	s3 =	simm.s32 $0x0;
	s1 =	rddreg [dreg:$0x2];
	s18 =	sor.u32 s5, s4  }
0x5: {  	[smem:$0x7FF] =	sst s3;
	s13 =	sadd.s32 $0x1C00, s17;
	s4 =	sshrl.u32 s18, $0x3  }
0x6: {  	_ =	strace $0x80000047;
	s5 =	simm.s32 $0x5;
	s4 =	sadd.s32 s13, s4  }
0x7: {  	[tilespmem:s3], [sflag:$0x5] =	stream.linear.gather [hbm4b:s4+s3], $0x80, $0x38;
	[tilespmem:$0x10200] =	vst v63  }
0x8: {  	_ =	swait.ge [sflag:s5], $0x80  }
0x9: {  	s6 =	simm.s32 $0x80;
	s19 =	sor.u32 $0x80, s18;
	[sflag:s5] =	ssyncset.done $0x0  }
0xa: {  	s7 =	simm.s32 $0x200;
	s8 =	sshrl.u32 s19, $0x3;
	[sflag:s5] =	ssyncadd.s32 $0xFFFFFF80  }
0xb: {  	[tilespmem:s7], [sflag:$0x1] =	stream.indirect.gather [hbm4b:s2+s6], $0x80, s3, s6, $0xb8;
	[tilespmem:$0x10200] =	vst v63  }
0xc: {  	s8 =	sadd.s32 s13, s8  }
0xd: {  	[tilespmem:s6], [sflag:$0x5] =	stream.linear.gather [hbm4b:s8+s3], $0x80, $0x38;
	[tilespmem:$0x10200] =	vst v63  }
0xe: {  	_ =	swait.ge [sflag:s5], $0x80  }
0xf: {  	s21 =	sor.u32 $0x100, s18;
	[sflag:s5] =	ssyncset.done $0x0  }
0x10: {  	s9 =	simm.s32 $0x4200;
	s10 =	sshrl.u32 s21, $0x3;
	[sflag:s5] =	ssyncadd.s32 $0xFFFFFF80  }
0x11: {  	[tilespmem:s9], [sflag:$0x1] =	stream.indirect.gather [hbm4b:s2+s6], $0x80, s6, s6, $0xb8;
	[tilespmem:$0x10200] =	vst v63  }
0x12: {  	s11 =	simm.s32 $0x100;
	s10 =	sadd.s32 s13, s10  }
0x13: {  	[tilespmem:s11], [sflag:$0x5] =	stream.linear.gather [hbm4b:s10+s3], $0x80, $0x38;
	[tilespmem:$0x10200] =	vst v63  }
0x14: {  	_ =	swait.ge [sflag:s5], $0x80  }
0x15: {  	s23 =	sor.u32 $0x180, s18;
	[sflag:s5] =	ssyncset.done $0x0  }
0x16: {  	s12 =	simm.s32 $0x8200;
	s14 =	sshrl.u32 s23, $0x3;
	[sflag:s5] =	ssyncadd.s32 $0xFFFFFF80  }
0x17: {  	[tilespmem:s12], [sflag:$0x2] =	stream.indirect.gather [hbm4b:s2+s6], $0x80, s11, s6, $0xb8;
	[tilespmem:$0x10200] =	vst v63  }
0x18: {  	s13 =	sadd.s32 s13, s14;
	s14 =	simm.s32 $0x180  }
0x19: {  	[tilespmem:s14], [sflag:$0x5] =	stream.linear.gather [hbm4b:s13+s3], $0x80, $0x38;
	[tilespmem:$0x10200] =	vst v63  }
0x1a: {  	_ =	swait.ge [sflag:s5], $0x80  }
0x1b: {  	[sflag:s5] =	ssyncset.done $0x0  }
0x1c: {  	s15 =	simm.s32 $0xC200;
	s16 =	simm.s32 $0x1;
	[sflag:s5] =	ssyncadd.s32 $0xFFFFFF80  }
0x1d: {  	[tilespmem:s15], [sflag:$0x2] =	stream.indirect.gather [hbm4b:s2+s6], $0x80, s14, s6, $0xb8;
	[tilespmem:$0x10200] =	vst v63  }
0x1e: {  	_ =	swait.ge [sflag:s16], $0x4000  }
0x1f: {  	[sflag:s16] =	ssyncset.done $0x0  }
0x20: {  	[sflag:s16] =	ssyncadd.s32 $0xFFFFC000  }
0x21: {  	_ =	swait.ge [sflag:s16], $0x4000  }
0x22: {  	s24 =	sadd.s32 $0x2C00, s17;
	s29 =	sshll.u32 s18, $0x4;
	[sflag:s16] =	ssyncset.done $0x0  }
0x23: {  	s17 =	sadd.s32 s24, s29;
	s30 =	sshll.u32 s19, $0x4;
	[sflag:s16] =	ssyncadd.s32 $0xFFFFC000  }
0x24: {  	[hbm4b:s17+s3] =	stream.linear.scatter [tilespmem:s7], [sflag:$0x3], $0x4000, $0x38;
	[tilespmem:$0x10200] =	vst v63  }
0x25: {  	s19 =	simm.s32 $0x3;
	s18 =	sadd.s32 s24, s30  }
0x26: {  	[hbm4b:s18+s3] =	stream.linear.scatter [tilespmem:s9], [sflag:$0x3], $0x4000, $0x38;
	[tilespmem:$0x10200] =	vst v63  }
0x27: {  	_ =	swait.ge [sflag:s19], $0x4000  }
0x28: {  	[sflag:s19] =	ssyncset.done $0x0  }
0x29: {  	[sflag:s19] =	ssyncadd.s32 $0xFFFFC000  }
0x2a: {  	_ =	swait.ge [sflag:s19], $0x4000  }
0x2b: {  	[sflag:s19] =	ssyncset.done $0x0  }
0x2c: {  	s20 =	simm.s32 $0x2;
	[sflag:s19] =	ssyncadd.s32 $0xFFFFC000  }
0x2d: {  	_ =	swait.ge [sflag:s20], $0x4000  }
0x2e: {  	s25 =	ssub.s32 $0x2, s22;
	[sflag:s20] =	ssyncset.done $0x0  }
0x2f: {  	s31 =	sshrl.u32 s25, $0x1;
	s21 =	sshll.u32 s21, $0x4;
	[sflag:s20] =	ssyncadd.s32 $0xFFFFC000  }
0x30: {  	s23 =	sshll.u32 s23, $0x4;
	s21 =	sadd.s32 s24, s21;
	_ =	swait.ge [sflag:s20], $0x4000  }
0x31: {  	s23 =	sadd.s32 s24, s23;
	s24 =	ssub.s32 s25, s31;
	[sflag:s20] =	ssyncset.done $0x0  }
0x32: {  	s24 =	smax.u32 s24, $0x1;
	[sflag:s20] =	ssyncadd.s32 $0xFFFFC000  }
0x33: {  	[hbm4b:s21+s3] =	stream.linear.scatter [tilespmem:s12], [sflag:$0x4], $0x4000, $0x38;
	[tilespmem:$0x10200] =	vst v63  }
0x34: {  	s22 =	simm.s32 $0x4;
	p0 =	sne.s32 s24, $0x1  }
0x35: {  	[hbm4b:s23+s3] =	stream.linear.scatter [tilespmem:s15], [sflag:$0x4], $0x4000, $0x38;
	[tilespmem:$0x10200] =	vst v63  }
.Ltmp0:
0x36: {  	_ =	swait.ge [sflag:s22], $0x4000;
	(pc) =	sbr.rel @!p0 .LBB2_2-.Ltmp0, $4  }
0x37: {  	[sflag:s22] =	ssyncset.done $0x0  }
0x38: {  	[sflag:s22] =	ssyncadd.s32 $0xFFFFC000  }
0x39: {  	_ =	swait.ge [sflag:s22], $0x4000  }
0x3a: {  	s24 =	sadd.s32 $0xFFFFFFFF, s24;
	[sflag:s22] =	ssyncset.done $0x0  }
.LBB2_1:
0x3b: {  	p0 =	sne.s32 s24, $0x1;
	s24 =	sadd.s32 $0xFFFFFFFF, s24;
	[sflag:s22] =	ssyncadd.s32 $0xFFFFC000  }
0x3c: {  	[tilespmem:s3], [sflag:$0x5] =	stream.linear.gather [hbm4b:s4+s3], $0x80, $0x38;
	[tilespmem:$0x10200] =	vst v63  }
0x3d: {  	_ =	swait.ge [sflag:s5], $0x80  }
0x3e: {  	[sflag:s5] =	ssyncset.done $0x0  }
0x3f: {  	[sflag:s5] =	ssyncadd.s32 $0xFFFFFF80  }
0x40: {  	[tilespmem:s7], [sflag:$0x1] =	stream.indirect.gather [hbm4b:s2+s6], $0x80, s3, s6, $0xb8;
	[tilespmem:$0x10200] =	vst v63  }
0x41: {  	_ = 	snop  }
0x42: {  	[tilespmem:s6], [sflag:$0x5] =	stream.linear.gather [hbm4b:s8+s3], $0x80, $0x38;
	[tilespmem:$0x10200] =	vst v63  }
0x43: {  	_ =	swait.ge [sflag:s5], $0x80  }
0x44: {  	[sflag:s5] =	ssyncset.done $0x0  }
0x45: {  	[sflag:s5] =	ssyncadd.s32 $0xFFFFFF80  }
0x46: {  	[tilespmem:s9], [sflag:$0x1] =	stream.indirect.gather [hbm4b:s2+s6], $0x80, s6, s6, $0xb8;
	[tilespmem:$0x10200] =	vst v63  }
0x47: {  	_ = 	snop  }
0x48: {  	[tilespmem:s11], [sflag:$0x5] =	stream.linear.gather [hbm4b:s10+s3], $0x80, $0x38;
	[tilespmem:$0x10200] =	vst v63  }
0x49: {  	_ =	swait.ge [sflag:s5], $0x80  }
0x4a: {  	[sflag:s5] =	ssyncset.done $0x0  }
0x4b: {  	[sflag:s5] =	ssyncadd.s32 $0xFFFFFF80  }
0x4c: {  	[tilespmem:s12], [sflag:$0x2] =	stream.indirect.gather [hbm4b:s2+s6], $0x80, s11, s6, $0xb8;
	[tilespmem:$0x10200] =	vst v63  }
0x4d: {  	_ = 	snop  }
0x4e: {  	[tilespmem:s14], [sflag:$0x5] =	stream.linear.gather [hbm4b:s13+s3], $0x80, $0x38;
	[tilespmem:$0x10200] =	vst v63  }
0x4f: {  	_ =	swait.ge [sflag:s5], $0x80  }
0x50: {  	[sflag:s5] =	ssyncset.done $0x0  }
0x51: {  	[sflag:s5] =	ssyncadd.s32 $0xFFFFFF80  }
0x52: {  	[tilespmem:s15], [sflag:$0x2] =	stream.indirect.gather [hbm4b:s2+s6], $0x80, s14, s6, $0xb8;
	[tilespmem:$0x10200] =	vst v63  }
0x53: {  	_ =	swait.ge [sflag:s16], $0x4000  }
0x54: {  	[sflag:s16] =	ssyncset.done $0x0  }
0x55: {  	[sflag:s16] =	ssyncadd.s32 $0xFFFFC000  }
0x56: {  	_ =	swait.ge [sflag:s16], $0x4000  }
0x57: {  	[sflag:s16] =	ssyncset.done $0x0  }
0x58: {  	[sflag:s16] =	ssyncadd.s32 $0xFFFFC000  }
0x59: {  	[hbm4b:s17+s3] =	stream.linear.scatter [tilespmem:s7], [sflag:$0x3], $0x4000, $0x38;
	[tilespmem:$0x10200] =	vst v63  }
0x5a: {  	_ = 	snop  }
0x5b: {  	[hbm4b:s18+s3] =	stream.linear.scatter [tilespmem:s9], [sflag:$0x3], $0x4000, $0x38;
	[tilespmem:$0x10200] =	vst v63  }
0x5c: {  	_ =	swait.ge [sflag:s19], $0x4000  }
0x5d: {  	[sflag:s19] =	ssyncset.done $0x0  }
0x5e: {  	[sflag:s19] =	ssyncadd.s32 $0xFFFFC000  }
0x5f: {  	_ =	swait.ge [sflag:s19], $0x4000  }
0x60: {  	[sflag:s19] =	ssyncset.done $0x0  }
0x61: {  	[sflag:s19] =	ssyncadd.s32 $0xFFFFC000  }
0x62: {  	_ =	swait.ge [sflag:s20], $0x4000  }
0x63: {  	[sflag:s20] =	ssyncset.done $0x0  }
0x64: {  	[sflag:s20] =	ssyncadd.s32 $0xFFFFC000  }
0x65: {  	_ =	swait.ge [sflag:s20], $0x4000  }
0x66: {  	[sflag:s20] =	ssyncset.done $0x0  }
0x67: {  	[sflag:s20] =	ssyncadd.s32 $0xFFFFC000  }
0x68: {  	[hbm4b:s21+s3] =	stream.linear.scatter [tilespmem:s12], [sflag:$0x4], $0x4000, $0x38;
	[tilespmem:$0x10200] =	vst v63  }
0x69: {  	_ = 	snop  }
0x6a: {  	[hbm4b:s23+s3] =	stream.linear.scatter [tilespmem:s15], [sflag:$0x4], $0x4000, $0x38;
	[tilespmem:$0x10200] =	vst v63  }
.Ltmp1:
0x6b: {  	_ =	swait.ge [sflag:s22], $0x4000;
	(pc) =	sbr.rel @p0 .LBB2_1-.Ltmp1, $4  }
0x6c: {  	[sflag:s22] =	ssyncset.done $0x0  }
0x6d: {  	[sflag:s22] =	ssyncadd.s32 $0xFFFFC000  }
0x6e: {  	_ =	swait.ge [sflag:s22], $0x4000  }
0x6f: {  	[sflag:s22] =	ssyncset.done $0x0  }
.LBB2_2:
0x70: {  	[sflag:s22] =	ssyncadd.s32 $0xFFFFC000  }
0x71: {  	_ =	sfence.sel $0x180000  }
0x72: {  	[bflag:$0x0] =	sbarrier.arrive $0xFFFF  }
0x73: {  	p0 =	sne.s32 s0, $0x0;
	_ =	strace $0x90000047  }
0x74: {  	s0 =	sadd.s32 @!p0 $0x100000, s1;
	[bflag:$0x2] =	sbarrier.arrive $0xFFFF  }
0x75: {  	[sflag:s0] =	ssyncadd.tile.s32 @!p0 $0x1;
	_ =	shalt  }
.Lfunc_end2:
_tile_overlayer_lowered:
.L_overlay_start_2:
0x76: {  	(tag) =	ssettag $0x2  }
0x77: {  	s0 =	rddreg [dreg:$0x0];
	s2 =	stileid.u32  }
0x78: {  	s1 =	rddreg [dreg:$0x1];
	p0 =	sne.s32 s2, $0x0  }
0x79: {  	s3 =	rddreg [dreg:$0x2];
	[bflag:$0x3] =	sbarrier.arrive $0xFFFF;
	s2 =	simm.s32 @!p0 $0x1C05  }
0x7a: {  	[timem:s3], [sflag:s2] =	dma.local @!p0 [hbm:s0], s1  }
0x7b: {  	s0 =	simm.s32 @!p0 $0x5  }
0x7c: {  	_ =	swait.ge @!p0 [sflag:s0], s1  }
0x7d: {  	s1 =	ssub.s32 @!p0 $0x0, s1;
	[sflag:s0] =	ssyncset.done @!p0 $0x0  }
0x7e: {  	[sflag:s0] =	ssyncadd.s32 @!p0 s1  }
0x7f: {  	[bflag:$0x3] =	sbarrier.arrive $0xFFFF  }
0x80: {  	_ =	shalt  }

// kernel: kernel.9.cloned.1.call-start
scs
__scs_entry_jumppad:
0x0: {  	(pc) =	sbr.rel $0x88, $3  }
0x1: {  	(tag) =	ssettag $0x0;
	lr =	simm.s32 $0x1  }
0x2: {  	[smem:$0x3F97] =	sst lr;
	_ =	strace $0xD0000000  }
0x3: {  	_ = 	snop  }
0x4: {  	_ = 	snop  }
0x5: {  	_ = 	snop  }
0x6: {  	_ = 	snop  }
0x7: {  	_ = 	snop  }
__scs_overlays_trampoline_lowered:
0x8: {  	[smem:$0x3FA6] =	sst s0  }
0x9: {  	[smem:$0x3FA7] =	sst s1  }
0xa: {  	[smem:$0x3FA8] =	sst s2  }
0xb: {  	[smem:$0x3FA9] =	sst s3  }
0xc: {  	[smem:$0x3FAA] =	sst s4  }
0xd: {  	[smem:$0x3FAB] =	sst s5  }
0xe: {  	[smem:$0x3FAC] =	sst s6  }
0xf: {  	[smem:$0x3FAD] =	sst s7  }
0x10: {  	[smem:$0x3FAE] =	sst s8  }
0x11: {  	[smem:$0x3FAF] =	sst s9;
	s0 =	simm.s32 @!p0 $0x0  }
0x12: {  	s1 =	sld [smem:$0x3F95];
	s0 =	simm.s32 @p0 $0x1  }
0x13: {  	[smem:$0x3FB0] =	sst s0;
	s0 =	simm.s32 @!p1 $0x0  }
0x14: {  	s2 =	sld [smem:$0x3F94];
	s0 =	simm.s32 @p1 $0x1  }
0x15: {  	[smem:$0x3FB1] =	sst s0;
	s0 =	simm.s32 @!p2 $0x0  }
0x16: {  	s3 =	sld [smem:$0x3FDB];
	s0 =	simm.s32 @p2 $0x1  }
0x17: {  	s4 =	simm.s32 $0x1BF5;
	[smem:$0x3FB3] =	sst s0  }
0x18: {  	s0 =	sld [smem:$0x3F96];
	_ =	swait.ge [sflag:s4], $0x0  }
0x19: {  	s7 =	sld [smem:$0x3F97]  }
0x1a: {  	s8 =	sadd.s32 $0xFFFFE003, lr  }
0x1b: {  	s9 =	sadd.s32 $0xFFFFFEF7, lr;
	s5 =	simm.s32 $0xFFFFFFFF;
	p2 =	slt.u32 s8, $0xFFFFF086  }
0x1c: {  	p1 =	slt.u32 s9, $0xF7A;
	s5 =	simm.s32 @!p2 $0x0  }
0x1d: {  	s5 =	simm.s32 @p1 $0x1;
	p0 =	seq.s32 s7, s2  }
0x1e: {  	s7 =	smul.u32 @!p0 $0xF7A, s2;
	p2 =	seq.s32 @!p0 s5, $0x0  }
0x1f: {  	s9 =	smul.u32 $0xF7A, s1;
	s8 =	simm.s32 @!p0 $0x1BF5;
	p2 =	por !p2, p0  }
0x20: {  	[sflag:s8] =	ssyncset.s32 @!p0 $0xFFFFF086;
	s6 =	sadd.s32 @!p0 s3, s7;
	s7 =	simm.s32 @!p0 $0x108  }
0x21: {  	s3 =	sadd.s32 s3, s9;
	s6 =	sadd.s32 @!p0 $0x88, s6;
	s7 =	simm.s32 @p2 $0x1082  }
0x22: {  	[simem:s7], [sflag:s8] =	dma.local @!p0 [hbm:s6], $0xF7A  }
0x23: {  	s9 =	sor.u32 $0xD0000000, s2;
	s6 =	simm.s32 $0x108;
	_ =	swait.ge @!p0 [sflag:s8], $0x0  }
0x24: {  	s3 =	sadd.s32 $0x88, s3;
	s6 =	simm.s32 @!p1 $0x1082;
	[sflag:s4] =	ssyncset.s32 $0xFFFFF086  }
0x25: {  	[simem:s6], [sflag:s4] =	dma.local [hbm:s3], $0xF7A  }
0x26: {  	[smem:$0x3F97] =	sst s1;
	(tag) =	ssettag s2;
	_ =	strace s9  }
0x27: {  	s1 =	sld [smem:$0x3FA7]  }
0x28: {  	s2 =	sld [smem:$0x3FA8]  }
0x29: {  	s4 =	sld [smem:$0x3FAA]  }
0x2a: {  	p0 =	seq.s32 s5, $0x0;
	s5 =	sld [smem:$0x3FAB]  }
0x2b: {  	s6 =	sld [smem:$0x3FAC]  }
0x2c: {  	s7 =	sld [smem:$0x3FAD]  }
0x2d: {  	s3 =	simm.s32 $0x108;
	s8 =	sld [smem:$0x3FAE]  }
0x2e: {  	s3 =	simm.s32 @!p0 $0x1082;
	s9 =	sld [smem:$0x3FAF]  }
0x2f: {  	lr =	sadd.s32 s0, s3;
	s0 =	sld [smem:$0x3FA6]  }
0x30: {  	s3 =	sld [smem:$0x3FA9]  }
0x31: {  	[smem:$0x3FB2] =	sst s10  }
0x32: {  	s10 =	sld [smem:$0x3FB0];
	_ =	sdelay $0x3  }
0x33: {  	p0 =	seq.s32 s10, $0x1;
	s10 =	sld [smem:$0x3FB2];
	_ =	sdelay $0x3  }
0x34: {  	[smem:$0x3FB2] =	sst s10  }
0x35: {  	s10 =	sld [smem:$0x3FB1];
	_ =	sdelay $0x3  }
0x36: {  	p1 =	seq.s32 s10, $0x1;
	s10 =	sld [smem:$0x3FB2];
	_ =	sdelay $0x3  }
0x37: {  	[smem:$0x3FB2] =	sst s10  }
0x38: {  	s10 =	sld [smem:$0x3FB3]  }
0x39: {  	_ = 	snop;
	(pc) =	sbr.ind lr, $3  }
0x3a: {  	_ = 	snop  }
0x3b: {  	_ = 	snop  }
0x3c: {  	p2 =	seq.s32 s10, $0x1;
	s10 =	sld [smem:$0x3FB2]  }
0x3d: {  	_ =	shalt  }
0x3e: {  	_ =	shalt  }
0x3f: {  	_ =	shalt  }
0x40: {  	_ =	shalt  }
0x41: {  	_ =	shalt  }
0x42: {  	_ =	shalt  }
0x43: {  	_ =	shalt  }
0x44: {  	_ =	shalt  }
0x45: {  	_ =	shalt  }
0x46: {  	_ =	shalt  }
0x47: {  	_ =	shalt  }
0x48: {  	_ =	shalt  }
0x49: {  	_ =	shalt  }
0x4a: {  	_ =	shalt  }
0x4b: {  	_ =	shalt  }
0x4c: {  	_ =	shalt  }
0x4d: {  	_ =	shalt  }
0x4e: {  	_ =	shalt  }
0x4f: {  	_ =	shalt  }
0x50: {  	_ =	shalt  }
0x51: {  	_ =	shalt  }
0x52: {  	_ =	shalt  }
0x53: {  	_ =	shalt  }
0x54: {  	_ =	shalt  }
0x55: {  	_ =	shalt  }
0x56: {  	_ =	shalt  }
0x57: {  	_ =	shalt  }
0x58: {  	_ =	shalt  }
0x59: {  	_ =	shalt  }
0x5a: {  	_ =	shalt  }
0x5b: {  	_ =	shalt  }
0x5c: {  	_ =	shalt  }
0x5d: {  	_ =	shalt  }
0x5e: {  	_ =	shalt  }
0x5f: {  	_ =	shalt  }
0x60: {  	_ =	shalt  }
0x61: {  	_ =	shalt  }
0x62: {  	_ =	shalt  }
0x63: {  	_ =	shalt  }
0x64: {  	_ =	shalt  }
0x65: {  	_ =	shalt  }
0x66: {  	_ =	shalt  }
0x67: {  	_ =	shalt  }
0x68: {  	_ =	shalt  }
0x69: {  	_ =	shalt  }
0x6a: {  	_ =	shalt  }
0x6b: {  	_ =	shalt  }
0x6c: {  	_ =	shalt  }
0x6d: {  	_ =	shalt  }
0x6e: {  	_ =	shalt  }
0x6f: {  	_ =	shalt  }
0x70: {  	_ =	shalt  }
0x71: {  	_ =	shalt  }
0x72: {  	_ =	shalt  }
0x73: {  	_ =	shalt  }
0x74: {  	_ =	shalt  }
0x75: {  	_ =	shalt  }
0x76: {  	_ =	shalt  }
0x77: {  	_ =	shalt  }
0x78: {  	_ =	shalt  }
0x79: {  	_ =	shalt  }
0x7a: {  	_ =	shalt  }
0x7b: {  	_ =	shalt  }
0x7c: {  	_ =	shalt  }
0x7d: {  	_ =	shalt  }
0x7e: {  	_ =	shalt  }
0x7f: {  	_ =	shalt  }
0x80: {  	_ =	shalt  }
0x81: {  	_ =	shalt  }
0x82: {  	_ =	shalt  }
0x83: {  	_ =	shalt  }
0x84: {  	_ =	shalt  }
0x85: {  	_ =	shalt  }
0x86: {  	_ =	shalt  }
0x87: {  	_ =	shalt  }
.Lfunc_end0:
.L_simem_size_0:
called_computation.1_lowered:
.L_overlay_start_0:
0x88: {  	s2 =	sld [smem:$0x3FD9]  }
0x89: {  	s3 =	sld [smem:$0x3FFE];
	_ =	sdelay $0x1  }
0x8a: {  	s1 =	srdreg.scid  }
0x8b: {  	s0 =	sand.u32 $0x1, s1  }
0x8c: {  	s17 =	sshll.u32 s0, $0xA;
	s2 =	sadd.s32 s3, s2  }
0x8d: {  	s2 =	sadd.s32 s2, s17  }
0x8e: {  	[smem:$0x3FBE] =	sst s2  }
0x8f: {  	_ = 	snop  }
0x90: {  	s18 =	sld [smem:$0x3FC8];
	(tm) =	ssettm $0x1  }
0x91: {  	s19 =	sld [smem:$0x3FFB];
	_ =	sdelay $0x3  }
0x92: {  	_ =	strace s19  }
0x93: {  	s2 =	sld [smem:$0x3FFC];
	_ =	sdelay $0x3  }
0x94: {  	_ =	strace s2  }
0x95: {  	s2 =	sld [smem:$0x3FFD];
	_ =	sdelay $0x3  }
0x96: {  	_ =	strace s2  }
0x97: {  	_ =	strace $0x8FFFFFFF  }
0x98: {  	s20 =	sld [smem:$0x3FDB];
	_ =	sdelay $0x1  }
0x99: {  	s4 =	simm.s32 $_scs_section_size  }
0x9a: {  	s5 =	simm.s32 $_size__tile_overlayer_lowered;
	s6 =	simm.s32 $_tile_overlayer_lowered  }
0x9b: {  	s7 =	simm.s32 $0x1BFF;
	s21 =	sshll.u32 s6, $0x1;
	s4 =	sadd.s32 s4, s20  }
0x9c: {  	s22 =	simm.s32 $0x0;
	s5 =	sshll.u32 s5, $0x1;
	s6 =	sadd.s32 s21, s4  }
0x9d: {  	[timem:s22], [sflag:s7] =	dma.local [hbm:s6], s5  }
0x9e: {  	_ =	swait.ge [sflag:s7], s5  }
0x9f: {  	s5 =	ssub.s32 $0x0, s5;
	[sflag:s7] =	ssyncset.done $0x0  }
0xa0: {  	[sflag:s7] =	ssyncadd.s32 s5;
	_ =	sdelay $0x1  }
0xa1: {  	s23 =	simm.s32 $0x1B8B  }
0xa2: {  	_ =	swait.ge [sflag:s23], $0x1  }
0xa3: {  	[sflag:s23] =	ssyncset.done $0x0  }
0xa4: {  	[sflag:s23] =	ssyncadd.s32 $0xFFFFFFFF  }
0xa5: {  	s5 =	sld [smem:$0x0]  }
0xa6: {  	s6 =	sand.u32 $0xFFFFFFFE, s1  }
0xa7: {  	p0 =	sne.s32 s1, s6  }
0xa8: {  	s6 =	sshll.u32 @p0 s6, $0xE  }
0xa9: {  	s6 =	sadd.s32 @p0 $0x11B8D, s6;
	s7 =	sshll.u32 @p0 s5, $0x11  }
0xaa: {  	s6 =	sor.u32 @p0 s7, s6  }
0xab: {  	[sflag:s6] =	ssyncadd.remote.s32 @p0 $0x1;
	_ =	sdelay $0x1  }
0xac: {  	s6 =	simm.s32 @p0 $0x1B8D  }
0xad: {  	_ =	swait.eq @p0 [sflag:s6], $0x1  }
0xae: {  	[sflag:s6] =	ssyncadd.s32 @p0 $0xFFFFFFFF  }
0xaf: {  	s7 =	sshll.u32 @!p0 s1, $0xE  }
0xb0: {  	s7 =	sor.u32 @!p0 $0x4000, s7;
	s6 =	simm.s32 @!p0 $0x1B8D  }
0xb1: {  	s5 =	sshll.u32 @!p0 s5, $0x11;
	s7 =	sadd.s32 @!p0 $0x11B8D, s7;
	_ =	swait.eq @!p0 [sflag:s6], $0x1  }
0xb2: {  	s5 =	sor.u32 @!p0 s5, s7;
	[sflag:s6] =	ssyncadd.s32 @!p0 $0xFFFFFFFF  }
0xb3: {  	s25 =	simm.s32 $0x1B8E;
	s24 =	sld [smem:$0x3FFE];
	[sflag:s5] =	ssyncadd.remote.s32 @!p0 $0x1  }
0xb4: {  	s26 =	simm.s32 $execute0_lowered;
	[smem:$0x3FD2] =	sst s25  }
0xb5: {  	s6 =	sshll.u32 s26, $0x1;
	_ =	strace $0x80000049;
	[dreg:$0x1] =	wrdreg $0xFFFFFFFF  }
0xb6: {  	s28 =	simm.s32 $_size_execute0_lowered;
	s4 =	sadd.s32 s4, s6;
	[dreg:$0x0] =	wrdreg $0x0  }
0xb7: {  	s6 =	sshll.u32 s28, $0x1;
	[dreg:$0x2] =	wrdreg s4  }
0xb8: {  	[dreg:$0x3] =	wrdreg s6  }
0xb9: {  	[dreg:$0x4] =	wrdreg $0xC0  }
0xba: {  	_ =	task [dreg:s22], $0x5FFFF  }
0xbb: {  	[dreg:$0x1] =	wrdreg $0xFFFFFFFF  }
0xbc: {  	[dreg:$0x0] =	wrdreg $0x60  }
0xbd: {  	[dreg:$0x2] =	wrdreg s18  }
0xbe: {  	[dreg:$0x3] =	wrdreg s24  }
0xbf: {  	[dreg:$0x4] =	wrdreg $0xA  }
0xc0: {  	_ =	task.clear_ibuf [dreg:s22], $0x5FFFF;
	_ =	strace $0x90000049  }
0xc1: {  	s29 =	simm.s32 $0xA;
	_ =	strace $0x8000004B  }
0xc2: {  	_ =	swait.ge [sflag:s29], $0x1  }
0xc3: {  	[sflag:s29] =	ssyncadd.s32 $0xFFFFFFFF  }
0xc4: {  	_ =	strace $0x9000004B  }
0xc5: {  	_ =	sfence  }
0xc6: {  	s30 =	sld [smem:$0x0];
	_ =	sdelay $0x2  }
0xc7: {  	s31 =	sshll.u32 s1, $0xD;
	s1 =	sshrl.u32 s1, $0x2  }
0xc8: {  	s4 =	sand.u32 $0x4000, s31;
	s1 =	sadd.s32 s1, s30  }
0xc9: {  	s0 =	sor.u32 s4, s0;
	s1 =	sshll.u32 s1, $0x11  }
0xca: {  	s0 =	sor.u32 s1, s0  }
0xcb: {  	s0 =	sadd.s32 $0x8F2B, s0  }
0xcc: {  	[sflag:s0] =	ssyncadd.remote.s32 $0x1  }
0xcd: {  	_ =	sfence.sel $0xFFFF  }
0xce: {  	[dreg:$0x0] =	wrdreg $0xFFFFFFFF;
	(pc) =	sbr.abs _section_cstart, $3  }
0xcf: {  	[dreg:$0x1] =	wrdreg $0xFFFFFFFF  }
0xd0: {  	_ =	task.clear_ibuf [dreg:s22], $0x2FFFF;
	_ =	strace $0x9FFFFFFF  }
0xd1: {  	(tm) =	ssettm $0x7FFFFFFF  }
tec
execute0_lowered:
.L_overlay_start_1:
0x0: {  	(tag) =	ssettag $0x1  }
0x1: {  	s1 =	srdreg.scid  }
0x2: {  	s0 =	stileid.u32;
	s22 =	sand.u32 $0x1, s1  }
0x3: {  	s31 =	sshll.u32 s0, $0xA;
	s3 =	sshll.u32 s22, $0x9  }
0x4: {  	s2 =	rddreg [dreg:$0x0];
	s18 =	sor.u32 s3, s31  }
0x5: {  	s17 =	rddreg [dreg:$0x1];
	s3 =	simm.s32 $0x0;
	s4 =	sshrl.u32 s18, $0x3  }
0x6: {  	s5 =	simm.s32 $0x5;
	[smem:$0x7FF] =	sst s3;
	s13 =	sadd.s32 s4, s17  }
0x7: {  	s1 =	rddreg [dreg:$0x2];
	_ =	strace $0x8000004A;
	s4 =	sadd.s32 $0x2400, s13  }
0x8: {  	[tilespmem:s3], [sflag:$0x5] =	stream.linear.gather [hbm4b:s4+s3], $0x80, $0x38;
	[tilespmem:$0x10200] =	vst v63  }
0x9: {  	_ =	swait.ge [sflag:s5], $0x80  }
0xa: {  	[sflag:s5] =	ssyncset.done $0x0  }
0xb: {  	s6 =	simm.s32 $0x80;
	s7 =	simm.s32 $0x200;
	[sflag:s5] =	ssyncadd.s32 $0xFFFFFF80  }
0xc: {  	[tilespmem:s7], [sflag:$0x1] =	stream.indirect.gather [hbm4b:s2+s6], $0x80, s3, s6, $0xb8;
	[tilespmem:$0x10200] =	vst v63  }
0xd: {  	s8 =	sadd.s32 $0x2410, s13  }
0xe: {  	[tilespmem:s6], [sflag:$0x5] =	stream.linear.gather [hbm4b:s8+s3], $0x80, $0x38;
	[tilespmem:$0x10200] =	vst v63  }
0xf: {  	_ =	swait.ge [sflag:s5], $0x80  }
0x10: {  	[sflag:s5] =	ssyncset.done $0x0  }
0x11: {  	s9 =	simm.s32 $0x4200;
	[sflag:s5] =	ssyncadd.s32 $0xFFFFFF80  }
0x12: {  	[tilespmem:s9], [sflag:$0x1] =	stream.indirect.gather [hbm4b:s2+s6], $0x80, s6, s6, $0xb8;
	[tilespmem:$0x10200] =	vst v63  }
0x13: {  	s11 =	simm.s32 $0x100;
	s10 =	sadd.s32 $0x2420, s13  }
0x14: {  	[tilespmem:s11], [sflag:$0x5] =	stream.linear.gather [hbm4b:s10+s3], $0x80, $0x38;
	[tilespmem:$0x10200] =	vst v63  }
0x15: {  	_ =	swait.ge [sflag:s5], $0x80  }
0x16: {  	[sflag:s5] =	ssyncset.done $0x0  }
0x17: {  	s12 =	simm.s32 $0x8200;
	[sflag:s5] =	ssyncadd.s32 $0xFFFFFF80  }
0x18: {  	[tilespmem:s12], [sflag:$0x2] =	stream.indirect.gather [hbm4b:s2+s6], $0x80, s11, s6, $0xb8;
	[tilespmem:$0x10200] =	vst v63  }
0x19: {  	s14 =	simm.s32 $0x180;
	s13 =	sadd.s32 $0x2430, s13  }
0x1a: {  	[tilespmem:s14], [sflag:$0x5] =	stream.linear.gather [hbm4b:s13+s3], $0x80, $0x38;
	[tilespmem:$0x10200] =	vst v63  }
0x1b: {  	_ =	swait.ge [sflag:s5], $0x80  }
0x1c: {  	[sflag:s5] =	ssyncset.done $0x0  }
0x1d: {  	s15 =	simm.s32 $0xC200;
	s16 =	simm.s32 $0x1;
	[sflag:s5] =	ssyncadd.s32 $0xFFFFFF80  }
0x1e: {  	[tilespmem:s15], [sflag:$0x2] =	stream.indirect.gather [hbm4b:s2+s6], $0x80, s14, s6, $0xb8;
	[tilespmem:$0x10200] =	vst v63  }
0x1f: {  	_ =	swait.ge [sflag:s16], $0x4000  }
0x20: {  	[sflag:s16] =	ssyncset.done $0x0  }
0x21: {  	[sflag:s16] =	ssyncadd.s32 $0xFFFFC000  }
0x22: {  	s18 =	sshll.u32 s18, $0x4;
	_ =	swait.ge [sflag:s16], $0x4000  }
0x23: {  	s23 =	sadd.s32 s18, s17;
	[sflag:s16] =	ssyncset.done $0x0  }
0x24: {  	s17 =	sadd.s32 $0x42C00, s23;
	[sflag:s16] =	ssyncadd.s32 $0xFFFFC000  }
0x25: {  	[hbm4b:s17+s3] =	stream.linear.scatter [tilespmem:s7], [sflag:$0x3], $0x4000, $0x38;
	[tilespmem:$0x10200] =	vst v63  }
0x26: {  	s19 =	simm.s32 $0x3;
	s18 =	sadd.s32 $0x43400, s23  }
0x27: {  	[hbm4b:s18+s3] =	stream.linear.scatter [tilespmem:s9], [sflag:$0x3], $0x4000, $0x38;
	[tilespmem:$0x10200] =	vst v63  }
0x28: {  	_ =	swait.ge [sflag:s19], $0x4000  }
0x29: {  	[sflag:s19] =	ssyncset.done $0x0  }
0x2a: {  	[sflag:s19] =	ssyncadd.s32 $0xFFFFC000  }
0x2b: {  	_ =	swait.ge [sflag:s19], $0x4000  }
0x2c: {  	[sflag:s19] =	ssyncset.done $0x0  }
0x2d: {  	s20 =	simm.s32 $0x2;
	[sflag:s19] =	ssyncadd.s32 $0xFFFFC000  }
0x2e: {  	_ =	swait.ge [sflag:s20], $0x4000  }
0x2f: {  	[sflag:s20] =	ssyncset.done $0x0  }
0x30: {  	s24 =	ssub.s32 $0x2, s22;
	[sflag:s20] =	ssyncadd.s32 $0xFFFFC000  }
0x31: {  	s25 =	sshrl.u32 s24, $0x1;
	_ =	swait.ge [sflag:s20], $0x4000  }
0x32: {  	s24 =	ssub.s32 s24, s25;
	[sflag:s20] =	ssyncset.done $0x0  }
0x33: {  	s24 =	smax.u32 s24, $0x1;
	s21 =	sadd.s32 $0x43C00, s23;
	[sflag:s20] =	ssyncadd.s32 $0xFFFFC000  }
0x34: {  	[hbm4b:s21+s3] =	stream.linear.scatter [tilespmem:s12], [sflag:$0x4], $0x4000, $0x38;
	[tilespmem:$0x10200] =	vst v63  }
0x35: {  	s22 =	simm.s32 $0x4;
	s23 =	sadd.s32 $0x44400, s23;
	p0 =	sne.s32 s24, $0x1  }
0x36: {  	[hbm4b:s23+s3] =	stream.linear.scatter [tilespmem:s15], [sflag:$0x4], $0x4000, $0x38;
	[tilespmem:$0x10200] =	vst v63  }
.Ltmp0:
0x37: {  	_ =	swait.ge [sflag:s22], $0x4000;
	(pc) =	sbr.rel @!p0 .LBB2_2-.Ltmp0, $4  }
0x38: {  	[sflag:s22] =	ssyncset.done $0x0  }
0x39: {  	[sflag:s22] =	ssyncadd.s32 $0xFFFFC000  }
0x3a: {  	_ =	swait.ge [sflag:s22], $0x4000  }
0x3b: {  	s24 =	sadd.s32 $0xFFFFFFFF, s24;
	[sflag:s22] =	ssyncset.done $0x0  }
.LBB2_1:
0x3c: {  	p0 =	sne.s32 s24, $0x1;
	s24 =	sadd.s32 $0xFFFFFFFF, s24;
	[sflag:s22] =	ssyncadd.s32 $0xFFFFC000  }
0x3d: {  	[tilespmem:s3], [sflag:$0x5] =	stream.linear.gather [hbm4b:s4+s3], $0x80, $0x38;
	[tilespmem:$0x10200] =	vst v63  }
0x3e: {  	_ =	swait.ge [sflag:s5], $0x80  }
0x3f: {  	[sflag:s5] =	ssyncset.done $0x0  }
0x40: {  	[sflag:s5] =	ssyncadd.s32 $0xFFFFFF80  }
0x41: {  	[tilespmem:s7], [sflag:$0x1] =	stream.indirect.gather [hbm4b:s2+s6], $0x80, s3, s6, $0xb8;
	[tilespmem:$0x10200] =	vst v63  }
0x42: {  	_ = 	snop  }
0x43: {  	[tilespmem:s6], [sflag:$0x5] =	stream.linear.gather [hbm4b:s8+s3], $0x80, $0x38;
	[tilespmem:$0x10200] =	vst v63  }
0x44: {  	_ =	swait.ge [sflag:s5], $0x80  }
0x45: {  	[sflag:s5] =	ssyncset.done $0x0  }
0x46: {  	[sflag:s5] =	ssyncadd.s32 $0xFFFFFF80  }
0x47: {  	[tilespmem:s9], [sflag:$0x1] =	stream.indirect.gather [hbm4b:s2+s6], $0x80, s6, s6, $0xb8;
	[tilespmem:$0x10200] =	vst v63  }
0x48: {  	_ = 	snop  }
0x49: {  	[tilespmem:s11], [sflag:$0x5] =	stream.linear.gather [hbm4b:s10+s3], $0x80, $0x38;
	[tilespmem:$0x10200] =	vst v63  }
0x4a: {  	_ =	swait.ge [sflag:s5], $0x80  }
0x4b: {  	[sflag:s5] =	ssyncset.done $0x0  }
0x4c: {  	[sflag:s5] =	ssyncadd.s32 $0xFFFFFF80  }
0x4d: {  	[tilespmem:s12], [sflag:$0x2] =	stream.indirect.gather [hbm4b:s2+s6], $0x80, s11, s6, $0xb8;
	[tilespmem:$0x10200] =	vst v63  }
0x4e: {  	_ = 	snop  }
0x4f: {  	[tilespmem:s14], [sflag:$0x5] =	stream.linear.gather [hbm4b:s13+s3], $0x80, $0x38;
	[tilespmem:$0x10200] =	vst v63  }
0x50: {  	_ =	swait.ge [sflag:s5], $0x80  }
0x51: {  	[sflag:s5] =	ssyncset.done $0x0  }
0x52: {  	[sflag:s5] =	ssyncadd.s32 $0xFFFFFF80  }
0x53: {  	[tilespmem:s15], [sflag:$0x2] =	stream.indirect.gather [hbm4b:s2+s6], $0x80, s14, s6, $0xb8;
	[tilespmem:$0x10200] =	vst v63  }
0x54: {  	_ =	swait.ge [sflag:s16], $0x4000  }
0x55: {  	[sflag:s16] =	ssyncset.done $0x0  }
0x56: {  	[sflag:s16] =	ssyncadd.s32 $0xFFFFC000  }
0x57: {  	_ =	swait.ge [sflag:s16], $0x4000  }
0x58: {  	[sflag:s16] =	ssyncset.done $0x0  }
0x59: {  	[sflag:s16] =	ssyncadd.s32 $0xFFFFC000  }
0x5a: {  	[hbm4b:s17+s3] =	stream.linear.scatter [tilespmem:s7], [sflag:$0x3], $0x4000, $0x38;
	[tilespmem:$0x10200] =	vst v63  }
0x5b: {  	_ = 	snop  }
0x5c: {  	[hbm4b:s18+s3] =	stream.linear.scatter [tilespmem:s9], [sflag:$0x3], $0x4000, $0x38;
	[tilespmem:$0x10200] =	vst v63  }
0x5d: {  	_ =	swait.ge [sflag:s19], $0x4000  }
0x5e: {  	[sflag:s19] =	ssyncset.done $0x0  }
0x5f: {  	[sflag:s19] =	ssyncadd.s32 $0xFFFFC000  }
0x60: {  	_ =	swait.ge [sflag:s19], $0x4000  }
0x61: {  	[sflag:s19] =	ssyncset.done $0x0  }
0x62: {  	[sflag:s19] =	ssyncadd.s32 $0xFFFFC000  }
0x63: {  	_ =	swait.ge [sflag:s20], $0x4000  }
0x64: {  	[sflag:s20] =	ssyncset.done $0x0  }
0x65: {  	[sflag:s20] =	ssyncadd.s32 $0xFFFFC000  }
0x66: {  	_ =	swait.ge [sflag:s20], $0x4000  }
0x67: {  	[sflag:s20] =	ssyncset.done $0x0  }
0x68: {  	[sflag:s20] =	ssyncadd.s32 $0xFFFFC000  }
0x69: {  	[hbm4b:s21+s3] =	stream.linear.scatter [tilespmem:s12], [sflag:$0x4], $0x4000, $0x38;
	[tilespmem:$0x10200] =	vst v63  }
0x6a: {  	_ = 	snop  }
0x6b: {  	[hbm4b:s23+s3] =	stream.linear.scatter [tilespmem:s15], [sflag:$0x4], $0x4000, $0x38;
	[tilespmem:$0x10200] =	vst v63  }
.Ltmp1:
0x6c: {  	_ =	swait.ge [sflag:s22], $0x4000;
	(pc) =	sbr.rel @p0 .LBB2_1-.Ltmp1, $4  }
0x6d: {  	[sflag:s22] =	ssyncset.done $0x0  }
0x6e: {  	[sflag:s22] =	ssyncadd.s32 $0xFFFFC000  }
0x6f: {  	_ =	swait.ge [sflag:s22], $0x4000  }
0x70: {  	[sflag:s22] =	ssyncset.done $0x0  }
.LBB2_2:
0x71: {  	[sflag:s22] =	ssyncadd.s32 $0xFFFFC000  }
0x72: {  	_ =	sfence.sel $0x180000  }
0x73: {  	[bflag:$0x0] =	sbarrier.arrive $0xFFFF  }
0x74: {  	p0 =	sne.s32 s0, $0x0;
	_ =	strace $0x9000004A  }
0x75: {  	s0 =	sadd.s32 @!p0 $0x100000, s1;
	[bflag:$0x2] =	sbarrier.arrive $0xFFFF  }
0x76: {  	[sflag:s0] =	ssyncadd.tile.s32 @!p0 $0x1;
	_ =	shalt  }
.Lfunc_end2:
_tile_overlayer_lowered:
.L_overlay_start_2:
0x77: {  	(tag) =	ssettag $0x2  }
0x78: {  	s0 =	rddreg [dreg:$0x0];
	s2 =	stileid.u32  }
0x79: {  	s1 =	rddreg [dreg:$0x1];
	p0 =	sne.s32 s2, $0x0  }
0x7a: {  	s3 =	rddreg [dreg:$0x2];
	[bflag:$0x3] =	sbarrier.arrive $0xFFFF;
	s2 =	simm.s32 @!p0 $0x1C05  }
0x7b: {  	[timem:s3], [sflag:s2] =	dma.local @!p0 [hbm:s0], s1  }
0x7c: {  	s0 =	simm.s32 @!p0 $0x5  }
0x7d: {  	_ =	swait.ge @!p0 [sflag:s0], s1  }
0x7e: {  	s1 =	ssub.s32 @!p0 $0x0, s1;
	[sflag:s0] =	ssyncset.done @!p0 $0x0  }
0x7f: {  	[sflag:s0] =	ssyncadd.s32 @!p0 s1  }
0x80: {  	[bflag:$0x3] =	sbarrier.arrive $0xFFFF  }
0x81: {  	_ =	shalt  }

</sc_bundles>
